<compile_context>
chip_gen: v7x
topology: tpu7x:2x2x1
jax: 0.10.2.dev20260603
libtpu: 0.0.44.dev20260713+nightly
codegen_flags: <defaults>
</compile_context>

<pallas_src>
import functools

import jax
import jax.numpy as jnp
from jax import lax
from jax.experimental import pallas as pl
from jax.experimental.pallas import tpu as pltpu
from jax.experimental.pallas import tpu_sc as plsc

N = 100000
NPAD = 100352
E = 3200000
EPAD = 3211264
RWS = EPAD // 128
NC, NS = 2, 16
NR1 = RWS // NS
NR2 = RWS // (NC * NS)
CH = 56
NCH1 = NR1 // CH
NCH2 = NR2 // CH
DR = NPAD // NS

_mesh = plsc.VectorSubcoreMesh(core_axis_name="c", subcore_axis_name="s")
_f32 = jnp.float32
_SC_PARAMS = pltpu.CompilerParams(use_tc_tiling_on_sc=False)

_NB = 7
_LEAD = 6


def _process_chunk(table, sv, dv, rows, gsem, ssem, acc):
    for j in range(_LEAD):
        pltpu.async_copy(table.at[sv.at[j]], rows.at[j], gsem[j])

    @pl.loop(0, CH // _NB)
    def _(q):
        k = q * _NB
        for j in range(_NB):
            i = k + j
            s2 = (j + _LEAD) % _NB
            pltpu.make_async_copy(table.at[sv.at[i]], rows.at[j],
                                  gsem[j]).wait()
            pltpu.async_copy(rows.at[j], acc.at[dv.at[i]], ssem[j],
                             add=True)

            @pl.when(i + _LEAD < CH)
            def _():
                @pl.when(i + _LEAD >= _NB)
                def _():
                    pltpu.make_async_copy(rows.at[s2], acc.at[dv.at[i]],
                                          ssem[s2]).wait()

                pltpu.async_copy(table.at[sv.at[i + _LEAD]], rows.at[s2],
                                 gsem[s2])

    for j in range(_NB):
        pltpu.make_async_copy(rows.at[j], acc.at[dv.at[0]], ssem[j]).wait()


def _edge_loop(table, src_hbm, dst_hbm, r0, nch, sv, dv, rows, gsem, ssem,
               acc):

    @pl.loop(0, nch)
    def _(c):
        base = r0 + c * CH
        pltpu.sync_copy(src_hbm.at[pl.ds(base, CH)], sv)
        pltpu.sync_copy(dst_hbm.at[pl.ds(base, CH)], dv)
        _process_chunk(table, sv, dv, rows, gsem, ssem, acc)


@functools.partial(
    pl.kernel,
    out_type=jax.ShapeDtypeStruct((NC * NPAD,), _f32),
    mesh=_mesh,
    scratch_types=[
        pltpu.VMEM((CH, 128), jnp.int32),
        pltpu.VMEM((128,), _f32),
        pltpu.SemaphoreType.DMA,
        pltpu.VMEM_SHARED((NPAD,), _f32),
    ],
    compiler_params=_SC_PARAMS,
)
def _deg_kernel(dst_hbm, zeros_hbm, out_hbm, dst_v, ones_v, dsem, acc):
    cid = lax.axis_index("c")
    sid = lax.axis_index("s")
    for i in range(8):
        ones_v[pl.ds(i * 16, 16)] = jnp.full((16,), 1.0, _f32)
    pltpu.sync_copy(zeros_hbm.at[pl.ds(sid * DR, DR)],
                    acc.at[pl.ds(sid * DR, DR)])
    plsc.subcore_barrier()

    r0 = (cid * NS + sid) * NR2

    @pl.loop(0, NCH2)
    def _(c):
        pltpu.sync_copy(dst_hbm.at[pl.ds(r0 + c * CH, CH)], dst_v)

        @pl.loop(0, 16)
        def _(k):
            pltpu.async_copy(ones_v, acc.at[dst_v.at[k]], dsem, add=True)

        @pl.loop(0, CH - 16)
        def _(k):
            pltpu.async_copy(ones_v, acc.at[dst_v.at[k + 16]], dsem,
                             add=True)
            pltpu.make_async_copy(ones_v, acc.at[dst_v.at[0]], dsem).wait()

        @pl.loop(0, 16)
        def _(k):
            pltpu.make_async_copy(ones_v, acc.at[dst_v.at[0]], dsem).wait()

    plsc.subcore_barrier()
    pltpu.sync_copy(acc.at[pl.ds(sid * DR, DR)],
                    out_hbm.at[pl.ds(cid * NPAD + sid * DR, DR)])


_AGG_SCRATCH = (
    [pltpu.VMEM((CH, 128), jnp.int32),
     pltpu.VMEM((CH, 128), jnp.int32),
     pltpu.VMEM((_NB, 128, 16), _f32)]
    + [pltpu.SemaphoreType.DMA] * (2 * _NB)
    + [pltpu.VMEM_SHARED((NPAD, 16), _f32)]
)


@functools.partial(
    pl.kernel,
    out_type=jax.ShapeDtypeStruct((NC * NPAD, 16), _f32),
    mesh=_mesh,
    scratch_types=_AGG_SCRATCH,
    compiler_params=_SC_PARAMS,
)
def _agg1_kernel(src_hbm, dst_hbm, z0_hbm, z1_hbm, zeros_hbm, out_hbm,
                 sv, dv, rows, *sems_acc):
    gsem = list(sems_acc[:_NB])
    ssem = list(sems_acc[_NB:2 * _NB])
    acc = sems_acc[2 * _NB]
    """Layer-1 aggregation, feature-split: SC cid accumulates 16 of the 32
    feature columns (table z0 or z1) over ALL edge rows."""
    cid = lax.axis_index("c")
    sid = lax.axis_index("s")
    pltpu.sync_copy(zeros_hbm.at[pl.ds(sid * DR, DR)],
                    acc.at[pl.ds(sid * DR, DR)])
    plsc.subcore_barrier()

    r0 = sid * NR1

    @pl.when(cid == 0)
    def _():
        _edge_loop(z0_hbm, src_hbm, dst_hbm, r0, NCH1, sv, dv, rows,
                   gsem, ssem, acc)

    @pl.when(cid == 1)
    def _():
        _edge_loop(z1_hbm, src_hbm, dst_hbm, r0, NCH1, sv, dv, rows,
                   gsem, ssem, acc)

    plsc.subcore_barrier()
    pltpu.sync_copy(acc.at[pl.ds(sid * DR, DR)],
                    out_hbm.at[pl.ds(cid * NPAD + sid * DR, DR)])


@functools.partial(
    pl.kernel,
    out_type=jax.ShapeDtypeStruct((NC * NPAD, 16), _f32),
    mesh=_mesh,
    scratch_types=_AGG_SCRATCH,
    compiler_params=_SC_PARAMS,
)
def _agg2_kernel(src_hbm, dst_hbm, z_hbm, zeros_hbm, out_hbm,
                 sv, dv, rows, *sems_acc):
    gsem = list(sems_acc[:_NB])
    ssem = list(sems_acc[_NB:2 * _NB])
    acc = sems_acc[2 * _NB]
    """Layer-2 aggregation, edge-split: SC cid accumulates a full-width
    partial over half the edge rows."""
    cid = lax.axis_index("c")
    sid = lax.axis_index("s")
    pltpu.sync_copy(zeros_hbm.at[pl.ds(sid * DR, DR)],
                    acc.at[pl.ds(sid * DR, DR)])
    plsc.subcore_barrier()

    r0 = (cid * NS + sid) * NR2
    _edge_loop(z_hbm, src_hbm, dst_hbm, r0, NCH2, sv, dv, rows,
               gsem, ssem, acc)

    plsc.subcore_barrier()
    pltpu.sync_copy(acc.at[pl.ds(sid * DR, DR)],
                    out_hbm.at[pl.ds(cid * NPAD + sid * DR, DR)])



WN = NPAD * 16 // 128
SROWS = NPAD // 128
_RW = 1568
_GW = WN // _RW


def _mm_body(x_ref, wa_ref, wb_ref, oa_ref, ob_ref):
    x = x_ref[...]
    oa_ref[...] = jnp.dot(x, wa_ref[...], preferred_element_type=_f32)
    ob_ref[...] = jnp.dot(x, wb_ref[...], preferred_element_type=_f32)


def _s_body(deg_ref, s_ref):
    s_ref[...] = lax.rsqrt(deg_ref[0] + deg_ref[1] + 1.0)


def _zscale_body(xw0_ref, xw1_ref, s_ref, z0_ref, z1_ref):
    s = s_ref[...]
    z0_ref[...] = xw0_ref[...] * s
    z1_ref[...] = xw1_ref[...] * s


def _z2_body(a0_ref, a1_ref, z0_ref, z1_ref, s_ref, b1lo_ref, b1hi_ref,
             w2a_ref, w2b_ref, o_ref):
    s = s_ref[...]
    hlo = jnp.maximum(s * (a0_ref[...] + z0_ref[...]) + b1lo_ref[...], 0.0)
    hhi = jnp.maximum(s * (a1_ref[...] + z1_ref[...]) + b1hi_ref[...], 0.0)
    o_ref[...] = s * (jnp.dot(hlo, w2a_ref[...], preferred_element_type=_f32)
                      + jnp.dot(hhi, w2b_ref[...],
                                preferred_element_type=_f32))


def _out_body(a0_ref, a1_ref, z_ref, s_ref, b2_ref, wf_ref, bfc_ref, o_ref):
    h = jnp.maximum(
        s_ref[...] * (a0_ref[...] + a1_ref[...] + z_ref[...]) + b2_ref[...],
        0.0)
    o_ref[...] = (jnp.dot(h, wf_ref[...], preferred_element_type=_f32)
                  + bfc_ref[0, 0])


def _wspec(w=128):
    return pl.BlockSpec((_RW, w), lambda i: (i, 0))


def _whalf(half):
    return pl.BlockSpec((_RW, 128), lambda i, h=half: (h * _GW + i, 0))


def _full_spec(shape):
    return pl.BlockSpec(shape, lambda i: tuple(0 for _ in shape))


def kernel(edge_index, node_features, W1, b1, W2, b2, Wfc, bfc):
    src = edge_index[0]
    dst = edge_index[1]
    pad = N + (jnp.arange(EPAD - E, dtype=src.dtype) % 64)
    src_r = jnp.concatenate([src, pad]).reshape(RWS, 128)
    dst_r = jnp.concatenate([dst, pad]).reshape(RWS, 128)
    zeros1 = jnp.zeros((NPAD,), _f32)
    zeros2 = jnp.zeros((NPAD, 16), _f32)

    x_w = jnp.pad(node_features, ((0, NPAD - N), (0, 0))).reshape(WN, 128)
    e8 = jnp.eye(8, dtype=_f32)
    w1a = jnp.kron(e8, W1[:, :16])
    w1b = jnp.kron(e8, W1[:, 16:])
    w2a = jnp.kron(e8, W2[:16, :])
    w2b = jnp.kron(e8, W2[16:, :])
    wfk = jnp.kron(e8, Wfc)
    b1lo = jnp.tile(b1[:16], 8).reshape(1, 128)
    b1hi = jnp.tile(b1[16:], 8).reshape(1, 128)
    b2t = jnp.tile(b2, 8).reshape(1, 128)

    xw0, xw1 = pl.pallas_call(
        _mm_body,
        grid=(_GW,),
        in_specs=[_wspec(), _full_spec((128, 128)), _full_spec((128, 128))],
        out_specs=[_wspec(), _wspec()],
        out_shape=[jax.ShapeDtypeStruct((WN, 128), _f32)] * 2,
    )(x_w, w1a, w1b)

    deg2 = _deg_kernel(dst_r, zeros1).reshape(2, SROWS, 128)

    s_w = pl.pallas_call(
        _s_body,
        grid=(1,),
        in_specs=[_full_spec((2, SROWS, 128))],
        out_specs=_full_spec((SROWS, 128)),
        out_shape=jax.ShapeDtypeStruct((SROWS, 128), _f32),
    )(deg2)
    s16 = jnp.repeat(s_w.reshape(-1), 16).reshape(WN, 128)

    z0, z1 = pl.pallas_call(
        _zscale_body,
        grid=(_GW,),
        in_specs=[_wspec(), _wspec(), _wspec()],
        out_specs=[_wspec(), _wspec()],
        out_shape=[jax.ShapeDtypeStruct((WN, 128), _f32)] * 2,
    )(xw0, xw1, s16)

    agg1 = _agg1_kernel(src_r, dst_r, z0.reshape(NPAD, 16),
                        z1.reshape(NPAD, 16), zeros2).reshape(2 * WN, 128)

    z2 = pl.pallas_call(
        _z2_body,
        grid=(_GW,),
        in_specs=[_whalf(0), _whalf(1), _wspec(), _wspec(), _wspec(),
                  _full_spec((1, 128)), _full_spec((1, 128)),
                  _full_spec((128, 128)), _full_spec((128, 128))],
        out_specs=_wspec(),
        out_shape=jax.ShapeDtypeStruct((WN, 128), _f32),
    )(agg1, agg1, z0, z1, s16, b1lo, b1hi, w2a, w2b)

    agg2 = _agg2_kernel(src_r, dst_r, z2.reshape(NPAD, 16),
                        zeros2).reshape(2 * WN, 128)

    out = pl.pallas_call(
        _out_body,
        grid=(_GW,),
        in_specs=[_whalf(0), _whalf(1), _wspec(), _wspec(),
                  _full_spec((1, 128)), _full_spec((128, 8)),
                  _full_spec((1, 1))],
        out_specs=_wspec(8),
        out_shape=jax.ShapeDtypeStruct((WN, 8), _f32),
    )(agg2, agg2, z2, s16, b2t, wfk, bfc.reshape(1, 1))

    return out.reshape(NPAD, 1)[:N]

# --- scband reference (transcript-rebuilt; emitter-appended) ---
"""Pipeline reference for scband-gcnmodel-61933428417025 (READ-ONLY COPY).

The authoritative reference and input builder live on the scoring server;
editing this copy changes nothing except your own understanding.
"""

import jax, jax.numpy as jnp
import numpy as np

N_NODES = 100000
N_EDGES = 3200000


def gcn_conv(x, edge_index, W, b):
    # PyG-style GCNConv: add self-loops, symmetric normalization, scatter-add aggregation
    n = x.shape[0]
    loop = jnp.arange(n, dtype=edge_index.dtype)
    src = jnp.concatenate([edge_index[0], loop])
    dst = jnp.concatenate([edge_index[1], loop])
    xw = x @ W
    deg = jnp.zeros((n,), dtype=xw.dtype).at[dst].add(1.0)
    deg_inv_sqrt = jnp.where(deg > 0, jax.lax.rsqrt(jnp.where(deg > 0, deg, 1.0)), 0.0)
    norm = deg_inv_sqrt[src] * deg_inv_sqrt[dst]
    msg = xw[src] * norm[:, None]
    out = jnp.zeros((n, xw.shape[1]), dtype=xw.dtype).at[dst].add(msg)
    return out + b


def setup_inputs(seed: int = 0) -> dict:
    key = jax.random.key(seed)
    ks = jax.random.split(key, 8)
    edge_index = jax.random.randint(ks[0], (2, N_EDGES), 0, N_NODES)
    node_features = jax.random.normal(ks[1], (N_NODES, 16), dtype=jnp.float32)
    # learned parameters (GCNConv(16,32), GCNConv(32,16), Linear(16,1))
    W1 = jax.random.normal(ks[2], (16, 32), dtype=jnp.float32) * (1.0 / np.sqrt(16))
    b1 = jnp.zeros((32,), dtype=jnp.float32)
    W2 = jax.random.normal(ks[3], (32, 16), dtype=jnp.float32) * (1.0 / np.sqrt(32))
    b2 = jnp.zeros((16,), dtype=jnp.float32)
    Wfc = jax.random.normal(ks[4], (16, 1), dtype=jnp.float32) * (1.0 / np.sqrt(16))
    bfc = jnp.zeros((1,), dtype=jnp.float32)
    return {"edge_index": edge_index, "node_features": node_features,
            "W1": W1, "b1": b1, "W2": W2, "b2": b2, "Wfc": Wfc, "bfc": bfc}


def reference(edge_index, node_features, W1, b1, W2, b2, Wfc, bfc):
    x = jax.nn.relu(gcn_conv(node_features, edge_index, W1, b1))
    # F.dropout with training flag is identity in eval / deterministic reference
    x = jax.nn.relu(gcn_conv(x, edge_index, W2, b2))
    out = x @ Wfc + bfc
    return out

if __name__ == "__main__":
    import jax
    _d = setup_inputs()
    print(jax.jit(kernel)(*tuple(_d.values())))

</pallas_src>

<mosaic_0001>
#map = affine_map<(d0, d1) -> (0, 0)>
module attributes {stable_mosaic.version = 14 : i64} {
  func.func @_agg2_kernel(%arg0: i32, %arg1: i32, %arg2: memref<25088x128xi32, #tpu.memory_space<hbm>>, %arg3: memref<25088x128xi32, #tpu.memory_space<hbm>>, %arg4: memref<100352x16xf32, #tpu.memory_space<hbm>>, %arg5: memref<100352x16xf32, #tpu.memory_space<hbm>>, %arg6: memref<200704x16xf32, #tpu.memory_space<hbm>>, %arg7: memref<56x128xi32, #tpu.memory_space<vmem>>, %arg8: memref<56x128xi32, #tpu.memory_space<vmem>>, %arg9: memref<7x128x16xf32, #tpu.memory_space<vmem>>, %arg10: memref<!tpu.dma_semaphore, #tpu.memory_space<semaphore_mem>>, %arg11: memref<!tpu.dma_semaphore, #tpu.memory_space<semaphore_mem>>, %arg12: memref<!tpu.dma_semaphore, #tpu.memory_space<semaphore_mem>>, %arg13: memref<!tpu.dma_semaphore, #tpu.memory_space<semaphore_mem>>, %arg14: memref<!tpu.dma_semaphore, #tpu.memory_space<semaphore_mem>>, %arg15: memref<!tpu.dma_semaphore, #tpu.memory_space<semaphore_mem>>, %arg16: memref<!tpu.dma_semaphore, #tpu.memory_space<semaphore_mem>>, %arg17: memref<!tpu.dma_semaphore, #tpu.memory_space<semaphore_mem>>, %arg18: memref<!tpu.dma_semaphore, #tpu.memory_space<semaphore_mem>>, %arg19: memref<!tpu.dma_semaphore, #tpu.memory_space<semaphore_mem>>, %arg20: memref<!tpu.dma_semaphore, #tpu.memory_space<semaphore_mem>>, %arg21: memref<!tpu.dma_semaphore, #tpu.memory_space<semaphore_mem>>, %arg22: memref<!tpu.dma_semaphore, #tpu.memory_space<semaphore_mem>>, %arg23: memref<!tpu.dma_semaphore, #tpu.memory_space<semaphore_mem>>, %arg24: memref<100352x16xf32, #tpu.memory_space<vmem_shared>>) attributes {dimension_semantics = [#tpu.dimension_semantics<core_parallel>, #tpu.dimension_semantics<subcore_parallel>], iteration_bounds = array<i64: 2, 16>, scalar_prefetch = 0 : i64, scratch_operands = 18 : i64, tpu.core_type = #tpu.core_type<sc_vector_subcore>, window_params = [{transform_indices = #map}, {transform_indices = #map}, {transform_indices = #map}, {transform_indices = #map}, {transform_indices = #map}]} {
    %mul3A = arith.constant 6272 : i32
    %mul3A_0 = arith.muli %arg1, %mul3A : i32
    %mul3A_1 = arith.constant 6272 : i32
    %mul3A_2 = arith.muli %arg1, %mul3A_1 : i32
    "tpu.region"() ({
      %run_scoped3A = tpu.sem_alloc : memref<!tpu.dma_semaphore, #tpu.memory_space<semaphore_mem>>
      %dma_start3A = arith.constant 0 : i32
      %dma_start3A_19 = tpu.memref_slice %arg24[%mul3A_2, %dma_start3A] : memref<100352x16xf32, #tpu.memory_space<vmem_shared>> -> memref<6272x16xf32, #tpu.memory_space<vmem_shared>>
      %dma_start3A_20 = arith.constant 0 : i32
      %dma_start3A_21 = tpu.memref_slice %arg5[%mul3A_0, %dma_start3A_20] : memref<100352x16xf32, #tpu.memory_space<hbm>> -> memref<6272x16xf32, #tpu.memory_space<hbm>>
      tpu.enqueue_dma source(%dma_start3A_21 : memref<6272x16xf32, #tpu.memory_space<hbm>>) target(%dma_start3A_19 : memref<6272x16xf32, #tpu.memory_space<vmem_shared>>) target_semaphore(%run_scoped3A : memref<!tpu.dma_semaphore, #tpu.memory_space<semaphore_mem>>)
      %dma_wait3A = arith.constant 0 : i32
      %dma_wait3A_22 = tpu.memref_slice %arg24[%mul3A_2, %dma_wait3A] : memref<100352x16xf32, #tpu.memory_space<vmem_shared>> -> memref<6272x16xf32, #tpu.memory_space<vmem_shared>>
      %dma_wait3A_23 = arith.constant 0 : i32
      %dma_wait3A_24 = tpu.memref_slice %arg5[%mul3A_0, %dma_wait3A_23] : memref<100352x16xf32, #tpu.memory_space<hbm>> -> memref<6272x16xf32, #tpu.memory_space<hbm>>
      tpu.wait_dma2 semaphore(%run_scoped3A : memref<!tpu.dma_semaphore, #tpu.memory_space<semaphore_mem>>) src(%dma_wait3A_24 : memref<6272x16xf32, #tpu.memory_space<hbm>>) dst(%dma_wait3A_22 : memref<6272x16xf32, #tpu.memory_space<vmem_shared>>)
      tpu.yield
    }) : () -> ()
    %barrier3A = arith.constant 0 : index
    tpu.barrier barrier_id(%barrier3A)
    %mul3A_3 = arith.constant 16 : i32
    %mul3A_4 = arith.muli %arg0, %mul3A_3 : i32
    %add3A = arith.addi %mul3A_4, %arg1 : i32
    %mul3A_5 = arith.constant 784 : i32
    %mul3A_6 = arith.muli %add3A, %mul3A_5 : i32
    %scan3A = arith.constant 0 : i32
    %scan3A_7 = arith.constant 14 : i32
    %scan3A_8 = arith.addi %scan3A, %scan3A_7 : i32
    %scan3A_9 = arith.constant 1 : i32
    scf.for %scan3A_19 = %scan3A to %scan3A_8 step %scan3A_9  : i32 {
      %mul3A_20 = arith.constant 1 : i32
      %mul3A_21 = arith.muli %scan3A_19, %mul3A_20 : i32
      %add3A_22 = arith.constant 0 : i32
      %add3A_23 = arith.addi %add3A_22, %mul3A_21 : i32
      %mul3A_24 = arith.constant 56 : i32
      %mul3A_25 = arith.muli %add3A_23, %mul3A_24 : i32
      %add3A_26 = arith.addi %mul3A_6, %mul3A_25 : i32
      "tpu.region"() ({
        %run_scoped3A = tpu.sem_alloc : memref<!tpu.dma_semaphore, #tpu.memory_space<semaphore_mem>>
        %dma_start3A_186 = arith.constant 0 : i32
        %dma_start3A_187 = tpu.memref_slice %arg2[%add3A_26, %dma_start3A_186] : memref<25088x128xi32, #tpu.memory_space<hbm>> -> memref<56x128xi32, #tpu.memory_space<hbm>>
        %dma_start3A_188 = arith.constant 0 : i32
        %dma_start3A_189 = tpu.memref_slice %arg2[%add3A_26, %dma_start3A_188] : memref<25088x128xi32, #tpu.memory_space<hbm>> -> memref<56x128xi32, #tpu.memory_space<hbm>>
        tpu.enqueue_dma source(%dma_start3A_189 : memref<56x128xi32, #tpu.memory_space<hbm>>) target(%arg7 : memref<56x128xi32, #tpu.memory_space<vmem>>) target_semaphore(%run_scoped3A : memref<!tpu.dma_semaphore, #tpu.memory_space<semaphore_mem>>)
        %dma_wait3A_190 = arith.constant 0 : i32
        %dma_wait3A_191 = tpu.memref_slice %arg2[%add3A_26, %dma_wait3A_190] : memref<25088x128xi32, #tpu.memory_space<hbm>> -> memref<56x128xi32, #tpu.memory_space<hbm>>
        %dma_wait3A_192 = arith.constant 0 : i32
        %dma_wait3A_193 = tpu.memref_slice %arg2[%add3A_26, %dma_wait3A_192] : memref<25088x128xi32, #tpu.memory_space<hbm>> -> memref<56x128xi32, #tpu.memory_space<hbm>>
        tpu.wait_dma2 semaphore(%run_scoped3A : memref<!tpu.dma_semaphore, #tpu.memory_space<semaphore_mem>>) src(%dma_wait3A_193 : memref<56x128xi32, #tpu.memory_space<hbm>>) dst(%arg7 : memref<56x128xi32, #tpu.memory_space<vmem>>)
        tpu.yield
      }) : () -> ()
      "tpu.region"() ({
        %run_scoped3A = tpu.sem_alloc : memref<!tpu.dma_semaphore, #tpu.memory_space<semaphore_mem>>
        %dma_start3A_186 = arith.constant 0 : i32
        %dma_start3A_187 = tpu.memref_slice %arg3[%add3A_26, %dma_start3A_186] : memref<25088x128xi32, #tpu.memory_space<hbm>> -> memref<56x128xi32, #tpu.memory_space<hbm>>
        %dma_start3A_188 = arith.constant 0 : i32
        %dma_start3A_189 = tpu.memref_slice %arg3[%add3A_26, %dma_start3A_188] : memref<25088x128xi32, #tpu.memory_space<hbm>> -> memref<56x128xi32, #tpu.memory_space<hbm>>
        tpu.enqueue_dma source(%dma_start3A_189 : memref<56x128xi32, #tpu.memory_space<hbm>>) target(%arg8 : memref<56x128xi32, #tpu.memory_space<vmem>>) target_semaphore(%run_scoped3A : memref<!tpu.dma_semaphore, #tpu.memory_space<semaphore_mem>>)
        %dma_wait3A_190 = arith.constant 0 : i32
        %dma_wait3A_191 = tpu.memref_slice %arg3[%add3A_26, %dma_wait3A_190] : memref<25088x128xi32, #tpu.memory_space<hbm>> -> memref<56x128xi32, #tpu.memory_space<hbm>>
        %dma_wait3A_192 = arith.constant 0 : i32
        %dma_wait3A_193 = tpu.memref_slice %arg3[%add3A_26, %dma_wait3A_192] : memref<25088x128xi32, #tpu.memory_space<hbm>> -> memref<56x128xi32, #tpu.memory_space<hbm>>
        tpu.wait_dma2 semaphore(%run_scoped3A : memref<!tpu.dma_semaphore, #tpu.memory_space<semaphore_mem>>) src(%dma_wait3A_193 : memref<56x128xi32, #tpu.memory_space<hbm>>) dst(%arg8 : memref<56x128xi32, #tpu.memory_space<vmem>>)
        tpu.yield
      }) : () -> ()
      %dma_start3A = arith.constant 0 : i32
      %dma_start3A_27 = arith.constant 0 : i32
      %dma_start3A_28 = arith.constant 0 : i32
      %dma_start3A_29 = arith.constant 0 : i32
      %dma_start3A_30 = tpu.memref_slice %arg9[%dma_start3A_27, %dma_start3A_28, %dma_start3A_29] : memref<7x128x16xf32, #tpu.memory_space<vmem>> -> memref<1x128x16xf32, #tpu.memory_space<vmem>>
      %dma_start3A_31 = tpu.memref_squeeze %dma_start3A_30 : memref<1x128x16xf32, #tpu.memory_space<vmem>> -> memref<128x16xf32, #tpu.memory_space<vmem>>
      %dma_start3A_32 = arith.constant 0 : i32
      %dma_start3A_33 = tpu.memref_slice %arg7[%dma_start3A, %dma_start3A_32] : memref<56x128xi32, #tpu.memory_space<vmem>> -> memref<1x128xi32, #tpu.memory_space<vmem>>
      %dma_start3A_34 = tpu.memref_squeeze %dma_start3A_33 : memref<1x128xi32, #tpu.memory_space<vmem>> -> memref<128xi32, #tpu.memory_space<vmem>>
      %dma_start3A_35 = arith.constant 0 : i32
      %dma_start3A_36 = arith.constant 0 : i32
      %dma_start3A_37 = tpu.memref_slice %arg4[%dma_start3A_35, %dma_start3A_36] : memref<100352x16xf32, #tpu.memory_space<hbm>> -> memref<100352x16xf32, #tpu.memory_space<hbm>>
      tpu.enqueue_indirect_dma source(%dma_start3A_37 : memref<100352x16xf32, #tpu.memory_space<hbm>>) target(%dma_start3A_31 : memref<128x16xf32, #tpu.memory_space<vmem>>) offsets(%dma_start3A_34 : memref<128xi32, #tpu.memory_space<vmem>>) semaphore(%arg10 : memref<!tpu.dma_semaphore, #tpu.memory_space<semaphore_mem>>)
      %dma_start3A_38 = arith.constant 1 : i32
      %dma_start3A_39 = arith.constant 1 : i32
      %dma_start3A_40 = arith.constant 0 : i32
      %dma_start3A_41 = arith.constant 0 : i32
      %dma_start3A_42 = tpu.memref_slice %arg9[%dma_start3A_39, %dma_start3A_40, %dma_start3A_41] : memref<7x128x16xf32, #tpu.memory_space<vmem>> -> memref<1x128x16xf32, #tpu.memory_space<vmem>>
      %dma_start3A_43 = tpu.memref_squeeze %dma_start3A_42 : memref<1x128x16xf32, #tpu.memory_space<vmem>> -> memref<128x16xf32, #tpu.memory_space<vmem>>
      %dma_start3A_44 = arith.constant 0 : i32
      %dma_start3A_45 = tpu.memref_slice %arg7[%dma_start3A_38, %dma_start3A_44] : memref<56x128xi32, #tpu.memory_space<vmem>> -> memref<1x128xi32, #tpu.memory_space<vmem>>
      %dma_start3A_46 = tpu.memref_squeeze %dma_start3A_45 : memref<1x128xi32, #tpu.memory_space<vmem>> -> memref<128xi32, #tpu.memory_space<vmem>>
      %dma_start3A_47 = arith.constant 0 : i32
      %dma_start3A_48 = arith.constant 0 : i32
      %dma_start3A_49 = tpu.memref_slice %arg4[%dma_start3A_47, %dma_start3A_48] : memref<100352x16xf32, #tpu.memory_space<hbm>> -> memref<100352x16xf32, #tpu.memory_space<hbm>>
      tpu.enqueue_indirect_dma source(%dma_start3A_49 : memref<100352x16xf32, #tpu.memory_space<hbm>>) target(%dma_start3A_43 : memref<128x16xf32, #tpu.memory_space<vmem>>) offsets(%dma_start3A_46 : memref<128xi32, #tpu.memory_space<vmem>>) semaphore(%arg11 : memref<!tpu.dma_semaphore, #tpu.memory_space<semaphore_mem>>)
      %dma_start3A_50 = arith.constant 2 : i32
      %dma_start3A_51 = arith.constant 2 : i32
      %dma_start3A_52 = arith.constant 0 : i32
      %dma_start3A_53 = arith.constant 0 : i32
      %dma_start3A_54 = tpu.memref_slice %arg9[%dma_start3A_51, %dma_start3A_52, %dma_start3A_53] : memref<7x128x16xf32, #tpu.memory_space<vmem>> -> memref<1x128x16xf32, #tpu.memory_space<vmem>>
      %dma_start3A_55 = tpu.memref_squeeze %dma_start3A_54 : memref<1x128x16xf32, #tpu.memory_space<vmem>> -> memref<128x16xf32, #tpu.memory_space<vmem>>
      %dma_start3A_56 = arith.constant 0 : i32
      %dma_start3A_57 = tpu.memref_slice %arg7[%dma_start3A_50, %dma_start3A_56] : memref<56x128xi32, #tpu.memory_space<vmem>> -> memref<1x128xi32, #tpu.memory_space<vmem>>
      %dma_start3A_58 = tpu.memref_squeeze %dma_start3A_57 : memref<1x128xi32, #tpu.memory_space<vmem>> -> memref<128xi32, #tpu.memory_space<vmem>>
      %dma_start3A_59 = arith.constant 0 : i32
      %dma_start3A_60 = arith.constant 0 : i32
      %dma_start3A_61 = tpu.memref_slice %arg4[%dma_start3A_59, %dma_start3A_60] : memref<100352x16xf32, #tpu.memory_space<hbm>> -> memref<100352x16xf32, #tpu.memory_space<hbm>>
      tpu.enqueue_indirect_dma source(%dma_start3A_61 : memref<100352x16xf32, #tpu.memory_space<hbm>>) target(%dma_start3A_55 : memref<128x16xf32, #tpu.memory_space<vmem>>) offsets(%dma_start3A_58 : memref<128xi32, #tpu.memory_space<vmem>>) semaphore(%arg12 : memref<!tpu.dma_semaphore, #tpu.memory_space<semaphore_mem>>)
      %dma_start3A_62 = arith.constant 3 : i32
      %dma_start3A_63 = arith.constant 3 : i32
      %dma_start3A_64 = arith.constant 0 : i32
      %dma_start3A_65 = arith.constant 0 : i32
      %dma_start3A_66 = tpu.memref_slice %arg9[%dma_start3A_63, %dma_start3A_64, %dma_start3A_65] : memref<7x128x16xf32, #tpu.memory_space<vmem>> -> memref<1x128x16xf32, #tpu.memory_space<vmem>>
      %dma_start3A_67 = tpu.memref_squeeze %dma_start3A_66 : memref<1x128x16xf32, #tpu.memory_space<vmem>> -> memref<128x16xf32, #tpu.memory_space<vmem>>
      %dma_start3A_68 = arith.constant 0 : i32
      %dma_start3A_69 = tpu.memref_slice %arg7[%dma_start3A_62, %dma_start3A_68] : memref<56x128xi32, #tpu.memory_space<vmem>> -> memref<1x128xi32, #tpu.memory_space<vmem>>
      %dma_start3A_70 = tpu.memref_squeeze %dma_start3A_69 : memref<1x128xi32, #tpu.memory_space<vmem>> -> memref<128xi32, #tpu.memory_space<vmem>>
      %dma_start3A_71 = arith.constant 0 : i32
      %dma_start3A_72 = arith.constant 0 : i32
      %dma_start3A_73 = tpu.memref_slice %arg4[%dma_start3A_71, %dma_start3A_72] : memref<100352x16xf32, #tpu.memory_space<hbm>> -> memref<100352x16xf32, #tpu.memory_space<hbm>>
      tpu.enqueue_indirect_dma source(%dma_start3A_73 : memref<100352x16xf32, #tpu.memory_space<hbm>>) target(%dma_start3A_67 : memref<128x16xf32, #tpu.memory_space<vmem>>) offsets(%dma_start3A_70 : memref<128xi32, #tpu.memory_space<vmem>>) semaphore(%arg13 : memref<!tpu.dma_semaphore, #tpu.memory_space<semaphore_mem>>)
      %dma_start3A_74 = arith.constant 4 : i32
      %dma_start3A_75 = arith.constant 4 : i32
      %dma_start3A_76 = arith.constant 0 : i32
      %dma_start3A_77 = arith.constant 0 : i32
      %dma_start3A_78 = tpu.memref_slice %arg9[%dma_start3A_75, %dma_start3A_76, %dma_start3A_77] : memref<7x128x16xf32, #tpu.memory_space<vmem>> -> memref<1x128x16xf32, #tpu.memory_space<vmem>>
      %dma_start3A_79 = tpu.memref_squeeze %dma_start3A_78 : memref<1x128x16xf32, #tpu.memory_space<vmem>> -> memref<128x16xf32, #tpu.memory_space<vmem>>
      %dma_start3A_80 = arith.constant 0 : i32
      %dma_start3A_81 = tpu.memref_slice %arg7[%dma_start3A_74, %dma_start3A_80] : memref<56x128xi32, #tpu.memory_space<vmem>> -> memref<1x128xi32, #tpu.memory_space<vmem>>
      %dma_start3A_82 = tpu.memref_squeeze %dma_start3A_81 : memref<1x128xi32, #tpu.memory_space<vmem>> -> memref<128xi32, #tpu.memory_space<vmem>>
      %dma_start3A_83 = arith.constant 0 : i32
      %dma_start3A_84 = arith.constant 0 : i32
      %dma_start3A_85 = tpu.memref_slice %arg4[%dma_start3A_83, %dma_start3A_84] : memref<100352x16xf32, #tpu.memory_space<hbm>> -> memref<100352x16xf32, #tpu.memory_space<hbm>>
      tpu.enqueue_indirect_dma source(%dma_start3A_85 : memref<100352x16xf32, #tpu.memory_space<hbm>>) target(%dma_start3A_79 : memref<128x16xf32, #tpu.memory_space<vmem>>) offsets(%dma_start3A_82 : memref<128xi32, #tpu.memory_space<vmem>>) semaphore(%arg14 : memref<!tpu.dma_semaphore, #tpu.memory_space<semaphore_mem>>)
      %dma_start3A_86 = arith.constant 5 : i32
      %dma_start3A_87 = arith.constant 5 : i32
      %dma_start3A_88 = arith.constant 0 : i32
      %dma_start3A_89 = arith.constant 0 : i32
      %dma_start3A_90 = tpu.memref_slice %arg9[%dma_start3A_87, %dma_start3A_88, %dma_start3A_89] : memref<7x128x16xf32, #tpu.memory_space<vmem>> -> memref<1x128x16xf32, #tpu.memory_space<vmem>>
      %dma_start3A_91 = tpu.memref_squeeze %dma_start3A_90 : memref<1x128x16xf32, #tpu.memory_space<vmem>> -> memref<128x16xf32, #tpu.memory_space<vmem>>
      %dma_start3A_92 = arith.constant 0 : i32
      %dma_start3A_93 = tpu.memref_slice %arg7[%dma_start3A_86, %dma_start3A_92] : memref<56x128xi32, #tpu.memory_space<vmem>> -> memref<1x128xi32, #tpu.memory_space<vmem>>
      %dma_start3A_94 = tpu.memref_squeeze %dma_start3A_93 : memref<1x128xi32, #tpu.memory_space<vmem>> -> memref<128xi32, #tpu.memory_space<vmem>>
      %dma_start3A_95 = arith.constant 0 : i32
      %dma_start3A_96 = arith.constant 0 : i32
      %dma_start3A_97 = tpu.memref_slice %arg4[%dma_start3A_95, %dma_start3A_96] : memref<100352x16xf32, #tpu.memory_space<hbm>> -> memref<100352x16xf32, #tpu.memory_space<hbm>>
      tpu.enqueue_indirect_dma source(%dma_start3A_97 : memref<100352x16xf32, #tpu.memory_space<hbm>>) target(%dma_start3A_91 : memref<128x16xf32, #tpu.memory_space<vmem>>) offsets(%dma_start3A_94 : memref<128xi32, #tpu.memory_space<vmem>>) semaphore(%arg15 : memref<!tpu.dma_semaphore, #tpu.memory_space<semaphore_mem>>)
      %scan3A_98 = arith.constant 0 : i32
      %scan3A_99 = arith.constant 8 : i32
      %scan3A_100 = arith.addi %scan3A_98, %scan3A_99 : i32
      %scan3A_101 = arith.constant 1 : i32
      scf.for %scan3A_186 = %scan3A_98 to %scan3A_100 step %scan3A_101  : i32 {
        %mul3A_187 = arith.constant 1 : i32
        %mul3A_188 = arith.muli %scan3A_186, %mul3A_187 : i32
        %add3A_189 = arith.constant 0 : i32
        %add3A_190 = arith.addi %add3A_189, %mul3A_188 : i32
        %mul3A_191 = arith.constant 7 : i32
        %mul3A_192 = arith.muli %add3A_190, %mul3A_191 : i32
        %add3A_193 = arith.constant 0 : i32
        %add3A_194 = arith.addi %mul3A_192, %add3A_193 : i32
        %dma_wait3A_195 = arith.constant 0 : i32
        %dma_wait3A_196 = arith.constant 0 : i32
        %dma_wait3A_197 = arith.constant 0 : i32
        %dma_wait3A_198 = tpu.memref_slice %arg9[%dma_wait3A_195, %dma_wait3A_196, %dma_wait3A_197] : memref<7x128x16xf32, #tpu.memory_space<vmem>> -> memref<1x128x16xf32, #tpu.memory_space<vmem>>
        %dma_wait3A_199 = tpu.memref_squeeze %dma_wait3A_198 : memref<1x128x16xf32, #tpu.memory_space<vmem>> -> memref<128x16xf32, #tpu.memory_space<vmem>>
        %dma_wait3A_200 = arith.constant 0 : i32
        %dma_wait3A_201 = tpu.memref_slice %arg7[%add3A_194, %dma_wait3A_200] : memref<56x128xi32, #tpu.memory_space<vmem>> -> memref<1x128xi32, #tpu.memory_space<vmem>>
        %dma_wait3A_202 = tpu.memref_squeeze %dma_wait3A_201 : memref<1x128xi32, #tpu.memory_space<vmem>> -> memref<128xi32, #tpu.memory_space<vmem>>
        %dma_wait3A_203 = arith.constant 0 : i32
        %dma_wait3A_204 = arith.constant 0 : i32
        %dma_wait3A_205 = tpu.memref_slice %arg4[%dma_wait3A_203, %dma_wait3A_204] : memref<100352x16xf32, #tpu.memory_space<hbm>> -> memref<100352x16xf32, #tpu.memory_space<hbm>>
        tpu.wait_indirect_dma semaphore(%arg10 : memref<!tpu.dma_semaphore, #tpu.memory_space<semaphore_mem>>) src(%dma_wait3A_205 : memref<100352x16xf32, #tpu.memory_space<hbm>>) dst(%dma_wait3A_199 : memref<128x16xf32, #tpu.memory_space<vmem>>)
        %dma_start3A_206 = arith.constant 0 : i32
        %dma_start3A_207 = arith.constant 0 : i32
        %dma_start3A_208 = arith.constant 0 : i32
        %dma_start3A_209 = tpu.memref_slice %arg9[%dma_start3A_206, %dma_start3A_207, %dma_start3A_208] : memref<7x128x16xf32, #tpu.memory_space<vmem>> -> memref<1x128x16xf32, #tpu.memory_space<vmem>>
        %dma_start3A_210 = tpu.memref_squeeze %dma_start3A_209 : memref<1x128x16xf32, #tpu.memory_space<vmem>> -> memref<128x16xf32, #tpu.memory_space<vmem>>
        %dma_start3A_211 = arith.constant 0 : i32
        %dma_start3A_212 = tpu.memref_slice %arg8[%add3A_194, %dma_start3A_211] : memref<56x128xi32, #tpu.memory_space<vmem>> -> memref<1x128xi32, #tpu.memory_space<vmem>>
        %dma_start3A_213 = tpu.memref_squeeze %dma_start3A_212 : memref<1x128xi32, #tpu.memory_space<vmem>> -> memref<128xi32, #tpu.memory_space<vmem>>
        %dma_start3A_214 = arith.constant 0 : i32
        %dma_start3A_215 = arith.constant 0 : i32
        %dma_start3A_216 = tpu.memref_slice %arg24[%dma_start3A_214, %dma_start3A_215] : memref<100352x16xf32, #tpu.memory_space<vmem_shared>> -> memref<100352x16xf32, #tpu.memory_space<vmem_shared>>
        tpu.enqueue_indirect_dma source(%dma_start3A_210 : memref<128x16xf32, #tpu.memory_space<vmem>>) target(%dma_start3A_216 : memref<100352x16xf32, #tpu.memory_space<vmem_shared>>) offsets(%dma_start3A_213 : memref<128xi32, #tpu.memory_space<vmem>>) semaphore(%arg17 : memref<!tpu.dma_semaphore, #tpu.memory_space<semaphore_mem>>) {add = true}
        %add3A_217 = arith.constant 6 : i32
        %add3A_218 = arith.addi %add3A_194, %add3A_217 : i32
        %lt3A = arith.constant 56 : i32
        %lt3A_219 = arith.cmpi slt, %add3A_218, %lt3A : i32
        %convert_element_type3A = arith.extui %lt3A_219 : i1 to i32
        %cond3A = arith.constant 0 : i32
        %cond3A_220 = arith.cmpi ne, %convert_element_type3A, %cond3A : i32
        scf.if %cond3A_220 {
          %add3A_407 = arith.constant 6 : i32
          %add3A_408 = arith.addi %add3A_194, %add3A_407 : i32
          %ge3A = arith.constant 7 : i32
          %ge3A_409 = arith.cmpi sge, %add3A_408, %ge3A : i32
          %convert_element_type3A_410 = arith.extui %ge3A_409 : i1 to i32
          %cond3A_411 = arith.constant 0 : i32
          %cond3A_412 = arith.cmpi ne, %convert_element_type3A_410, %cond3A_411 : i32
          scf.if %cond3A_412 {
            %dma_wait3A_426 = arith.constant 6 : i32
            %dma_wait3A_427 = arith.constant 0 : i32
            %dma_wait3A_428 = arith.constant 0 : i32
            %dma_wait3A_429 = tpu.memref_slice %arg9[%dma_wait3A_426, %dma_wait3A_427, %dma_wait3A_428] : memref<7x128x16xf32, #tpu.memory_space<vmem>> -> memref<1x128x16xf32, #tpu.memory_space<vmem>>
            %dma_wait3A_430 = tpu.memref_squeeze %dma_wait3A_429 : memref<1x128x16xf32, #tpu.memory_space<vmem>> -> memref<128x16xf32, #tpu.memory_space<vmem>>
            %dma_wait3A_431 = arith.constant 0 : i32
            %dma_wait3A_432 = tpu.memref_slice %arg8[%add3A_194, %dma_wait3A_431] : memref<56x128xi32, #tpu.memory_space<vmem>> -> memref<1x128xi32, #tpu.memory_space<vmem>>
            %dma_wait3A_433 = tpu.memref_squeeze %dma_wait3A_432 : memref<1x128xi32, #tpu.memory_space<vmem>> -> memref<128xi32, #tpu.memory_space<vmem>>
            %dma_wait3A_434 = arith.constant 0 : i32
            %dma_wait3A_435 = arith.constant 0 : i32
            %dma_wait3A_436 = tpu.memref_slice %arg24[%dma_wait3A_434, %dma_wait3A_435] : memref<100352x16xf32, #tpu.memory_space<vmem_shared>> -> memref<100352x16xf32, #tpu.memory_space<vmem_shared>>
            tpu.wait_indirect_dma semaphore(%arg23 : memref<!tpu.dma_semaphore, #tpu.memory_space<semaphore_mem>>) src(%dma_wait3A_430 : memref<128x16xf32, #tpu.memory_space<vmem>>) dst(%dma_wait3A_436 : memref<100352x16xf32, #tpu.memory_space<vmem_shared>>)
          } else {
          }
          %add3A_413 = arith.constant 6 : i32
          %add3A_414 = arith.addi %add3A_194, %add3A_413 : i32
          %dma_start3A_415 = arith.constant 6 : i32
          %dma_start3A_416 = arith.constant 0 : i32
          %dma_start3A_417 = arith.constant 0 : i32
          %dma_start3A_418 = tpu.memref_slice %arg9[%dma_start3A_415, %dma_start3A_416, %dma_start3A_417] : memref<7x128x16xf32, #tpu.memory_space<vmem>> -> memref<1x128x16xf32, #tpu.memory_space<vmem>>
          %dma_start3A_419 = tpu.memref_squeeze %dma_start3A_418 : memref<1x128x16xf32, #tpu.memory_space<vmem>> -> memref<128x16xf32, #tpu.memory_space<vmem>>
          %dma_start3A_420 = arith.constant 0 : i32
          %dma_start3A_421 = tpu.memref_slice %arg7[%add3A_414, %dma_start3A_420] : memref<56x128xi32, #tpu.memory_space<vmem>> -> memref<1x128xi32, #tpu.memory_space<vmem>>
          %dma_start3A_422 = tpu.memref_squeeze %dma_start3A_421 : memref<1x128xi32, #tpu.memory_space<vmem>> -> memref<128xi32, #tpu.memory_space<vmem>>
          %dma_start3A_423 = arith.constant 0 : i32
          %dma_start3A_424 = arith.constant 0 : i32
          %dma_start3A_425 = tpu.memref_slice %arg4[%dma_start3A_423, %dma_start3A_424] : memref<100352x16xf32, #tpu.memory_space<hbm>> -> memref<100352x16xf32, #tpu.memory_space<hbm>>
          tpu.enqueue_indirect_dma source(%dma_start3A_425 : memref<100352x16xf32, #tpu.memory_space<hbm>>) target(%dma_start3A_419 : memref<128x16xf32, #tpu.memory_space<vmem>>) offsets(%dma_start3A_422 : memref<128xi32, #tpu.memory_space<vmem>>) semaphore(%arg16 : memref<!tpu.dma_semaphore, #tpu.memory_space<semaphore_mem>>)
        } else {
        }
        %add3A_221 = arith.constant 1 : i32
        %add3A_222 = arith.addi %mul3A_192, %add3A_221 : i32
        %dma_wait3A_223 = arith.constant 1 : i32
        %dma_wait3A_224 = arith.constant 0 : i32
        %dma_wait3A_225 = arith.constant 0 : i32
        %dma_wait3A_226 = tpu.memref_slice %arg9[%dma_wait3A_223, %dma_wait3A_224, %dma_wait3A_225] : memref<7x128x16xf32, #tpu.memory_space<vmem>> -> memref<1x128x16xf32, #tpu.memory_space<vmem>>
        %dma_wait3A_227 = tpu.memref_squeeze %dma_wait3A_226 : memref<1x128x16xf32, #tpu.memory_space<vmem>> -> memref<128x16xf32, #tpu.memory_space<vmem>>
        %dma_wait3A_228 = arith.constant 0 : i32
        %dma_wait3A_229 = tpu.memref_slice %arg7[%add3A_222, %dma_wait3A_228] : memref<56x128xi32, #tpu.memory_space<vmem>> -> memref<1x128xi32, #tpu.memory_space<vmem>>
        %dma_wait3A_230 = tpu.memref_squeeze %dma_wait3A_229 : memref<1x128xi32, #tpu.memory_space<vmem>> -> memref<128xi32, #tpu.memory_space<vmem>>
        %dma_wait3A_231 = arith.constant 0 : i32
        %dma_wait3A_232 = arith.constant 0 : i32
        %dma_wait3A_233 = tpu.memref_slice %arg4[%dma_wait3A_231, %dma_wait3A_232] : memref<100352x16xf32, #tpu.memory_space<hbm>> -> memref<100352x16xf32, #tpu.memory_space<hbm>>
        tpu.wait_indirect_dma semaphore(%arg11 : memref<!tpu.dma_semaphore, #tpu.memory_space<semaphore_mem>>) src(%dma_wait3A_233 : memref<100352x16xf32, #tpu.memory_space<hbm>>) dst(%dma_wait3A_227 : memref<128x16xf32, #tpu.memory_space<vmem>>)
        %dma_start3A_234 = arith.constant 1 : i32
        %dma_start3A_235 = arith.constant 0 : i32
        %dma_start3A_236 = arith.constant 0 : i32
        %dma_start3A_237 = tpu.memref_slice %arg9[%dma_start3A_234, %dma_start3A_235, %dma_start3A_236] : memref<7x128x16xf32, #tpu.memory_space<vmem>> -> memref<1x128x16xf32, #tpu.memory_space<vmem>>
        %dma_start3A_238 = tpu.memref_squeeze %dma_start3A_237 : memref<1x128x16xf32, #tpu.memory_space<vmem>> -> memref<128x16xf32, #tpu.memory_space<vmem>>
        %dma_start3A_239 = arith.constant 0 : i32
        %dma_start3A_240 = tpu.memref_slice %arg8[%add3A_222, %dma_start3A_239] : memref<56x128xi32, #tpu.memory_space<vmem>> -> memref<1x128xi32, #tpu.memory_space<vmem>>
        %dma_start3A_241 = tpu.memref_squeeze %dma_start3A_240 : memref<1x128xi32, #tpu.memory_space<vmem>> -> memref<128xi32, #tpu.memory_space<vmem>>
        %dma_start3A_242 = arith.constant 0 : i32
        %dma_start3A_243 = arith.constant 0 : i32
        %dma_start3A_244 = tpu.memref_slice %arg24[%dma_start3A_242, %dma_start3A_243] : memref<100352x16xf32, #tpu.memory_space<vmem_shared>> -> memref<100352x16xf32, #tpu.memory_space<vmem_shared>>
        tpu.enqueue_indirect_dma source(%dma_start3A_238 : memref<128x16xf32, #tpu.memory_space<vmem>>) target(%dma_start3A_244 : memref<100352x16xf32, #tpu.memory_space<vmem_shared>>) offsets(%dma_start3A_241 : memref<128xi32, #tpu.memory_space<vmem>>) semaphore(%arg18 : memref<!tpu.dma_semaphore, #tpu.memory_space<semaphore_mem>>) {add = true}
        %add3A_245 = arith.constant 6 : i32
        %add3A_246 = arith.addi %add3A_222, %add3A_245 : i32
        %lt3A_247 = arith.constant 56 : i32
        %lt3A_248 = arith.cmpi slt, %add3A_246, %lt3A_247 : i32
        %convert_element_type3A_249 = arith.extui %lt3A_248 : i1 to i32
        %cond3A_250 = arith.constant 0 : i32
        %cond3A_251 = arith.cmpi ne, %convert_element_type3A_249, %cond3A_250 : i32
        scf.if %cond3A_251 {
          %add3A_407 = arith.constant 6 : i32
          %add3A_408 = arith.addi %add3A_222, %add3A_407 : i32
          %ge3A = arith.constant 7 : i32
          %ge3A_409 = arith.cmpi sge, %add3A_408, %ge3A : i32
          %convert_element_type3A_410 = arith.extui %ge3A_409 : i1 to i32
          %cond3A_411 = arith.constant 0 : i32
          %cond3A_412 = arith.cmpi ne, %convert_element_type3A_410, %cond3A_411 : i32
          scf.if %cond3A_412 {
            %dma_wait3A_426 = arith.constant 0 : i32
            %dma_wait3A_427 = arith.constant 0 : i32
            %dma_wait3A_428 = arith.constant 0 : i32
            %dma_wait3A_429 = tpu.memref_slice %arg9[%dma_wait3A_426, %dma_wait3A_427, %dma_wait3A_428] : memref<7x128x16xf32, #tpu.memory_space<vmem>> -> memref<1x128x16xf32, #tpu.memory_space<vmem>>
            %dma_wait3A_430 = tpu.memref_squeeze %dma_wait3A_429 : memref<1x128x16xf32, #tpu.memory_space<vmem>> -> memref<128x16xf32, #tpu.memory_space<vmem>>
            %dma_wait3A_431 = arith.constant 0 : i32
            %dma_wait3A_432 = tpu.memref_slice %arg8[%add3A_222, %dma_wait3A_431] : memref<56x128xi32, #tpu.memory_space<vmem>> -> memref<1x128xi32, #tpu.memory_space<vmem>>
            %dma_wait3A_433 = tpu.memref_squeeze %dma_wait3A_432 : memref<1x128xi32, #tpu.memory_space<vmem>> -> memref<128xi32, #tpu.memory_space<vmem>>
            %dma_wait3A_434 = arith.constant 0 : i32
            %dma_wait3A_435 = arith.constant 0 : i32
            %dma_wait3A_436 = tpu.memref_slice %arg24[%dma_wait3A_434, %dma_wait3A_435] : memref<100352x16xf32, #tpu.memory_space<vmem_shared>> -> memref<100352x16xf32, #tpu.memory_space<vmem_shared>>
            tpu.wait_indirect_dma semaphore(%arg17 : memref<!tpu.dma_semaphore, #tpu.memory_space<semaphore_mem>>) src(%dma_wait3A_430 : memref<128x16xf32, #tpu.memory_space<vmem>>) dst(%dma_wait3A_436 : memref<100352x16xf32, #tpu.memory_space<vmem_shared>>)
          } else {
          }
          %add3A_413 = arith.constant 6 : i32
          %add3A_414 = arith.addi %add3A_222, %add3A_413 : i32
          %dma_start3A_415 = arith.constant 0 : i32
          %dma_start3A_416 = arith.constant 0 : i32
          %dma_start3A_417 = arith.constant 0 : i32
          %dma_start3A_418 = tpu.memref_slice %arg9[%dma_start3A_415, %dma_start3A_416, %dma_start3A_417] : memref<7x128x16xf32, #tpu.memory_space<vmem>> -> memref<1x128x16xf32, #tpu.memory_space<vmem>>
          %dma_start3A_419 = tpu.memref_squeeze %dma_start3A_418 : memref<1x128x16xf32, #tpu.memory_space<vmem>> -> memref<128x16xf32, #tpu.memory_space<vmem>>
          %dma_start3A_420 = arith.constant 0 : i32
          %dma_start3A_421 = tpu.memref_slice %arg7[%add3A_414, %dma_start3A_420] : memref<56x128xi32, #tpu.memory_space<vmem>> -> memref<1x128xi32, #tpu.memory_space<vmem>>
          %dma_start3A_422 = tpu.memref_squeeze %dma_start3A_421 : memref<1x128xi32, #tpu.memory_space<vmem>> -> memref<128xi32, #tpu.memory_space<vmem>>
          %dma_start3A_423 = arith.constant 0 : i32
          %dma_start3A_424 = arith.constant 0 : i32
          %dma_start3A_425 = tpu.memref_slice %arg4[%dma_start3A_423, %dma_start3A_424] : memref<100352x16xf32, #tpu.memory_space<hbm>> -> memref<100352x16xf32, #tpu.memory_space<hbm>>
          tpu.enqueue_indirect_dma source(%dma_start3A_425 : memref<100352x16xf32, #tpu.memory_space<hbm>>) target(%dma_start3A_419 : memref<128x16xf32, #tpu.memory_space<vmem>>) offsets(%dma_start3A_422 : memref<128xi32, #tpu.memory_space<vmem>>) semaphore(%arg10 : memref<!tpu.dma_semaphore, #tpu.memory_space<semaphore_mem>>)
        } else {
        }
        %add3A_252 = arith.constant 2 : i32
        %add3A_253 = arith.addi %mul3A_192, %add3A_252 : i32
        %dma_wait3A_254 = arith.constant 2 : i32
        %dma_wait3A_255 = arith.constant 0 : i32
        %dma_wait3A_256 = arith.constant 0 : i32
        %dma_wait3A_257 = tpu.memref_slice %arg9[%dma_wait3A_254, %dma_wait3A_255, %dma_wait3A_256] : memref<7x128x16xf32, #tpu.memory_space<vmem>> -> memref<1x128x16xf32, #tpu.memory_space<vmem>>
        %dma_wait3A_258 = tpu.memref_squeeze %dma_wait3A_257 : memref<1x128x16xf32, #tpu.memory_space<vmem>> -> memref<128x16xf32, #tpu.memory_space<vmem>>
        %dma_wait3A_259 = arith.constant 0 : i32
        %dma_wait3A_260 = tpu.memref_slice %arg7[%add3A_253, %dma_wait3A_259] : memref<56x128xi32, #tpu.memory_space<vmem>> -> memref<1x128xi32, #tpu.memory_space<vmem>>
        %dma_wait3A_261 = tpu.memref_squeeze %dma_wait3A_260 : memref<1x128xi32, #tpu.memory_space<vmem>> -> memref<128xi32, #tpu.memory_space<vmem>>
        %dma_wait3A_262 = arith.constant 0 : i32
        %dma_wait3A_263 = arith.constant 0 : i32
        %dma_wait3A_264 = tpu.memref_slice %arg4[%dma_wait3A_262, %dma_wait3A_263] : memref<100352x16xf32, #tpu.memory_space<hbm>> -> memref<100352x16xf32, #tpu.memory_space<hbm>>
        tpu.wait_indirect_dma semaphore(%arg12 : memref<!tpu.dma_semaphore, #tpu.memory_space<semaphore_mem>>) src(%dma_wait3A_264 : memref<100352x16xf32, #tpu.memory_space<hbm>>) dst(%dma_wait3A_258 : memref<128x16xf32, #tpu.memory_space<vmem>>)
        %dma_start3A_265 = arith.constant 2 : i32
        %dma_start3A_266 = arith.constant 0 : i32
        %dma_start3A_267 = arith.constant 0 : i32
        %dma_start3A_268 = tpu.memref_slice %arg9[%dma_start3A_265, %dma_start3A_266, %dma_start3A_267] : memref<7x128x16xf32, #tpu.memory_space<vmem>> -> memref<1x128x16xf32, #tpu.memory_space<vmem>>
        %dma_start3A_269 = tpu.memref_squeeze %dma_start3A_268 : memref<1x128x16xf32, #tpu.memory_space<vmem>> -> memref<128x16xf32, #tpu.memory_space<vmem>>
        %dma_start3A_270 = arith.constant 0 : i32
        %dma_start3A_271 = tpu.memref_slice %arg8[%add3A_253, %dma_start3A_270] : memref<56x128xi32, #tpu.memory_space<vmem>> -> memref<1x128xi32, #tpu.memory_space<vmem>>
        %dma_start3A_272 = tpu.memref_squeeze %dma_start3A_271 : memref<1x128xi32, #tpu.memory_space<vmem>> -> memref<128xi32, #tpu.memory_space<vmem>>
        %dma_start3A_273 = arith.constant 0 : i32
        %dma_start3A_274 = arith.constant 0 : i32
        %dma_start3A_275 = tpu.memref_slice %arg24[%dma_start3A_273, %dma_start3A_274] : memref<100352x16xf32, #tpu.memory_space<vmem_shared>> -> memref<100352x16xf32, #tpu.memory_space<vmem_shared>>
        tpu.enqueue_indirect_dma source(%dma_start3A_269 : memref<128x16xf32, #tpu.memory_space<vmem>>) target(%dma_start3A_275 : memref<100352x16xf32, #tpu.memory_space<vmem_shared>>) offsets(%dma_start3A_272 : memref<128xi32, #tpu.memory_space<vmem>>) semaphore(%arg19 : memref<!tpu.dma_semaphore, #tpu.memory_space<semaphore_mem>>) {add = true}
        %add3A_276 = arith.constant 6 : i32
        %add3A_277 = arith.addi %add3A_253, %add3A_276 : i32
        %lt3A_278 = arith.constant 56 : i32
        %lt3A_279 = arith.cmpi slt, %add3A_277, %lt3A_278 : i32
        %convert_element_type3A_280 = arith.extui %lt3A_279 : i1 to i32
        %cond3A_281 = arith.constant 0 : i32
        %cond3A_282 = arith.cmpi ne, %convert_element_type3A_280, %cond3A_281 : i32
        scf.if %cond3A_282 {
          %add3A_407 = arith.constant 6 : i32
          %add3A_408 = arith.addi %add3A_253, %add3A_407 : i32
          %ge3A = arith.constant 7 : i32
          %ge3A_409 = arith.cmpi sge, %add3A_408, %ge3A : i32
          %convert_element_type3A_410 = arith.extui %ge3A_409 : i1 to i32
          %cond3A_411 = arith.constant 0 : i32
          %cond3A_412 = arith.cmpi ne, %convert_element_type3A_410, %cond3A_411 : i32
          scf.if %cond3A_412 {
            %dma_wait3A_426 = arith.constant 1 : i32
            %dma_wait3A_427 = arith.constant 0 : i32
            %dma_wait3A_428 = arith.constant 0 : i32
            %dma_wait3A_429 = tpu.memref_slice %arg9[%dma_wait3A_426, %dma_wait3A_427, %dma_wait3A_428] : memref<7x128x16xf32, #tpu.memory_space<vmem>> -> memref<1x128x16xf32, #tpu.memory_space<vmem>>
            %dma_wait3A_430 = tpu.memref_squeeze %dma_wait3A_429 : memref<1x128x16xf32, #tpu.memory_space<vmem>> -> memref<128x16xf32, #tpu.memory_space<vmem>>
            %dma_wait3A_431 = arith.constant 0 : i32
            %dma_wait3A_432 = tpu.memref_slice %arg8[%add3A_253, %dma_wait3A_431] : memref<56x128xi32, #tpu.memory_space<vmem>> -> memref<1x128xi32, #tpu.memory_space<vmem>>
            %dma_wait3A_433 = tpu.memref_squeeze %dma_wait3A_432 : memref<1x128xi32, #tpu.memory_space<vmem>> -> memref<128xi32, #tpu.memory_space<vmem>>
            %dma_wait3A_434 = arith.constant 0 : i32
            %dma_wait3A_435 = arith.constant 0 : i32
            %dma_wait3A_436 = tpu.memref_slice %arg24[%dma_wait3A_434, %dma_wait3A_435] : memref<100352x16xf32, #tpu.memory_space<vmem_shared>> -> memref<100352x16xf32, #tpu.memory_space<vmem_shared>>
            tpu.wait_indirect_dma semaphore(%arg18 : memref<!tpu.dma_semaphore, #tpu.memory_space<semaphore_mem>>) src(%dma_wait3A_430 : memref<128x16xf32, #tpu.memory_space<vmem>>) dst(%dma_wait3A_436 : memref<100352x16xf32, #tpu.memory_space<vmem_shared>>)
          } else {
          }
          %add3A_413 = arith.constant 6 : i32
          %add3A_414 = arith.addi %add3A_253, %add3A_413 : i32
          %dma_start3A_415 = arith.constant 1 : i32
          %dma_start3A_416 = arith.constant 0 : i32
          %dma_start3A_417 = arith.constant 0 : i32
          %dma_start3A_418 = tpu.memref_slice %arg9[%dma_start3A_415, %dma_start3A_416, %dma_start3A_417] : memref<7x128x16xf32, #tpu.memory_space<vmem>> -> memref<1x128x16xf32, #tpu.memory_space<vmem>>
          %dma_start3A_419 = tpu.memref_squeeze %dma_start3A_418 : memref<1x128x16xf32, #tpu.memory_space<vmem>> -> memref<128x16xf32, #tpu.memory_space<vmem>>
          %dma_start3A_420 = arith.constant 0 : i32
          %dma_start3A_421 = tpu.memref_slice %arg7[%add3A_414, %dma_start3A_420] : memref<56x128xi32, #tpu.memory_space<vmem>> -> memref<1x128xi32, #tpu.memory_space<vmem>>
          %dma_start3A_422 = tpu.memref_squeeze %dma_start3A_421 : memref<1x128xi32, #tpu.memory_space<vmem>> -> memref<128xi32, #tpu.memory_space<vmem>>
          %dma_start3A_423 = arith.constant 0 : i32
          %dma_start3A_424 = arith.constant 0 : i32
          %dma_start3A_425 = tpu.memref_slice %arg4[%dma_start3A_423, %dma_start3A_424] : memref<100352x16xf32, #tpu.memory_space<hbm>> -> memref<100352x16xf32, #tpu.memory_space<hbm>>
          tpu.enqueue_indirect_dma source(%dma_start3A_425 : memref<100352x16xf32, #tpu.memory_space<hbm>>) target(%dma_start3A_419 : memref<128x16xf32, #tpu.memory_space<vmem>>) offsets(%dma_start3A_422 : memref<128xi32, #tpu.memory_space<vmem>>) semaphore(%arg11 : memref<!tpu.dma_semaphore, #tpu.memory_space<semaphore_mem>>)
        } else {
        }
        %add3A_283 = arith.constant 3 : i32
        %add3A_284 = arith.addi %mul3A_192, %add3A_283 : i32
        %dma_wait3A_285 = arith.constant 3 : i32
        %dma_wait3A_286 = arith.constant 0 : i32
        %dma_wait3A_287 = arith.constant 0 : i32
        %dma_wait3A_288 = tpu.memref_slice %arg9[%dma_wait3A_285, %dma_wait3A_286, %dma_wait3A_287] : memref<7x128x16xf32, #tpu.memory_space<vmem>> -> memref<1x128x16xf32, #tpu.memory_space<vmem>>
        %dma_wait3A_289 = tpu.memref_squeeze %dma_wait3A_288 : memref<1x128x16xf32, #tpu.memory_space<vmem>> -> memref<128x16xf32, #tpu.memory_space<vmem>>
        %dma_wait3A_290 = arith.constant 0 : i32
        %dma_wait3A_291 = tpu.memref_slice %arg7[%add3A_284, %dma_wait3A_290] : memref<56x128xi32, #tpu.memory_space<vmem>> -> memref<1x128xi32, #tpu.memory_space<vmem>>
        %dma_wait3A_292 = tpu.memref_squeeze %dma_wait3A_291 : memref<1x128xi32, #tpu.memory_space<vmem>> -> memref<128xi32, #tpu.memory_space<vmem>>
        %dma_wait3A_293 = arith.constant 0 : i32
        %dma_wait3A_294 = arith.constant 0 : i32
        %dma_wait3A_295 = tpu.memref_slice %arg4[%dma_wait3A_293, %dma_wait3A_294] : memref<100352x16xf32, #tpu.memory_space<hbm>> -> memref<100352x16xf32, #tpu.memory_space<hbm>>
        tpu.wait_indirect_dma semaphore(%arg13 : memref<!tpu.dma_semaphore, #tpu.memory_space<semaphore_mem>>) src(%dma_wait3A_295 : memref<100352x16xf32, #tpu.memory_space<hbm>>) dst(%dma_wait3A_289 : memref<128x16xf32, #tpu.memory_space<vmem>>)
        %dma_start3A_296 = arith.constant 3 : i32
        %dma_start3A_297 = arith.constant 0 : i32
        %dma_start3A_298 = arith.constant 0 : i32
        %dma_start3A_299 = tpu.memref_slice %arg9[%dma_start3A_296, %dma_start3A_297, %dma_start3A_298] : memref<7x128x16xf32, #tpu.memory_space<vmem>> -> memref<1x128x16xf32, #tpu.memory_space<vmem>>
        %dma_start3A_300 = tpu.memref_squeeze %dma_start3A_299 : memref<1x128x16xf32, #tpu.memory_space<vmem>> -> memref<128x16xf32, #tpu.memory_space<vmem>>
        %dma_start3A_301 = arith.constant 0 : i32
        %dma_start3A_302 = tpu.memref_slice %arg8[%add3A_284, %dma_start3A_301] : memref<56x128xi32, #tpu.memory_space<vmem>> -> memref<1x128xi32, #tpu.memory_space<vmem>>
        %dma_start3A_303 = tpu.memref_squeeze %dma_start3A_302 : memref<1x128xi32, #tpu.memory_space<vmem>> -> memref<128xi32, #tpu.memory_space<vmem>>
        %dma_start3A_304 = arith.constant 0 : i32
        %dma_start3A_305 = arith.constant 0 : i32
        %dma_start3A_306 = tpu.memref_slice %arg24[%dma_start3A_304, %dma_start3A_305] : memref<100352x16xf32, #tpu.memory_space<vmem_shared>> -> memref<100352x16xf32, #tpu.memory_space<vmem_shared>>
        tpu.enqueue_indirect_dma source(%dma_start3A_300 : memref<128x16xf32, #tpu.memory_space<vmem>>) target(%dma_start3A_306 : memref<100352x16xf32, #tpu.memory_space<vmem_shared>>) offsets(%dma_start3A_303 : memref<128xi32, #tpu.memory_space<vmem>>) semaphore(%arg20 : memref<!tpu.dma_semaphore, #tpu.memory_space<semaphore_mem>>) {add = true}
        %add3A_307 = arith.constant 6 : i32
        %add3A_308 = arith.addi %add3A_284, %add3A_307 : i32
        %lt3A_309 = arith.constant 56 : i32
        %lt3A_310 = arith.cmpi slt, %add3A_308, %lt3A_309 : i32
        %convert_element_type3A_311 = arith.extui %lt3A_310 : i1 to i32
        %cond3A_312 = arith.constant 0 : i32
        %cond3A_313 = arith.cmpi ne, %convert_element_type3A_311, %cond3A_312 : i32
        scf.if %cond3A_313 {
          %add3A_407 = arith.constant 6 : i32
          %add3A_408 = arith.addi %add3A_284, %add3A_407 : i32
          %ge3A = arith.constant 7 : i32
          %ge3A_409 = arith.cmpi sge, %add3A_408, %ge3A : i32
          %convert_element_type3A_410 = arith.extui %ge3A_409 : i1 to i32
          %cond3A_411 = arith.constant 0 : i32
          %cond3A_412 = arith.cmpi ne, %convert_element_type3A_410, %cond3A_411 : i32
          scf.if %cond3A_412 {
            %dma_wait3A_426 = arith.constant 2 : i32
            %dma_wait3A_427 = arith.constant 0 : i32
            %dma_wait3A_428 = arith.constant 0 : i32
            %dma_wait3A_429 = tpu.memref_slice %arg9[%dma_wait3A_426, %dma_wait3A_427, %dma_wait3A_428] : memref<7x128x16xf32, #tpu.memory_space<vmem>> -> memref<1x128x16xf32, #tpu.memory_space<vmem>>
            %dma_wait3A_430 = tpu.memref_squeeze %dma_wait3A_429 : memref<1x128x16xf32, #tpu.memory_space<vmem>> -> memref<128x16xf32, #tpu.memory_space<vmem>>
            %dma_wait3A_431 = arith.constant 0 : i32
            %dma_wait3A_432 = tpu.memref_slice %arg8[%add3A_284, %dma_wait3A_431] : memref<56x128xi32, #tpu.memory_space<vmem>> -> memref<1x128xi32, #tpu.memory_space<vmem>>
            %dma_wait3A_433 = tpu.memref_squeeze %dma_wait3A_432 : memref<1x128xi32, #tpu.memory_space<vmem>> -> memref<128xi32, #tpu.memory_space<vmem>>
            %dma_wait3A_434 = arith.constant 0 : i32
            %dma_wait3A_435 = arith.constant 0 : i32
            %dma_wait3A_436 = tpu.memref_slice %arg24[%dma_wait3A_434, %dma_wait3A_435] : memref<100352x16xf32, #tpu.memory_space<vmem_shared>> -> memref<100352x16xf32, #tpu.memory_space<vmem_shared>>
            tpu.wait_indirect_dma semaphore(%arg19 : memref<!tpu.dma_semaphore, #tpu.memory_space<semaphore_mem>>) src(%dma_wait3A_430 : memref<128x16xf32, #tpu.memory_space<vmem>>) dst(%dma_wait3A_436 : memref<100352x16xf32, #tpu.memory_space<vmem_shared>>)
          } else {
          }
          %add3A_413 = arith.constant 6 : i32
          %add3A_414 = arith.addi %add3A_284, %add3A_413 : i32
          %dma_start3A_415 = arith.constant 2 : i32
          %dma_start3A_416 = arith.constant 0 : i32
          %dma_start3A_417 = arith.constant 0 : i32
          %dma_start3A_418 = tpu.memref_slice %arg9[%dma_start3A_415, %dma_start3A_416, %dma_start3A_417] : memref<7x128x16xf32, #tpu.memory_space<vmem>> -> memref<1x128x16xf32, #tpu.memory_space<vmem>>
          %dma_start3A_419 = tpu.memref_squeeze %dma_start3A_418 : memref<1x128x16xf32, #tpu.memory_space<vmem>> -> memref<128x16xf32, #tpu.memory_space<vmem>>
          %dma_start3A_420 = arith.constant 0 : i32
          %dma_start3A_421 = tpu.memref_slice %arg7[%add3A_414, %dma_start3A_420] : memref<56x128xi32, #tpu.memory_space<vmem>> -> memref<1x128xi32, #tpu.memory_space<vmem>>
          %dma_start3A_422 = tpu.memref_squeeze %dma_start3A_421 : memref<1x128xi32, #tpu.memory_space<vmem>> -> memref<128xi32, #tpu.memory_space<vmem>>
          %dma_start3A_423 = arith.constant 0 : i32
          %dma_start3A_424 = arith.constant 0 : i32
          %dma_start3A_425 = tpu.memref_slice %arg4[%dma_start3A_423, %dma_start3A_424] : memref<100352x16xf32, #tpu.memory_space<hbm>> -> memref<100352x16xf32, #tpu.memory_space<hbm>>
          tpu.enqueue_indirect_dma source(%dma_start3A_425 : memref<100352x16xf32, #tpu.memory_space<hbm>>) target(%dma_start3A_419 : memref<128x16xf32, #tpu.memory_space<vmem>>) offsets(%dma_start3A_422 : memref<128xi32, #tpu.memory_space<vmem>>) semaphore(%arg12 : memref<!tpu.dma_semaphore, #tpu.memory_space<semaphore_mem>>)
        } else {
        }
        %add3A_314 = arith.constant 4 : i32
        %add3A_315 = arith.addi %mul3A_192, %add3A_314 : i32
        %dma_wait3A_316 = arith.constant 4 : i32
        %dma_wait3A_317 = arith.constant 0 : i32
        %dma_wait3A_318 = arith.constant 0 : i32
        %dma_wait3A_319 = tpu.memref_slice %arg9[%dma_wait3A_316, %dma_wait3A_317, %dma_wait3A_318] : memref<7x128x16xf32, #tpu.memory_space<vmem>> -> memref<1x128x16xf32, #tpu.memory_space<vmem>>
        %dma_wait3A_320 = tpu.memref_squeeze %dma_wait3A_319 : memref<1x128x16xf32, #tpu.memory_space<vmem>> -> memref<128x16xf32, #tpu.memory_space<vmem>>
        %dma_wait3A_321 = arith.constant 0 : i32
        %dma_wait3A_322 = tpu.memref_slice %arg7[%add3A_315, %dma_wait3A_321] : memref<56x128xi32, #tpu.memory_space<vmem>> -> memref<1x128xi32, #tpu.memory_space<vmem>>
        %dma_wait3A_323 = tpu.memref_squeeze %dma_wait3A_322 : memref<1x128xi32, #tpu.memory_space<vmem>> -> memref<128xi32, #tpu.memory_space<vmem>>
        %dma_wait3A_324 = arith.constant 0 : i32
        %dma_wait3A_325 = arith.constant 0 : i32
        %dma_wait3A_326 = tpu.memref_slice %arg4[%dma_wait3A_324, %dma_wait3A_325] : memref<100352x16xf32, #tpu.memory_space<hbm>> -> memref<100352x16xf32, #tpu.memory_space<hbm>>
        tpu.wait_indirect_dma semaphore(%arg14 : memref<!tpu.dma_semaphore, #tpu.memory_space<semaphore_mem>>) src(%dma_wait3A_326 : memref<100352x16xf32, #tpu.memory_space<hbm>>) dst(%dma_wait3A_320 : memref<128x16xf32, #tpu.memory_space<vmem>>)
        %dma_start3A_327 = arith.constant 4 : i32
        %dma_start3A_328 = arith.constant 0 : i32
        %dma_start3A_329 = arith.constant 0 : i32
        %dma_start3A_330 = tpu.memref_slice %arg9[%dma_start3A_327, %dma_start3A_328, %dma_start3A_329] : memref<7x128x16xf32, #tpu.memory_space<vmem>> -> memref<1x128x16xf32, #tpu.memory_space<vmem>>
        %dma_start3A_331 = tpu.memref_squeeze %dma_start3A_330 : memref<1x128x16xf32, #tpu.memory_space<vmem>> -> memref<128x16xf32, #tpu.memory_space<vmem>>
        %dma_start3A_332 = arith.constant 0 : i32
        %dma_start3A_333 = tpu.memref_slice %arg8[%add3A_315, %dma_start3A_332] : memref<56x128xi32, #tpu.memory_space<vmem>> -> memref<1x128xi32, #tpu.memory_space<vmem>>
        %dma_start3A_334 = tpu.memref_squeeze %dma_start3A_333 : memref<1x128xi32, #tpu.memory_space<vmem>> -> memref<128xi32, #tpu.memory_space<vmem>>
        %dma_start3A_335 = arith.constant 0 : i32
        %dma_start3A_336 = arith.constant 0 : i32
        %dma_start3A_337 = tpu.memref_slice %arg24[%dma_start3A_335, %dma_start3A_336] : memref<100352x16xf32, #tpu.memory_space<vmem_shared>> -> memref<100352x16xf32, #tpu.memory_space<vmem_shared>>
        tpu.enqueue_indirect_dma source(%dma_start3A_331 : memref<128x16xf32, #tpu.memory_space<vmem>>) target(%dma_start3A_337 : memref<100352x16xf32, #tpu.memory_space<vmem_shared>>) offsets(%dma_start3A_334 : memref<128xi32, #tpu.memory_space<vmem>>) semaphore(%arg21 : memref<!tpu.dma_semaphore, #tpu.memory_space<semaphore_mem>>) {add = true}
        %add3A_338 = arith.constant 6 : i32
        %add3A_339 = arith.addi %add3A_315, %add3A_338 : i32
        %lt3A_340 = arith.constant 56 : i32
        %lt3A_341 = arith.cmpi slt, %add3A_339, %lt3A_340 : i32
        %convert_element_type3A_342 = arith.extui %lt3A_341 : i1 to i32
        %cond3A_343 = arith.constant 0 : i32
        %cond3A_344 = arith.cmpi ne, %convert_element_type3A_342, %cond3A_343 : i32
        scf.if %cond3A_344 {
          %add3A_407 = arith.constant 6 : i32
          %add3A_408 = arith.addi %add3A_315, %add3A_407 : i32
          %ge3A = arith.constant 7 : i32
          %ge3A_409 = arith.cmpi sge, %add3A_408, %ge3A : i32
          %convert_element_type3A_410 = arith.extui %ge3A_409 : i1 to i32
          %cond3A_411 = arith.constant 0 : i32
          %cond3A_412 = arith.cmpi ne, %convert_element_type3A_410, %cond3A_411 : i32
          scf.if %cond3A_412 {
            %dma_wait3A_426 = arith.constant 3 : i32
            %dma_wait3A_427 = arith.constant 0 : i32
            %dma_wait3A_428 = arith.constant 0 : i32
            %dma_wait3A_429 = tpu.memref_slice %arg9[%dma_wait3A_426, %dma_wait3A_427, %dma_wait3A_428] : memref<7x128x16xf32, #tpu.memory_space<vmem>> -> memref<1x128x16xf32, #tpu.memory_space<vmem>>
            %dma_wait3A_430 = tpu.memref_squeeze %dma_wait3A_429 : memref<1x128x16xf32, #tpu.memory_space<vmem>> -> memref<128x16xf32, #tpu.memory_space<vmem>>
            %dma_wait3A_431 = arith.constant 0 : i32
            %dma_wait3A_432 = tpu.memref_slice %arg8[%add3A_315, %dma_wait3A_431] : memref<56x128xi32, #tpu.memory_space<vmem>> -> memref<1x128xi32, #tpu.memory_space<vmem>>
            %dma_wait3A_433 = tpu.memref_squeeze %dma_wait3A_432 : memref<1x128xi32, #tpu.memory_space<vmem>> -> memref<128xi32, #tpu.memory_space<vmem>>
            %dma_wait3A_434 = arith.constant 0 : i32
            %dma_wait3A_435 = arith.constant 0 : i32
            %dma_wait3A_436 = tpu.memref_slice %arg24[%dma_wait3A_434, %dma_wait3A_435] : memref<100352x16xf32, #tpu.memory_space<vmem_shared>> -> memref<100352x16xf32, #tpu.memory_space<vmem_shared>>
            tpu.wait_indirect_dma semaphore(%arg20 : memref<!tpu.dma_semaphore, #tpu.memory_space<semaphore_mem>>) src(%dma_wait3A_430 : memref<128x16xf32, #tpu.memory_space<vmem>>) dst(%dma_wait3A_436 : memref<100352x16xf32, #tpu.memory_space<vmem_shared>>)
          } else {
          }
          %add3A_413 = arith.constant 6 : i32
          %add3A_414 = arith.addi %add3A_315, %add3A_413 : i32
          %dma_start3A_415 = arith.constant 3 : i32
          %dma_start3A_416 = arith.constant 0 : i32
          %dma_start3A_417 = arith.constant 0 : i32
          %dma_start3A_418 = tpu.memref_slice %arg9[%dma_start3A_415, %dma_start3A_416, %dma_start3A_417] : memref<7x128x16xf32, #tpu.memory_space<vmem>> -> memref<1x128x16xf32, #tpu.memory_space<vmem>>
          %dma_start3A_419 = tpu.memref_squeeze %dma_start3A_418 : memref<1x128x16xf32, #tpu.memory_space<vmem>> -> memref<128x16xf32, #tpu.memory_space<vmem>>
          %dma_start3A_420 = arith.constant 0 : i32
          %dma_start3A_421 = tpu.memref_slice %arg7[%add3A_414, %dma_start3A_420] : memref<56x128xi32, #tpu.memory_space<vmem>> -> memref<1x128xi32, #tpu.memory_space<vmem>>
          %dma_start3A_422 = tpu.memref_squeeze %dma_start3A_421 : memref<1x128xi32, #tpu.memory_space<vmem>> -> memref<128xi32, #tpu.memory_space<vmem>>
          %dma_start3A_423 = arith.constant 0 : i32
          %dma_start3A_424 = arith.constant 0 : i32
          %dma_start3A_425 = tpu.memref_slice %arg4[%dma_start3A_423, %dma_start3A_424] : memref<100352x16xf32, #tpu.memory_space<hbm>> -> memref<100352x16xf32, #tpu.memory_space<hbm>>
          tpu.enqueue_indirect_dma source(%dma_start3A_425 : memref<100352x16xf32, #tpu.memory_space<hbm>>) target(%dma_start3A_419 : memref<128x16xf32, #tpu.memory_space<vmem>>) offsets(%dma_start3A_422 : memref<128xi32, #tpu.memory_space<vmem>>) semaphore(%arg13 : memref<!tpu.dma_semaphore, #tpu.memory_space<semaphore_mem>>)
        } else {
        }
        %add3A_345 = arith.constant 5 : i32
        %add3A_346 = arith.addi %mul3A_192, %add3A_345 : i32
        %dma_wait3A_347 = arith.constant 5 : i32
        %dma_wait3A_348 = arith.constant 0 : i32
        %dma_wait3A_349 = arith.constant 0 : i32
        %dma_wait3A_350 = tpu.memref_slice %arg9[%dma_wait3A_347, %dma_wait3A_348, %dma_wait3A_349] : memref<7x128x16xf32, #tpu.memory_space<vmem>> -> memref<1x128x16xf32, #tpu.memory_space<vmem>>
        %dma_wait3A_351 = tpu.memref_squeeze %dma_wait3A_350 : memref<1x128x16xf32, #tpu.memory_space<vmem>> -> memref<128x16xf32, #tpu.memory_space<vmem>>
        %dma_wait3A_352 = arith.constant 0 : i32
        %dma_wait3A_353 = tpu.memref_slice %arg7[%add3A_346, %dma_wait3A_352] : memref<56x128xi32, #tpu.memory_space<vmem>> -> memref<1x128xi32, #tpu.memory_space<vmem>>
        %dma_wait3A_354 = tpu.memref_squeeze %dma_wait3A_353 : memref<1x128xi32, #tpu.memory_space<vmem>> -> memref<128xi32, #tpu.memory_space<vmem>>
        %dma_wait3A_355 = arith.constant 0 : i32
        %dma_wait3A_356 = arith.constant 0 : i32
        %dma_wait3A_357 = tpu.memref_slice %arg4[%dma_wait3A_355, %dma_wait3A_356] : memref<100352x16xf32, #tpu.memory_space<hbm>> -> memref<100352x16xf32, #tpu.memory_space<hbm>>
        tpu.wait_indirect_dma semaphore(%arg15 : memref<!tpu.dma_semaphore, #tpu.memory_space<semaphore_mem>>) src(%dma_wait3A_357 : memref<100352x16xf32, #tpu.memory_space<hbm>>) dst(%dma_wait3A_351 : memref<128x16xf32, #tpu.memory_space<vmem>>)
        %dma_start3A_358 = arith.constant 5 : i32
        %dma_start3A_359 = arith.constant 0 : i32
        %dma_start3A_360 = arith.constant 0 : i32
        %dma_start3A_361 = tpu.memref_slice %arg9[%dma_start3A_358, %dma_start3A_359, %dma_start3A_360] : memref<7x128x16xf32, #tpu.memory_space<vmem>> -> memref<1x128x16xf32, #tpu.memory_space<vmem>>
        %dma_start3A_362 = tpu.memref_squeeze %dma_start3A_361 : memref<1x128x16xf32, #tpu.memory_space<vmem>> -> memref<128x16xf32, #tpu.memory_space<vmem>>
        %dma_start3A_363 = arith.constant 0 : i32
        %dma_start3A_364 = tpu.memref_slice %arg8[%add3A_346, %dma_start3A_363] : memref<56x128xi32, #tpu.memory_space<vmem>> -> memref<1x128xi32, #tpu.memory_space<vmem>>
        %dma_start3A_365 = tpu.memref_squeeze %dma_start3A_364 : memref<1x128xi32, #tpu.memory_space<vmem>> -> memref<128xi32, #tpu.memory_space<vmem>>
        %dma_start3A_366 = arith.constant 0 : i32
        %dma_start3A_367 = arith.constant 0 : i32
        %dma_start3A_368 = tpu.memref_slice %arg24[%dma_start3A_366, %dma_start3A_367] : memref<100352x16xf32, #tpu.memory_space<vmem_shared>> -> memref<100352x16xf32, #tpu.memory_space<vmem_shared>>
        tpu.enqueue_indirect_dma source(%dma_start3A_362 : memref<128x16xf32, #tpu.memory_space<vmem>>) target(%dma_start3A_368 : memref<100352x16xf32, #tpu.memory_space<vmem_shared>>) offsets(%dma_start3A_365 : memref<128xi32, #tpu.memory_space<vmem>>) semaphore(%arg22 : memref<!tpu.dma_semaphore, #tpu.memory_space<semaphore_mem>>) {add = true}
        %add3A_369 = arith.constant 6 : i32
        %add3A_370 = arith.addi %add3A_346, %add3A_369 : i32
        %lt3A_371 = arith.constant 56 : i32
        %lt3A_372 = arith.cmpi slt, %add3A_370, %lt3A_371 : i32
        %convert_element_type3A_373 = arith.extui %lt3A_372 : i1 to i32
        %cond3A_374 = arith.constant 0 : i32
        %cond3A_375 = arith.cmpi ne, %convert_element_type3A_373, %cond3A_374 : i32
        scf.if %cond3A_375 {
          %add3A_407 = arith.constant 6 : i32
          %add3A_408 = arith.addi %add3A_346, %add3A_407 : i32
          %ge3A = arith.constant 7 : i32
          %ge3A_409 = arith.cmpi sge, %add3A_408, %ge3A : i32
          %convert_element_type3A_410 = arith.extui %ge3A_409 : i1 to i32
          %cond3A_411 = arith.constant 0 : i32
          %cond3A_412 = arith.cmpi ne, %convert_element_type3A_410, %cond3A_411 : i32
          scf.if %cond3A_412 {
            %dma_wait3A_426 = arith.constant 4 : i32
            %dma_wait3A_427 = arith.constant 0 : i32
            %dma_wait3A_428 = arith.constant 0 : i32
            %dma_wait3A_429 = tpu.memref_slice %arg9[%dma_wait3A_426, %dma_wait3A_427, %dma_wait3A_428] : memref<7x128x16xf32, #tpu.memory_space<vmem>> -> memref<1x128x16xf32, #tpu.memory_space<vmem>>
            %dma_wait3A_430 = tpu.memref_squeeze %dma_wait3A_429 : memref<1x128x16xf32, #tpu.memory_space<vmem>> -> memref<128x16xf32, #tpu.memory_space<vmem>>
            %dma_wait3A_431 = arith.constant 0 : i32
            %dma_wait3A_432 = tpu.memref_slice %arg8[%add3A_346, %dma_wait3A_431] : memref<56x128xi32, #tpu.memory_space<vmem>> -> memref<1x128xi32, #tpu.memory_space<vmem>>
            %dma_wait3A_433 = tpu.memref_squeeze %dma_wait3A_432 : memref<1x128xi32, #tpu.memory_space<vmem>> -> memref<128xi32, #tpu.memory_space<vmem>>
            %dma_wait3A_434 = arith.constant 0 : i32
            %dma_wait3A_435 = arith.constant 0 : i32
            %dma_wait3A_436 = tpu.memref_slice %arg24[%dma_wait3A_434, %dma_wait3A_435] : memref<100352x16xf32, #tpu.memory_space<vmem_shared>> -> memref<100352x16xf32, #tpu.memory_space<vmem_shared>>
            tpu.wait_indirect_dma semaphore(%arg21 : memref<!tpu.dma_semaphore, #tpu.memory_space<semaphore_mem>>) src(%dma_wait3A_430 : memref<128x16xf32, #tpu.memory_space<vmem>>) dst(%dma_wait3A_436 : memref<100352x16xf32, #tpu.memory_space<vmem_shared>>)
          } else {
          }
          %add3A_413 = arith.constant 6 : i32
          %add3A_414 = arith.addi %add3A_346, %add3A_413 : i32
          %dma_start3A_415 = arith.constant 4 : i32
          %dma_start3A_416 = arith.constant 0 : i32
          %dma_start3A_417 = arith.constant 0 : i32
          %dma_start3A_418 = tpu.memref_slice %arg9[%dma_start3A_415, %dma_start3A_416, %dma_start3A_417] : memref<7x128x16xf32, #tpu.memory_space<vmem>> -> memref<1x128x16xf32, #tpu.memory_space<vmem>>
          %dma_start3A_419 = tpu.memref_squeeze %dma_start3A_418 : memref<1x128x16xf32, #tpu.memory_space<vmem>> -> memref<128x16xf32, #tpu.memory_space<vmem>>
          %dma_start3A_420 = arith.constant 0 : i32
          %dma_start3A_421 = tpu.memref_slice %arg7[%add3A_414, %dma_start3A_420] : memref<56x128xi32, #tpu.memory_space<vmem>> -> memref<1x128xi32, #tpu.memory_space<vmem>>
          %dma_start3A_422 = tpu.memref_squeeze %dma_start3A_421 : memref<1x128xi32, #tpu.memory_space<vmem>> -> memref<128xi32, #tpu.memory_space<vmem>>
          %dma_start3A_423 = arith.constant 0 : i32
          %dma_start3A_424 = arith.constant 0 : i32
          %dma_start3A_425 = tpu.memref_slice %arg4[%dma_start3A_423, %dma_start3A_424] : memref<100352x16xf32, #tpu.memory_space<hbm>> -> memref<100352x16xf32, #tpu.memory_space<hbm>>
          tpu.enqueue_indirect_dma source(%dma_start3A_425 : memref<100352x16xf32, #tpu.memory_space<hbm>>) target(%dma_start3A_419 : memref<128x16xf32, #tpu.memory_space<vmem>>) offsets(%dma_start3A_422 : memref<128xi32, #tpu.memory_space<vmem>>) semaphore(%arg14 : memref<!tpu.dma_semaphore, #tpu.memory_space<semaphore_mem>>)
        } else {
        }
        %add3A_376 = arith.constant 6 : i32
        %add3A_377 = arith.addi %mul3A_192, %add3A_376 : i32
        %dma_wait3A_378 = arith.constant 6 : i32
        %dma_wait3A_379 = arith.constant 0 : i32
        %dma_wait3A_380 = arith.constant 0 : i32
        %dma_wait3A_381 = tpu.memref_slice %arg9[%dma_wait3A_378, %dma_wait3A_379, %dma_wait3A_380] : memref<7x128x16xf32, #tpu.memory_space<vmem>> -> memref<1x128x16xf32, #tpu.memory_space<vmem>>
        %dma_wait3A_382 = tpu.memref_squeeze %dma_wait3A_381 : memref<1x128x16xf32, #tpu.memory_space<vmem>> -> memref<128x16xf32, #tpu.memory_space<vmem>>
        %dma_wait3A_383 = arith.constant 0 : i32
        %dma_wait3A_384 = tpu.memref_slice %arg7[%add3A_377, %dma_wait3A_383] : memref<56x128xi32, #tpu.memory_space<vmem>> -> memref<1x128xi32, #tpu.memory_space<vmem>>
        %dma_wait3A_385 = tpu.memref_squeeze %dma_wait3A_384 : memref<1x128xi32, #tpu.memory_space<vmem>> -> memref<128xi32, #tpu.memory_space<vmem>>
        %dma_wait3A_386 = arith.constant 0 : i32
        %dma_wait3A_387 = arith.constant 0 : i32
        %dma_wait3A_388 = tpu.memref_slice %arg4[%dma_wait3A_386, %dma_wait3A_387] : memref<100352x16xf32, #tpu.memory_space<hbm>> -> memref<100352x16xf32, #tpu.memory_space<hbm>>
        tpu.wait_indirect_dma semaphore(%arg16 : memref<!tpu.dma_semaphore, #tpu.memory_space<semaphore_mem>>) src(%dma_wait3A_388 : memref<100352x16xf32, #tpu.memory_space<hbm>>) dst(%dma_wait3A_382 : memref<128x16xf32, #tpu.memory_space<vmem>>)
        %dma_start3A_389 = arith.constant 6 : i32
        %dma_start3A_390 = arith.constant 0 : i32
        %dma_start3A_391 = arith.constant 0 : i32
        %dma_start3A_392 = tpu.memref_slice %arg9[%dma_start3A_389, %dma_start3A_390, %dma_start3A_391] : memref<7x128x16xf32, #tpu.memory_space<vmem>> -> memref<1x128x16xf32, #tpu.memory_space<vmem>>
        %dma_start3A_393 = tpu.memref_squeeze %dma_start3A_392 : memref<1x128x16xf32, #tpu.memory_space<vmem>> -> memref<128x16xf32, #tpu.memory_space<vmem>>
        %dma_start3A_394 = arith.constant 0 : i32
        %dma_start3A_395 = tpu.memref_slice %arg8[%add3A_377, %dma_start3A_394] : memref<56x128xi32, #tpu.memory_space<vmem>> -> memref<1x128xi32, #tpu.memory_space<vmem>>
        %dma_start3A_396 = tpu.memref_squeeze %dma_start3A_395 : memref<1x128xi32, #tpu.memory_space<vmem>> -> memref<128xi32, #tpu.memory_space<vmem>>
        %dma_start3A_397 = arith.constant 0 : i32
        %dma_start3A_398 = arith.constant 0 : i32
        %dma_start3A_399 = tpu.memref_slice %arg24[%dma_start3A_397, %dma_start3A_398] : memref<100352x16xf32, #tpu.memory_space<vmem_shared>> -> memref<100352x16xf32, #tpu.memory_space<vmem_shared>>
        tpu.enqueue_indirect_dma source(%dma_start3A_393 : memref<128x16xf32, #tpu.memory_space<vmem>>) target(%dma_start3A_399 : memref<100352x16xf32, #tpu.memory_space<vmem_shared>>) offsets(%dma_start3A_396 : memref<128xi32, #tpu.memory_space<vmem>>) semaphore(%arg23 : memref<!tpu.dma_semaphore, #tpu.memory_space<semaphore_mem>>) {add = true}
        %add3A_400 = arith.constant 6 : i32
        %add3A_401 = arith.addi %add3A_377, %add3A_400 : i32
        %lt3A_402 = arith.constant 56 : i32
        %lt3A_403 = arith.cmpi slt, %add3A_401, %lt3A_402 : i32
        %convert_element_type3A_404 = arith.extui %lt3A_403 : i1 to i32
        %cond3A_405 = arith.constant 0 : i32
        %cond3A_406 = arith.cmpi ne, %convert_element_type3A_404, %cond3A_405 : i32
        scf.if %cond3A_406 {
          %add3A_407 = arith.constant 6 : i32
          %add3A_408 = arith.addi %add3A_377, %add3A_407 : i32
          %ge3A = arith.constant 7 : i32
          %ge3A_409 = arith.cmpi sge, %add3A_408, %ge3A : i32
          %convert_element_type3A_410 = arith.extui %ge3A_409 : i1 to i32
          %cond3A_411 = arith.constant 0 : i32
          %cond3A_412 = arith.cmpi ne, %convert_element_type3A_410, %cond3A_411 : i32
          scf.if %cond3A_412 {
            %dma_wait3A_426 = arith.constant 5 : i32
            %dma_wait3A_427 = arith.constant 0 : i32
            %dma_wait3A_428 = arith.constant 0 : i32
            %dma_wait3A_429 = tpu.memref_slice %arg9[%dma_wait3A_426, %dma_wait3A_427, %dma_wait3A_428] : memref<7x128x16xf32, #tpu.memory_space<vmem>> -> memref<1x128x16xf32, #tpu.memory_space<vmem>>
            %dma_wait3A_430 = tpu.memref_squeeze %dma_wait3A_429 : memref<1x128x16xf32, #tpu.memory_space<vmem>> -> memref<128x16xf32, #tpu.memory_space<vmem>>
            %dma_wait3A_431 = arith.constant 0 : i32
            %dma_wait3A_432 = tpu.memref_slice %arg8[%add3A_377, %dma_wait3A_431] : memref<56x128xi32, #tpu.memory_space<vmem>> -> memref<1x128xi32, #tpu.memory_space<vmem>>
            %dma_wait3A_433 = tpu.memref_squeeze %dma_wait3A_432 : memref<1x128xi32, #tpu.memory_space<vmem>> -> memref<128xi32, #tpu.memory_space<vmem>>
            %dma_wait3A_434 = arith.constant 0 : i32
            %dma_wait3A_435 = arith.constant 0 : i32
            %dma_wait3A_436 = tpu.memref_slice %arg24[%dma_wait3A_434, %dma_wait3A_435] : memref<100352x16xf32, #tpu.memory_space<vmem_shared>> -> memref<100352x16xf32, #tpu.memory_space<vmem_shared>>
            tpu.wait_indirect_dma semaphore(%arg22 : memref<!tpu.dma_semaphore, #tpu.memory_space<semaphore_mem>>) src(%dma_wait3A_430 : memref<128x16xf32, #tpu.memory_space<vmem>>) dst(%dma_wait3A_436 : memref<100352x16xf32, #tpu.memory_space<vmem_shared>>)
          } else {
          }
          %add3A_413 = arith.constant 6 : i32
          %add3A_414 = arith.addi %add3A_377, %add3A_413 : i32
          %dma_start3A_415 = arith.constant 5 : i32
          %dma_start3A_416 = arith.constant 0 : i32
          %dma_start3A_417 = arith.constant 0 : i32
          %dma_start3A_418 = tpu.memref_slice %arg9[%dma_start3A_415, %dma_start3A_416, %dma_start3A_417] : memref<7x128x16xf32, #tpu.memory_space<vmem>> -> memref<1x128x16xf32, #tpu.memory_space<vmem>>
          %dma_start3A_419 = tpu.memref_squeeze %dma_start3A_418 : memref<1x128x16xf32, #tpu.memory_space<vmem>> -> memref<128x16xf32, #tpu.memory_space<vmem>>
          %dma_start3A_420 = arith.constant 0 : i32
          %dma_start3A_421 = tpu.memref_slice %arg7[%add3A_414, %dma_start3A_420] : memref<56x128xi32, #tpu.memory_space<vmem>> -> memref<1x128xi32, #tpu.memory_space<vmem>>
          %dma_start3A_422 = tpu.memref_squeeze %dma_start3A_421 : memref<1x128xi32, #tpu.memory_space<vmem>> -> memref<128xi32, #tpu.memory_space<vmem>>
          %dma_start3A_423 = arith.constant 0 : i32
          %dma_start3A_424 = arith.constant 0 : i32
          %dma_start3A_425 = tpu.memref_slice %arg4[%dma_start3A_423, %dma_start3A_424] : memref<100352x16xf32, #tpu.memory_space<hbm>> -> memref<100352x16xf32, #tpu.memory_space<hbm>>
          tpu.enqueue_indirect_dma source(%dma_start3A_425 : memref<100352x16xf32, #tpu.memory_space<hbm>>) target(%dma_start3A_419 : memref<128x16xf32, #tpu.memory_space<vmem>>) offsets(%dma_start3A_422 : memref<128xi32, #tpu.memory_space<vmem>>) semaphore(%arg15 : memref<!tpu.dma_semaphore, #tpu.memory_space<semaphore_mem>>)
        } else {
        }
      }
      %scan3A_102 = arith.constant 8 : i32
      %dma_wait3A = arith.constant 0 : i32
      %dma_wait3A_103 = arith.constant 0 : i32
      %dma_wait3A_104 = arith.constant 0 : i32
      %dma_wait3A_105 = arith.constant 0 : i32
      %dma_wait3A_106 = tpu.memref_slice %arg9[%dma_wait3A, %dma_wait3A_104, %dma_wait3A_105] : memref<7x128x16xf32, #tpu.memory_space<vmem>> -> memref<1x128x16xf32, #tpu.memory_space<vmem>>
      %dma_wait3A_107 = tpu.memref_squeeze %dma_wait3A_106 : memref<1x128x16xf32, #tpu.memory_space<vmem>> -> memref<128x16xf32, #tpu.memory_space<vmem>>
      %dma_wait3A_108 = arith.constant 0 : i32
      %dma_wait3A_109 = tpu.memref_slice %arg8[%dma_wait3A_103, %dma_wait3A_108] : memref<56x128xi32, #tpu.memory_space<vmem>> -> memref<1x128xi32, #tpu.memory_space<vmem>>
      %dma_wait3A_110 = tpu.memref_squeeze %dma_wait3A_109 : memref<1x128xi32, #tpu.memory_space<vmem>> -> memref<128xi32, #tpu.memory_space<vmem>>
      %dma_wait3A_111 = arith.constant 0 : i32
      %dma_wait3A_112 = arith.constant 0 : i32
      %dma_wait3A_113 = tpu.memref_slice %arg24[%dma_wait3A_111, %dma_wait3A_112] : memref<100352x16xf32, #tpu.memory_space<vmem_shared>> -> memref<100352x16xf32, #tpu.memory_space<vmem_shared>>
      tpu.wait_indirect_dma semaphore(%arg17 : memref<!tpu.dma_semaphore, #tpu.memory_space<semaphore_mem>>) src(%dma_wait3A_107 : memref<128x16xf32, #tpu.memory_space<vmem>>) dst(%dma_wait3A_113 : memref<100352x16xf32, #tpu.memory_space<vmem_shared>>)
      %dma_wait3A_114 = arith.constant 1 : i32
      %dma_wait3A_115 = arith.constant 0 : i32
      %dma_wait3A_116 = arith.constant 0 : i32
      %dma_wait3A_117 = arith.constant 0 : i32
      %dma_wait3A_118 = tpu.memref_slice %arg9[%dma_wait3A_114, %dma_wait3A_116, %dma_wait3A_117] : memref<7x128x16xf32, #tpu.memory_space<vmem>> -> memref<1x128x16xf32, #tpu.memory_space<vmem>>
      %dma_wait3A_119 = tpu.memref_squeeze %dma_wait3A_118 : memref<1x128x16xf32, #tpu.memory_space<vmem>> -> memref<128x16xf32, #tpu.memory_space<vmem>>
      %dma_wait3A_120 = arith.constant 0 : i32
      %dma_wait3A_121 = tpu.memref_slice %arg8[%dma_wait3A_115, %dma_wait3A_120] : memref<56x128xi32, #tpu.memory_space<vmem>> -> memref<1x128xi32, #tpu.memory_space<vmem>>
      %dma_wait3A_122 = tpu.memref_squeeze %dma_wait3A_121 : memref<1x128xi32, #tpu.memory_space<vmem>> -> memref<128xi32, #tpu.memory_space<vmem>>
      %dma_wait3A_123 = arith.constant 0 : i32
      %dma_wait3A_124 = arith.constant 0 : i32
      %dma_wait3A_125 = tpu.memref_slice %arg24[%dma_wait3A_123, %dma_wait3A_124] : memref<100352x16xf32, #tpu.memory_space<vmem_shared>> -> memref<100352x16xf32, #tpu.memory_space<vmem_shared>>
      tpu.wait_indirect_dma semaphore(%arg18 : memref<!tpu.dma_semaphore, #tpu.memory_space<semaphore_mem>>) src(%dma_wait3A_119 : memref<128x16xf32, #tpu.memory_space<vmem>>) dst(%dma_wait3A_125 : memref<100352x16xf32, #tpu.memory_space<vmem_shared>>)
      %dma_wait3A_126 = arith.constant 2 : i32
      %dma_wait3A_127 = arith.constant 0 : i32
      %dma_wait3A_128 = arith.constant 0 : i32
      %dma_wait3A_129 = arith.constant 0 : i32
      %dma_wait3A_130 = tpu.memref_slice %arg9[%dma_wait3A_126, %dma_wait3A_128, %dma_wait3A_129] : memref<7x128x16xf32, #tpu.memory_space<vmem>> -> memref<1x128x16xf32, #tpu.memory_space<vmem>>
      %dma_wait3A_131 = tpu.memref_squeeze %dma_wait3A_130 : memref<1x128x16xf32, #tpu.memory_space<vmem>> -> memref<128x16xf32, #tpu.memory_space<vmem>>
      %dma_wait3A_132 = arith.constant 0 : i32
      %dma_wait3A_133 = tpu.memref_slice %arg8[%dma_wait3A_127, %dma_wait3A_132] : memref<56x128xi32, #tpu.memory_space<vmem>> -> memref<1x128xi32, #tpu.memory_space<vmem>>
      %dma_wait3A_134 = tpu.memref_squeeze %dma_wait3A_133 : memref<1x128xi32, #tpu.memory_space<vmem>> -> memref<128xi32, #tpu.memory_space<vmem>>
      %dma_wait3A_135 = arith.constant 0 : i32
      %dma_wait3A_136 = arith.constant 0 : i32
      %dma_wait3A_137 = tpu.memref_slice %arg24[%dma_wait3A_135, %dma_wait3A_136] : memref<100352x16xf32, #tpu.memory_space<vmem_shared>> -> memref<100352x16xf32, #tpu.memory_space<vmem_shared>>
      tpu.wait_indirect_dma semaphore(%arg19 : memref<!tpu.dma_semaphore, #tpu.memory_space<semaphore_mem>>) src(%dma_wait3A_131 : memref<128x16xf32, #tpu.memory_space<vmem>>) dst(%dma_wait3A_137 : memref<100352x16xf32, #tpu.memory_space<vmem_shared>>)
      %dma_wait3A_138 = arith.constant 3 : i32
      %dma_wait3A_139 = arith.constant 0 : i32
      %dma_wait3A_140 = arith.constant 0 : i32
      %dma_wait3A_141 = arith.constant 0 : i32
      %dma_wait3A_142 = tpu.memref_slice %arg9[%dma_wait3A_138, %dma_wait3A_140, %dma_wait3A_141] : memref<7x128x16xf32, #tpu.memory_space<vmem>> -> memref<1x128x16xf32, #tpu.memory_space<vmem>>
      %dma_wait3A_143 = tpu.memref_squeeze %dma_wait3A_142 : memref<1x128x16xf32, #tpu.memory_space<vmem>> -> memref<128x16xf32, #tpu.memory_space<vmem>>
      %dma_wait3A_144 = arith.constant 0 : i32
      %dma_wait3A_145 = tpu.memref_slice %arg8[%dma_wait3A_139, %dma_wait3A_144] : memref<56x128xi32, #tpu.memory_space<vmem>> -> memref<1x128xi32, #tpu.memory_space<vmem>>
      %dma_wait3A_146 = tpu.memref_squeeze %dma_wait3A_145 : memref<1x128xi32, #tpu.memory_space<vmem>> -> memref<128xi32, #tpu.memory_space<vmem>>
      %dma_wait3A_147 = arith.constant 0 : i32
      %dma_wait3A_148 = arith.constant 0 : i32
      %dma_wait3A_149 = tpu.memref_slice %arg24[%dma_wait3A_147, %dma_wait3A_148] : memref<100352x16xf32, #tpu.memory_space<vmem_shared>> -> memref<100352x16xf32, #tpu.memory_space<vmem_shared>>
      tpu.wait_indirect_dma semaphore(%arg20 : memref<!tpu.dma_semaphore, #tpu.memory_space<semaphore_mem>>) src(%dma_wait3A_143 : memref<128x16xf32, #tpu.memory_space<vmem>>) dst(%dma_wait3A_149 : memref<100352x16xf32, #tpu.memory_space<vmem_shared>>)
      %dma_wait3A_150 = arith.constant 4 : i32
      %dma_wait3A_151 = arith.constant 0 : i32
      %dma_wait3A_152 = arith.constant 0 : i32
      %dma_wait3A_153 = arith.constant 0 : i32
      %dma_wait3A_154 = tpu.memref_slice %arg9[%dma_wait3A_150, %dma_wait3A_152, %dma_wait3A_153] : memref<7x128x16xf32, #tpu.memory_space<vmem>> -> memref<1x128x16xf32, #tpu.memory_space<vmem>>
      %dma_wait3A_155 = tpu.memref_squeeze %dma_wait3A_154 : memref<1x128x16xf32, #tpu.memory_space<vmem>> -> memref<128x16xf32, #tpu.memory_space<vmem>>
      %dma_wait3A_156 = arith.constant 0 : i32
      %dma_wait3A_157 = tpu.memref_slice %arg8[%dma_wait3A_151, %dma_wait3A_156] : memref<56x128xi32, #tpu.memory_space<vmem>> -> memref<1x128xi32, #tpu.memory_space<vmem>>
      %dma_wait3A_158 = tpu.memref_squeeze %dma_wait3A_157 : memref<1x128xi32, #tpu.memory_space<vmem>> -> memref<128xi32, #tpu.memory_space<vmem>>
      %dma_wait3A_159 = arith.constant 0 : i32
      %dma_wait3A_160 = arith.constant 0 : i32
      %dma_wait3A_161 = tpu.memref_slice %arg24[%dma_wait3A_159, %dma_wait3A_160] : memref<100352x16xf32, #tpu.memory_space<vmem_shared>> -> memref<100352x16xf32, #tpu.memory_space<vmem_shared>>
      tpu.wait_indirect_dma semaphore(%arg21 : memref<!tpu.dma_semaphore, #tpu.memory_space<semaphore_mem>>) src(%dma_wait3A_155 : memref<128x16xf32, #tpu.memory_space<vmem>>) dst(%dma_wait3A_161 : memref<100352x16xf32, #tpu.memory_space<vmem_shared>>)
      %dma_wait3A_162 = arith.constant 5 : i32
      %dma_wait3A_163 = arith.constant 0 : i32
      %dma_wait3A_164 = arith.constant 0 : i32
      %dma_wait3A_165 = arith.constant 0 : i32
      %dma_wait3A_166 = tpu.memref_slice %arg9[%dma_wait3A_162, %dma_wait3A_164, %dma_wait3A_165] : memref<7x128x16xf32, #tpu.memory_space<vmem>> -> memref<1x128x16xf32, #tpu.memory_space<vmem>>
      %dma_wait3A_167 = tpu.memref_squeeze %dma_wait3A_166 : memref<1x128x16xf32, #tpu.memory_space<vmem>> -> memref<128x16xf32, #tpu.memory_space<vmem>>
      %dma_wait3A_168 = arith.constant 0 : i32
      %dma_wait3A_169 = tpu.memref_slice %arg8[%dma_wait3A_163, %dma_wait3A_168] : memref<56x128xi32, #tpu.memory_space<vmem>> -> memref<1x128xi32, #tpu.memory_space<vmem>>
      %dma_wait3A_170 = tpu.memref_squeeze %dma_wait3A_169 : memref<1x128xi32, #tpu.memory_space<vmem>> -> memref<128xi32, #tpu.memory_space<vmem>>
      %dma_wait3A_171 = arith.constant 0 : i32
      %dma_wait3A_172 = arith.constant 0 : i32
      %dma_wait3A_173 = tpu.memref_slice %arg24[%dma_wait3A_171, %dma_wait3A_172] : memref<100352x16xf32, #tpu.memory_space<vmem_shared>> -> memref<100352x16xf32, #tpu.memory_space<vmem_shared>>
      tpu.wait_indirect_dma semaphore(%arg22 : memref<!tpu.dma_semaphore, #tpu.memory_space<semaphore_mem>>) src(%dma_wait3A_167 : memref<128x16xf32, #tpu.memory_space<vmem>>) dst(%dma_wait3A_173 : memref<100352x16xf32, #tpu.memory_space<vmem_shared>>)
      %dma_wait3A_174 = arith.constant 6 : i32
      %dma_wait3A_175 = arith.constant 0 : i32
      %dma_wait3A_176 = arith.constant 0 : i32
      %dma_wait3A_177 = arith.constant 0 : i32
      %dma_wait3A_178 = tpu.memref_slice %arg9[%dma_wait3A_174, %dma_wait3A_176, %dma_wait3A_177] : memref<7x128x16xf32, #tpu.memory_space<vmem>> -> memref<1x128x16xf32, #tpu.memory_space<vmem>>
      %dma_wait3A_179 = tpu.memref_squeeze %dma_wait3A_178 : memref<1x128x16xf32, #tpu.memory_space<vmem>> -> memref<128x16xf32, #tpu.memory_space<vmem>>
      %dma_wait3A_180 = arith.constant 0 : i32
      %dma_wait3A_181 = tpu.memref_slice %arg8[%dma_wait3A_175, %dma_wait3A_180] : memref<56x128xi32, #tpu.memory_space<vmem>> -> memref<1x128xi32, #tpu.memory_space<vmem>>
      %dma_wait3A_182 = tpu.memref_squeeze %dma_wait3A_181 : memref<1x128xi32, #tpu.memory_space<vmem>> -> memref<128xi32, #tpu.memory_space<vmem>>
      %dma_wait3A_183 = arith.constant 0 : i32
      %dma_wait3A_184 = arith.constant 0 : i32
      %dma_wait3A_185 = tpu.memref_slice %arg24[%dma_wait3A_183, %dma_wait3A_184] : memref<100352x16xf32, #tpu.memory_space<vmem_shared>> -> memref<100352x16xf32, #tpu.memory_space<vmem_shared>>
      tpu.wait_indirect_dma semaphore(%arg23 : memref<!tpu.dma_semaphore, #tpu.memory_space<semaphore_mem>>) src(%dma_wait3A_179 : memref<128x16xf32, #tpu.memory_space<vmem>>) dst(%dma_wait3A_185 : memref<100352x16xf32, #tpu.memory_space<vmem_shared>>)
    }
    %scan3A_10 = arith.constant 14 : i32
    %barrier3A_11 = arith.constant 0 : index
    tpu.barrier barrier_id(%barrier3A_11)
    %mul3A_12 = arith.constant 6272 : i32
    %mul3A_13 = arith.muli %arg1, %mul3A_12 : i32
    %mul3A_14 = arith.constant 100352 : i32
    %mul3A_15 = arith.muli %arg0, %mul3A_14 : i32
    %mul3A_16 = arith.constant 6272 : i32
    %mul3A_17 = arith.muli %arg1, %mul3A_16 : i32
    %add3A_18 = arith.addi %mul3A_15, %mul3A_17 : i32
    "tpu.region"() ({
      %run_scoped3A = tpu.sem_alloc : memref<!tpu.dma_semaphore, #tpu.memory_space<semaphore_mem>>
      %dma_start3A = arith.constant 0 : i32
      %dma_start3A_19 = tpu.memref_slice %arg6[%add3A_18, %dma_start3A] : memref<200704x16xf32, #tpu.memory_space<hbm>> -> memref<6272x16xf32, #tpu.memory_space<hbm>>
      %dma_start3A_20 = arith.constant 0 : i32
      %dma_start3A_21 = tpu.memref_slice %arg24[%mul3A_13, %dma_start3A_20] : memref<100352x16xf32, #tpu.memory_space<vmem_shared>> -> memref<6272x16xf32, #tpu.memory_space<vmem_shared>>
      tpu.enqueue_dma source(%dma_start3A_21 : memref<6272x16xf32, #tpu.memory_space<vmem_shared>>) target(%dma_start3A_19 : memref<6272x16xf32, #tpu.memory_space<hbm>>) target_semaphore(%run_scoped3A : memref<!tpu.dma_semaphore, #tpu.memory_space<semaphore_mem>>)
      %dma_wait3A = arith.constant 0 : i32
      %dma_wait3A_22 = tpu.memref_slice %arg6[%add3A_18, %dma_wait3A] : memref<200704x16xf32, #tpu.memory_space<hbm>> -> memref<6272x16xf32, #tpu.memory_space<hbm>>
      %dma_wait3A_23 = arith.constant 0 : i32
      %dma_wait3A_24 = tpu.memref_slice %arg24[%mul3A_13, %dma_wait3A_23] : memref<100352x16xf32, #tpu.memory_space<vmem_shared>> -> memref<6272x16xf32, #tpu.memory_space<vmem_shared>>
      tpu.wait_dma2 semaphore(%run_scoped3A : memref<!tpu.dma_semaphore, #tpu.memory_space<semaphore_mem>>) src(%dma_wait3A_24 : memref<6272x16xf32, #tpu.memory_space<vmem_shared>>) dst(%dma_wait3A_22 : memref<6272x16xf32, #tpu.memory_space<hbm>>)
      tpu.yield
    }) : () -> ()
    return
  }
}

#map = affine_map<(d0, d1) -> (0, 0)>
#map1 = affine_map<(d0, d1) -> (0)>
module attributes {stable_mosaic.version = 14 : i64} {
  func.func @_deg_kernel(%arg0: i32, %arg1: i32, %arg2: memref<25088x128xi32, #tpu.memory_space<hbm>>, %arg3: memref<100352xf32, #tpu.memory_space<hbm>>, %arg4: memref<200704xf32, #tpu.memory_space<hbm>>, %arg5: memref<56x128xi32, #tpu.memory_space<vmem>>, %arg6: memref<128xf32, #tpu.memory_space<vmem>>, %arg7: memref<!tpu.dma_semaphore, #tpu.memory_space<semaphore_mem>>, %arg8: memref<100352xf32, #tpu.memory_space<vmem_shared>>) attributes {dimension_semantics = [#tpu.dimension_semantics<core_parallel>, #tpu.dimension_semantics<subcore_parallel>], iteration_bounds = array<i64: 2, 16>, scalar_prefetch = 0 : i64, scratch_operands = 4 : i64, tpu.core_type = #tpu.core_type<sc_vector_subcore>, window_params = [{transform_indices = #map}, {transform_indices = #map1}, {transform_indices = #map1}]} {
    %broadcast_in_dim3A = arith.constant 1.000000e+00 : f32
    %broadcast_in_dim3A_0 = vector.broadcast %broadcast_in_dim3A : f32 to vector<16xf32>
    %swap3A = arith.constant 0 : index
    %swap3A_1 = tpu.vector_load %arg6[%swap3A] {strides = array<i32>} : memref<128xf32, #tpu.memory_space<vmem>>, vector<16xf32>,
    %swap3A_2 = vector.shape_cast %swap3A_1 : vector<16xf32> to vector<16xf32>
    %swap3A_3 = vector.shape_cast %broadcast_in_dim3A_0 : vector<16xf32> to vector<16xf32>
    tpu.vector_store %arg6[%swap3A], %swap3A_3 {strides = array<i32>} : memref<128xf32, #tpu.memory_space<vmem>>, vector<16xf32>,
    %broadcast_in_dim3A_4 = arith.constant 1.000000e+00 : f32
    %broadcast_in_dim3A_5 = vector.broadcast %broadcast_in_dim3A_4 : f32 to vector<16xf32>
    %swap3A_6 = arith.constant 16 : index
    %swap3A_7 = tpu.vector_load %arg6[%swap3A_6] {strides = array<i32>} : memref<128xf32, #tpu.memory_space<vmem>>, vector<16xf32>,
    %swap3A_8 = vector.shape_cast %swap3A_7 : vector<16xf32> to vector<16xf32>
    %swap3A_9 = vector.shape_cast %broadcast_in_dim3A_5 : vector<16xf32> to vector<16xf32>
    tpu.vector_store %arg6[%swap3A_6], %swap3A_9 {strides = array<i32>} : memref<128xf32, #tpu.memory_space<vmem>>, vector<16xf32>,
    %broadcast_in_dim3A_10 = arith.constant 1.000000e+00 : f32
    %broadcast_in_dim3A_11 = vector.broadcast %broadcast_in_dim3A_10 : f32 to vector<16xf32>
    %swap3A_12 = arith.constant 32 : index
    %swap3A_13 = tpu.vector_load %arg6[%swap3A_12] {strides = array<i32>} : memref<128xf32, #tpu.memory_space<vmem>>, vector<16xf32>,
    %swap3A_14 = vector.shape_cast %swap3A_13 : vector<16xf32> to vector<16xf32>
    %swap3A_15 = vector.shape_cast %broadcast_in_dim3A_11 : vector<16xf32> to vector<16xf32>
    tpu.vector_store %arg6[%swap3A_12], %swap3A_15 {strides = array<i32>} : memref<128xf32, #tpu.memory_space<vmem>>, vector<16xf32>,
    %broadcast_in_dim3A_16 = arith.constant 1.000000e+00 : f32
    %broadcast_in_dim3A_17 = vector.broadcast %broadcast_in_dim3A_16 : f32 to vector<16xf32>
    %swap3A_18 = arith.constant 48 : index
    %swap3A_19 = tpu.vector_load %arg6[%swap3A_18] {strides = array<i32>} : memref<128xf32, #tpu.memory_space<vmem>>, vector<16xf32>,
    %swap3A_20 = vector.shape_cast %swap3A_19 : vector<16xf32> to vector<16xf32>
    %swap3A_21 = vector.shape_cast %broadcast_in_dim3A_17 : vector<16xf32> to vector<16xf32>
    tpu.vector_store %arg6[%swap3A_18], %swap3A_21 {strides = array<i32>} : memref<128xf32, #tpu.memory_space<vmem>>, vector<16xf32>,
    %broadcast_in_dim3A_22 = arith.constant 1.000000e+00 : f32
    %broadcast_in_dim3A_23 = vector.broadcast %broadcast_in_dim3A_22 : f32 to vector<16xf32>
    %swap3A_24 = arith.constant 64 : index
    %swap3A_25 = tpu.vector_load %arg6[%swap3A_24] {strides = array<i32>} : memref<128xf32, #tpu.memory_space<vmem>>, vector<16xf32>,
    %swap3A_26 = vector.shape_cast %swap3A_25 : vector<16xf32> to vector<16xf32>
    %swap3A_27 = vector.shape_cast %broadcast_in_dim3A_23 : vector<16xf32> to vector<16xf32>
    tpu.vector_store %arg6[%swap3A_24], %swap3A_27 {strides = array<i32>} : memref<128xf32, #tpu.memory_space<vmem>>, vector<16xf32>,
    %broadcast_in_dim3A_28 = arith.constant 1.000000e+00 : f32
    %broadcast_in_dim3A_29 = vector.broadcast %broadcast_in_dim3A_28 : f32 to vector<16xf32>
    %swap3A_30 = arith.constant 80 : index
    %swap3A_31 = tpu.vector_load %arg6[%swap3A_30] {strides = array<i32>} : memref<128xf32, #tpu.memory_space<vmem>>, vector<16xf32>,
    %swap3A_32 = vector.shape_cast %swap3A_31 : vector<16xf32> to vector<16xf32>
    %swap3A_33 = vector.shape_cast %broadcast_in_dim3A_29 : vector<16xf32> to vector<16xf32>
    tpu.vector_store %arg6[%swap3A_30], %swap3A_33 {strides = array<i32>} : memref<128xf32, #tpu.memory_space<vmem>>, vector<16xf32>,
    %broadcast_in_dim3A_34 = arith.constant 1.000000e+00 : f32
    %broadcast_in_dim3A_35 = vector.broadcast %broadcast_in_dim3A_34 : f32 to vector<16xf32>
    %swap3A_36 = arith.constant 96 : index
    %swap3A_37 = tpu.vector_load %arg6[%swap3A_36] {strides = array<i32>} : memref<128xf32, #tpu.memory_space<vmem>>, vector<16xf32>,
    %swap3A_38 = vector.shape_cast %swap3A_37 : vector<16xf32> to vector<16xf32>
    %swap3A_39 = vector.shape_cast %broadcast_in_dim3A_35 : vector<16xf32> to vector<16xf32>
    tpu.vector_store %arg6[%swap3A_36], %swap3A_39 {strides = array<i32>} : memref<128xf32, #tpu.memory_space<vmem>>, vector<16xf32>,
    %broadcast_in_dim3A_40 = arith.constant 1.000000e+00 : f32
    %broadcast_in_dim3A_41 = vector.broadcast %broadcast_in_dim3A_40 : f32 to vector<16xf32>
    %swap3A_42 = arith.constant 112 : index
    %swap3A_43 = tpu.vector_load %arg6[%swap3A_42] {strides = array<i32>} : memref<128xf32, #tpu.memory_space<vmem>>, vector<16xf32>,
    %swap3A_44 = vector.shape_cast %swap3A_43 : vector<16xf32> to vector<16xf32>
    %swap3A_45 = vector.shape_cast %broadcast_in_dim3A_41 : vector<16xf32> to vector<16xf32>
    tpu.vector_store %arg6[%swap3A_42], %swap3A_45 {strides = array<i32>} : memref<128xf32, #tpu.memory_space<vmem>>, vector<16xf32>,
    %mul3A = arith.constant 6272 : i32
    %mul3A_46 = arith.muli %arg1, %mul3A : i32
    %mul3A_47 = arith.constant 6272 : i32
    %mul3A_48 = arith.muli %arg1, %mul3A_47 : i32
    "tpu.region"() ({
      %run_scoped3A = tpu.sem_alloc : memref<!tpu.dma_semaphore, #tpu.memory_space<semaphore_mem>>
      %dma_start3A = tpu.memref_slice %arg8[%mul3A_48] : memref<100352xf32, #tpu.memory_space<vmem_shared>> -> memref<6272xf32, #tpu.memory_space<vmem_shared>>
      %dma_start3A_65 = tpu.memref_slice %arg3[%mul3A_46] : memref<100352xf32, #tpu.memory_space<hbm>> -> memref<6272xf32, #tpu.memory_space<hbm>>
      tpu.enqueue_dma source(%dma_start3A_65 : memref<6272xf32, #tpu.memory_space<hbm>>) target(%dma_start3A : memref<6272xf32, #tpu.memory_space<vmem_shared>>) target_semaphore(%run_scoped3A : memref<!tpu.dma_semaphore, #tpu.memory_space<semaphore_mem>>)
      %dma_wait3A = tpu.memref_slice %arg8[%mul3A_48] : memref<100352xf32, #tpu.memory_space<vmem_shared>> -> memref<6272xf32, #tpu.memory_space<vmem_shared>>
      %dma_wait3A_66 = tpu.memref_slice %arg3[%mul3A_46] : memref<100352xf32, #tpu.memory_space<hbm>> -> memref<6272xf32, #tpu.memory_space<hbm>>
      tpu.wait_dma2 semaphore(%run_scoped3A : memref<!tpu.dma_semaphore, #tpu.memory_space<semaphore_mem>>) src(%dma_wait3A_66 : memref<6272xf32, #tpu.memory_space<hbm>>) dst(%dma_wait3A : memref<6272xf32, #tpu.memory_space<vmem_shared>>)
      tpu.yield
    }) : () -> ()
    %barrier3A = arith.constant 0 : index
    tpu.barrier barrier_id(%barrier3A)
    %mul3A_49 = arith.constant 16 : i32
    %mul3A_50 = arith.muli %arg0, %mul3A_49 : i32
    %add3A = arith.addi %mul3A_50, %arg1 : i32
    %mul3A_51 = arith.constant 784 : i32
    %mul3A_52 = arith.muli %add3A, %mul3A_51 : i32
    %scan3A = arith.constant 0 : i32
    %scan3A_53 = arith.constant 14 : i32
    %scan3A_54 = arith.addi %scan3A, %scan3A_53 : i32
    %scan3A_55 = arith.constant 1 : i32
    scf.for %scan3A_65 = %scan3A to %scan3A_54 step %scan3A_55  : i32 {
      %mul3A_66 = arith.constant 1 : i32
      %mul3A_67 = arith.muli %scan3A_65, %mul3A_66 : i32
      %add3A_68 = arith.constant 0 : i32
      %add3A_69 = arith.addi %add3A_68, %mul3A_67 : i32
      %mul3A_70 = arith.constant 56 : i32
      %mul3A_71 = arith.muli %add3A_69, %mul3A_70 : i32
      %add3A_72 = arith.addi %mul3A_52, %mul3A_71 : i32
      "tpu.region"() ({
        %run_scoped3A = tpu.sem_alloc : memref<!tpu.dma_semaphore, #tpu.memory_space<semaphore_mem>>
        %dma_start3A = arith.constant 0 : i32
        %dma_start3A_88 = tpu.memref_slice %arg2[%add3A_72, %dma_start3A] : memref<25088x128xi32, #tpu.memory_space<hbm>> -> memref<56x128xi32, #tpu.memory_space<hbm>>
        %dma_start3A_89 = arith.constant 0 : i32
        %dma_start3A_90 = tpu.memref_slice %arg2[%add3A_72, %dma_start3A_89] : memref<25088x128xi32, #tpu.memory_space<hbm>> -> memref<56x128xi32, #tpu.memory_space<hbm>>
        tpu.enqueue_dma source(%dma_start3A_90 : memref<56x128xi32, #tpu.memory_space<hbm>>) target(%arg5 : memref<56x128xi32, #tpu.memory_space<vmem>>) target_semaphore(%run_scoped3A : memref<!tpu.dma_semaphore, #tpu.memory_space<semaphore_mem>>)
        %dma_wait3A = arith.constant 0 : i32
        %dma_wait3A_91 = tpu.memref_slice %arg2[%add3A_72, %dma_wait3A] : memref<25088x128xi32, #tpu.memory_space<hbm>> -> memref<56x128xi32, #tpu.memory_space<hbm>>
        %dma_wait3A_92 = arith.constant 0 : i32
        %dma_wait3A_93 = tpu.memref_slice %arg2[%add3A_72, %dma_wait3A_92] : memref<25088x128xi32, #tpu.memory_space<hbm>> -> memref<56x128xi32, #tpu.memory_space<hbm>>
        tpu.wait_dma2 semaphore(%run_scoped3A : memref<!tpu.dma_semaphore, #tpu.memory_space<semaphore_mem>>) src(%dma_wait3A_93 : memref<56x128xi32, #tpu.memory_space<hbm>>) dst(%arg5 : memref<56x128xi32, #tpu.memory_space<vmem>>)
        tpu.yield
      }) : () -> ()
      %scan3A_73 = arith.constant 0 : i32
      %scan3A_74 = arith.constant 16 : i32
      %scan3A_75 = arith.addi %scan3A_73, %scan3A_74 : i32
      %scan3A_76 = arith.constant 1 : i32
      scf.for %scan3A_88 = %scan3A_73 to %scan3A_75 step %scan3A_76  : i32 {
        %mul3A_89 = arith.constant 1 : i32
        %mul3A_90 = arith.muli %scan3A_88, %mul3A_89 : i32
        %add3A_91 = arith.constant 0 : i32
        %add3A_92 = arith.addi %add3A_91, %mul3A_90 : i32
        %dma_start3A = arith.constant 0 : i32
        %dma_start3A_93 = tpu.memref_slice %arg5[%add3A_92, %dma_start3A] : memref<56x128xi32, #tpu.memory_space<vmem>> -> memref<1x128xi32, #tpu.memory_space<vmem>>
        %dma_start3A_94 = tpu.memref_squeeze %dma_start3A_93 : memref<1x128xi32, #tpu.memory_space<vmem>> -> memref<128xi32, #tpu.memory_space<vmem>>
        %dma_start3A_95 = arith.constant 0 : i32
        %dma_start3A_96 = tpu.memref_slice %arg8[%dma_start3A_95] : memref<100352xf32, #tpu.memory_space<vmem_shared>> -> memref<100352xf32, #tpu.memory_space<vmem_shared>>
        tpu.enqueue_indirect_dma source(%arg6 : memref<128xf32, #tpu.memory_space<vmem>>) target(%dma_start3A_96 : memref<100352xf32, #tpu.memory_space<vmem_shared>>) offsets(%dma_start3A_94 : memref<128xi32, #tpu.memory_space<vmem>>) semaphore(%arg7 : memref<!tpu.dma_semaphore, #tpu.memory_space<semaphore_mem>>) {add = true}
      }
      %scan3A_77 = arith.constant 16 : i32
      %scan3A_78 = arith.constant 0 : i32
      %scan3A_79 = arith.constant 40 : i32
      %scan3A_80 = arith.addi %scan3A_78, %scan3A_79 : i32
      %scan3A_81 = arith.constant 1 : i32
      scf.for %scan3A_88 = %scan3A_78 to %scan3A_80 step %scan3A_81  : i32 {
        %mul3A_89 = arith.constant 1 : i32
        %mul3A_90 = arith.muli %scan3A_88, %mul3A_89 : i32
        %add3A_91 = arith.constant 0 : i32
        %add3A_92 = arith.addi %add3A_91, %mul3A_90 : i32
        %add3A_93 = arith.constant 16 : i32
        %add3A_94 = arith.addi %add3A_92, %add3A_93 : i32
        %dma_start3A = arith.constant 0 : i32
        %dma_start3A_95 = tpu.memref_slice %arg5[%add3A_94, %dma_start3A] : memref<56x128xi32, #tpu.memory_space<vmem>> -> memref<1x128xi32, #tpu.memory_space<vmem>>
        %dma_start3A_96 = tpu.memref_squeeze %dma_start3A_95 : memref<1x128xi32, #tpu.memory_space<vmem>> -> memref<128xi32, #tpu.memory_space<vmem>>
        %dma_start3A_97 = arith.constant 0 : i32
        %dma_start3A_98 = tpu.memref_slice %arg8[%dma_start3A_97] : memref<100352xf32, #tpu.memory_space<vmem_shared>> -> memref<100352xf32, #tpu.memory_space<vmem_shared>>
        tpu.enqueue_indirect_dma source(%arg6 : memref<128xf32, #tpu.memory_space<vmem>>) target(%dma_start3A_98 : memref<100352xf32, #tpu.memory_space<vmem_shared>>) offsets(%dma_start3A_96 : memref<128xi32, #tpu.memory_space<vmem>>) semaphore(%arg7 : memref<!tpu.dma_semaphore, #tpu.memory_space<semaphore_mem>>) {add = true}
        %dma_wait3A = arith.constant 0 : i32
        %dma_wait3A_99 = arith.constant 0 : i32
        %dma_wait3A_100 = tpu.memref_slice %arg5[%dma_wait3A, %dma_wait3A_99] : memref<56x128xi32, #tpu.memory_space<vmem>> -> memref<1x128xi32, #tpu.memory_space<vmem>>
        %dma_wait3A_101 = tpu.memref_squeeze %dma_wait3A_100 : memref<1x128xi32, #tpu.memory_space<vmem>> -> memref<128xi32, #tpu.memory_space<vmem>>
        %dma_wait3A_102 = arith.constant 0 : i32
        %dma_wait3A_103 = tpu.memref_slice %arg8[%dma_wait3A_102] : memref<100352xf32, #tpu.memory_space<vmem_shared>> -> memref<100352xf32, #tpu.memory_space<vmem_shared>>
        tpu.wait_indirect_dma semaphore(%arg7 : memref<!tpu.dma_semaphore, #tpu.memory_space<semaphore_mem>>) src(%arg6 : memref<128xf32, #tpu.memory_space<vmem>>) dst(%dma_wait3A_103 : memref<100352xf32, #tpu.memory_space<vmem_shared>>)
      }
      %scan3A_82 = arith.constant 40 : i32
      %scan3A_83 = arith.constant 0 : i32
      %scan3A_84 = arith.constant 16 : i32
      %scan3A_85 = arith.addi %scan3A_83, %scan3A_84 : i32
      %scan3A_86 = arith.constant 1 : i32
      scf.for %scan3A_88 = %scan3A_83 to %scan3A_85 step %scan3A_86  : i32 {
        %mul3A_89 = arith.constant 1 : i32
        %mul3A_90 = arith.muli %scan3A_88, %mul3A_89 : i32
        %add3A_91 = arith.constant 0 : i32
        %add3A_92 = arith.addi %add3A_91, %mul3A_90 : i32
        %dma_wait3A = arith.constant 0 : i32
        %dma_wait3A_93 = arith.constant 0 : i32
        %dma_wait3A_94 = tpu.memref_slice %arg5[%dma_wait3A, %dma_wait3A_93] : memref<56x128xi32, #tpu.memory_space<vmem>> -> memref<1x128xi32, #tpu.memory_space<vmem>>
        %dma_wait3A_95 = tpu.memref_squeeze %dma_wait3A_94 : memref<1x128xi32, #tpu.memory_space<vmem>> -> memref<128xi32, #tpu.memory_space<vmem>>
        %dma_wait3A_96 = arith.constant 0 : i32
        %dma_wait3A_97 = tpu.memref_slice %arg8[%dma_wait3A_96] : memref<100352xf32, #tpu.memory_space<vmem_shared>> -> memref<100352xf32, #tpu.memory_space<vmem_shared>>
        tpu.wait_indirect_dma semaphore(%arg7 : memref<!tpu.dma_semaphore, #tpu.memory_space<semaphore_mem>>) src(%arg6 : memref<128xf32, #tpu.memory_space<vmem>>) dst(%dma_wait3A_97 : memref<100352xf32, #tpu.memory_space<vmem_shared>>)
      }
      %scan3A_87 = arith.constant 16 : i32
    }
    %scan3A_56 = arith.constant 14 : i32
    %barrier3A_57 = arith.constant 0 : index
    tpu.barrier barrier_id(%barrier3A_57)
    %mul3A_58 = arith.constant 6272 : i32
    %mul3A_59 = arith.muli %arg1, %mul3A_58 : i32
    %mul3A_60 = arith.constant 100352 : i32
    %mul3A_61 = arith.muli %arg0, %mul3A_60 : i32
    %mul3A_62 = arith.constant 6272 : i32
    %mul3A_63 = arith.muli %arg1, %mul3A_62 : i32
    %add3A_64 = arith.addi %mul3A_61, %mul3A_63 : i32
    "tpu.region"() ({
      %run_scoped3A = tpu.sem_alloc : memref<!tpu.dma_semaphore, #tpu.memory_space<semaphore_mem>>
      %dma_start3A = tpu.memref_slice %arg4[%add3A_64] : memref<200704xf32, #tpu.memory_space<hbm>> -> memref<6272xf32, #tpu.memory_space<hbm>>
      %dma_start3A_65 = tpu.memref_slice %arg8[%mul3A_59] : memref<100352xf32, #tpu.memory_space<vmem_shared>> -> memref<6272xf32, #tpu.memory_space<vmem_shared>>
      tpu.enqueue_dma source(%dma_start3A_65 : memref<6272xf32, #tpu.memory_space<vmem_shared>>) target(%dma_start3A : memref<6272xf32, #tpu.memory_space<hbm>>) target_semaphore(%run_scoped3A : memref<!tpu.dma_semaphore, #tpu.memory_space<semaphore_mem>>)
      %dma_wait3A = tpu.memref_slice %arg4[%add3A_64] : memref<200704xf32, #tpu.memory_space<hbm>> -> memref<6272xf32, #tpu.memory_space<hbm>>
      %dma_wait3A_66 = tpu.memref_slice %arg8[%mul3A_59] : memref<100352xf32, #tpu.memory_space<vmem_shared>> -> memref<6272xf32, #tpu.memory_space<vmem_shared>>
      tpu.wait_dma2 semaphore(%run_scoped3A : memref<!tpu.dma_semaphore, #tpu.memory_space<semaphore_mem>>) src(%dma_wait3A_66 : memref<6272xf32, #tpu.memory_space<vmem_shared>>) dst(%dma_wait3A : memref<6272xf32, #tpu.memory_space<hbm>>)
      tpu.yield
    }) : () -> ()
    return
  }
}

#map = affine_map<(d0, d1) -> (0, 0)>
module attributes {stable_mosaic.version = 14 : i64} {
  func.func @_agg1_kernel(%arg0: i32, %arg1: i32, %arg2: memref<25088x128xi32, #tpu.memory_space<hbm>>, %arg3: memref<25088x128xi32, #tpu.memory_space<hbm>>, %arg4: memref<100352x16xf32, #tpu.memory_space<hbm>>, %arg5: memref<100352x16xf32, #tpu.memory_space<hbm>>, %arg6: memref<100352x16xf32, #tpu.memory_space<hbm>>, %arg7: memref<200704x16xf32, #tpu.memory_space<hbm>>, %arg8: memref<56x128xi32, #tpu.memory_space<vmem>>, %arg9: memref<56x128xi32, #tpu.memory_space<vmem>>, %arg10: memref<7x128x16xf32, #tpu.memory_space<vmem>>, %arg11: memref<!tpu.dma_semaphore, #tpu.memory_space<semaphore_mem>>, %arg12: memref<!tpu.dma_semaphore, #tpu.memory_space<semaphore_mem>>, %arg13: memref<!tpu.dma_semaphore, #tpu.memory_space<semaphore_mem>>, %arg14: memref<!tpu.dma_semaphore, #tpu.memory_space<semaphore_mem>>, %arg15: memref<!tpu.dma_semaphore, #tpu.memory_space<semaphore_mem>>, %arg16: memref<!tpu.dma_semaphore, #tpu.memory_space<semaphore_mem>>, %arg17: memref<!tpu.dma_semaphore, #tpu.memory_space<semaphore_mem>>, %arg18: memref<!tpu.dma_semaphore, #tpu.memory_space<semaphore_mem>>, %arg19: memref<!tpu.dma_semaphore, #tpu.memory_space<semaphore_mem>>, %arg20: memref<!tpu.dma_semaphore, #tpu.memory_space<semaphore_mem>>, %arg21: memref<!tpu.dma_semaphore, #tpu.memory_space<semaphore_mem>>, %arg22: memref<!tpu.dma_semaphore, #tpu.memory_space<semaphore_mem>>, %arg23: memref<!tpu.dma_semaphore, #tpu.memory_space<semaphore_mem>>, %arg24: memref<!tpu.dma_semaphore, #tpu.memory_space<semaphore_mem>>, %arg25: memref<100352x16xf32, #tpu.memory_space<vmem_shared>>) attributes {dimension_semantics = [#tpu.dimension_semantics<core_parallel>, #tpu.dimension_semantics<subcore_parallel>], iteration_bounds = array<i64: 2, 16>, scalar_prefetch = 0 : i64, scratch_operands = 18 : i64, tpu.core_type = #tpu.core_type<sc_vector_subcore>, window_params = [{transform_indices = #map}, {transform_indices = #map}, {transform_indices = #map}, {transform_indices = #map}, {transform_indices = #map}, {transform_indices = #map}]} {
    %mul3A = arith.constant 6272 : i32
    %mul3A_0 = arith.muli %arg1, %mul3A : i32
    %mul3A_1 = arith.constant 6272 : i32
    %mul3A_2 = arith.muli %arg1, %mul3A_1 : i32
    "tpu.region"() ({
      %run_scoped3A = tpu.sem_alloc : memref<!tpu.dma_semaphore, #tpu.memory_space<semaphore_mem>>
      %dma_start3A = arith.constant 0 : i32
      %dma_start3A_19 = tpu.memref_slice %arg25[%mul3A_2, %dma_start3A] : memref<100352x16xf32, #tpu.memory_space<vmem_shared>> -> memref<6272x16xf32, #tpu.memory_space<vmem_shared>>
      %dma_start3A_20 = arith.constant 0 : i32
      %dma_start3A_21 = tpu.memref_slice %arg6[%mul3A_0, %dma_start3A_20] : memref<100352x16xf32, #tpu.memory_space<hbm>> -> memref<6272x16xf32, #tpu.memory_space<hbm>>
      tpu.enqueue_dma source(%dma_start3A_21 : memref<6272x16xf32, #tpu.memory_space<hbm>>) target(%dma_start3A_19 : memref<6272x16xf32, #tpu.memory_space<vmem_shared>>) target_semaphore(%run_scoped3A : memref<!tpu.dma_semaphore, #tpu.memory_space<semaphore_mem>>)
      %dma_wait3A = arith.constant 0 : i32
      %dma_wait3A_22 = tpu.memref_slice %arg25[%mul3A_2, %dma_wait3A] : memref<100352x16xf32, #tpu.memory_space<vmem_shared>> -> memref<6272x16xf32, #tpu.memory_space<vmem_shared>>
      %dma_wait3A_23 = arith.constant 0 : i32
      %dma_wait3A_24 = tpu.memref_slice %arg6[%mul3A_0, %dma_wait3A_23] : memref<100352x16xf32, #tpu.memory_space<hbm>> -> memref<6272x16xf32, #tpu.memory_space<hbm>>
      tpu.wait_dma2 semaphore(%run_scoped3A : memref<!tpu.dma_semaphore, #tpu.memory_space<semaphore_mem>>) src(%dma_wait3A_24 : memref<6272x16xf32, #tpu.memory_space<hbm>>) dst(%dma_wait3A_22 : memref<6272x16xf32, #tpu.memory_space<vmem_shared>>)
      tpu.yield
    }) : () -> ()
    %barrier3A = arith.constant 0 : index
    tpu.barrier barrier_id(%barrier3A)
    %mul3A_3 = arith.constant 1568 : i32
    %mul3A_4 = arith.muli %arg1, %mul3A_3 : i32
    %eq3A = arith.constant 0 : i32
    %eq3A_5 = arith.cmpi eq, %arg0, %eq3A : i32
    %convert_element_type3A = arith.extui %eq3A_5 : i1 to i32
    %cond3A = arith.constant 0 : i32
    %cond3A_6 = arith.cmpi ne, %convert_element_type3A, %cond3A : i32
    scf.if %cond3A_6 {
      %scan3A = arith.constant 0 : i32
      %scan3A_19 = arith.constant 28 : i32
      %scan3A_20 = arith.addi %scan3A, %scan3A_19 : i32
      %scan3A_21 = arith.constant 1 : i32
      scf.for %scan3A_23 = %scan3A to %scan3A_20 step %scan3A_21  : i32 {
        %mul3A_24 = arith.constant 1 : i32
        %mul3A_25 = arith.muli %scan3A_23, %mul3A_24 : i32
        %add3A_26 = arith.constant 0 : i32
        %add3A_27 = arith.addi %add3A_26, %mul3A_25 : i32
        %mul3A_28 = arith.constant 56 : i32
        %mul3A_29 = arith.muli %add3A_27, %mul3A_28 : i32
        %add3A_30 = arith.addi %mul3A_4, %mul3A_29 : i32
        "tpu.region"() ({
          %run_scoped3A = tpu.sem_alloc : memref<!tpu.dma_semaphore, #tpu.memory_space<semaphore_mem>>
          %dma_start3A_190 = arith.constant 0 : i32
          %dma_start3A_191 = tpu.memref_slice %arg2[%add3A_30, %dma_start3A_190] : memref<25088x128xi32, #tpu.memory_space<hbm>> -> memref<56x128xi32, #tpu.memory_space<hbm>>
          %dma_start3A_192 = arith.constant 0 : i32
          %dma_start3A_193 = tpu.memref_slice %arg2[%add3A_30, %dma_start3A_192] : memref<25088x128xi32, #tpu.memory_space<hbm>> -> memref<56x128xi32, #tpu.memory_space<hbm>>
          tpu.enqueue_dma source(%dma_start3A_193 : memref<56x128xi32, #tpu.memory_space<hbm>>) target(%arg8 : memref<56x128xi32, #tpu.memory_space<vmem>>) target_semaphore(%run_scoped3A : memref<!tpu.dma_semaphore, #tpu.memory_space<semaphore_mem>>)
          %dma_wait3A_194 = arith.constant 0 : i32
          %dma_wait3A_195 = tpu.memref_slice %arg2[%add3A_30, %dma_wait3A_194] : memref<25088x128xi32, #tpu.memory_space<hbm>> -> memref<56x128xi32, #tpu.memory_space<hbm>>
          %dma_wait3A_196 = arith.constant 0 : i32
          %dma_wait3A_197 = tpu.memref_slice %arg2[%add3A_30, %dma_wait3A_196] : memref<25088x128xi32, #tpu.memory_space<hbm>> -> memref<56x128xi32, #tpu.memory_space<hbm>>
          tpu.wait_dma2 semaphore(%run_scoped3A : memref<!tpu.dma_semaphore, #tpu.memory_space<semaphore_mem>>) src(%dma_wait3A_197 : memref<56x128xi32, #tpu.memory_space<hbm>>) dst(%arg8 : memref<56x128xi32, #tpu.memory_space<vmem>>)
          tpu.yield
        }) : () -> ()
        "tpu.region"() ({
          %run_scoped3A = tpu.sem_alloc : memref<!tpu.dma_semaphore, #tpu.memory_space<semaphore_mem>>
          %dma_start3A_190 = arith.constant 0 : i32
          %dma_start3A_191 = tpu.memref_slice %arg3[%add3A_30, %dma_start3A_190] : memref<25088x128xi32, #tpu.memory_space<hbm>> -> memref<56x128xi32, #tpu.memory_space<hbm>>
          %dma_start3A_192 = arith.constant 0 : i32
          %dma_start3A_193 = tpu.memref_slice %arg3[%add3A_30, %dma_start3A_192] : memref<25088x128xi32, #tpu.memory_space<hbm>> -> memref<56x128xi32, #tpu.memory_space<hbm>>
          tpu.enqueue_dma source(%dma_start3A_193 : memref<56x128xi32, #tpu.memory_space<hbm>>) target(%arg9 : memref<56x128xi32, #tpu.memory_space<vmem>>) target_semaphore(%run_scoped3A : memref<!tpu.dma_semaphore, #tpu.memory_space<semaphore_mem>>)
          %dma_wait3A_194 = arith.constant 0 : i32
          %dma_wait3A_195 = tpu.memref_slice %arg3[%add3A_30, %dma_wait3A_194] : memref<25088x128xi32, #tpu.memory_space<hbm>> -> memref<56x128xi32, #tpu.memory_space<hbm>>
          %dma_wait3A_196 = arith.constant 0 : i32
          %dma_wait3A_197 = tpu.memref_slice %arg3[%add3A_30, %dma_wait3A_196] : memref<25088x128xi32, #tpu.memory_space<hbm>> -> memref<56x128xi32, #tpu.memory_space<hbm>>
          tpu.wait_dma2 semaphore(%run_scoped3A : memref<!tpu.dma_semaphore, #tpu.memory_space<semaphore_mem>>) src(%dma_wait3A_197 : memref<56x128xi32, #tpu.memory_space<hbm>>) dst(%arg9 : memref<56x128xi32, #tpu.memory_space<vmem>>)
          tpu.yield
        }) : () -> ()
        %dma_start3A = arith.constant 0 : i32
        %dma_start3A_31 = arith.constant 0 : i32
        %dma_start3A_32 = arith.constant 0 : i32
        %dma_start3A_33 = arith.constant 0 : i32
        %dma_start3A_34 = tpu.memref_slice %arg10[%dma_start3A_31, %dma_start3A_32, %dma_start3A_33] : memref<7x128x16xf32, #tpu.memory_space<vmem>> -> memref<1x128x16xf32, #tpu.memory_space<vmem>>
        %dma_start3A_35 = tpu.memref_squeeze %dma_start3A_34 : memref<1x128x16xf32, #tpu.memory_space<vmem>> -> memref<128x16xf32, #tpu.memory_space<vmem>>
        %dma_start3A_36 = arith.constant 0 : i32
        %dma_start3A_37 = tpu.memref_slice %arg8[%dma_start3A, %dma_start3A_36] : memref<56x128xi32, #tpu.memory_space<vmem>> -> memref<1x128xi32, #tpu.memory_space<vmem>>
        %dma_start3A_38 = tpu.memref_squeeze %dma_start3A_37 : memref<1x128xi32, #tpu.memory_space<vmem>> -> memref<128xi32, #tpu.memory_space<vmem>>
        %dma_start3A_39 = arith.constant 0 : i32
        %dma_start3A_40 = arith.constant 0 : i32
        %dma_start3A_41 = tpu.memref_slice %arg4[%dma_start3A_39, %dma_start3A_40] : memref<100352x16xf32, #tpu.memory_space<hbm>> -> memref<100352x16xf32, #tpu.memory_space<hbm>>
        tpu.enqueue_indirect_dma source(%dma_start3A_41 : memref<100352x16xf32, #tpu.memory_space<hbm>>) target(%dma_start3A_35 : memref<128x16xf32, #tpu.memory_space<vmem>>) offsets(%dma_start3A_38 : memref<128xi32, #tpu.memory_space<vmem>>) semaphore(%arg11 : memref<!tpu.dma_semaphore, #tpu.memory_space<semaphore_mem>>)
        %dma_start3A_42 = arith.constant 1 : i32
        %dma_start3A_43 = arith.constant 1 : i32
        %dma_start3A_44 = arith.constant 0 : i32
        %dma_start3A_45 = arith.constant 0 : i32
        %dma_start3A_46 = tpu.memref_slice %arg10[%dma_start3A_43, %dma_start3A_44, %dma_start3A_45] : memref<7x128x16xf32, #tpu.memory_space<vmem>> -> memref<1x128x16xf32, #tpu.memory_space<vmem>>
        %dma_start3A_47 = tpu.memref_squeeze %dma_start3A_46 : memref<1x128x16xf32, #tpu.memory_space<vmem>> -> memref<128x16xf32, #tpu.memory_space<vmem>>
        %dma_start3A_48 = arith.constant 0 : i32
        %dma_start3A_49 = tpu.memref_slice %arg8[%dma_start3A_42, %dma_start3A_48] : memref<56x128xi32, #tpu.memory_space<vmem>> -> memref<1x128xi32, #tpu.memory_space<vmem>>
        %dma_start3A_50 = tpu.memref_squeeze %dma_start3A_49 : memref<1x128xi32, #tpu.memory_space<vmem>> -> memref<128xi32, #tpu.memory_space<vmem>>
        %dma_start3A_51 = arith.constant 0 : i32
        %dma_start3A_52 = arith.constant 0 : i32
        %dma_start3A_53 = tpu.memref_slice %arg4[%dma_start3A_51, %dma_start3A_52] : memref<100352x16xf32, #tpu.memory_space<hbm>> -> memref<100352x16xf32, #tpu.memory_space<hbm>>
        tpu.enqueue_indirect_dma source(%dma_start3A_53 : memref<100352x16xf32, #tpu.memory_space<hbm>>) target(%dma_start3A_47 : memref<128x16xf32, #tpu.memory_space<vmem>>) offsets(%dma_start3A_50 : memref<128xi32, #tpu.memory_space<vmem>>) semaphore(%arg12 : memref<!tpu.dma_semaphore, #tpu.memory_space<semaphore_mem>>)
        %dma_start3A_54 = arith.constant 2 : i32
        %dma_start3A_55 = arith.constant 2 : i32
        %dma_start3A_56 = arith.constant 0 : i32
        %dma_start3A_57 = arith.constant 0 : i32
        %dma_start3A_58 = tpu.memref_slice %arg10[%dma_start3A_55, %dma_start3A_56, %dma_start3A_57] : memref<7x128x16xf32, #tpu.memory_space<vmem>> -> memref<1x128x16xf32, #tpu.memory_space<vmem>>
        %dma_start3A_59 = tpu.memref_squeeze %dma_start3A_58 : memref<1x128x16xf32, #tpu.memory_space<vmem>> -> memref<128x16xf32, #tpu.memory_space<vmem>>
        %dma_start3A_60 = arith.constant 0 : i32
        %dma_start3A_61 = tpu.memref_slice %arg8[%dma_start3A_54, %dma_start3A_60] : memref<56x128xi32, #tpu.memory_space<vmem>> -> memref<1x128xi32, #tpu.memory_space<vmem>>
        %dma_start3A_62 = tpu.memref_squeeze %dma_start3A_61 : memref<1x128xi32, #tpu.memory_space<vmem>> -> memref<128xi32, #tpu.memory_space<vmem>>
        %dma_start3A_63 = arith.constant 0 : i32
        %dma_start3A_64 = arith.constant 0 : i32
        %dma_start3A_65 = tpu.memref_slice %arg4[%dma_start3A_63, %dma_start3A_64] : memref<100352x16xf32, #tpu.memory_space<hbm>> -> memref<100352x16xf32, #tpu.memory_space<hbm>>
        tpu.enqueue_indirect_dma source(%dma_start3A_65 : memref<100352x16xf32, #tpu.memory_space<hbm>>) target(%dma_start3A_59 : memref<128x16xf32, #tpu.memory_space<vmem>>) offsets(%dma_start3A_62 : memref<128xi32, #tpu.memory_space<vmem>>) semaphore(%arg13 : memref<!tpu.dma_semaphore, #tpu.memory_space<semaphore_mem>>)
        %dma_start3A_66 = arith.constant 3 : i32
        %dma_start3A_67 = arith.constant 3 : i32
        %dma_start3A_68 = arith.constant 0 : i32
        %dma_start3A_69 = arith.constant 0 : i32
        %dma_start3A_70 = tpu.memref_slice %arg10[%dma_start3A_67, %dma_start3A_68, %dma_start3A_69] : memref<7x128x16xf32, #tpu.memory_space<vmem>> -> memref<1x128x16xf32, #tpu.memory_space<vmem>>
        %dma_start3A_71 = tpu.memref_squeeze %dma_start3A_70 : memref<1x128x16xf32, #tpu.memory_space<vmem>> -> memref<128x16xf32, #tpu.memory_space<vmem>>
        %dma_start3A_72 = arith.constant 0 : i32
        %dma_start3A_73 = tpu.memref_slice %arg8[%dma_start3A_66, %dma_start3A_72] : memref<56x128xi32, #tpu.memory_space<vmem>> -> memref<1x128xi32, #tpu.memory_space<vmem>>
        %dma_start3A_74 = tpu.memref_squeeze %dma_start3A_73 : memref<1x128xi32, #tpu.memory_space<vmem>> -> memref<128xi32, #tpu.memory_space<vmem>>
        %dma_start3A_75 = arith.constant 0 : i32
        %dma_start3A_76 = arith.constant 0 : i32
        %dma_start3A_77 = tpu.memref_slice %arg4[%dma_start3A_75, %dma_start3A_76] : memref<100352x16xf32, #tpu.memory_space<hbm>> -> memref<100352x16xf32, #tpu.memory_space<hbm>>
        tpu.enqueue_indirect_dma source(%dma_start3A_77 : memref<100352x16xf32, #tpu.memory_space<hbm>>) target(%dma_start3A_71 : memref<128x16xf32, #tpu.memory_space<vmem>>) offsets(%dma_start3A_74 : memref<128xi32, #tpu.memory_space<vmem>>) semaphore(%arg14 : memref<!tpu.dma_semaphore, #tpu.memory_space<semaphore_mem>>)
        %dma_start3A_78 = arith.constant 4 : i32
        %dma_start3A_79 = arith.constant 4 : i32
        %dma_start3A_80 = arith.constant 0 : i32
        %dma_start3A_81 = arith.constant 0 : i32
        %dma_start3A_82 = tpu.memref_slice %arg10[%dma_start3A_79, %dma_start3A_80, %dma_start3A_81] : memref<7x128x16xf32, #tpu.memory_space<vmem>> -> memref<1x128x16xf32, #tpu.memory_space<vmem>>
        %dma_start3A_83 = tpu.memref_squeeze %dma_start3A_82 : memref<1x128x16xf32, #tpu.memory_space<vmem>> -> memref<128x16xf32, #tpu.memory_space<vmem>>
        %dma_start3A_84 = arith.constant 0 : i32
        %dma_start3A_85 = tpu.memref_slice %arg8[%dma_start3A_78, %dma_start3A_84] : memref<56x128xi32, #tpu.memory_space<vmem>> -> memref<1x128xi32, #tpu.memory_space<vmem>>
        %dma_start3A_86 = tpu.memref_squeeze %dma_start3A_85 : memref<1x128xi32, #tpu.memory_space<vmem>> -> memref<128xi32, #tpu.memory_space<vmem>>
        %dma_start3A_87 = arith.constant 0 : i32
        %dma_start3A_88 = arith.constant 0 : i32
        %dma_start3A_89 = tpu.memref_slice %arg4[%dma_start3A_87, %dma_start3A_88] : memref<100352x16xf32, #tpu.memory_space<hbm>> -> memref<100352x16xf32, #tpu.memory_space<hbm>>
        tpu.enqueue_indirect_dma source(%dma_start3A_89 : memref<100352x16xf32, #tpu.memory_space<hbm>>) target(%dma_start3A_83 : memref<128x16xf32, #tpu.memory_space<vmem>>) offsets(%dma_start3A_86 : memref<128xi32, #tpu.memory_space<vmem>>) semaphore(%arg15 : memref<!tpu.dma_semaphore, #tpu.memory_space<semaphore_mem>>)
        %dma_start3A_90 = arith.constant 5 : i32
        %dma_start3A_91 = arith.constant 5 : i32
        %dma_start3A_92 = arith.constant 0 : i32
        %dma_start3A_93 = arith.constant 0 : i32
        %dma_start3A_94 = tpu.memref_slice %arg10[%dma_start3A_91, %dma_start3A_92, %dma_start3A_93] : memref<7x128x16xf32, #tpu.memory_space<vmem>> -> memref<1x128x16xf32, #tpu.memory_space<vmem>>
        %dma_start3A_95 = tpu.memref_squeeze %dma_start3A_94 : memref<1x128x16xf32, #tpu.memory_space<vmem>> -> memref<128x16xf32, #tpu.memory_space<vmem>>
        %dma_start3A_96 = arith.constant 0 : i32
        %dma_start3A_97 = tpu.memref_slice %arg8[%dma_start3A_90, %dma_start3A_96] : memref<56x128xi32, #tpu.memory_space<vmem>> -> memref<1x128xi32, #tpu.memory_space<vmem>>
        %dma_start3A_98 = tpu.memref_squeeze %dma_start3A_97 : memref<1x128xi32, #tpu.memory_space<vmem>> -> memref<128xi32, #tpu.memory_space<vmem>>
        %dma_start3A_99 = arith.constant 0 : i32
        %dma_start3A_100 = arith.constant 0 : i32
        %dma_start3A_101 = tpu.memref_slice %arg4[%dma_start3A_99, %dma_start3A_100] : memref<100352x16xf32, #tpu.memory_space<hbm>> -> memref<100352x16xf32, #tpu.memory_space<hbm>>
        tpu.enqueue_indirect_dma source(%dma_start3A_101 : memref<100352x16xf32, #tpu.memory_space<hbm>>) target(%dma_start3A_95 : memref<128x16xf32, #tpu.memory_space<vmem>>) offsets(%dma_start3A_98 : memref<128xi32, #tpu.memory_space<vmem>>) semaphore(%arg16 : memref<!tpu.dma_semaphore, #tpu.memory_space<semaphore_mem>>)
        %scan3A_102 = arith.constant 0 : i32
        %scan3A_103 = arith.constant 8 : i32
        %scan3A_104 = arith.addi %scan3A_102, %scan3A_103 : i32
        %scan3A_105 = arith.constant 1 : i32
        scf.for %scan3A_190 = %scan3A_102 to %scan3A_104 step %scan3A_105  : i32 {
          %mul3A_191 = arith.constant 1 : i32
          %mul3A_192 = arith.muli %scan3A_190, %mul3A_191 : i32
          %add3A_193 = arith.constant 0 : i32
          %add3A_194 = arith.addi %add3A_193, %mul3A_192 : i32
          %mul3A_195 = arith.constant 7 : i32
          %mul3A_196 = arith.muli %add3A_194, %mul3A_195 : i32
          %add3A_197 = arith.constant 0 : i32
          %add3A_198 = arith.addi %mul3A_196, %add3A_197 : i32
          %dma_wait3A_199 = arith.constant 0 : i32
          %dma_wait3A_200 = arith.constant 0 : i32
          %dma_wait3A_201 = arith.constant 0 : i32
          %dma_wait3A_202 = tpu.memref_slice %arg10[%dma_wait3A_199, %dma_wait3A_200, %dma_wait3A_201] : memref<7x128x16xf32, #tpu.memory_space<vmem>> -> memref<1x128x16xf32, #tpu.memory_space<vmem>>
          %dma_wait3A_203 = tpu.memref_squeeze %dma_wait3A_202 : memref<1x128x16xf32, #tpu.memory_space<vmem>> -> memref<128x16xf32, #tpu.memory_space<vmem>>
          %dma_wait3A_204 = arith.constant 0 : i32
          %dma_wait3A_205 = tpu.memref_slice %arg8[%add3A_198, %dma_wait3A_204] : memref<56x128xi32, #tpu.memory_space<vmem>> -> memref<1x128xi32, #tpu.memory_space<vmem>>
          %dma_wait3A_206 = tpu.memref_squeeze %dma_wait3A_205 : memref<1x128xi32, #tpu.memory_space<vmem>> -> memref<128xi32, #tpu.memory_space<vmem>>
          %dma_wait3A_207 = arith.constant 0 : i32
          %dma_wait3A_208 = arith.constant 0 : i32
          %dma_wait3A_209 = tpu.memref_slice %arg4[%dma_wait3A_207, %dma_wait3A_208] : memref<100352x16xf32, #tpu.memory_space<hbm>> -> memref<100352x16xf32, #tpu.memory_space<hbm>>
          tpu.wait_indirect_dma semaphore(%arg11 : memref<!tpu.dma_semaphore, #tpu.memory_space<semaphore_mem>>) src(%dma_wait3A_209 : memref<100352x16xf32, #tpu.memory_space<hbm>>) dst(%dma_wait3A_203 : memref<128x16xf32, #tpu.memory_space<vmem>>)
          %dma_start3A_210 = arith.constant 0 : i32
          %dma_start3A_211 = arith.constant 0 : i32
          %dma_start3A_212 = arith.constant 0 : i32
          %dma_start3A_213 = tpu.memref_slice %arg10[%dma_start3A_210, %dma_start3A_211, %dma_start3A_212] : memref<7x128x16xf32, #tpu.memory_space<vmem>> -> memref<1x128x16xf32, #tpu.memory_space<vmem>>
          %dma_start3A_214 = tpu.memref_squeeze %dma_start3A_213 : memref<1x128x16xf32, #tpu.memory_space<vmem>> -> memref<128x16xf32, #tpu.memory_space<vmem>>
          %dma_start3A_215 = arith.constant 0 : i32
          %dma_start3A_216 = tpu.memref_slice %arg9[%add3A_198, %dma_start3A_215] : memref<56x128xi32, #tpu.memory_space<vmem>> -> memref<1x128xi32, #tpu.memory_space<vmem>>
          %dma_start3A_217 = tpu.memref_squeeze %dma_start3A_216 : memref<1x128xi32, #tpu.memory_space<vmem>> -> memref<128xi32, #tpu.memory_space<vmem>>
          %dma_start3A_218 = arith.constant 0 : i32
          %dma_start3A_219 = arith.constant 0 : i32
          %dma_start3A_220 = tpu.memref_slice %arg25[%dma_start3A_218, %dma_start3A_219] : memref<100352x16xf32, #tpu.memory_space<vmem_shared>> -> memref<100352x16xf32, #tpu.memory_space<vmem_shared>>
          tpu.enqueue_indirect_dma source(%dma_start3A_214 : memref<128x16xf32, #tpu.memory_space<vmem>>) target(%dma_start3A_220 : memref<100352x16xf32, #tpu.memory_space<vmem_shared>>) offsets(%dma_start3A_217 : memref<128xi32, #tpu.memory_space<vmem>>) semaphore(%arg18 : memref<!tpu.dma_semaphore, #tpu.memory_space<semaphore_mem>>) {add = true}
          %add3A_221 = arith.constant 6 : i32
          %add3A_222 = arith.addi %add3A_198, %add3A_221 : i32
          %lt3A = arith.constant 56 : i32
          %lt3A_223 = arith.cmpi slt, %add3A_222, %lt3A : i32
          %convert_element_type3A_224 = arith.extui %lt3A_223 : i1 to i32
          %cond3A_225 = arith.constant 0 : i32
          %cond3A_226 = arith.cmpi ne, %convert_element_type3A_224, %cond3A_225 : i32
          scf.if %cond3A_226 {
            %add3A_413 = arith.constant 6 : i32
            %add3A_414 = arith.addi %add3A_198, %add3A_413 : i32
            %ge3A = arith.constant 7 : i32
            %ge3A_415 = arith.cmpi sge, %add3A_414, %ge3A : i32
            %convert_element_type3A_416 = arith.extui %ge3A_415 : i1 to i32
            %cond3A_417 = arith.constant 0 : i32
            %cond3A_418 = arith.cmpi ne, %convert_element_type3A_416, %cond3A_417 : i32
            scf.if %cond3A_418 {
              %dma_wait3A_432 = arith.constant 6 : i32
              %dma_wait3A_433 = arith.constant 0 : i32
              %dma_wait3A_434 = arith.constant 0 : i32
              %dma_wait3A_435 = tpu.memref_slice %arg10[%dma_wait3A_432, %dma_wait3A_433, %dma_wait3A_434] : memref<7x128x16xf32, #tpu.memory_space<vmem>> -> memref<1x128x16xf32, #tpu.memory_space<vmem>>
              %dma_wait3A_436 = tpu.memref_squeeze %dma_wait3A_435 : memref<1x128x16xf32, #tpu.memory_space<vmem>> -> memref<128x16xf32, #tpu.memory_space<vmem>>
              %dma_wait3A_437 = arith.constant 0 : i32
              %dma_wait3A_438 = tpu.memref_slice %arg9[%add3A_198, %dma_wait3A_437] : memref<56x128xi32, #tpu.memory_space<vmem>> -> memref<1x128xi32, #tpu.memory_space<vmem>>
              %dma_wait3A_439 = tpu.memref_squeeze %dma_wait3A_438 : memref<1x128xi32, #tpu.memory_space<vmem>> -> memref<128xi32, #tpu.memory_space<vmem>>
              %dma_wait3A_440 = arith.constant 0 : i32
              %dma_wait3A_441 = arith.constant 0 : i32
              %dma_wait3A_442 = tpu.memref_slice %arg25[%dma_wait3A_440, %dma_wait3A_441] : memref<100352x16xf32, #tpu.memory_space<vmem_shared>> -> memref<100352x16xf32, #tpu.memory_space<vmem_shared>>
              tpu.wait_indirect_dma semaphore(%arg24 : memref<!tpu.dma_semaphore, #tpu.memory_space<semaphore_mem>>) src(%dma_wait3A_436 : memref<128x16xf32, #tpu.memory_space<vmem>>) dst(%dma_wait3A_442 : memref<100352x16xf32, #tpu.memory_space<vmem_shared>>)
            } else {
            }
            %add3A_419 = arith.constant 6 : i32
            %add3A_420 = arith.addi %add3A_198, %add3A_419 : i32
            %dma_start3A_421 = arith.constant 6 : i32
            %dma_start3A_422 = arith.constant 0 : i32
            %dma_start3A_423 = arith.constant 0 : i32
            %dma_start3A_424 = tpu.memref_slice %arg10[%dma_start3A_421, %dma_start3A_422, %dma_start3A_423] : memref<7x128x16xf32, #tpu.memory_space<vmem>> -> memref<1x128x16xf32, #tpu.memory_space<vmem>>
            %dma_start3A_425 = tpu.memref_squeeze %dma_start3A_424 : memref<1x128x16xf32, #tpu.memory_space<vmem>> -> memref<128x16xf32, #tpu.memory_space<vmem>>
            %dma_start3A_426 = arith.constant 0 : i32
            %dma_start3A_427 = tpu.memref_slice %arg8[%add3A_420, %dma_start3A_426] : memref<56x128xi32, #tpu.memory_space<vmem>> -> memref<1x128xi32, #tpu.memory_space<vmem>>
            %dma_start3A_428 = tpu.memref_squeeze %dma_start3A_427 : memref<1x128xi32, #tpu.memory_space<vmem>> -> memref<128xi32, #tpu.memory_space<vmem>>
            %dma_start3A_429 = arith.constant 0 : i32
            %dma_start3A_430 = arith.constant 0 : i32
            %dma_start3A_431 = tpu.memref_slice %arg4[%dma_start3A_429, %dma_start3A_430] : memref<100352x16xf32, #tpu.memory_space<hbm>> -> memref<100352x16xf32, #tpu.memory_space<hbm>>
            tpu.enqueue_indirect_dma source(%dma_start3A_431 : memref<100352x16xf32, #tpu.memory_space<hbm>>) target(%dma_start3A_425 : memref<128x16xf32, #tpu.memory_space<vmem>>) offsets(%dma_start3A_428 : memref<128xi32, #tpu.memory_space<vmem>>) semaphore(%arg17 : memref<!tpu.dma_semaphore, #tpu.memory_space<semaphore_mem>>)
          } else {
          }
          %add3A_227 = arith.constant 1 : i32
          %add3A_228 = arith.addi %mul3A_196, %add3A_227 : i32
          %dma_wait3A_229 = arith.constant 1 : i32
          %dma_wait3A_230 = arith.constant 0 : i32
          %dma_wait3A_231 = arith.constant 0 : i32
          %dma_wait3A_232 = tpu.memref_slice %arg10[%dma_wait3A_229, %dma_wait3A_230, %dma_wait3A_231] : memref<7x128x16xf32, #tpu.memory_space<vmem>> -> memref<1x128x16xf32, #tpu.memory_space<vmem>>
          %dma_wait3A_233 = tpu.memref_squeeze %dma_wait3A_232 : memref<1x128x16xf32, #tpu.memory_space<vmem>> -> memref<128x16xf32, #tpu.memory_space<vmem>>
          %dma_wait3A_234 = arith.constant 0 : i32
          %dma_wait3A_235 = tpu.memref_slice %arg8[%add3A_228, %dma_wait3A_234] : memref<56x128xi32, #tpu.memory_space<vmem>> -> memref<1x128xi32, #tpu.memory_space<vmem>>
          %dma_wait3A_236 = tpu.memref_squeeze %dma_wait3A_235 : memref<1x128xi32, #tpu.memory_space<vmem>> -> memref<128xi32, #tpu.memory_space<vmem>>
          %dma_wait3A_237 = arith.constant 0 : i32
          %dma_wait3A_238 = arith.constant 0 : i32
          %dma_wait3A_239 = tpu.memref_slice %arg4[%dma_wait3A_237, %dma_wait3A_238] : memref<100352x16xf32, #tpu.memory_space<hbm>> -> memref<100352x16xf32, #tpu.memory_space<hbm>>
          tpu.wait_indirect_dma semaphore(%arg12 : memref<!tpu.dma_semaphore, #tpu.memory_space<semaphore_mem>>) src(%dma_wait3A_239 : memref<100352x16xf32, #tpu.memory_space<hbm>>) dst(%dma_wait3A_233 : memref<128x16xf32, #tpu.memory_space<vmem>>)
          %dma_start3A_240 = arith.constant 1 : i32
          %dma_start3A_241 = arith.constant 0 : i32
          %dma_start3A_242 = arith.constant 0 : i32
          %dma_start3A_243 = tpu.memref_slice %arg10[%dma_start3A_240, %dma_start3A_241, %dma_start3A_242] : memref<7x128x16xf32, #tpu.memory_space<vmem>> -> memref<1x128x16xf32, #tpu.memory_space<vmem>>
          %dma_start3A_244 = tpu.memref_squeeze %dma_start3A_243 : memref<1x128x16xf32, #tpu.memory_space<vmem>> -> memref<128x16xf32, #tpu.memory_space<vmem>>
          %dma_start3A_245 = arith.constant 0 : i32
          %dma_start3A_246 = tpu.memref_slice %arg9[%add3A_228, %dma_start3A_245] : memref<56x128xi32, #tpu.memory_space<vmem>> -> memref<1x128xi32, #tpu.memory_space<vmem>>
          %dma_start3A_247 = tpu.memref_squeeze %dma_start3A_246 : memref<1x128xi32, #tpu.memory_space<vmem>> -> memref<128xi32, #tpu.memory_space<vmem>>
          %dma_start3A_248 = arith.constant 0 : i32
          %dma_start3A_249 = arith.constant 0 : i32
          %dma_start3A_250 = tpu.memref_slice %arg25[%dma_start3A_248, %dma_start3A_249] : memref<100352x16xf32, #tpu.memory_space<vmem_shared>> -> memref<100352x16xf32, #tpu.memory_space<vmem_shared>>
          tpu.enqueue_indirect_dma source(%dma_start3A_244 : memref<128x16xf32, #tpu.memory_space<vmem>>) target(%dma_start3A_250 : memref<100352x16xf32, #tpu.memory_space<vmem_shared>>) offsets(%dma_start3A_247 : memref<128xi32, #tpu.memory_space<vmem>>) semaphore(%arg19 : memref<!tpu.dma_semaphore, #tpu.memory_space<semaphore_mem>>) {add = true}
          %add3A_251 = arith.constant 6 : i32
          %add3A_252 = arith.addi %add3A_228, %add3A_251 : i32
          %lt3A_253 = arith.constant 56 : i32
          %lt3A_254 = arith.cmpi slt, %add3A_252, %lt3A_253 : i32
          %convert_element_type3A_255 = arith.extui %lt3A_254 : i1 to i32
          %cond3A_256 = arith.constant 0 : i32
          %cond3A_257 = arith.cmpi ne, %convert_element_type3A_255, %cond3A_256 : i32
          scf.if %cond3A_257 {
            %add3A_413 = arith.constant 6 : i32
            %add3A_414 = arith.addi %add3A_228, %add3A_413 : i32
            %ge3A = arith.constant 7 : i32
            %ge3A_415 = arith.cmpi sge, %add3A_414, %ge3A : i32
            %convert_element_type3A_416 = arith.extui %ge3A_415 : i1 to i32
            %cond3A_417 = arith.constant 0 : i32
            %cond3A_418 = arith.cmpi ne, %convert_element_type3A_416, %cond3A_417 : i32
            scf.if %cond3A_418 {
              %dma_wait3A_432 = arith.constant 0 : i32
              %dma_wait3A_433 = arith.constant 0 : i32
              %dma_wait3A_434 = arith.constant 0 : i32
              %dma_wait3A_435 = tpu.memref_slice %arg10[%dma_wait3A_432, %dma_wait3A_433, %dma_wait3A_434] : memref<7x128x16xf32, #tpu.memory_space<vmem>> -> memref<1x128x16xf32, #tpu.memory_space<vmem>>
              %dma_wait3A_436 = tpu.memref_squeeze %dma_wait3A_435 : memref<1x128x16xf32, #tpu.memory_space<vmem>> -> memref<128x16xf32, #tpu.memory_space<vmem>>
              %dma_wait3A_437 = arith.constant 0 : i32
              %dma_wait3A_438 = tpu.memref_slice %arg9[%add3A_228, %dma_wait3A_437] : memref<56x128xi32, #tpu.memory_space<vmem>> -> memref<1x128xi32, #tpu.memory_space<vmem>>
              %dma_wait3A_439 = tpu.memref_squeeze %dma_wait3A_438 : memref<1x128xi32, #tpu.memory_space<vmem>> -> memref<128xi32, #tpu.memory_space<vmem>>
              %dma_wait3A_440 = arith.constant 0 : i32
              %dma_wait3A_441 = arith.constant 0 : i32
              %dma_wait3A_442 = tpu.memref_slice %arg25[%dma_wait3A_440, %dma_wait3A_441] : memref<100352x16xf32, #tpu.memory_space<vmem_shared>> -> memref<100352x16xf32, #tpu.memory_space<vmem_shared>>
              tpu.wait_indirect_dma semaphore(%arg18 : memref<!tpu.dma_semaphore, #tpu.memory_space<semaphore_mem>>) src(%dma_wait3A_436 : memref<128x16xf32, #tpu.memory_space<vmem>>) dst(%dma_wait3A_442 : memref<100352x16xf32, #tpu.memory_space<vmem_shared>>)
            } else {
            }
            %add3A_419 = arith.constant 6 : i32
            %add3A_420 = arith.addi %add3A_228, %add3A_419 : i32
            %dma_start3A_421 = arith.constant 0 : i32
            %dma_start3A_422 = arith.constant 0 : i32
            %dma_start3A_423 = arith.constant 0 : i32
            %dma_start3A_424 = tpu.memref_slice %arg10[%dma_start3A_421, %dma_start3A_422, %dma_start3A_423] : memref<7x128x16xf32, #tpu.memory_space<vmem>> -> memref<1x128x16xf32, #tpu.memory_space<vmem>>
            %dma_start3A_425 = tpu.memref_squeeze %dma_start3A_424 : memref<1x128x16xf32, #tpu.memory_space<vmem>> -> memref<128x16xf32, #tpu.memory_space<vmem>>
            %dma_start3A_426 = arith.constant 0 : i32
            %dma_start3A_427 = tpu.memref_slice %arg8[%add3A_420, %dma_start3A_426] : memref<56x128xi32, #tpu.memory_space<vmem>> -> memref<1x128xi32, #tpu.memory_space<vmem>>
            %dma_start3A_428 = tpu.memref_squeeze %dma_start3A_427 : memref<1x128xi32, #tpu.memory_space<vmem>> -> memref<128xi32, #tpu.memory_space<vmem>>
            %dma_start3A_429 = arith.constant 0 : i32
            %dma_start3A_430 = arith.constant 0 : i32
            %dma_start3A_431 = tpu.memref_slice %arg4[%dma_start3A_429, %dma_start3A_430] : memref<100352x16xf32, #tpu.memory_space<hbm>> -> memref<100352x16xf32, #tpu.memory_space<hbm>>
            tpu.enqueue_indirect_dma source(%dma_start3A_431 : memref<100352x16xf32, #tpu.memory_space<hbm>>) target(%dma_start3A_425 : memref<128x16xf32, #tpu.memory_space<vmem>>) offsets(%dma_start3A_428 : memref<128xi32, #tpu.memory_space<vmem>>) semaphore(%arg11 : memref<!tpu.dma_semaphore, #tpu.memory_space<semaphore_mem>>)
          } else {
          }
          %add3A_258 = arith.constant 2 : i32
          %add3A_259 = arith.addi %mul3A_196, %add3A_258 : i32
          %dma_wait3A_260 = arith.constant 2 : i32
          %dma_wait3A_261 = arith.constant 0 : i32
          %dma_wait3A_262 = arith.constant 0 : i32
          %dma_wait3A_263 = tpu.memref_slice %arg10[%dma_wait3A_260, %dma_wait3A_261, %dma_wait3A_262] : memref<7x128x16xf32, #tpu.memory_space<vmem>> -> memref<1x128x16xf32, #tpu.memory_space<vmem>>
          %dma_wait3A_264 = tpu.memref_squeeze %dma_wait3A_263 : memref<1x128x16xf32, #tpu.memory_space<vmem>> -> memref<128x16xf32, #tpu.memory_space<vmem>>
          %dma_wait3A_265 = arith.constant 0 : i32
          %dma_wait3A_266 = tpu.memref_slice %arg8[%add3A_259, %dma_wait3A_265] : memref<56x128xi32, #tpu.memory_space<vmem>> -> memref<1x128xi32, #tpu.memory_space<vmem>>
          %dma_wait3A_267 = tpu.memref_squeeze %dma_wait3A_266 : memref<1x128xi32, #tpu.memory_space<vmem>> -> memref<128xi32, #tpu.memory_space<vmem>>
          %dma_wait3A_268 = arith.constant 0 : i32
          %dma_wait3A_269 = arith.constant 0 : i32
          %dma_wait3A_270 = tpu.memref_slice %arg4[%dma_wait3A_268, %dma_wait3A_269] : memref<100352x16xf32, #tpu.memory_space<hbm>> -> memref<100352x16xf32, #tpu.memory_space<hbm>>
          tpu.wait_indirect_dma semaphore(%arg13 : memref<!tpu.dma_semaphore, #tpu.memory_space<semaphore_mem>>) src(%dma_wait3A_270 : memref<100352x16xf32, #tpu.memory_space<hbm>>) dst(%dma_wait3A_264 : memref<128x16xf32, #tpu.memory_space<vmem>>)
          %dma_start3A_271 = arith.constant 2 : i32
          %dma_start3A_272 = arith.constant 0 : i32
          %dma_start3A_273 = arith.constant 0 : i32
          %dma_start3A_274 = tpu.memref_slice %arg10[%dma_start3A_271, %dma_start3A_272, %dma_start3A_273] : memref<7x128x16xf32, #tpu.memory_space<vmem>> -> memref<1x128x16xf32, #tpu.memory_space<vmem>>
          %dma_start3A_275 = tpu.memref_squeeze %dma_start3A_274 : memref<1x128x16xf32, #tpu.memory_space<vmem>> -> memref<128x16xf32, #tpu.memory_space<vmem>>
          %dma_start3A_276 = arith.constant 0 : i32
          %dma_start3A_277 = tpu.memref_slice %arg9[%add3A_259, %dma_start3A_276] : memref<56x128xi32, #tpu.memory_space<vmem>> -> memref<1x128xi32, #tpu.memory_space<vmem>>
          %dma_start3A_278 = tpu.memref_squeeze %dma_start3A_277 : memref<1x128xi32, #tpu.memory_space<vmem>> -> memref<128xi32, #tpu.memory_space<vmem>>
          %dma_start3A_279 = arith.constant 0 : i32
          %dma_start3A_280 = arith.constant 0 : i32
          %dma_start3A_281 = tpu.memref_slice %arg25[%dma_start3A_279, %dma_start3A_280] : memref<100352x16xf32, #tpu.memory_space<vmem_shared>> -> memref<100352x16xf32, #tpu.memory_space<vmem_shared>>
          tpu.enqueue_indirect_dma source(%dma_start3A_275 : memref<128x16xf32, #tpu.memory_space<vmem>>) target(%dma_start3A_281 : memref<100352x16xf32, #tpu.memory_space<vmem_shared>>) offsets(%dma_start3A_278 : memref<128xi32, #tpu.memory_space<vmem>>) semaphore(%arg20 : memref<!tpu.dma_semaphore, #tpu.memory_space<semaphore_mem>>) {add = true}
          %add3A_282 = arith.constant 6 : i32
          %add3A_283 = arith.addi %add3A_259, %add3A_282 : i32
          %lt3A_284 = arith.constant 56 : i32
          %lt3A_285 = arith.cmpi slt, %add3A_283, %lt3A_284 : i32
          %convert_element_type3A_286 = arith.extui %lt3A_285 : i1 to i32
          %cond3A_287 = arith.constant 0 : i32
          %cond3A_288 = arith.cmpi ne, %convert_element_type3A_286, %cond3A_287 : i32
          scf.if %cond3A_288 {
            %add3A_413 = arith.constant 6 : i32
            %add3A_414 = arith.addi %add3A_259, %add3A_413 : i32
            %ge3A = arith.constant 7 : i32
            %ge3A_415 = arith.cmpi sge, %add3A_414, %ge3A : i32
            %convert_element_type3A_416 = arith.extui %ge3A_415 : i1 to i32
            %cond3A_417 = arith.constant 0 : i32
            %cond3A_418 = arith.cmpi ne, %convert_element_type3A_416, %cond3A_417 : i32
            scf.if %cond3A_418 {
              %dma_wait3A_432 = arith.constant 1 : i32
              %dma_wait3A_433 = arith.constant 0 : i32
              %dma_wait3A_434 = arith.constant 0 : i32
              %dma_wait3A_435 = tpu.memref_slice %arg10[%dma_wait3A_432, %dma_wait3A_433, %dma_wait3A_434] : memref<7x128x16xf32, #tpu.memory_space<vmem>> -> memref<1x128x16xf32, #tpu.memory_space<vmem>>
              %dma_wait3A_436 = tpu.memref_squeeze %dma_wait3A_435 : memref<1x128x16xf32, #tpu.memory_space<vmem>> -> memref<128x16xf32, #tpu.memory_space<vmem>>
              %dma_wait3A_437 = arith.constant 0 : i32
              %dma_wait3A_438 = tpu.memref_slice %arg9[%add3A_259, %dma_wait3A_437] : memref<56x128xi32, #tpu.memory_space<vmem>> -> memref<1x128xi32, #tpu.memory_space<vmem>>
              %dma_wait3A_439 = tpu.memref_squeeze %dma_wait3A_438 : memref<1x128xi32, #tpu.memory_space<vmem>> -> memref<128xi32, #tpu.memory_space<vmem>>
              %dma_wait3A_440 = arith.constant 0 : i32
              %dma_wait3A_441 = arith.constant 0 : i32
              %dma_wait3A_442 = tpu.memref_slice %arg25[%dma_wait3A_440, %dma_wait3A_441] : memref<100352x16xf32, #tpu.memory_space<vmem_shared>> -> memref<100352x16xf32, #tpu.memory_space<vmem_shared>>
              tpu.wait_indirect_dma semaphore(%arg19 : memref<!tpu.dma_semaphore, #tpu.memory_space<semaphore_mem>>) src(%dma_wait3A_436 : memref<128x16xf32, #tpu.memory_space<vmem>>) dst(%dma_wait3A_442 : memref<100352x16xf32, #tpu.memory_space<vmem_shared>>)
            } else {
            }
            %add3A_419 = arith.constant 6 : i32
            %add3A_420 = arith.addi %add3A_259, %add3A_419 : i32
            %dma_start3A_421 = arith.constant 1 : i32
            %dma_start3A_422 = arith.constant 0 : i32
            %dma_start3A_423 = arith.constant 0 : i32
            %dma_start3A_424 = tpu.memref_slice %arg10[%dma_start3A_421, %dma_start3A_422, %dma_start3A_423] : memref<7x128x16xf32, #tpu.memory_space<vmem>> -> memref<1x128x16xf32, #tpu.memory_space<vmem>>
            %dma_start3A_425 = tpu.memref_squeeze %dma_start3A_424 : memref<1x128x16xf32, #tpu.memory_space<vmem>> -> memref<128x16xf32, #tpu.memory_space<vmem>>
            %dma_start3A_426 = arith.constant 0 : i32
            %dma_start3A_427 = tpu.memref_slice %arg8[%add3A_420, %dma_start3A_426] : memref<56x128xi32, #tpu.memory_space<vmem>> -> memref<1x128xi32, #tpu.memory_space<vmem>>
            %dma_start3A_428 = tpu.memref_squeeze %dma_start3A_427 : memref<1x128xi32, #tpu.memory_space<vmem>> -> memref<128xi32, #tpu.memory_space<vmem>>
            %dma_start3A_429 = arith.constant 0 : i32
            %dma_start3A_430 = arith.constant 0 : i32
            %dma_start3A_431 = tpu.memref_slice %arg4[%dma_start3A_429, %dma_start3A_430] : memref<100352x16xf32, #tpu.memory_space<hbm>> -> memref<100352x16xf32, #tpu.memory_space<hbm>>
            tpu.enqueue_indirect_dma source(%dma_start3A_431 : memref<100352x16xf32, #tpu.memory_space<hbm>>) target(%dma_start3A_425 : memref<128x16xf32, #tpu.memory_space<vmem>>) offsets(%dma_start3A_428 : memref<128xi32, #tpu.memory_space<vmem>>) semaphore(%arg12 : memref<!tpu.dma_semaphore, #tpu.memory_space<semaphore_mem>>)
          } else {
          }
          %add3A_289 = arith.constant 3 : i32
          %add3A_290 = arith.addi %mul3A_196, %add3A_289 : i32
          %dma_wait3A_291 = arith.constant 3 : i32
          %dma_wait3A_292 = arith.constant 0 : i32
          %dma_wait3A_293 = arith.constant 0 : i32
          %dma_wait3A_294 = tpu.memref_slice %arg10[%dma_wait3A_291, %dma_wait3A_292, %dma_wait3A_293] : memref<7x128x16xf32, #tpu.memory_space<vmem>> -> memref<1x128x16xf32, #tpu.memory_space<vmem>>
          %dma_wait3A_295 = tpu.memref_squeeze %dma_wait3A_294 : memref<1x128x16xf32, #tpu.memory_space<vmem>> -> memref<128x16xf32, #tpu.memory_space<vmem>>
          %dma_wait3A_296 = arith.constant 0 : i32
          %dma_wait3A_297 = tpu.memref_slice %arg8[%add3A_290, %dma_wait3A_296] : memref<56x128xi32, #tpu.memory_space<vmem>> -> memref<1x128xi32, #tpu.memory_space<vmem>>
          %dma_wait3A_298 = tpu.memref_squeeze %dma_wait3A_297 : memref<1x128xi32, #tpu.memory_space<vmem>> -> memref<128xi32, #tpu.memory_space<vmem>>
          %dma_wait3A_299 = arith.constant 0 : i32
          %dma_wait3A_300 = arith.constant 0 : i32
          %dma_wait3A_301 = tpu.memref_slice %arg4[%dma_wait3A_299, %dma_wait3A_300] : memref<100352x16xf32, #tpu.memory_space<hbm>> -> memref<100352x16xf32, #tpu.memory_space<hbm>>
          tpu.wait_indirect_dma semaphore(%arg14 : memref<!tpu.dma_semaphore, #tpu.memory_space<semaphore_mem>>) src(%dma_wait3A_301 : memref<100352x16xf32, #tpu.memory_space<hbm>>) dst(%dma_wait3A_295 : memref<128x16xf32, #tpu.memory_space<vmem>>)
          %dma_start3A_302 = arith.constant 3 : i32
          %dma_start3A_303 = arith.constant 0 : i32
          %dma_start3A_304 = arith.constant 0 : i32
          %dma_start3A_305 = tpu.memref_slice %arg10[%dma_start3A_302, %dma_start3A_303, %dma_start3A_304] : memref<7x128x16xf32, #tpu.memory_space<vmem>> -> memref<1x128x16xf32, #tpu.memory_space<vmem>>
          %dma_start3A_306 = tpu.memref_squeeze %dma_start3A_305 : memref<1x128x16xf32, #tpu.memory_space<vmem>> -> memref<128x16xf32, #tpu.memory_space<vmem>>
          %dma_start3A_307 = arith.constant 0 : i32
          %dma_start3A_308 = tpu.memref_slice %arg9[%add3A_290, %dma_start3A_307] : memref<56x128xi32, #tpu.memory_space<vmem>> -> memref<1x128xi32, #tpu.memory_space<vmem>>
          %dma_start3A_309 = tpu.memref_squeeze %dma_start3A_308 : memref<1x128xi32, #tpu.memory_space<vmem>> -> memref<128xi32, #tpu.memory_space<vmem>>
          %dma_start3A_310 = arith.constant 0 : i32
          %dma_start3A_311 = arith.constant 0 : i32
          %dma_start3A_312 = tpu.memref_slice %arg25[%dma_start3A_310, %dma_start3A_311] : memref<100352x16xf32, #tpu.memory_space<vmem_shared>> -> memref<100352x16xf32, #tpu.memory_space<vmem_shared>>
          tpu.enqueue_indirect_dma source(%dma_start3A_306 : memref<128x16xf32, #tpu.memory_space<vmem>>) target(%dma_start3A_312 : memref<100352x16xf32, #tpu.memory_space<vmem_shared>>) offsets(%dma_start3A_309 : memref<128xi32, #tpu.memory_space<vmem>>) semaphore(%arg21 : memref<!tpu.dma_semaphore, #tpu.memory_space<semaphore_mem>>) {add = true}
          %add3A_313 = arith.constant 6 : i32
          %add3A_314 = arith.addi %add3A_290, %add3A_313 : i32
          %lt3A_315 = arith.constant 56 : i32
          %lt3A_316 = arith.cmpi slt, %add3A_314, %lt3A_315 : i32
          %convert_element_type3A_317 = arith.extui %lt3A_316 : i1 to i32
          %cond3A_318 = arith.constant 0 : i32
          %cond3A_319 = arith.cmpi ne, %convert_element_type3A_317, %cond3A_318 : i32
          scf.if %cond3A_319 {
            %add3A_413 = arith.constant 6 : i32
            %add3A_414 = arith.addi %add3A_290, %add3A_413 : i32
            %ge3A = arith.constant 7 : i32
            %ge3A_415 = arith.cmpi sge, %add3A_414, %ge3A : i32
            %convert_element_type3A_416 = arith.extui %ge3A_415 : i1 to i32
            %cond3A_417 = arith.constant 0 : i32
            %cond3A_418 = arith.cmpi ne, %convert_element_type3A_416, %cond3A_417 : i32
            scf.if %cond3A_418 {
              %dma_wait3A_432 = arith.constant 2 : i32
              %dma_wait3A_433 = arith.constant 0 : i32
              %dma_wait3A_434 = arith.constant 0 : i32
              %dma_wait3A_435 = tpu.memref_slice %arg10[%dma_wait3A_432, %dma_wait3A_433, %dma_wait3A_434] : memref<7x128x16xf32, #tpu.memory_space<vmem>> -> memref<1x128x16xf32, #tpu.memory_space<vmem>>
              %dma_wait3A_436 = tpu.memref_squeeze %dma_wait3A_435 : memref<1x128x16xf32, #tpu.memory_space<vmem>> -> memref<128x16xf32, #tpu.memory_space<vmem>>
              %dma_wait3A_437 = arith.constant 0 : i32
              %dma_wait3A_438 = tpu.memref_slice %arg9[%add3A_290, %dma_wait3A_437] : memref<56x128xi32, #tpu.memory_space<vmem>> -> memref<1x128xi32, #tpu.memory_space<vmem>>
              %dma_wait3A_439 = tpu.memref_squeeze %dma_wait3A_438 : memref<1x128xi32, #tpu.memory_space<vmem>> -> memref<128xi32, #tpu.memory_space<vmem>>
              %dma_wait3A_440 = arith.constant 0 : i32
              %dma_wait3A_441 = arith.constant 0 : i32
              %dma_wait3A_442 = tpu.memref_slice %arg25[%dma_wait3A_440, %dma_wait3A_441] : memref<100352x16xf32, #tpu.memory_space<vmem_shared>> -> memref<100352x16xf32, #tpu.memory_space<vmem_shared>>
              tpu.wait_indirect_dma semaphore(%arg20 : memref<!tpu.dma_semaphore, #tpu.memory_space<semaphore_mem>>) src(%dma_wait3A_436 : memref<128x16xf32, #tpu.memory_space<vmem>>) dst(%dma_wait3A_442 : memref<100352x16xf32, #tpu.memory_space<vmem_shared>>)
            } else {
            }
            %add3A_419 = arith.constant 6 : i32
            %add3A_420 = arith.addi %add3A_290, %add3A_419 : i32
            %dma_start3A_421 = arith.constant 2 : i32
            %dma_start3A_422 = arith.constant 0 : i32
            %dma_start3A_423 = arith.constant 0 : i32
            %dma_start3A_424 = tpu.memref_slice %arg10[%dma_start3A_421, %dma_start3A_422, %dma_start3A_423] : memref<7x128x16xf32, #tpu.memory_space<vmem>> -> memref<1x128x16xf32, #tpu.memory_space<vmem>>
            %dma_start3A_425 = tpu.memref_squeeze %dma_start3A_424 : memref<1x128x16xf32, #tpu.memory_space<vmem>> -> memref<128x16xf32, #tpu.memory_space<vmem>>
            %dma_start3A_426 = arith.constant 0 : i32
            %dma_start3A_427 = tpu.memref_slice %arg8[%add3A_420, %dma_start3A_426] : memref<56x128xi32, #tpu.memory_space<vmem>> -> memref<1x128xi32, #tpu.memory_space<vmem>>
            %dma_start3A_428 = tpu.memref_squeeze %dma_start3A_427 : memref<1x128xi32, #tpu.memory_space<vmem>> -> memref<128xi32, #tpu.memory_space<vmem>>
            %dma_start3A_429 = arith.constant 0 : i32
            %dma_start3A_430 = arith.constant 0 : i32
            %dma_start3A_431 = tpu.memref_slice %arg4[%dma_start3A_429, %dma_start3A_430] : memref<100352x16xf32, #tpu.memory_space<hbm>> -> memref<100352x16xf32, #tpu.memory_space<hbm>>
            tpu.enqueue_indirect_dma source(%dma_start3A_431 : memref<100352x16xf32, #tpu.memory_space<hbm>>) target(%dma_start3A_425 : memref<128x16xf32, #tpu.memory_space<vmem>>) offsets(%dma_start3A_428 : memref<128xi32, #tpu.memory_space<vmem>>) semaphore(%arg13 : memref<!tpu.dma_semaphore, #tpu.memory_space<semaphore_mem>>)
          } else {
          }
          %add3A_320 = arith.constant 4 : i32
          %add3A_321 = arith.addi %mul3A_196, %add3A_320 : i32
          %dma_wait3A_322 = arith.constant 4 : i32
          %dma_wait3A_323 = arith.constant 0 : i32
          %dma_wait3A_324 = arith.constant 0 : i32
          %dma_wait3A_325 = tpu.memref_slice %arg10[%dma_wait3A_322, %dma_wait3A_323, %dma_wait3A_324] : memref<7x128x16xf32, #tpu.memory_space<vmem>> -> memref<1x128x16xf32, #tpu.memory_space<vmem>>
          %dma_wait3A_326 = tpu.memref_squeeze %dma_wait3A_325 : memref<1x128x16xf32, #tpu.memory_space<vmem>> -> memref<128x16xf32, #tpu.memory_space<vmem>>
          %dma_wait3A_327 = arith.constant 0 : i32
          %dma_wait3A_328 = tpu.memref_slice %arg8[%add3A_321, %dma_wait3A_327] : memref<56x128xi32, #tpu.memory_space<vmem>> -> memref<1x128xi32, #tpu.memory_space<vmem>>
          %dma_wait3A_329 = tpu.memref_squeeze %dma_wait3A_328 : memref<1x128xi32, #tpu.memory_space<vmem>> -> memref<128xi32, #tpu.memory_space<vmem>>
          %dma_wait3A_330 = arith.constant 0 : i32
          %dma_wait3A_331 = arith.constant 0 : i32
          %dma_wait3A_332 = tpu.memref_slice %arg4[%dma_wait3A_330, %dma_wait3A_331] : memref<100352x16xf32, #tpu.memory_space<hbm>> -> memref<100352x16xf32, #tpu.memory_space<hbm>>
          tpu.wait_indirect_dma semaphore(%arg15 : memref<!tpu.dma_semaphore, #tpu.memory_space<semaphore_mem>>) src(%dma_wait3A_332 : memref<100352x16xf32, #tpu.memory_space<hbm>>) dst(%dma_wait3A_326 : memref<128x16xf32, #tpu.memory_space<vmem>>)
          %dma_start3A_333 = arith.constant 4 : i32
          %dma_start3A_334 = arith.constant 0 : i32
          %dma_start3A_335 = arith.constant 0 : i32
          %dma_start3A_336 = tpu.memref_slice %arg10[%dma_start3A_333, %dma_start3A_334, %dma_start3A_335] : memref<7x128x16xf32, #tpu.memory_space<vmem>> -> memref<1x128x16xf32, #tpu.memory_space<vmem>>
          %dma_start3A_337 = tpu.memref_squeeze %dma_start3A_336 : memref<1x128x16xf32, #tpu.memory_space<vmem>> -> memref<128x16xf32, #tpu.memory_space<vmem>>
          %dma_start3A_338 = arith.constant 0 : i32
          %dma_start3A_339 = tpu.memref_slice %arg9[%add3A_321, %dma_start3A_338] : memref<56x128xi32, #tpu.memory_space<vmem>> -> memref<1x128xi32, #tpu.memory_space<vmem>>
          %dma_start3A_340 = tpu.memref_squeeze %dma_start3A_339 : memref<1x128xi32, #tpu.memory_space<vmem>> -> memref<128xi32, #tpu.memory_space<vmem>>
          %dma_start3A_341 = arith.constant 0 : i32
          %dma_start3A_342 = arith.constant 0 : i32
          %dma_start3A_343 = tpu.memref_slice %arg25[%dma_start3A_341, %dma_start3A_342] : memref<100352x16xf32, #tpu.memory_space<vmem_shared>> -> memref<100352x16xf32, #tpu.memory_space<vmem_shared>>
          tpu.enqueue_indirect_dma source(%dma_start3A_337 : memref<128x16xf32, #tpu.memory_space<vmem>>) target(%dma_start3A_343 : memref<100352x16xf32, #tpu.memory_space<vmem_shared>>) offsets(%dma_start3A_340 : memref<128xi32, #tpu.memory_space<vmem>>) semaphore(%arg22 : memref<!tpu.dma_semaphore, #tpu.memory_space<semaphore_mem>>) {add = true}
          %add3A_344 = arith.constant 6 : i32
          %add3A_345 = arith.addi %add3A_321, %add3A_344 : i32
          %lt3A_346 = arith.constant 56 : i32
          %lt3A_347 = arith.cmpi slt, %add3A_345, %lt3A_346 : i32
          %convert_element_type3A_348 = arith.extui %lt3A_347 : i1 to i32
          %cond3A_349 = arith.constant 0 : i32
          %cond3A_350 = arith.cmpi ne, %convert_element_type3A_348, %cond3A_349 : i32
          scf.if %cond3A_350 {
            %add3A_413 = arith.constant 6 : i32
            %add3A_414 = arith.addi %add3A_321, %add3A_413 : i32
            %ge3A = arith.constant 7 : i32
            %ge3A_415 = arith.cmpi sge, %add3A_414, %ge3A : i32
            %convert_element_type3A_416 = arith.extui %ge3A_415 : i1 to i32
            %cond3A_417 = arith.constant 0 : i32
            %cond3A_418 = arith.cmpi ne, %convert_element_type3A_416, %cond3A_417 : i32
            scf.if %cond3A_418 {
              %dma_wait3A_432 = arith.constant 3 : i32
              %dma_wait3A_433 = arith.constant 0 : i32
              %dma_wait3A_434 = arith.constant 0 : i32
              %dma_wait3A_435 = tpu.memref_slice %arg10[%dma_wait3A_432, %dma_wait3A_433, %dma_wait3A_434] : memref<7x128x16xf32, #tpu.memory_space<vmem>> -> memref<1x128x16xf32, #tpu.memory_space<vmem>>
              %dma_wait3A_436 = tpu.memref_squeeze %dma_wait3A_435 : memref<1x128x16xf32, #tpu.memory_space<vmem>> -> memref<128x16xf32, #tpu.memory_space<vmem>>
              %dma_wait3A_437 = arith.constant 0 : i32
              %dma_wait3A_438 = tpu.memref_slice %arg9[%add3A_321, %dma_wait3A_437] : memref<56x128xi32, #tpu.memory_space<vmem>> -> memref<1x128xi32, #tpu.memory_space<vmem>>
              %dma_wait3A_439 = tpu.memref_squeeze %dma_wait3A_438 : memref<1x128xi32, #tpu.memory_space<vmem>> -> memref<128xi32, #tpu.memory_space<vmem>>
              %dma_wait3A_440 = arith.constant 0 : i32
              %dma_wait3A_441 = arith.constant 0 : i32
              %dma_wait3A_442 = tpu.memref_slice %arg25[%dma_wait3A_440, %dma_wait3A_441] : memref<100352x16xf32, #tpu.memory_space<vmem_shared>> -> memref<100352x16xf32, #tpu.memory_space<vmem_shared>>
              tpu.wait_indirect_dma semaphore(%arg21 : memref<!tpu.dma_semaphore, #tpu.memory_space<semaphore_mem>>) src(%dma_wait3A_436 : memref<128x16xf32, #tpu.memory_space<vmem>>) dst(%dma_wait3A_442 : memref<100352x16xf32, #tpu.memory_space<vmem_shared>>)
            } else {
            }
            %add3A_419 = arith.constant 6 : i32
            %add3A_420 = arith.addi %add3A_321, %add3A_419 : i32
            %dma_start3A_421 = arith.constant 3 : i32
            %dma_start3A_422 = arith.constant 0 : i32
            %dma_start3A_423 = arith.constant 0 : i32
            %dma_start3A_424 = tpu.memref_slice %arg10[%dma_start3A_421, %dma_start3A_422, %dma_start3A_423] : memref<7x128x16xf32, #tpu.memory_space<vmem>> -> memref<1x128x16xf32, #tpu.memory_space<vmem>>
            %dma_start3A_425 = tpu.memref_squeeze %dma_start3A_424 : memref<1x128x16xf32, #tpu.memory_space<vmem>> -> memref<128x16xf32, #tpu.memory_space<vmem>>
            %dma_start3A_426 = arith.constant 0 : i32
            %dma_start3A_427 = tpu.memref_slice %arg8[%add3A_420, %dma_start3A_426] : memref<56x128xi32, #tpu.memory_space<vmem>> -> memref<1x128xi32, #tpu.memory_space<vmem>>
            %dma_start3A_428 = tpu.memref_squeeze %dma_start3A_427 : memref<1x128xi32, #tpu.memory_space<vmem>> -> memref<128xi32, #tpu.memory_space<vmem>>
            %dma_start3A_429 = arith.constant 0 : i32
            %dma_start3A_430 = arith.constant 0 : i32
            %dma_start3A_431 = tpu.memref_slice %arg4[%dma_start3A_429, %dma_start3A_430] : memref<100352x16xf32, #tpu.memory_space<hbm>> -> memref<100352x16xf32, #tpu.memory_space<hbm>>
            tpu.enqueue_indirect_dma source(%dma_start3A_431 : memref<100352x16xf32, #tpu.memory_space<hbm>>) target(%dma_start3A_425 : memref<128x16xf32, #tpu.memory_space<vmem>>) offsets(%dma_start3A_428 : memref<128xi32, #tpu.memory_space<vmem>>) semaphore(%arg14 : memref<!tpu.dma_semaphore, #tpu.memory_space<semaphore_mem>>)
          } else {
          }
          %add3A_351 = arith.constant 5 : i32
          %add3A_352 = arith.addi %mul3A_196, %add3A_351 : i32
          %dma_wait3A_353 = arith.constant 5 : i32
          %dma_wait3A_354 = arith.constant 0 : i32
          %dma_wait3A_355 = arith.constant 0 : i32
          %dma_wait3A_356 = tpu.memref_slice %arg10[%dma_wait3A_353, %dma_wait3A_354, %dma_wait3A_355] : memref<7x128x16xf32, #tpu.memory_space<vmem>> -> memref<1x128x16xf32, #tpu.memory_space<vmem>>
          %dma_wait3A_357 = tpu.memref_squeeze %dma_wait3A_356 : memref<1x128x16xf32, #tpu.memory_space<vmem>> -> memref<128x16xf32, #tpu.memory_space<vmem>>
          %dma_wait3A_358 = arith.constant 0 : i32
          %dma_wait3A_359 = tpu.memref_slice %arg8[%add3A_352, %dma_wait3A_358] : memref<56x128xi32, #tpu.memory_space<vmem>> -> memref<1x128xi32, #tpu.memory_space<vmem>>
          %dma_wait3A_360 = tpu.memref_squeeze %dma_wait3A_359 : memref<1x128xi32, #tpu.memory_space<vmem>> -> memref<128xi32, #tpu.memory_space<vmem>>
          %dma_wait3A_361 = arith.constant 0 : i32
          %dma_wait3A_362 = arith.constant 0 : i32
          %dma_wait3A_363 = tpu.memref_slice %arg4[%dma_wait3A_361, %dma_wait3A_362] : memref<100352x16xf32, #tpu.memory_space<hbm>> -> memref<100352x16xf32, #tpu.memory_space<hbm>>
          tpu.wait_indirect_dma semaphore(%arg16 : memref<!tpu.dma_semaphore, #tpu.memory_space<semaphore_mem>>) src(%dma_wait3A_363 : memref<100352x16xf32, #tpu.memory_space<hbm>>) dst(%dma_wait3A_357 : memref<128x16xf32, #tpu.memory_space<vmem>>)
          %dma_start3A_364 = arith.constant 5 : i32
          %dma_start3A_365 = arith.constant 0 : i32
          %dma_start3A_366 = arith.constant 0 : i32
          %dma_start3A_367 = tpu.memref_slice %arg10[%dma_start3A_364, %dma_start3A_365, %dma_start3A_366] : memref<7x128x16xf32, #tpu.memory_space<vmem>> -> memref<1x128x16xf32, #tpu.memory_space<vmem>>
          %dma_start3A_368 = tpu.memref_squeeze %dma_start3A_367 : memref<1x128x16xf32, #tpu.memory_space<vmem>> -> memref<128x16xf32, #tpu.memory_space<vmem>>
          %dma_start3A_369 = arith.constant 0 : i32
          %dma_start3A_370 = tpu.memref_slice %arg9[%add3A_352, %dma_start3A_369] : memref<56x128xi32, #tpu.memory_space<vmem>> -> memref<1x128xi32, #tpu.memory_space<vmem>>
          %dma_start3A_371 = tpu.memref_squeeze %dma_start3A_370 : memref<1x128xi32, #tpu.memory_space<vmem>> -> memref<128xi32, #tpu.memory_space<vmem>>
          %dma_start3A_372 = arith.constant 0 : i32
          %dma_start3A_373 = arith.constant 0 : i32
          %dma_start3A_374 = tpu.memref_slice %arg25[%dma_start3A_372, %dma_start3A_373] : memref<100352x16xf32, #tpu.memory_space<vmem_shared>> -> memref<100352x16xf32, #tpu.memory_space<vmem_shared>>
          tpu.enqueue_indirect_dma source(%dma_start3A_368 : memref<128x16xf32, #tpu.memory_space<vmem>>) target(%dma_start3A_374 : memref<100352x16xf32, #tpu.memory_space<vmem_shared>>) offsets(%dma_start3A_371 : memref<128xi32, #tpu.memory_space<vmem>>) semaphore(%arg23 : memref<!tpu.dma_semaphore, #tpu.memory_space<semaphore_mem>>) {add = true}
          %add3A_375 = arith.constant 6 : i32
          %add3A_376 = arith.addi %add3A_352, %add3A_375 : i32
          %lt3A_377 = arith.constant 56 : i32
          %lt3A_378 = arith.cmpi slt, %add3A_376, %lt3A_377 : i32
          %convert_element_type3A_379 = arith.extui %lt3A_378 : i1 to i32
          %cond3A_380 = arith.constant 0 : i32
          %cond3A_381 = arith.cmpi ne, %convert_element_type3A_379, %cond3A_380 : i32
          scf.if %cond3A_381 {
            %add3A_413 = arith.constant 6 : i32
            %add3A_414 = arith.addi %add3A_352, %add3A_413 : i32
            %ge3A = arith.constant 7 : i32
            %ge3A_415 = arith.cmpi sge, %add3A_414, %ge3A : i32
            %convert_element_type3A_416 = arith.extui %ge3A_415 : i1 to i32
            %cond3A_417 = arith.constant 0 : i32
            %cond3A_418 = arith.cmpi ne, %convert_element_type3A_416, %cond3A_417 : i32
            scf.if %cond3A_418 {
              %dma_wait3A_432 = arith.constant 4 : i32
              %dma_wait3A_433 = arith.constant 0 : i32
              %dma_wait3A_434 = arith.constant 0 : i32
              %dma_wait3A_435 = tpu.memref_slice %arg10[%dma_wait3A_432, %dma_wait3A_433, %dma_wait3A_434] : memref<7x128x16xf32, #tpu.memory_space<vmem>> -> memref<1x128x16xf32, #tpu.memory_space<vmem>>
              %dma_wait3A_436 = tpu.memref_squeeze %dma_wait3A_435 : memref<1x128x16xf32, #tpu.memory_space<vmem>> -> memref<128x16xf32, #tpu.memory_space<vmem>>
              %dma_wait3A_437 = arith.constant 0 : i32
              %dma_wait3A_438 = tpu.memref_slice %arg9[%add3A_352, %dma_wait3A_437] : memref<56x128xi32, #tpu.memory_space<vmem>> -> memref<1x128xi32, #tpu.memory_space<vmem>>
              %dma_wait3A_439 = tpu.memref_squeeze %dma_wait3A_438 : memref<1x128xi32, #tpu.memory_space<vmem>> -> memref<128xi32, #tpu.memory_space<vmem>>
              %dma_wait3A_440 = arith.constant 0 : i32
              %dma_wait3A_441 = arith.constant 0 : i32
              %dma_wait3A_442 = tpu.memref_slice %arg25[%dma_wait3A_440, %dma_wait3A_441] : memref<100352x16xf32, #tpu.memory_space<vmem_shared>> -> memref<100352x16xf32, #tpu.memory_space<vmem_shared>>
              tpu.wait_indirect_dma semaphore(%arg22 : memref<!tpu.dma_semaphore, #tpu.memory_space<semaphore_mem>>) src(%dma_wait3A_436 : memref<128x16xf32, #tpu.memory_space<vmem>>) dst(%dma_wait3A_442 : memref<100352x16xf32, #tpu.memory_space<vmem_shared>>)
            } else {
            }
            %add3A_419 = arith.constant 6 : i32
            %add3A_420 = arith.addi %add3A_352, %add3A_419 : i32
            %dma_start3A_421 = arith.constant 4 : i32
            %dma_start3A_422 = arith.constant 0 : i32
            %dma_start3A_423 = arith.constant 0 : i32
            %dma_start3A_424 = tpu.memref_slice %arg10[%dma_start3A_421, %dma_start3A_422, %dma_start3A_423] : memref<7x128x16xf32, #tpu.memory_space<vmem>> -> memref<1x128x16xf32, #tpu.memory_space<vmem>>
            %dma_start3A_425 = tpu.memref_squeeze %dma_start3A_424 : memref<1x128x16xf32, #tpu.memory_space<vmem>> -> memref<128x16xf32, #tpu.memory_space<vmem>>
            %dma_start3A_426 = arith.constant 0 : i32
            %dma_start3A_427 = tpu.memref_slice %arg8[%add3A_420, %dma_start3A_426] : memref<56x128xi32, #tpu.memory_space<vmem>> -> memref<1x128xi32, #tpu.memory_space<vmem>>
            %dma_start3A_428 = tpu.memref_squeeze %dma_start3A_427 : memref<1x128xi32, #tpu.memory_space<vmem>> -> memref<128xi32, #tpu.memory_space<vmem>>
            %dma_start3A_429 = arith.constant 0 : i32
            %dma_start3A_430 = arith.constant 0 : i32
            %dma_start3A_431 = tpu.memref_slice %arg4[%dma_start3A_429, %dma_start3A_430] : memref<100352x16xf32, #tpu.memory_space<hbm>> -> memref<100352x16xf32, #tpu.memory_space<hbm>>
            tpu.enqueue_indirect_dma source(%dma_start3A_431 : memref<100352x16xf32, #tpu.memory_space<hbm>>) target(%dma_start3A_425 : memref<128x16xf32, #tpu.memory_space<vmem>>) offsets(%dma_start3A_428 : memref<128xi32, #tpu.memory_space<vmem>>) semaphore(%arg15 : memref<!tpu.dma_semaphore, #tpu.memory_space<semaphore_mem>>)
          } else {
          }
          %add3A_382 = arith.constant 6 : i32
          %add3A_383 = arith.addi %mul3A_196, %add3A_382 : i32
          %dma_wait3A_384 = arith.constant 6 : i32
          %dma_wait3A_385 = arith.constant 0 : i32
          %dma_wait3A_386 = arith.constant 0 : i32
          %dma_wait3A_387 = tpu.memref_slice %arg10[%dma_wait3A_384, %dma_wait3A_385, %dma_wait3A_386] : memref<7x128x16xf32, #tpu.memory_space<vmem>> -> memref<1x128x16xf32, #tpu.memory_space<vmem>>
          %dma_wait3A_388 = tpu.memref_squeeze %dma_wait3A_387 : memref<1x128x16xf32, #tpu.memory_space<vmem>> -> memref<128x16xf32, #tpu.memory_space<vmem>>
          %dma_wait3A_389 = arith.constant 0 : i32
          %dma_wait3A_390 = tpu.memref_slice %arg8[%add3A_383, %dma_wait3A_389] : memref<56x128xi32, #tpu.memory_space<vmem>> -> memref<1x128xi32, #tpu.memory_space<vmem>>
          %dma_wait3A_391 = tpu.memref_squeeze %dma_wait3A_390 : memref<1x128xi32, #tpu.memory_space<vmem>> -> memref<128xi32, #tpu.memory_space<vmem>>
          %dma_wait3A_392 = arith.constant 0 : i32
          %dma_wait3A_393 = arith.constant 0 : i32
          %dma_wait3A_394 = tpu.memref_slice %arg4[%dma_wait3A_392, %dma_wait3A_393] : memref<100352x16xf32, #tpu.memory_space<hbm>> -> memref<100352x16xf32, #tpu.memory_space<hbm>>
          tpu.wait_indirect_dma semaphore(%arg17 : memref<!tpu.dma_semaphore, #tpu.memory_space<semaphore_mem>>) src(%dma_wait3A_394 : memref<100352x16xf32, #tpu.memory_space<hbm>>) dst(%dma_wait3A_388 : memref<128x16xf32, #tpu.memory_space<vmem>>)
          %dma_start3A_395 = arith.constant 6 : i32
          %dma_start3A_396 = arith.constant 0 : i32
          %dma_start3A_397 = arith.constant 0 : i32
          %dma_start3A_398 = tpu.memref_slice %arg10[%dma_start3A_395, %dma_start3A_396, %dma_start3A_397] : memref<7x128x16xf32, #tpu.memory_space<vmem>> -> memref<1x128x16xf32, #tpu.memory_space<vmem>>
          %dma_start3A_399 = tpu.memref_squeeze %dma_start3A_398 : memref<1x128x16xf32, #tpu.memory_space<vmem>> -> memref<128x16xf32, #tpu.memory_space<vmem>>
          %dma_start3A_400 = arith.constant 0 : i32
          %dma_start3A_401 = tpu.memref_slice %arg9[%add3A_383, %dma_start3A_400] : memref<56x128xi32, #tpu.memory_space<vmem>> -> memref<1x128xi32, #tpu.memory_space<vmem>>
          %dma_start3A_402 = tpu.memref_squeeze %dma_start3A_401 : memref<1x128xi32, #tpu.memory_space<vmem>> -> memref<128xi32, #tpu.memory_space<vmem>>
          %dma_start3A_403 = arith.constant 0 : i32
          %dma_start3A_404 = arith.constant 0 : i32
          %dma_start3A_405 = tpu.memref_slice %arg25[%dma_start3A_403, %dma_start3A_404] : memref<100352x16xf32, #tpu.memory_space<vmem_shared>> -> memref<100352x16xf32, #tpu.memory_space<vmem_shared>>
          tpu.enqueue_indirect_dma source(%dma_start3A_399 : memref<128x16xf32, #tpu.memory_space<vmem>>) target(%dma_start3A_405 : memref<100352x16xf32, #tpu.memory_space<vmem_shared>>) offsets(%dma_start3A_402 : memref<128xi32, #tpu.memory_space<vmem>>) semaphore(%arg24 : memref<!tpu.dma_semaphore, #tpu.memory_space<semaphore_mem>>) {add = true}
          %add3A_406 = arith.constant 6 : i32
          %add3A_407 = arith.addi %add3A_383, %add3A_406 : i32
          %lt3A_408 = arith.constant 56 : i32
          %lt3A_409 = arith.cmpi slt, %add3A_407, %lt3A_408 : i32
          %convert_element_type3A_410 = arith.extui %lt3A_409 : i1 to i32
          %cond3A_411 = arith.constant 0 : i32
          %cond3A_412 = arith.cmpi ne, %convert_element_type3A_410, %cond3A_411 : i32
          scf.if %cond3A_412 {
            %add3A_413 = arith.constant 6 : i32
            %add3A_414 = arith.addi %add3A_383, %add3A_413 : i32
            %ge3A = arith.constant 7 : i32
            %ge3A_415 = arith.cmpi sge, %add3A_414, %ge3A : i32
            %convert_element_type3A_416 = arith.extui %ge3A_415 : i1 to i32
            %cond3A_417 = arith.constant 0 : i32
            %cond3A_418 = arith.cmpi ne, %convert_element_type3A_416, %cond3A_417 : i32
            scf.if %cond3A_418 {
              %dma_wait3A_432 = arith.constant 5 : i32
              %dma_wait3A_433 = arith.constant 0 : i32
              %dma_wait3A_434 = arith.constant 0 : i32
              %dma_wait3A_435 = tpu.memref_slice %arg10[%dma_wait3A_432, %dma_wait3A_433, %dma_wait3A_434] : memref<7x128x16xf32, #tpu.memory_space<vmem>> -> memref<1x128x16xf32, #tpu.memory_space<vmem>>
              %dma_wait3A_436 = tpu.memref_squeeze %dma_wait3A_435 : memref<1x128x16xf32, #tpu.memory_space<vmem>> -> memref<128x16xf32, #tpu.memory_space<vmem>>
              %dma_wait3A_437 = arith.constant 0 : i32
              %dma_wait3A_438 = tpu.memref_slice %arg9[%add3A_383, %dma_wait3A_437] : memref<56x128xi32, #tpu.memory_space<vmem>> -> memref<1x128xi32, #tpu.memory_space<vmem>>
              %dma_wait3A_439 = tpu.memref_squeeze %dma_wait3A_438 : memref<1x128xi32, #tpu.memory_space<vmem>> -> memref<128xi32, #tpu.memory_space<vmem>>
              %dma_wait3A_440 = arith.constant 0 : i32
              %dma_wait3A_441 = arith.constant 0 : i32
              %dma_wait3A_442 = tpu.memref_slice %arg25[%dma_wait3A_440, %dma_wait3A_441] : memref<100352x16xf32, #tpu.memory_space<vmem_shared>> -> memref<100352x16xf32, #tpu.memory_space<vmem_shared>>
              tpu.wait_indirect_dma semaphore(%arg23 : memref<!tpu.dma_semaphore, #tpu.memory_space<semaphore_mem>>) src(%dma_wait3A_436 : memref<128x16xf32, #tpu.memory_space<vmem>>) dst(%dma_wait3A_442 : memref<100352x16xf32, #tpu.memory_space<vmem_shared>>)
            } else {
            }
            %add3A_419 = arith.constant 6 : i32
            %add3A_420 = arith.addi %add3A_383, %add3A_419 : i32
            %dma_start3A_421 = arith.constant 5 : i32
            %dma_start3A_422 = arith.constant 0 : i32
            %dma_start3A_423 = arith.constant 0 : i32
            %dma_start3A_424 = tpu.memref_slice %arg10[%dma_start3A_421, %dma_start3A_422, %dma_start3A_423] : memref<7x128x16xf32, #tpu.memory_space<vmem>> -> memref<1x128x16xf32, #tpu.memory_space<vmem>>
            %dma_start3A_425 = tpu.memref_squeeze %dma_start3A_424 : memref<1x128x16xf32, #tpu.memory_space<vmem>> -> memref<128x16xf32, #tpu.memory_space<vmem>>
            %dma_start3A_426 = arith.constant 0 : i32
            %dma_start3A_427 = tpu.memref_slice %arg8[%add3A_420, %dma_start3A_426] : memref<56x128xi32, #tpu.memory_space<vmem>> -> memref<1x128xi32, #tpu.memory_space<vmem>>
            %dma_start3A_428 = tpu.memref_squeeze %dma_start3A_427 : memref<1x128xi32, #tpu.memory_space<vmem>> -> memref<128xi32, #tpu.memory_space<vmem>>
            %dma_start3A_429 = arith.constant 0 : i32
            %dma_start3A_430 = arith.constant 0 : i32
            %dma_start3A_431 = tpu.memref_slice %arg4[%dma_start3A_429, %dma_start3A_430] : memref<100352x16xf32, #tpu.memory_space<hbm>> -> memref<100352x16xf32, #tpu.memory_space<hbm>>
            tpu.enqueue_indirect_dma source(%dma_start3A_431 : memref<100352x16xf32, #tpu.memory_space<hbm>>) target(%dma_start3A_425 : memref<128x16xf32, #tpu.memory_space<vmem>>) offsets(%dma_start3A_428 : memref<128xi32, #tpu.memory_space<vmem>>) semaphore(%arg16 : memref<!tpu.dma_semaphore, #tpu.memory_space<semaphore_mem>>)
          } else {
          }
        }
        %scan3A_106 = arith.constant 8 : i32
        %dma_wait3A = arith.constant 0 : i32
        %dma_wait3A_107 = arith.constant 0 : i32
        %dma_wait3A_108 = arith.constant 0 : i32
        %dma_wait3A_109 = arith.constant 0 : i32
        %dma_wait3A_110 = tpu.memref_slice %arg10[%dma_wait3A, %dma_wait3A_108, %dma_wait3A_109] : memref<7x128x16xf32, #tpu.memory_space<vmem>> -> memref<1x128x16xf32, #tpu.memory_space<vmem>>
        %dma_wait3A_111 = tpu.memref_squeeze %dma_wait3A_110 : memref<1x128x16xf32, #tpu.memory_space<vmem>> -> memref<128x16xf32, #tpu.memory_space<vmem>>
        %dma_wait3A_112 = arith.constant 0 : i32
        %dma_wait3A_113 = tpu.memref_slice %arg9[%dma_wait3A_107, %dma_wait3A_112] : memref<56x128xi32, #tpu.memory_space<vmem>> -> memref<1x128xi32, #tpu.memory_space<vmem>>
        %dma_wait3A_114 = tpu.memref_squeeze %dma_wait3A_113 : memref<1x128xi32, #tpu.memory_space<vmem>> -> memref<128xi32, #tpu.memory_space<vmem>>
        %dma_wait3A_115 = arith.constant 0 : i32
        %dma_wait3A_116 = arith.constant 0 : i32
        %dma_wait3A_117 = tpu.memref_slice %arg25[%dma_wait3A_115, %dma_wait3A_116] : memref<100352x16xf32, #tpu.memory_space<vmem_shared>> -> memref<100352x16xf32, #tpu.memory_space<vmem_shared>>
        tpu.wait_indirect_dma semaphore(%arg18 : memref<!tpu.dma_semaphore, #tpu.memory_space<semaphore_mem>>) src(%dma_wait3A_111 : memref<128x16xf32, #tpu.memory_space<vmem>>) dst(%dma_wait3A_117 : memref<100352x16xf32, #tpu.memory_space<vmem_shared>>)
        %dma_wait3A_118 = arith.constant 1 : i32
        %dma_wait3A_119 = arith.constant 0 : i32
        %dma_wait3A_120 = arith.constant 0 : i32
        %dma_wait3A_121 = arith.constant 0 : i32
        %dma_wait3A_122 = tpu.memref_slice %arg10[%dma_wait3A_118, %dma_wait3A_120, %dma_wait3A_121] : memref<7x128x16xf32, #tpu.memory_space<vmem>> -> memref<1x128x16xf32, #tpu.memory_space<vmem>>
        %dma_wait3A_123 = tpu.memref_squeeze %dma_wait3A_122 : memref<1x128x16xf32, #tpu.memory_space<vmem>> -> memref<128x16xf32, #tpu.memory_space<vmem>>
        %dma_wait3A_124 = arith.constant 0 : i32
        %dma_wait3A_125 = tpu.memref_slice %arg9[%dma_wait3A_119, %dma_wait3A_124] : memref<56x128xi32, #tpu.memory_space<vmem>> -> memref<1x128xi32, #tpu.memory_space<vmem>>
        %dma_wait3A_126 = tpu.memref_squeeze %dma_wait3A_125 : memref<1x128xi32, #tpu.memory_space<vmem>> -> memref<128xi32, #tpu.memory_space<vmem>>
        %dma_wait3A_127 = arith.constant 0 : i32
        %dma_wait3A_128 = arith.constant 0 : i32
        %dma_wait3A_129 = tpu.memref_slice %arg25[%dma_wait3A_127, %dma_wait3A_128] : memref<100352x16xf32, #tpu.memory_space<vmem_shared>> -> memref<100352x16xf32, #tpu.memory_space<vmem_shared>>
        tpu.wait_indirect_dma semaphore(%arg19 : memref<!tpu.dma_semaphore, #tpu.memory_space<semaphore_mem>>) src(%dma_wait3A_123 : memref<128x16xf32, #tpu.memory_space<vmem>>) dst(%dma_wait3A_129 : memref<100352x16xf32, #tpu.memory_space<vmem_shared>>)
        %dma_wait3A_130 = arith.constant 2 : i32
        %dma_wait3A_131 = arith.constant 0 : i32
        %dma_wait3A_132 = arith.constant 0 : i32
        %dma_wait3A_133 = arith.constant 0 : i32
        %dma_wait3A_134 = tpu.memref_slice %arg10[%dma_wait3A_130, %dma_wait3A_132, %dma_wait3A_133] : memref<7x128x16xf32, #tpu.memory_space<vmem>> -> memref<1x128x16xf32, #tpu.memory_space<vmem>>
        %dma_wait3A_135 = tpu.memref_squeeze %dma_wait3A_134 : memref<1x128x16xf32, #tpu.memory_space<vmem>> -> memref<128x16xf32, #tpu.memory_space<vmem>>
        %dma_wait3A_136 = arith.constant 0 : i32
        %dma_wait3A_137 = tpu.memref_slice %arg9[%dma_wait3A_131, %dma_wait3A_136] : memref<56x128xi32, #tpu.memory_space<vmem>> -> memref<1x128xi32, #tpu.memory_space<vmem>>
        %dma_wait3A_138 = tpu.memref_squeeze %dma_wait3A_137 : memref<1x128xi32, #tpu.memory_space<vmem>> -> memref<128xi32, #tpu.memory_space<vmem>>
        %dma_wait3A_139 = arith.constant 0 : i32
        %dma_wait3A_140 = arith.constant 0 : i32
        %dma_wait3A_141 = tpu.memref_slice %arg25[%dma_wait3A_139, %dma_wait3A_140] : memref<100352x16xf32, #tpu.memory_space<vmem_shared>> -> memref<100352x16xf32, #tpu.memory_space<vmem_shared>>
        tpu.wait_indirect_dma semaphore(%arg20 : memref<!tpu.dma_semaphore, #tpu.memory_space<semaphore_mem>>) src(%dma_wait3A_135 : memref<128x16xf32, #tpu.memory_space<vmem>>) dst(%dma_wait3A_141 : memref<100352x16xf32, #tpu.memory_space<vmem_shared>>)
        %dma_wait3A_142 = arith.constant 3 : i32
        %dma_wait3A_143 = arith.constant 0 : i32
        %dma_wait3A_144 = arith.constant 0 : i32
        %dma_wait3A_145 = arith.constant 0 : i32
        %dma_wait3A_146 = tpu.memref_slice %arg10[%dma_wait3A_142, %dma_wait3A_144, %dma_wait3A_145] : memref<7x128x16xf32, #tpu.memory_space<vmem>> -> memref<1x128x16xf32, #tpu.memory_space<vmem>>
        %dma_wait3A_147 = tpu.memref_squeeze %dma_wait3A_146 : memref<1x128x16xf32, #tpu.memory_space<vmem>> -> memref<128x16xf32, #tpu.memory_space<vmem>>
        %dma_wait3A_148 = arith.constant 0 : i32
        %dma_wait3A_149 = tpu.memref_slice %arg9[%dma_wait3A_143, %dma_wait3A_148] : memref<56x128xi32, #tpu.memory_space<vmem>> -> memref<1x128xi32, #tpu.memory_space<vmem>>
        %dma_wait3A_150 = tpu.memref_squeeze %dma_wait3A_149 : memref<1x128xi32, #tpu.memory_space<vmem>> -> memref<128xi32, #tpu.memory_space<vmem>>
        %dma_wait3A_151 = arith.constant 0 : i32
        %dma_wait3A_152 = arith.constant 0 : i32
        %dma_wait3A_153 = tpu.memref_slice %arg25[%dma_wait3A_151, %dma_wait3A_152] : memref<100352x16xf32, #tpu.memory_space<vmem_shared>> -> memref<100352x16xf32, #tpu.memory_space<vmem_shared>>
        tpu.wait_indirect_dma semaphore(%arg21 : memref<!tpu.dma_semaphore, #tpu.memory_space<semaphore_mem>>) src(%dma_wait3A_147 : memref<128x16xf32, #tpu.memory_space<vmem>>) dst(%dma_wait3A_153 : memref<100352x16xf32, #tpu.memory_space<vmem_shared>>)
        %dma_wait3A_154 = arith.constant 4 : i32
        %dma_wait3A_155 = arith.constant 0 : i32
        %dma_wait3A_156 = arith.constant 0 : i32
        %dma_wait3A_157 = arith.constant 0 : i32
        %dma_wait3A_158 = tpu.memref_slice %arg10[%dma_wait3A_154, %dma_wait3A_156, %dma_wait3A_157] : memref<7x128x16xf32, #tpu.memory_space<vmem>> -> memref<1x128x16xf32, #tpu.memory_space<vmem>>
        %dma_wait3A_159 = tpu.memref_squeeze %dma_wait3A_158 : memref<1x128x16xf32, #tpu.memory_space<vmem>> -> memref<128x16xf32, #tpu.memory_space<vmem>>
        %dma_wait3A_160 = arith.constant 0 : i32
        %dma_wait3A_161 = tpu.memref_slice %arg9[%dma_wait3A_155, %dma_wait3A_160] : memref<56x128xi32, #tpu.memory_space<vmem>> -> memref<1x128xi32, #tpu.memory_space<vmem>>
        %dma_wait3A_162 = tpu.memref_squeeze %dma_wait3A_161 : memref<1x128xi32, #tpu.memory_space<vmem>> -> memref<128xi32, #tpu.memory_space<vmem>>
        %dma_wait3A_163 = arith.constant 0 : i32
        %dma_wait3A_164 = arith.constant 0 : i32
        %dma_wait3A_165 = tpu.memref_slice %arg25[%dma_wait3A_163, %dma_wait3A_164] : memref<100352x16xf32, #tpu.memory_space<vmem_shared>> -> memref<100352x16xf32, #tpu.memory_space<vmem_shared>>
        tpu.wait_indirect_dma semaphore(%arg22 : memref<!tpu.dma_semaphore, #tpu.memory_space<semaphore_mem>>) src(%dma_wait3A_159 : memref<128x16xf32, #tpu.memory_space<vmem>>) dst(%dma_wait3A_165 : memref<100352x16xf32, #tpu.memory_space<vmem_shared>>)
        %dma_wait3A_166 = arith.constant 5 : i32
        %dma_wait3A_167 = arith.constant 0 : i32
        %dma_wait3A_168 = arith.constant 0 : i32
        %dma_wait3A_169 = arith.constant 0 : i32
        %dma_wait3A_170 = tpu.memref_slice %arg10[%dma_wait3A_166, %dma_wait3A_168, %dma_wait3A_169] : memref<7x128x16xf32, #tpu.memory_space<vmem>> -> memref<1x128x16xf32, #tpu.memory_space<vmem>>
        %dma_wait3A_171 = tpu.memref_squeeze %dma_wait3A_170 : memref<1x128x16xf32, #tpu.memory_space<vmem>> -> memref<128x16xf32, #tpu.memory_space<vmem>>
        %dma_wait3A_172 = arith.constant 0 : i32
        %dma_wait3A_173 = tpu.memref_slice %arg9[%dma_wait3A_167, %dma_wait3A_172] : memref<56x128xi32, #tpu.memory_space<vmem>> -> memref<1x128xi32, #tpu.memory_space<vmem>>
        %dma_wait3A_174 = tpu.memref_squeeze %dma_wait3A_173 : memref<1x128xi32, #tpu.memory_space<vmem>> -> memref<128xi32, #tpu.memory_space<vmem>>
        %dma_wait3A_175 = arith.constant 0 : i32
        %dma_wait3A_176 = arith.constant 0 : i32
        %dma_wait3A_177 = tpu.memref_slice %arg25[%dma_wait3A_175, %dma_wait3A_176] : memref<100352x16xf32, #tpu.memory_space<vmem_shared>> -> memref<100352x16xf32, #tpu.memory_space<vmem_shared>>
        tpu.wait_indirect_dma semaphore(%arg23 : memref<!tpu.dma_semaphore, #tpu.memory_space<semaphore_mem>>) src(%dma_wait3A_171 : memref<128x16xf32, #tpu.memory_space<vmem>>) dst(%dma_wait3A_177 : memref<100352x16xf32, #tpu.memory_space<vmem_shared>>)
        %dma_wait3A_178 = arith.constant 6 : i32
        %dma_wait3A_179 = arith.constant 0 : i32
        %dma_wait3A_180 = arith.constant 0 : i32
        %dma_wait3A_181 = arith.constant 0 : i32
        %dma_wait3A_182 = tpu.memref_slice %arg10[%dma_wait3A_178, %dma_wait3A_180, %dma_wait3A_181] : memref<7x128x16xf32, #tpu.memory_space<vmem>> -> memref<1x128x16xf32, #tpu.memory_space<vmem>>
        %dma_wait3A_183 = tpu.memref_squeeze %dma_wait3A_182 : memref<1x128x16xf32, #tpu.memory_space<vmem>> -> memref<128x16xf32, #tpu.memory_space<vmem>>
        %dma_wait3A_184 = arith.constant 0 : i32
        %dma_wait3A_185 = tpu.memref_slice %arg9[%dma_wait3A_179, %dma_wait3A_184] : memref<56x128xi32, #tpu.memory_space<vmem>> -> memref<1x128xi32, #tpu.memory_space<vmem>>
        %dma_wait3A_186 = tpu.memref_squeeze %dma_wait3A_185 : memref<1x128xi32, #tpu.memory_space<vmem>> -> memref<128xi32, #tpu.memory_space<vmem>>
        %dma_wait3A_187 = arith.constant 0 : i32
        %dma_wait3A_188 = arith.constant 0 : i32
        %dma_wait3A_189 = tpu.memref_slice %arg25[%dma_wait3A_187, %dma_wait3A_188] : memref<100352x16xf32, #tpu.memory_space<vmem_shared>> -> memref<100352x16xf32, #tpu.memory_space<vmem_shared>>
        tpu.wait_indirect_dma semaphore(%arg24 : memref<!tpu.dma_semaphore, #tpu.memory_space<semaphore_mem>>) src(%dma_wait3A_183 : memref<128x16xf32, #tpu.memory_space<vmem>>) dst(%dma_wait3A_189 : memref<100352x16xf32, #tpu.memory_space<vmem_shared>>)
      }
      %scan3A_22 = arith.constant 28 : i32
    } else {
    }
    %eq3A_7 = arith.constant 1 : i32
    %eq3A_8 = arith.cmpi eq, %arg0, %eq3A_7 : i32
    %convert_element_type3A_9 = arith.extui %eq3A_8 : i1 to i32
    %cond3A_10 = arith.constant 0 : i32
    %cond3A_11 = arith.cmpi ne, %convert_element_type3A_9, %cond3A_10 : i32
    scf.if %cond3A_11 {
      %scan3A = arith.constant 0 : i32
      %scan3A_19 = arith.constant 28 : i32
      %scan3A_20 = arith.addi %scan3A, %scan3A_19 : i32
      %scan3A_21 = arith.constant 1 : i32
      scf.for %scan3A_23 = %scan3A to %scan3A_20 step %scan3A_21  : i32 {
        %mul3A_24 = arith.constant 1 : i32
        %mul3A_25 = arith.muli %scan3A_23, %mul3A_24 : i32
        %add3A_26 = arith.constant 0 : i32
        %add3A_27 = arith.addi %add3A_26, %mul3A_25 : i32
        %mul3A_28 = arith.constant 56 : i32
        %mul3A_29 = arith.muli %add3A_27, %mul3A_28 : i32
        %add3A_30 = arith.addi %mul3A_4, %mul3A_29 : i32
        "tpu.region"() ({
          %run_scoped3A = tpu.sem_alloc : memref<!tpu.dma_semaphore, #tpu.memory_space<semaphore_mem>>
          %dma_start3A_190 = arith.constant 0 : i32
          %dma_start3A_191 = tpu.memref_slice %arg2[%add3A_30, %dma_start3A_190] : memref<25088x128xi32, #tpu.memory_space<hbm>> -> memref<56x128xi32, #tpu.memory_space<hbm>>
          %dma_start3A_192 = arith.constant 0 : i32
          %dma_start3A_193 = tpu.memref_slice %arg2[%add3A_30, %dma_start3A_192] : memref<25088x128xi32, #tpu.memory_space<hbm>> -> memref<56x128xi32, #tpu.memory_space<hbm>>
          tpu.enqueue_dma source(%dma_start3A_193 : memref<56x128xi32, #tpu.memory_space<hbm>>) target(%arg8 : memref<56x128xi32, #tpu.memory_space<vmem>>) target_semaphore(%run_scoped3A : memref<!tpu.dma_semaphore, #tpu.memory_space<semaphore_mem>>)
          %dma_wait3A_194 = arith.constant 0 : i32
          %dma_wait3A_195 = tpu.memref_slice %arg2[%add3A_30, %dma_wait3A_194] : memref<25088x128xi32, #tpu.memory_space<hbm>> -> memref<56x128xi32, #tpu.memory_space<hbm>>
          %dma_wait3A_196 = arith.constant 0 : i32
          %dma_wait3A_197 = tpu.memref_slice %arg2[%add3A_30, %dma_wait3A_196] : memref<25088x128xi32, #tpu.memory_space<hbm>> -> memref<56x128xi32, #tpu.memory_space<hbm>>
          tpu.wait_dma2 semaphore(%run_scoped3A : memref<!tpu.dma_semaphore, #tpu.memory_space<semaphore_mem>>) src(%dma_wait3A_197 : memref<56x128xi32, #tpu.memory_space<hbm>>) dst(%arg8 : memref<56x128xi32, #tpu.memory_space<vmem>>)
          tpu.yield
        }) : () -> ()
        "tpu.region"() ({
          %run_scoped3A = tpu.sem_alloc : memref<!tpu.dma_semaphore, #tpu.memory_space<semaphore_mem>>
          %dma_start3A_190 = arith.constant 0 : i32
          %dma_start3A_191 = tpu.memref_slice %arg3[%add3A_30, %dma_start3A_190] : memref<25088x128xi32, #tpu.memory_space<hbm>> -> memref<56x128xi32, #tpu.memory_space<hbm>>
          %dma_start3A_192 = arith.constant 0 : i32
          %dma_start3A_193 = tpu.memref_slice %arg3[%add3A_30, %dma_start3A_192] : memref<25088x128xi32, #tpu.memory_space<hbm>> -> memref<56x128xi32, #tpu.memory_space<hbm>>
          tpu.enqueue_dma source(%dma_start3A_193 : memref<56x128xi32, #tpu.memory_space<hbm>>) target(%arg9 : memref<56x128xi32, #tpu.memory_space<vmem>>) target_semaphore(%run_scoped3A : memref<!tpu.dma_semaphore, #tpu.memory_space<semaphore_mem>>)
          %dma_wait3A_194 = arith.constant 0 : i32
          %dma_wait3A_195 = tpu.memref_slice %arg3[%add3A_30, %dma_wait3A_194] : memref<25088x128xi32, #tpu.memory_space<hbm>> -> memref<56x128xi32, #tpu.memory_space<hbm>>
          %dma_wait3A_196 = arith.constant 0 : i32
          %dma_wait3A_197 = tpu.memref_slice %arg3[%add3A_30, %dma_wait3A_196] : memref<25088x128xi32, #tpu.memory_space<hbm>> -> memref<56x128xi32, #tpu.memory_space<hbm>>
          tpu.wait_dma2 semaphore(%run_scoped3A : memref<!tpu.dma_semaphore, #tpu.memory_space<semaphore_mem>>) src(%dma_wait3A_197 : memref<56x128xi32, #tpu.memory_space<hbm>>) dst(%arg9 : memref<56x128xi32, #tpu.memory_space<vmem>>)
          tpu.yield
        }) : () -> ()
        %dma_start3A = arith.constant 0 : i32
        %dma_start3A_31 = arith.constant 0 : i32
        %dma_start3A_32 = arith.constant 0 : i32
        %dma_start3A_33 = arith.constant 0 : i32
        %dma_start3A_34 = tpu.memref_slice %arg10[%dma_start3A_31, %dma_start3A_32, %dma_start3A_33] : memref<7x128x16xf32, #tpu.memory_space<vmem>> -> memref<1x128x16xf32, #tpu.memory_space<vmem>>
        %dma_start3A_35 = tpu.memref_squeeze %dma_start3A_34 : memref<1x128x16xf32, #tpu.memory_space<vmem>> -> memref<128x16xf32, #tpu.memory_space<vmem>>
        %dma_start3A_36 = arith.constant 0 : i32
        %dma_start3A_37 = tpu.memref_slice %arg8[%dma_start3A, %dma_start3A_36] : memref<56x128xi32, #tpu.memory_space<vmem>> -> memref<1x128xi32, #tpu.memory_space<vmem>>
        %dma_start3A_38 = tpu.memref_squeeze %dma_start3A_37 : memref<1x128xi32, #tpu.memory_space<vmem>> -> memref<128xi32, #tpu.memory_space<vmem>>
        %dma_start3A_39 = arith.constant 0 : i32
        %dma_start3A_40 = arith.constant 0 : i32
        %dma_start3A_41 = tpu.memref_slice %arg5[%dma_start3A_39, %dma_start3A_40] : memref<100352x16xf32, #tpu.memory_space<hbm>> -> memref<100352x16xf32, #tpu.memory_space<hbm>>
        tpu.enqueue_indirect_dma source(%dma_start3A_41 : memref<100352x16xf32, #tpu.memory_space<hbm>>) target(%dma_start3A_35 : memref<128x16xf32, #tpu.memory_space<vmem>>) offsets(%dma_start3A_38 : memref<128xi32, #tpu.memory_space<vmem>>) semaphore(%arg11 : memref<!tpu.dma_semaphore, #tpu.memory_space<semaphore_mem>>)
        %dma_start3A_42 = arith.constant 1 : i32
        %dma_start3A_43 = arith.constant 1 : i32
        %dma_start3A_44 = arith.constant 0 : i32
        %dma_start3A_45 = arith.constant 0 : i32
        %dma_start3A_46 = tpu.memref_slice %arg10[%dma_start3A_43, %dma_start3A_44, %dma_start3A_45] : memref<7x128x16xf32, #tpu.memory_space<vmem>> -> memref<1x128x16xf32, #tpu.memory_space<vmem>>
        %dma_start3A_47 = tpu.memref_squeeze %dma_start3A_46 : memref<1x128x16xf32, #tpu.memory_space<vmem>> -> memref<128x16xf32, #tpu.memory_space<vmem>>
        %dma_start3A_48 = arith.constant 0 : i32
        %dma_start3A_49 = tpu.memref_slice %arg8[%dma_start3A_42, %dma_start3A_48] : memref<56x128xi32, #tpu.memory_space<vmem>> -> memref<1x128xi32, #tpu.memory_space<vmem>>
        %dma_start3A_50 = tpu.memref_squeeze %dma_start3A_49 : memref<1x128xi32, #tpu.memory_space<vmem>> -> memref<128xi32, #tpu.memory_space<vmem>>
        %dma_start3A_51 = arith.constant 0 : i32
        %dma_start3A_52 = arith.constant 0 : i32
        %dma_start3A_53 = tpu.memref_slice %arg5[%dma_start3A_51, %dma_start3A_52] : memref<100352x16xf32, #tpu.memory_space<hbm>> -> memref<100352x16xf32, #tpu.memory_space<hbm>>
        tpu.enqueue_indirect_dma source(%dma_start3A_53 : memref<100352x16xf32, #tpu.memory_space<hbm>>) target(%dma_start3A_47 : memref<128x16xf32, #tpu.memory_space<vmem>>) offsets(%dma_start3A_50 : memref<128xi32, #tpu.memory_space<vmem>>) semaphore(%arg12 : memref<!tpu.dma_semaphore, #tpu.memory_space<semaphore_mem>>)
        %dma_start3A_54 = arith.constant 2 : i32
        %dma_start3A_55 = arith.constant 2 : i32
        %dma_start3A_56 = arith.constant 0 : i32
        %dma_start3A_57 = arith.constant 0 : i32
        %dma_start3A_58 = tpu.memref_slice %arg10[%dma_start3A_55, %dma_start3A_56, %dma_start3A_57] : memref<7x128x16xf32, #tpu.memory_space<vmem>> -> memref<1x128x16xf32, #tpu.memory_space<vmem>>
        %dma_start3A_59 = tpu.memref_squeeze %dma_start3A_58 : memref<1x128x16xf32, #tpu.memory_space<vmem>> -> memref<128x16xf32, #tpu.memory_space<vmem>>
        %dma_start3A_60 = arith.constant 0 : i32
        %dma_start3A_61 = tpu.memref_slice %arg8[%dma_start3A_54, %dma_start3A_60] : memref<56x128xi32, #tpu.memory_space<vmem>> -> memref<1x128xi32, #tpu.memory_space<vmem>>
        %dma_start3A_62 = tpu.memref_squeeze %dma_start3A_61 : memref<1x128xi32, #tpu.memory_space<vmem>> -> memref<128xi32, #tpu.memory_space<vmem>>
        %dma_start3A_63 = arith.constant 0 : i32
        %dma_start3A_64 = arith.constant 0 : i32
        %dma_start3A_65 = tpu.memref_slice %arg5[%dma_start3A_63, %dma_start3A_64] : memref<100352x16xf32, #tpu.memory_space<hbm>> -> memref<100352x16xf32, #tpu.memory_space<hbm>>
        tpu.enqueue_indirect_dma source(%dma_start3A_65 : memref<100352x16xf32, #tpu.memory_space<hbm>>) target(%dma_start3A_59 : memref<128x16xf32, #tpu.memory_space<vmem>>) offsets(%dma_start3A_62 : memref<128xi32, #tpu.memory_space<vmem>>) semaphore(%arg13 : memref<!tpu.dma_semaphore, #tpu.memory_space<semaphore_mem>>)
        %dma_start3A_66 = arith.constant 3 : i32
        %dma_start3A_67 = arith.constant 3 : i32
        %dma_start3A_68 = arith.constant 0 : i32
        %dma_start3A_69 = arith.constant 0 : i32
        %dma_start3A_70 = tpu.memref_slice %arg10[%dma_start3A_67, %dma_start3A_68, %dma_start3A_69] : memref<7x128x16xf32, #tpu.memory_space<vmem>> -> memref<1x128x16xf32, #tpu.memory_space<vmem>>
        %dma_start3A_71 = tpu.memref_squeeze %dma_start3A_70 : memref<1x128x16xf32, #tpu.memory_space<vmem>> -> memref<128x16xf32, #tpu.memory_space<vmem>>
        %dma_start3A_72 = arith.constant 0 : i32
        %dma_start3A_73 = tpu.memref_slice %arg8[%dma_start3A_66, %dma_start3A_72] : memref<56x128xi32, #tpu.memory_space<vmem>> -> memref<1x128xi32, #tpu.memory_space<vmem>>
        %dma_start3A_74 = tpu.memref_squeeze %dma_start3A_73 : memref<1x128xi32, #tpu.memory_space<vmem>> -> memref<128xi32, #tpu.memory_space<vmem>>
        %dma_start3A_75 = arith.constant 0 : i32
        %dma_start3A_76 = arith.constant 0 : i32
        %dma_start3A_77 = tpu.memref_slice %arg5[%dma_start3A_75, %dma_start3A_76] : memref<100352x16xf32, #tpu.memory_space<hbm>> -> memref<100352x16xf32, #tpu.memory_space<hbm>>
        tpu.enqueue_indirect_dma source(%dma_start3A_77 : memref<100352x16xf32, #tpu.memory_space<hbm>>) target(%dma_start3A_71 : memref<128x16xf32, #tpu.memory_space<vmem>>) offsets(%dma_start3A_74 : memref<128xi32, #tpu.memory_space<vmem>>) semaphore(%arg14 : memref<!tpu.dma_semaphore, #tpu.memory_space<semaphore_mem>>)
        %dma_start3A_78 = arith.constant 4 : i32
        %dma_start3A_79 = arith.constant 4 : i32
        %dma_start3A_80 = arith.constant 0 : i32
        %dma_start3A_81 = arith.constant 0 : i32
        %dma_start3A_82 = tpu.memref_slice %arg10[%dma_start3A_79, %dma_start3A_80, %dma_start3A_81] : memref<7x128x16xf32, #tpu.memory_space<vmem>> -> memref<1x128x16xf32, #tpu.memory_space<vmem>>
        %dma_start3A_83 = tpu.memref_squeeze %dma_start3A_82 : memref<1x128x16xf32, #tpu.memory_space<vmem>> -> memref<128x16xf32, #tpu.memory_space<vmem>>
        %dma_start3A_84 = arith.constant 0 : i32
        %dma_start3A_85 = tpu.memref_slice %arg8[%dma_start3A_78, %dma_start3A_84] : memref<56x128xi32, #tpu.memory_space<vmem>> -> memref<1x128xi32, #tpu.memory_space<vmem>>
        %dma_start3A_86 = tpu.memref_squeeze %dma_start3A_85 : memref<1x128xi32, #tpu.memory_space<vmem>> -> memref<128xi32, #tpu.memory_space<vmem>>
        %dma_start3A_87 = arith.constant 0 : i32
        %dma_start3A_88 = arith.constant 0 : i32
        %dma_start3A_89 = tpu.memref_slice %arg5[%dma_start3A_87, %dma_start3A_88] : memref<100352x16xf32, #tpu.memory_space<hbm>> -> memref<100352x16xf32, #tpu.memory_space<hbm>>
        tpu.enqueue_indirect_dma source(%dma_start3A_89 : memref<100352x16xf32, #tpu.memory_space<hbm>>) target(%dma_start3A_83 : memref<128x16xf32, #tpu.memory_space<vmem>>) offsets(%dma_start3A_86 : memref<128xi32, #tpu.memory_space<vmem>>) semaphore(%arg15 : memref<!tpu.dma_semaphore, #tpu.memory_space<semaphore_mem>>)
        %dma_start3A_90 = arith.constant 5 : i32
        %dma_start3A_91 = arith.constant 5 : i32
        %dma_start3A_92 = arith.constant 0 : i32
        %dma_start3A_93 = arith.constant 0 : i32
        %dma_start3A_94 = tpu.memref_slice %arg10[%dma_start3A_91, %dma_start3A_92, %dma_start3A_93] : memref<7x128x16xf32, #tpu.memory_space<vmem>> -> memref<1x128x16xf32, #tpu.memory_space<vmem>>
        %dma_start3A_95 = tpu.memref_squeeze %dma_start3A_94 : memref<1x128x16xf32, #tpu.memory_space<vmem>> -> memref<128x16xf32, #tpu.memory_space<vmem>>
        %dma_start3A_96 = arith.constant 0 : i32
        %dma_start3A_97 = tpu.memref_slice %arg8[%dma_start3A_90, %dma_start3A_96] : memref<56x128xi32, #tpu.memory_space<vmem>> -> memref<1x128xi32, #tpu.memory_space<vmem>>
        %dma_start3A_98 = tpu.memref_squeeze %dma_start3A_97 : memref<1x128xi32, #tpu.memory_space<vmem>> -> memref<128xi32, #tpu.memory_space<vmem>>
        %dma_start3A_99 = arith.constant 0 : i32
        %dma_start3A_100 = arith.constant 0 : i32
        %dma_start3A_101 = tpu.memref_slice %arg5[%dma_start3A_99, %dma_start3A_100] : memref<100352x16xf32, #tpu.memory_space<hbm>> -> memref<100352x16xf32, #tpu.memory_space<hbm>>
        tpu.enqueue_indirect_dma source(%dma_start3A_101 : memref<100352x16xf32, #tpu.memory_space<hbm>>) target(%dma_start3A_95 : memref<128x16xf32, #tpu.memory_space<vmem>>) offsets(%dma_start3A_98 : memref<128xi32, #tpu.memory_space<vmem>>) semaphore(%arg16 : memref<!tpu.dma_semaphore, #tpu.memory_space<semaphore_mem>>)
        %scan3A_102 = arith.constant 0 : i32
        %scan3A_103 = arith.constant 8 : i32
        %scan3A_104 = arith.addi %scan3A_102, %scan3A_103 : i32
        %scan3A_105 = arith.constant 1 : i32
        scf.for %scan3A_190 = %scan3A_102 to %scan3A_104 step %scan3A_105  : i32 {
          %mul3A_191 = arith.constant 1 : i32
          %mul3A_192 = arith.muli %scan3A_190, %mul3A_191 : i32
          %add3A_193 = arith.constant 0 : i32
          %add3A_194 = arith.addi %add3A_193, %mul3A_192 : i32
          %mul3A_195 = arith.constant 7 : i32
          %mul3A_196 = arith.muli %add3A_194, %mul3A_195 : i32
          %add3A_197 = arith.constant 0 : i32
          %add3A_198 = arith.addi %mul3A_196, %add3A_197 : i32
          %dma_wait3A_199 = arith.constant 0 : i32
          %dma_wait3A_200 = arith.constant 0 : i32
          %dma_wait3A_201 = arith.constant 0 : i32
          %dma_wait3A_202 = tpu.memref_slice %arg10[%dma_wait3A_199, %dma_wait3A_200, %dma_wait3A_201] : memref<7x128x16xf32, #tpu.memory_space<vmem>> -> memref<1x128x16xf32, #tpu.memory_space<vmem>>
          %dma_wait3A_203 = tpu.memref_squeeze %dma_wait3A_202 : memref<1x128x16xf32, #tpu.memory_space<vmem>> -> memref<128x16xf32, #tpu.memory_space<vmem>>
          %dma_wait3A_204 = arith.constant 0 : i32
          %dma_wait3A_205 = tpu.memref_slice %arg8[%add3A_198, %dma_wait3A_204] : memref<56x128xi32, #tpu.memory_space<vmem>> -> memref<1x128xi32, #tpu.memory_space<vmem>>
          %dma_wait3A_206 = tpu.memref_squeeze %dma_wait3A_205 : memref<1x128xi32, #tpu.memory_space<vmem>> -> memref<128xi32, #tpu.memory_space<vmem>>
          %dma_wait3A_207 = arith.constant 0 : i32
          %dma_wait3A_208 = arith.constant 0 : i32
          %dma_wait3A_209 = tpu.memref_slice %arg5[%dma_wait3A_207, %dma_wait3A_208] : memref<100352x16xf32, #tpu.memory_space<hbm>> -> memref<100352x16xf32, #tpu.memory_space<hbm>>
          tpu.wait_indirect_dma semaphore(%arg11 : memref<!tpu.dma_semaphore, #tpu.memory_space<semaphore_mem>>) src(%dma_wait3A_209 : memref<100352x16xf32, #tpu.memory_space<hbm>>) dst(%dma_wait3A_203 : memref<128x16xf32, #tpu.memory_space<vmem>>)
          %dma_start3A_210 = arith.constant 0 : i32
          %dma_start3A_211 = arith.constant 0 : i32
          %dma_start3A_212 = arith.constant 0 : i32
          %dma_start3A_213 = tpu.memref_slice %arg10[%dma_start3A_210, %dma_start3A_211, %dma_start3A_212] : memref<7x128x16xf32, #tpu.memory_space<vmem>> -> memref<1x128x16xf32, #tpu.memory_space<vmem>>
          %dma_start3A_214 = tpu.memref_squeeze %dma_start3A_213 : memref<1x128x16xf32, #tpu.memory_space<vmem>> -> memref<128x16xf32, #tpu.memory_space<vmem>>
          %dma_start3A_215 = arith.constant 0 : i32
          %dma_start3A_216 = tpu.memref_slice %arg9[%add3A_198, %dma_start3A_215] : memref<56x128xi32, #tpu.memory_space<vmem>> -> memref<1x128xi32, #tpu.memory_space<vmem>>
          %dma_start3A_217 = tpu.memref_squeeze %dma_start3A_216 : memref<1x128xi32, #tpu.memory_space<vmem>> -> memref<128xi32, #tpu.memory_space<vmem>>
          %dma_start3A_218 = arith.constant 0 : i32
          %dma_start3A_219 = arith.constant 0 : i32
          %dma_start3A_220 = tpu.memref_slice %arg25[%dma_start3A_218, %dma_start3A_219] : memref<100352x16xf32, #tpu.memory_space<vmem_shared>> -> memref<100352x16xf32, #tpu.memory_space<vmem_shared>>
          tpu.enqueue_indirect_dma source(%dma_start3A_214 : memref<128x16xf32, #tpu.memory_space<vmem>>) target(%dma_start3A_220 : memref<100352x16xf32, #tpu.memory_space<vmem_shared>>) offsets(%dma_start3A_217 : memref<128xi32, #tpu.memory_space<vmem>>) semaphore(%arg18 : memref<!tpu.dma_semaphore, #tpu.memory_space<semaphore_mem>>) {add = true}
          %add3A_221 = arith.constant 6 : i32
          %add3A_222 = arith.addi %add3A_198, %add3A_221 : i32
          %lt3A = arith.constant 56 : i32
          %lt3A_223 = arith.cmpi slt, %add3A_222, %lt3A : i32
          %convert_element_type3A_224 = arith.extui %lt3A_223 : i1 to i32
          %cond3A_225 = arith.constant 0 : i32
          %cond3A_226 = arith.cmpi ne, %convert_element_type3A_224, %cond3A_225 : i32
          scf.if %cond3A_226 {
            %add3A_413 = arith.constant 6 : i32
            %add3A_414 = arith.addi %add3A_198, %add3A_413 : i32
            %ge3A = arith.constant 7 : i32
            %ge3A_415 = arith.cmpi sge, %add3A_414, %ge3A : i32
            %convert_element_type3A_416 = arith.extui %ge3A_415 : i1 to i32
            %cond3A_417 = arith.constant 0 : i32
            %cond3A_418 = arith.cmpi ne, %convert_element_type3A_416, %cond3A_417 : i32
            scf.if %cond3A_418 {
              %dma_wait3A_432 = arith.constant 6 : i32
              %dma_wait3A_433 = arith.constant 0 : i32
              %dma_wait3A_434 = arith.constant 0 : i32
              %dma_wait3A_435 = tpu.memref_slice %arg10[%dma_wait3A_432, %dma_wait3A_433, %dma_wait3A_434] : memref<7x128x16xf32, #tpu.memory_space<vmem>> -> memref<1x128x16xf32, #tpu.memory_space<vmem>>
              %dma_wait3A_436 = tpu.memref_squeeze %dma_wait3A_435 : memref<1x128x16xf32, #tpu.memory_space<vmem>> -> memref<128x16xf32, #tpu.memory_space<vmem>>
              %dma_wait3A_437 = arith.constant 0 : i32
              %dma_wait3A_438 = tpu.memref_slice %arg9[%add3A_198, %dma_wait3A_437] : memref<56x128xi32, #tpu.memory_space<vmem>> -> memref<1x128xi32, #tpu.memory_space<vmem>>
              %dma_wait3A_439 = tpu.memref_squeeze %dma_wait3A_438 : memref<1x128xi32, #tpu.memory_space<vmem>> -> memref<128xi32, #tpu.memory_space<vmem>>
              %dma_wait3A_440 = arith.constant 0 : i32
              %dma_wait3A_441 = arith.constant 0 : i32
              %dma_wait3A_442 = tpu.memref_slice %arg25[%dma_wait3A_440, %dma_wait3A_441] : memref<100352x16xf32, #tpu.memory_space<vmem_shared>> -> memref<100352x16xf32, #tpu.memory_space<vmem_shared>>
              tpu.wait_indirect_dma semaphore(%arg24 : memref<!tpu.dma_semaphore, #tpu.memory_space<semaphore_mem>>) src(%dma_wait3A_436 : memref<128x16xf32, #tpu.memory_space<vmem>>) dst(%dma_wait3A_442 : memref<100352x16xf32, #tpu.memory_space<vmem_shared>>)
            } else {
            }
            %add3A_419 = arith.constant 6 : i32
            %add3A_420 = arith.addi %add3A_198, %add3A_419 : i32
            %dma_start3A_421 = arith.constant 6 : i32
            %dma_start3A_422 = arith.constant 0 : i32
            %dma_start3A_423 = arith.constant 0 : i32
            %dma_start3A_424 = tpu.memref_slice %arg10[%dma_start3A_421, %dma_start3A_422, %dma_start3A_423] : memref<7x128x16xf32, #tpu.memory_space<vmem>> -> memref<1x128x16xf32, #tpu.memory_space<vmem>>
            %dma_start3A_425 = tpu.memref_squeeze %dma_start3A_424 : memref<1x128x16xf32, #tpu.memory_space<vmem>> -> memref<128x16xf32, #tpu.memory_space<vmem>>
            %dma_start3A_426 = arith.constant 0 : i32
            %dma_start3A_427 = tpu.memref_slice %arg8[%add3A_420, %dma_start3A_426] : memref<56x128xi32, #tpu.memory_space<vmem>> -> memref<1x128xi32, #tpu.memory_space<vmem>>
            %dma_start3A_428 = tpu.memref_squeeze %dma_start3A_427 : memref<1x128xi32, #tpu.memory_space<vmem>> -> memref<128xi32, #tpu.memory_space<vmem>>
            %dma_start3A_429 = arith.constant 0 : i32
            %dma_start3A_430 = arith.constant 0 : i32
            %dma_start3A_431 = tpu.memref_slice %arg5[%dma_start3A_429, %dma_start3A_430] : memref<100352x16xf32, #tpu.memory_space<hbm>> -> memref<100352x16xf32, #tpu.memory_space<hbm>>
            tpu.enqueue_indirect_dma source(%dma_start3A_431 : memref<100352x16xf32, #tpu.memory_space<hbm>>) target(%dma_start3A_425 : memref<128x16xf32, #tpu.memory_space<vmem>>) offsets(%dma_start3A_428 : memref<128xi32, #tpu.memory_space<vmem>>) semaphore(%arg17 : memref<!tpu.dma_semaphore, #tpu.memory_space<semaphore_mem>>)
          } else {
          }
          %add3A_227 = arith.constant 1 : i32
          %add3A_228 = arith.addi %mul3A_196, %add3A_227 : i32
          %dma_wait3A_229 = arith.constant 1 : i32
          %dma_wait3A_230 = arith.constant 0 : i32
          %dma_wait3A_231 = arith.constant 0 : i32
          %dma_wait3A_232 = tpu.memref_slice %arg10[%dma_wait3A_229, %dma_wait3A_230, %dma_wait3A_231] : memref<7x128x16xf32, #tpu.memory_space<vmem>> -> memref<1x128x16xf32, #tpu.memory_space<vmem>>
          %dma_wait3A_233 = tpu.memref_squeeze %dma_wait3A_232 : memref<1x128x16xf32, #tpu.memory_space<vmem>> -> memref<128x16xf32, #tpu.memory_space<vmem>>
          %dma_wait3A_234 = arith.constant 0 : i32
          %dma_wait3A_235 = tpu.memref_slice %arg8[%add3A_228, %dma_wait3A_234] : memref<56x128xi32, #tpu.memory_space<vmem>> -> memref<1x128xi32, #tpu.memory_space<vmem>>
          %dma_wait3A_236 = tpu.memref_squeeze %dma_wait3A_235 : memref<1x128xi32, #tpu.memory_space<vmem>> -> memref<128xi32, #tpu.memory_space<vmem>>
          %dma_wait3A_237 = arith.constant 0 : i32
          %dma_wait3A_238 = arith.constant 0 : i32
          %dma_wait3A_239 = tpu.memref_slice %arg5[%dma_wait3A_237, %dma_wait3A_238] : memref<100352x16xf32, #tpu.memory_space<hbm>> -> memref<100352x16xf32, #tpu.memory_space<hbm>>
          tpu.wait_indirect_dma semaphore(%arg12 : memref<!tpu.dma_semaphore, #tpu.memory_space<semaphore_mem>>) src(%dma_wait3A_239 : memref<100352x16xf32, #tpu.memory_space<hbm>>) dst(%dma_wait3A_233 : memref<128x16xf32, #tpu.memory_space<vmem>>)
          %dma_start3A_240 = arith.constant 1 : i32
          %dma_start3A_241 = arith.constant 0 : i32
          %dma_start3A_242 = arith.constant 0 : i32
          %dma_start3A_243 = tpu.memref_slice %arg10[%dma_start3A_240, %dma_start3A_241, %dma_start3A_242] : memref<7x128x16xf32, #tpu.memory_space<vmem>> -> memref<1x128x16xf32, #tpu.memory_space<vmem>>
          %dma_start3A_244 = tpu.memref_squeeze %dma_start3A_243 : memref<1x128x16xf32, #tpu.memory_space<vmem>> -> memref<128x16xf32, #tpu.memory_space<vmem>>
          %dma_start3A_245 = arith.constant 0 : i32
          %dma_start3A_246 = tpu.memref_slice %arg9[%add3A_228, %dma_start3A_245] : memref<56x128xi32, #tpu.memory_space<vmem>> -> memref<1x128xi32, #tpu.memory_space<vmem>>
          %dma_start3A_247 = tpu.memref_squeeze %dma_start3A_246 : memref<1x128xi32, #tpu.memory_space<vmem>> -> memref<128xi32, #tpu.memory_space<vmem>>
          %dma_start3A_248 = arith.constant 0 : i32
          %dma_start3A_249 = arith.constant 0 : i32
          %dma_start3A_250 = tpu.memref_slice %arg25[%dma_start3A_248, %dma_start3A_249] : memref<100352x16xf32, #tpu.memory_space<vmem_shared>> -> memref<100352x16xf32, #tpu.memory_space<vmem_shared>>
          tpu.enqueue_indirect_dma source(%dma_start3A_244 : memref<128x16xf32, #tpu.memory_space<vmem>>) target(%dma_start3A_250 : memref<100352x16xf32, #tpu.memory_space<vmem_shared>>) offsets(%dma_start3A_247 : memref<128xi32, #tpu.memory_space<vmem>>) semaphore(%arg19 : memref<!tpu.dma_semaphore, #tpu.memory_space<semaphore_mem>>) {add = true}
          %add3A_251 = arith.constant 6 : i32
          %add3A_252 = arith.addi %add3A_228, %add3A_251 : i32
          %lt3A_253 = arith.constant 56 : i32
          %lt3A_254 = arith.cmpi slt, %add3A_252, %lt3A_253 : i32
          %convert_element_type3A_255 = arith.extui %lt3A_254 : i1 to i32
          %cond3A_256 = arith.constant 0 : i32
          %cond3A_257 = arith.cmpi ne, %convert_element_type3A_255, %cond3A_256 : i32
          scf.if %cond3A_257 {
            %add3A_413 = arith.constant 6 : i32
            %add3A_414 = arith.addi %add3A_228, %add3A_413 : i32
            %ge3A = arith.constant 7 : i32
            %ge3A_415 = arith.cmpi sge, %add3A_414, %ge3A : i32
            %convert_element_type3A_416 = arith.extui %ge3A_415 : i1 to i32
            %cond3A_417 = arith.constant 0 : i32
            %cond3A_418 = arith.cmpi ne, %convert_element_type3A_416, %cond3A_417 : i32
            scf.if %cond3A_418 {
              %dma_wait3A_432 = arith.constant 0 : i32
              %dma_wait3A_433 = arith.constant 0 : i32
              %dma_wait3A_434 = arith.constant 0 : i32
              %dma_wait3A_435 = tpu.memref_slice %arg10[%dma_wait3A_432, %dma_wait3A_433, %dma_wait3A_434] : memref<7x128x16xf32, #tpu.memory_space<vmem>> -> memref<1x128x16xf32, #tpu.memory_space<vmem>>
              %dma_wait3A_436 = tpu.memref_squeeze %dma_wait3A_435 : memref<1x128x16xf32, #tpu.memory_space<vmem>> -> memref<128x16xf32, #tpu.memory_space<vmem>>
              %dma_wait3A_437 = arith.constant 0 : i32
              %dma_wait3A_438 = tpu.memref_slice %arg9[%add3A_228, %dma_wait3A_437] : memref<56x128xi32, #tpu.memory_space<vmem>> -> memref<1x128xi32, #tpu.memory_space<vmem>>
              %dma_wait3A_439 = tpu.memref_squeeze %dma_wait3A_438 : memref<1x128xi32, #tpu.memory_space<vmem>> -> memref<128xi32, #tpu.memory_space<vmem>>
              %dma_wait3A_440 = arith.constant 0 : i32
              %dma_wait3A_441 = arith.constant 0 : i32
              %dma_wait3A_442 = tpu.memref_slice %arg25[%dma_wait3A_440, %dma_wait3A_441] : memref<100352x16xf32, #tpu.memory_space<vmem_shared>> -> memref<100352x16xf32, #tpu.memory_space<vmem_shared>>
              tpu.wait_indirect_dma semaphore(%arg18 : memref<!tpu.dma_semaphore, #tpu.memory_space<semaphore_mem>>) src(%dma_wait3A_436 : memref<128x16xf32, #tpu.memory_space<vmem>>) dst(%dma_wait3A_442 : memref<100352x16xf32, #tpu.memory_space<vmem_shared>>)
            } else {
            }
            %add3A_419 = arith.constant 6 : i32
            %add3A_420 = arith.addi %add3A_228, %add3A_419 : i32
            %dma_start3A_421 = arith.constant 0 : i32
            %dma_start3A_422 = arith.constant 0 : i32
            %dma_start3A_423 = arith.constant 0 : i32
            %dma_start3A_424 = tpu.memref_slice %arg10[%dma_start3A_421, %dma_start3A_422, %dma_start3A_423] : memref<7x128x16xf32, #tpu.memory_space<vmem>> -> memref<1x128x16xf32, #tpu.memory_space<vmem>>
            %dma_start3A_425 = tpu.memref_squeeze %dma_start3A_424 : memref<1x128x16xf32, #tpu.memory_space<vmem>> -> memref<128x16xf32, #tpu.memory_space<vmem>>
            %dma_start3A_426 = arith.constant 0 : i32
            %dma_start3A_427 = tpu.memref_slice %arg8[%add3A_420, %dma_start3A_426] : memref<56x128xi32, #tpu.memory_space<vmem>> -> memref<1x128xi32, #tpu.memory_space<vmem>>
            %dma_start3A_428 = tpu.memref_squeeze %dma_start3A_427 : memref<1x128xi32, #tpu.memory_space<vmem>> -> memref<128xi32, #tpu.memory_space<vmem>>
            %dma_start3A_429 = arith.constant 0 : i32
            %dma_start3A_430 = arith.constant 0 : i32
            %dma_start3A_431 = tpu.memref_slice %arg5[%dma_start3A_429, %dma_start3A_430] : memref<100352x16xf32, #tpu.memory_space<hbm>> -> memref<100352x16xf32, #tpu.memory_space<hbm>>
            tpu.enqueue_indirect_dma source(%dma_start3A_431 : memref<100352x16xf32, #tpu.memory_space<hbm>>) target(%dma_start3A_425 : memref<128x16xf32, #tpu.memory_space<vmem>>) offsets(%dma_start3A_428 : memref<128xi32, #tpu.memory_space<vmem>>) semaphore(%arg11 : memref<!tpu.dma_semaphore, #tpu.memory_space<semaphore_mem>>)
          } else {
          }
          %add3A_258 = arith.constant 2 : i32
          %add3A_259 = arith.addi %mul3A_196, %add3A_258 : i32
          %dma_wait3A_260 = arith.constant 2 : i32
          %dma_wait3A_261 = arith.constant 0 : i32
          %dma_wait3A_262 = arith.constant 0 : i32
          %dma_wait3A_263 = tpu.memref_slice %arg10[%dma_wait3A_260, %dma_wait3A_261, %dma_wait3A_262] : memref<7x128x16xf32, #tpu.memory_space<vmem>> -> memref<1x128x16xf32, #tpu.memory_space<vmem>>
          %dma_wait3A_264 = tpu.memref_squeeze %dma_wait3A_263 : memref<1x128x16xf32, #tpu.memory_space<vmem>> -> memref<128x16xf32, #tpu.memory_space<vmem>>
          %dma_wait3A_265 = arith.constant 0 : i32
          %dma_wait3A_266 = tpu.memref_slice %arg8[%add3A_259, %dma_wait3A_265] : memref<56x128xi32, #tpu.memory_space<vmem>> -> memref<1x128xi32, #tpu.memory_space<vmem>>
          %dma_wait3A_267 = tpu.memref_squeeze %dma_wait3A_266 : memref<1x128xi32, #tpu.memory_space<vmem>> -> memref<128xi32, #tpu.memory_space<vmem>>
          %dma_wait3A_268 = arith.constant 0 : i32
          %dma_wait3A_269 = arith.constant 0 : i32
          %dma_wait3A_270 = tpu.memref_slice %arg5[%dma_wait3A_268, %dma_wait3A_269] : memref<100352x16xf32, #tpu.memory_space<hbm>> -> memref<100352x16xf32, #tpu.memory_space<hbm>>
          tpu.wait_indirect_dma semaphore(%arg13 : memref<!tpu.dma_semaphore, #tpu.memory_space<semaphore_mem>>) src(%dma_wait3A_270 : memref<100352x16xf32, #tpu.memory_space<hbm>>) dst(%dma_wait3A_264 : memref<128x16xf32, #tpu.memory_space<vmem>>)
          %dma_start3A_271 = arith.constant 2 : i32
          %dma_start3A_272 = arith.constant 0 : i32
          %dma_start3A_273 = arith.constant 0 : i32
          %dma_start3A_274 = tpu.memref_slice %arg10[%dma_start3A_271, %dma_start3A_272, %dma_start3A_273] : memref<7x128x16xf32, #tpu.memory_space<vmem>> -> memref<1x128x16xf32, #tpu.memory_space<vmem>>
          %dma_start3A_275 = tpu.memref_squeeze %dma_start3A_274 : memref<1x128x16xf32, #tpu.memory_space<vmem>> -> memref<128x16xf32, #tpu.memory_space<vmem>>
          %dma_start3A_276 = arith.constant 0 : i32
          %dma_start3A_277 = tpu.memref_slice %arg9[%add3A_259, %dma_start3A_276] : memref<56x128xi32, #tpu.memory_space<vmem>> -> memref<1x128xi32, #tpu.memory_space<vmem>>
          %dma_start3A_278 = tpu.memref_squeeze %dma_start3A_277 : memref<1x128xi32, #tpu.memory_space<vmem>> -> memref<128xi32, #tpu.memory_space<vmem>>
          %dma_start3A_279 = arith.constant 0 : i32
          %dma_start3A_280 = arith.constant 0 : i32
          %dma_start3A_281 = tpu.memref_slice %arg25[%dma_start3A_279, %dma_start3A_280] : memref<100352x16xf32, #tpu.memory_space<vmem_shared>> -> memref<100352x16xf32, #tpu.memory_space<vmem_shared>>
          tpu.enqueue_indirect_dma source(%dma_start3A_275 : memref<128x16xf32, #tpu.memory_space<vmem>>) target(%dma_start3A_281 : memref<100352x16xf32, #tpu.memory_space<vmem_shared>>) offsets(%dma_start3A_278 : memref<128xi32, #tpu.memory_space<vmem>>) semaphore(%arg20 : memref<!tpu.dma_semaphore, #tpu.memory_space<semaphore_mem>>) {add = true}
          %add3A_282 = arith.constant 6 : i32
          %add3A_283 = arith.addi %add3A_259, %add3A_282 : i32
          %lt3A_284 = arith.constant 56 : i32
          %lt3A_285 = arith.cmpi slt, %add3A_283, %lt3A_284 : i32
          %convert_element_type3A_286 = arith.extui %lt3A_285 : i1 to i32
          %cond3A_287 = arith.constant 0 : i32
          %cond3A_288 = arith.cmpi ne, %convert_element_type3A_286, %cond3A_287 : i32
          scf.if %cond3A_288 {
            %add3A_413 = arith.constant 6 : i32
            %add3A_414 = arith.addi %add3A_259, %add3A_413 : i32
            %ge3A = arith.constant 7 : i32
            %ge3A_415 = arith.cmpi sge, %add3A_414, %ge3A : i32
            %convert_element_type3A_416 = arith.extui %ge3A_415 : i1 to i32
            %cond3A_417 = arith.constant 0 : i32
            %cond3A_418 = arith.cmpi ne, %convert_element_type3A_416, %cond3A_417 : i32
            scf.if %cond3A_418 {
              %dma_wait3A_432 = arith.constant 1 : i32
              %dma_wait3A_433 = arith.constant 0 : i32
              %dma_wait3A_434 = arith.constant 0 : i32
              %dma_wait3A_435 = tpu.memref_slice %arg10[%dma_wait3A_432, %dma_wait3A_433, %dma_wait3A_434] : memref<7x128x16xf32, #tpu.memory_space<vmem>> -> memref<1x128x16xf32, #tpu.memory_space<vmem>>
              %dma_wait3A_436 = tpu.memref_squeeze %dma_wait3A_435 : memref<1x128x16xf32, #tpu.memory_space<vmem>> -> memref<128x16xf32, #tpu.memory_space<vmem>>
              %dma_wait3A_437 = arith.constant 0 : i32
              %dma_wait3A_438 = tpu.memref_slice %arg9[%add3A_259, %dma_wait3A_437] : memref<56x128xi32, #tpu.memory_space<vmem>> -> memref<1x128xi32, #tpu.memory_space<vmem>>
              %dma_wait3A_439 = tpu.memref_squeeze %dma_wait3A_438 : memref<1x128xi32, #tpu.memory_space<vmem>> -> memref<128xi32, #tpu.memory_space<vmem>>
              %dma_wait3A_440 = arith.constant 0 : i32
              %dma_wait3A_441 = arith.constant 0 : i32
              %dma_wait3A_442 = tpu.memref_slice %arg25[%dma_wait3A_440, %dma_wait3A_441] : memref<100352x16xf32, #tpu.memory_space<vmem_shared>> -> memref<100352x16xf32, #tpu.memory_space<vmem_shared>>
              tpu.wait_indirect_dma semaphore(%arg19 : memref<!tpu.dma_semaphore, #tpu.memory_space<semaphore_mem>>) src(%dma_wait3A_436 : memref<128x16xf32, #tpu.memory_space<vmem>>) dst(%dma_wait3A_442 : memref<100352x16xf32, #tpu.memory_space<vmem_shared>>)
            } else {
            }
            %add3A_419 = arith.constant 6 : i32
            %add3A_420 = arith.addi %add3A_259, %add3A_419 : i32
            %dma_start3A_421 = arith.constant 1 : i32
            %dma_start3A_422 = arith.constant 0 : i32
            %dma_start3A_423 = arith.constant 0 : i32
            %dma_start3A_424 = tpu.memref_slice %arg10[%dma_start3A_421, %dma_start3A_422, %dma_start3A_423] : memref<7x128x16xf32, #tpu.memory_space<vmem>> -> memref<1x128x16xf32, #tpu.memory_space<vmem>>
            %dma_start3A_425 = tpu.memref_squeeze %dma_start3A_424 : memref<1x128x16xf32, #tpu.memory_space<vmem>> -> memref<128x16xf32, #tpu.memory_space<vmem>>
            %dma_start3A_426 = arith.constant 0 : i32
            %dma_start3A_427 = tpu.memref_slice %arg8[%add3A_420, %dma_start3A_426] : memref<56x128xi32, #tpu.memory_space<vmem>> -> memref<1x128xi32, #tpu.memory_space<vmem>>
            %dma_start3A_428 = tpu.memref_squeeze %dma_start3A_427 : memref<1x128xi32, #tpu.memory_space<vmem>> -> memref<128xi32, #tpu.memory_space<vmem>>
            %dma_start3A_429 = arith.constant 0 : i32
            %dma_start3A_430 = arith.constant 0 : i32
            %dma_start3A_431 = tpu.memref_slice %arg5[%dma_start3A_429, %dma_start3A_430] : memref<100352x16xf32, #tpu.memory_space<hbm>> -> memref<100352x16xf32, #tpu.memory_space<hbm>>
            tpu.enqueue_indirect_dma source(%dma_start3A_431 : memref<100352x16xf32, #tpu.memory_space<hbm>>) target(%dma_start3A_425 : memref<128x16xf32, #tpu.memory_space<vmem>>) offsets(%dma_start3A_428 : memref<128xi32, #tpu.memory_space<vmem>>) semaphore(%arg12 : memref<!tpu.dma_semaphore, #tpu.memory_space<semaphore_mem>>)
          } else {
          }
          %add3A_289 = arith.constant 3 : i32
          %add3A_290 = arith.addi %mul3A_196, %add3A_289 : i32
          %dma_wait3A_291 = arith.constant 3 : i32
          %dma_wait3A_292 = arith.constant 0 : i32
          %dma_wait3A_293 = arith.constant 0 : i32
          %dma_wait3A_294 = tpu.memref_slice %arg10[%dma_wait3A_291, %dma_wait3A_292, %dma_wait3A_293] : memref<7x128x16xf32, #tpu.memory_space<vmem>> -> memref<1x128x16xf32, #tpu.memory_space<vmem>>
          %dma_wait3A_295 = tpu.memref_squeeze %dma_wait3A_294 : memref<1x128x16xf32, #tpu.memory_space<vmem>> -> memref<128x16xf32, #tpu.memory_space<vmem>>
          %dma_wait3A_296 = arith.constant 0 : i32
          %dma_wait3A_297 = tpu.memref_slice %arg8[%add3A_290, %dma_wait3A_296] : memref<56x128xi32, #tpu.memory_space<vmem>> -> memref<1x128xi32, #tpu.memory_space<vmem>>
          %dma_wait3A_298 = tpu.memref_squeeze %dma_wait3A_297 : memref<1x128xi32, #tpu.memory_space<vmem>> -> memref<128xi32, #tpu.memory_space<vmem>>
          %dma_wait3A_299 = arith.constant 0 : i32
          %dma_wait3A_300 = arith.constant 0 : i32
          %dma_wait3A_301 = tpu.memref_slice %arg5[%dma_wait3A_299, %dma_wait3A_300] : memref<100352x16xf32, #tpu.memory_space<hbm>> -> memref<100352x16xf32, #tpu.memory_space<hbm>>
          tpu.wait_indirect_dma semaphore(%arg14 : memref<!tpu.dma_semaphore, #tpu.memory_space<semaphore_mem>>) src(%dma_wait3A_301 : memref<100352x16xf32, #tpu.memory_space<hbm>>) dst(%dma_wait3A_295 : memref<128x16xf32, #tpu.memory_space<vmem>>)
          %dma_start3A_302 = arith.constant 3 : i32
          %dma_start3A_303 = arith.constant 0 : i32
          %dma_start3A_304 = arith.constant 0 : i32
          %dma_start3A_305 = tpu.memref_slice %arg10[%dma_start3A_302, %dma_start3A_303, %dma_start3A_304] : memref<7x128x16xf32, #tpu.memory_space<vmem>> -> memref<1x128x16xf32, #tpu.memory_space<vmem>>
          %dma_start3A_306 = tpu.memref_squeeze %dma_start3A_305 : memref<1x128x16xf32, #tpu.memory_space<vmem>> -> memref<128x16xf32, #tpu.memory_space<vmem>>
          %dma_start3A_307 = arith.constant 0 : i32
          %dma_start3A_308 = tpu.memref_slice %arg9[%add3A_290, %dma_start3A_307] : memref<56x128xi32, #tpu.memory_space<vmem>> -> memref<1x128xi32, #tpu.memory_space<vmem>>
          %dma_start3A_309 = tpu.memref_squeeze %dma_start3A_308 : memref<1x128xi32, #tpu.memory_space<vmem>> -> memref<128xi32, #tpu.memory_space<vmem>>
          %dma_start3A_310 = arith.constant 0 : i32
          %dma_start3A_311 = arith.constant 0 : i32
          %dma_start3A_312 = tpu.memref_slice %arg25[%dma_start3A_310, %dma_start3A_311] : memref<100352x16xf32, #tpu.memory_space<vmem_shared>> -> memref<100352x16xf32, #tpu.memory_space<vmem_shared>>
          tpu.enqueue_indirect_dma source(%dma_start3A_306 : memref<128x16xf32, #tpu.memory_space<vmem>>) target(%dma_start3A_312 : memref<100352x16xf32, #tpu.memory_space<vmem_shared>>) offsets(%dma_start3A_309 : memref<128xi32, #tpu.memory_space<vmem>>) semaphore(%arg21 : memref<!tpu.dma_semaphore, #tpu.memory_space<semaphore_mem>>) {add = true}
          %add3A_313 = arith.constant 6 : i32
          %add3A_314 = arith.addi %add3A_290, %add3A_313 : i32
          %lt3A_315 = arith.constant 56 : i32
          %lt3A_316 = arith.cmpi slt, %add3A_314, %lt3A_315 : i32
          %convert_element_type3A_317 = arith.extui %lt3A_316 : i1 to i32
          %cond3A_318 = arith.constant 0 : i32
          %cond3A_319 = arith.cmpi ne, %convert_element_type3A_317, %cond3A_318 : i32
          scf.if %cond3A_319 {
            %add3A_413 = arith.constant 6 : i32
            %add3A_414 = arith.addi %add3A_290, %add3A_413 : i32
            %ge3A = arith.constant 7 : i32
            %ge3A_415 = arith.cmpi sge, %add3A_414, %ge3A : i32
            %convert_element_type3A_416 = arith.extui %ge3A_415 : i1 to i32
            %cond3A_417 = arith.constant 0 : i32
            %cond3A_418 = arith.cmpi ne, %convert_element_type3A_416, %cond3A_417 : i32
            scf.if %cond3A_418 {
              %dma_wait3A_432 = arith.constant 2 : i32
              %dma_wait3A_433 = arith.constant 0 : i32
              %dma_wait3A_434 = arith.constant 0 : i32
              %dma_wait3A_435 = tpu.memref_slice %arg10[%dma_wait3A_432, %dma_wait3A_433, %dma_wait3A_434] : memref<7x128x16xf32, #tpu.memory_space<vmem>> -> memref<1x128x16xf32, #tpu.memory_space<vmem>>
              %dma_wait3A_436 = tpu.memref_squeeze %dma_wait3A_435 : memref<1x128x16xf32, #tpu.memory_space<vmem>> -> memref<128x16xf32, #tpu.memory_space<vmem>>
              %dma_wait3A_437 = arith.constant 0 : i32
              %dma_wait3A_438 = tpu.memref_slice %arg9[%add3A_290, %dma_wait3A_437] : memref<56x128xi32, #tpu.memory_space<vmem>> -> memref<1x128xi32, #tpu.memory_space<vmem>>
              %dma_wait3A_439 = tpu.memref_squeeze %dma_wait3A_438 : memref<1x128xi32, #tpu.memory_space<vmem>> -> memref<128xi32, #tpu.memory_space<vmem>>
              %dma_wait3A_440 = arith.constant 0 : i32
              %dma_wait3A_441 = arith.constant 0 : i32
              %dma_wait3A_442 = tpu.memref_slice %arg25[%dma_wait3A_440, %dma_wait3A_441] : memref<100352x16xf32, #tpu.memory_space<vmem_shared>> -> memref<100352x16xf32, #tpu.memory_space<vmem_shared>>
              tpu.wait_indirect_dma semaphore(%arg20 : memref<!tpu.dma_semaphore, #tpu.memory_space<semaphore_mem>>) src(%dma_wait3A_436 : memref<128x16xf32, #tpu.memory_space<vmem>>) dst(%dma_wait3A_442 : memref<100352x16xf32, #tpu.memory_space<vmem_shared>>)
            } else {
            }
            %add3A_419 = arith.constant 6 : i32
            %add3A_420 = arith.addi %add3A_290, %add3A_419 : i32
            %dma_start3A_421 = arith.constant 2 : i32
            %dma_start3A_422 = arith.constant 0 : i32
            %dma_start3A_423 = arith.constant 0 : i32
            %dma_start3A_424 = tpu.memref_slice %arg10[%dma_start3A_421, %dma_start3A_422, %dma_start3A_423] : memref<7x128x16xf32, #tpu.memory_space<vmem>> -> memref<1x128x16xf32, #tpu.memory_space<vmem>>
            %dma_start3A_425 = tpu.memref_squeeze %dma_start3A_424 : memref<1x128x16xf32, #tpu.memory_space<vmem>> -> memref<128x16xf32, #tpu.memory_space<vmem>>
            %dma_start3A_426 = arith.constant 0 : i32
            %dma_start3A_427 = tpu.memref_slice %arg8[%add3A_420, %dma_start3A_426] : memref<56x128xi32, #tpu.memory_space<vmem>> -> memref<1x128xi32, #tpu.memory_space<vmem>>
            %dma_start3A_428 = tpu.memref_squeeze %dma_start3A_427 : memref<1x128xi32, #tpu.memory_space<vmem>> -> memref<128xi32, #tpu.memory_space<vmem>>
            %dma_start3A_429 = arith.constant 0 : i32
            %dma_start3A_430 = arith.constant 0 : i32
            %dma_start3A_431 = tpu.memref_slice %arg5[%dma_start3A_429, %dma_start3A_430] : memref<100352x16xf32, #tpu.memory_space<hbm>> -> memref<100352x16xf32, #tpu.memory_space<hbm>>
            tpu.enqueue_indirect_dma source(%dma_start3A_431 : memref<100352x16xf32, #tpu.memory_space<hbm>>) target(%dma_start3A_425 : memref<128x16xf32, #tpu.memory_space<vmem>>) offsets(%dma_start3A_428 : memref<128xi32, #tpu.memory_space<vmem>>) semaphore(%arg13 : memref<!tpu.dma_semaphore, #tpu.memory_space<semaphore_mem>>)
          } else {
          }
          %add3A_320 = arith.constant 4 : i32
          %add3A_321 = arith.addi %mul3A_196, %add3A_320 : i32
          %dma_wait3A_322 = arith.constant 4 : i32
          %dma_wait3A_323 = arith.constant 0 : i32
          %dma_wait3A_324 = arith.constant 0 : i32
          %dma_wait3A_325 = tpu.memref_slice %arg10[%dma_wait3A_322, %dma_wait3A_323, %dma_wait3A_324] : memref<7x128x16xf32, #tpu.memory_space<vmem>> -> memref<1x128x16xf32, #tpu.memory_space<vmem>>
          %dma_wait3A_326 = tpu.memref_squeeze %dma_wait3A_325 : memref<1x128x16xf32, #tpu.memory_space<vmem>> -> memref<128x16xf32, #tpu.memory_space<vmem>>
          %dma_wait3A_327 = arith.constant 0 : i32
          %dma_wait3A_328 = tpu.memref_slice %arg8[%add3A_321, %dma_wait3A_327] : memref<56x128xi32, #tpu.memory_space<vmem>> -> memref<1x128xi32, #tpu.memory_space<vmem>>
          %dma_wait3A_329 = tpu.memref_squeeze %dma_wait3A_328 : memref<1x128xi32, #tpu.memory_space<vmem>> -> memref<128xi32, #tpu.memory_space<vmem>>
          %dma_wait3A_330 = arith.constant 0 : i32
          %dma_wait3A_331 = arith.constant 0 : i32
          %dma_wait3A_332 = tpu.memref_slice %arg5[%dma_wait3A_330, %dma_wait3A_331] : memref<100352x16xf32, #tpu.memory_space<hbm>> -> memref<100352x16xf32, #tpu.memory_space<hbm>>
          tpu.wait_indirect_dma semaphore(%arg15 : memref<!tpu.dma_semaphore, #tpu.memory_space<semaphore_mem>>) src(%dma_wait3A_332 : memref<100352x16xf32, #tpu.memory_space<hbm>>) dst(%dma_wait3A_326 : memref<128x16xf32, #tpu.memory_space<vmem>>)
          %dma_start3A_333 = arith.constant 4 : i32
          %dma_start3A_334 = arith.constant 0 : i32
          %dma_start3A_335 = arith.constant 0 : i32
          %dma_start3A_336 = tpu.memref_slice %arg10[%dma_start3A_333, %dma_start3A_334, %dma_start3A_335] : memref<7x128x16xf32, #tpu.memory_space<vmem>> -> memref<1x128x16xf32, #tpu.memory_space<vmem>>
          %dma_start3A_337 = tpu.memref_squeeze %dma_start3A_336 : memref<1x128x16xf32, #tpu.memory_space<vmem>> -> memref<128x16xf32, #tpu.memory_space<vmem>>
          %dma_start3A_338 = arith.constant 0 : i32
          %dma_start3A_339 = tpu.memref_slice %arg9[%add3A_321, %dma_start3A_338] : memref<56x128xi32, #tpu.memory_space<vmem>> -> memref<1x128xi32, #tpu.memory_space<vmem>>
          %dma_start3A_340 = tpu.memref_squeeze %dma_start3A_339 : memref<1x128xi32, #tpu.memory_space<vmem>> -> memref<128xi32, #tpu.memory_space<vmem>>
          %dma_start3A_341 = arith.constant 0 : i32
          %dma_start3A_342 = arith.constant 0 : i32
          %dma_start3A_343 = tpu.memref_slice %arg25[%dma_start3A_341, %dma_start3A_342] : memref<100352x16xf32, #tpu.memory_space<vmem_shared>> -> memref<100352x16xf32, #tpu.memory_space<vmem_shared>>
          tpu.enqueue_indirect_dma source(%dma_start3A_337 : memref<128x16xf32, #tpu.memory_space<vmem>>) target(%dma_start3A_343 : memref<100352x16xf32, #tpu.memory_space<vmem_shared>>) offsets(%dma_start3A_340 : memref<128xi32, #tpu.memory_space<vmem>>) semaphore(%arg22 : memref<!tpu.dma_semaphore, #tpu.memory_space<semaphore_mem>>) {add = true}
          %add3A_344 = arith.constant 6 : i32
          %add3A_345 = arith.addi %add3A_321, %add3A_344 : i32
          %lt3A_346 = arith.constant 56 : i32
          %lt3A_347 = arith.cmpi slt, %add3A_345, %lt3A_346 : i32
          %convert_element_type3A_348 = arith.extui %lt3A_347 : i1 to i32
          %cond3A_349 = arith.constant 0 : i32
          %cond3A_350 = arith.cmpi ne, %convert_element_type3A_348, %cond3A_349 : i32
          scf.if %cond3A_350 {
            %add3A_413 = arith.constant 6 : i32
            %add3A_414 = arith.addi %add3A_321, %add3A_413 : i32
            %ge3A = arith.constant 7 : i32
            %ge3A_415 = arith.cmpi sge, %add3A_414, %ge3A : i32
            %convert_element_type3A_416 = arith.extui %ge3A_415 : i1 to i32
            %cond3A_417 = arith.constant 0 : i32
            %cond3A_418 = arith.cmpi ne, %convert_element_type3A_416, %cond3A_417 : i32
            scf.if %cond3A_418 {
              %dma_wait3A_432 = arith.constant 3 : i32
              %dma_wait3A_433 = arith.constant 0 : i32
              %dma_wait3A_434 = arith.constant 0 : i32
              %dma_wait3A_435 = tpu.memref_slice %arg10[%dma_wait3A_432, %dma_wait3A_433, %dma_wait3A_434] : memref<7x128x16xf32, #tpu.memory_space<vmem>> -> memref<1x128x16xf32, #tpu.memory_space<vmem>>
              %dma_wait3A_436 = tpu.memref_squeeze %dma_wait3A_435 : memref<1x128x16xf32, #tpu.memory_space<vmem>> -> memref<128x16xf32, #tpu.memory_space<vmem>>
              %dma_wait3A_437 = arith.constant 0 : i32
              %dma_wait3A_438 = tpu.memref_slice %arg9[%add3A_321, %dma_wait3A_437] : memref<56x128xi32, #tpu.memory_space<vmem>> -> memref<1x128xi32, #tpu.memory_space<vmem>>
              %dma_wait3A_439 = tpu.memref_squeeze %dma_wait3A_438 : memref<1x128xi32, #tpu.memory_space<vmem>> -> memref<128xi32, #tpu.memory_space<vmem>>
              %dma_wait3A_440 = arith.constant 0 : i32
              %dma_wait3A_441 = arith.constant 0 : i32
              %dma_wait3A_442 = tpu.memref_slice %arg25[%dma_wait3A_440, %dma_wait3A_441] : memref<100352x16xf32, #tpu.memory_space<vmem_shared>> -> memref<100352x16xf32, #tpu.memory_space<vmem_shared>>
              tpu.wait_indirect_dma semaphore(%arg21 : memref<!tpu.dma_semaphore, #tpu.memory_space<semaphore_mem>>) src(%dma_wait3A_436 : memref<128x16xf32, #tpu.memory_space<vmem>>) dst(%dma_wait3A_442 : memref<100352x16xf32, #tpu.memory_space<vmem_shared>>)
            } else {
            }
            %add3A_419 = arith.constant 6 : i32
            %add3A_420 = arith.addi %add3A_321, %add3A_419 : i32
            %dma_start3A_421 = arith.constant 3 : i32
            %dma_start3A_422 = arith.constant 0 : i32
            %dma_start3A_423 = arith.constant 0 : i32
            %dma_start3A_424 = tpu.memref_slice %arg10[%dma_start3A_421, %dma_start3A_422, %dma_start3A_423] : memref<7x128x16xf32, #tpu.memory_space<vmem>> -> memref<1x128x16xf32, #tpu.memory_space<vmem>>
            %dma_start3A_425 = tpu.memref_squeeze %dma_start3A_424 : memref<1x128x16xf32, #tpu.memory_space<vmem>> -> memref<128x16xf32, #tpu.memory_space<vmem>>
            %dma_start3A_426 = arith.constant 0 : i32
            %dma_start3A_427 = tpu.memref_slice %arg8[%add3A_420, %dma_start3A_426] : memref<56x128xi32, #tpu.memory_space<vmem>> -> memref<1x128xi32, #tpu.memory_space<vmem>>
            %dma_start3A_428 = tpu.memref_squeeze %dma_start3A_427 : memref<1x128xi32, #tpu.memory_space<vmem>> -> memref<128xi32, #tpu.memory_space<vmem>>
            %dma_start3A_429 = arith.constant 0 : i32
            %dma_start3A_430 = arith.constant 0 : i32
            %dma_start3A_431 = tpu.memref_slice %arg5[%dma_start3A_429, %dma_start3A_430] : memref<100352x16xf32, #tpu.memory_space<hbm>> -> memref<100352x16xf32, #tpu.memory_space<hbm>>
            tpu.enqueue_indirect_dma source(%dma_start3A_431 : memref<100352x16xf32, #tpu.memory_space<hbm>>) target(%dma_start3A_425 : memref<128x16xf32, #tpu.memory_space<vmem>>) offsets(%dma_start3A_428 : memref<128xi32, #tpu.memory_space<vmem>>) semaphore(%arg14 : memref<!tpu.dma_semaphore, #tpu.memory_space<semaphore_mem>>)
          } else {
          }
          %add3A_351 = arith.constant 5 : i32
          %add3A_352 = arith.addi %mul3A_196, %add3A_351 : i32
          %dma_wait3A_353 = arith.constant 5 : i32
          %dma_wait3A_354 = arith.constant 0 : i32
          %dma_wait3A_355 = arith.constant 0 : i32
          %dma_wait3A_356 = tpu.memref_slice %arg10[%dma_wait3A_353, %dma_wait3A_354, %dma_wait3A_355] : memref<7x128x16xf32, #tpu.memory_space<vmem>> -> memref<1x128x16xf32, #tpu.memory_space<vmem>>
          %dma_wait3A_357 = tpu.memref_squeeze %dma_wait3A_356 : memref<1x128x16xf32, #tpu.memory_space<vmem>> -> memref<128x16xf32, #tpu.memory_space<vmem>>
          %dma_wait3A_358 = arith.constant 0 : i32
          %dma_wait3A_359 = tpu.memref_slice %arg8[%add3A_352, %dma_wait3A_358] : memref<56x128xi32, #tpu.memory_space<vmem>> -> memref<1x128xi32, #tpu.memory_space<vmem>>
          %dma_wait3A_360 = tpu.memref_squeeze %dma_wait3A_359 : memref<1x128xi32, #tpu.memory_space<vmem>> -> memref<128xi32, #tpu.memory_space<vmem>>
          %dma_wait3A_361 = arith.constant 0 : i32
          %dma_wait3A_362 = arith.constant 0 : i32
          %dma_wait3A_363 = tpu.memref_slice %arg5[%dma_wait3A_361, %dma_wait3A_362] : memref<100352x16xf32, #tpu.memory_space<hbm>> -> memref<100352x16xf32, #tpu.memory_space<hbm>>
          tpu.wait_indirect_dma semaphore(%arg16 : memref<!tpu.dma_semaphore, #tpu.memory_space<semaphore_mem>>) src(%dma_wait3A_363 : memref<100352x16xf32, #tpu.memory_space<hbm>>) dst(%dma_wait3A_357 : memref<128x16xf32, #tpu.memory_space<vmem>>)
          %dma_start3A_364 = arith.constant 5 : i32
          %dma_start3A_365 = arith.constant 0 : i32
          %dma_start3A_366 = arith.constant 0 : i32
          %dma_start3A_367 = tpu.memref_slice %arg10[%dma_start3A_364, %dma_start3A_365, %dma_start3A_366] : memref<7x128x16xf32, #tpu.memory_space<vmem>> -> memref<1x128x16xf32, #tpu.memory_space<vmem>>
          %dma_start3A_368 = tpu.memref_squeeze %dma_start3A_367 : memref<1x128x16xf32, #tpu.memory_space<vmem>> -> memref<128x16xf32, #tpu.memory_space<vmem>>
          %dma_start3A_369 = arith.constant 0 : i32
          %dma_start3A_370 = tpu.memref_slice %arg9[%add3A_352, %dma_start3A_369] : memref<56x128xi32, #tpu.memory_space<vmem>> -> memref<1x128xi32, #tpu.memory_space<vmem>>
          %dma_start3A_371 = tpu.memref_squeeze %dma_start3A_370 : memref<1x128xi32, #tpu.memory_space<vmem>> -> memref<128xi32, #tpu.memory_space<vmem>>
          %dma_start3A_372 = arith.constant 0 : i32
          %dma_start3A_373 = arith.constant 0 : i32
          %dma_start3A_374 = tpu.memref_slice %arg25[%dma_start3A_372, %dma_start3A_373] : memref<100352x16xf32, #tpu.memory_space<vmem_shared>> -> memref<100352x16xf32, #tpu.memory_space<vmem_shared>>
          tpu.enqueue_indirect_dma source(%dma_start3A_368 : memref<128x16xf32, #tpu.memory_space<vmem>>) target(%dma_start3A_374 : memref<100352x16xf32, #tpu.memory_space<vmem_shared>>) offsets(%dma_start3A_371 : memref<128xi32, #tpu.memory_space<vmem>>) semaphore(%arg23 : memref<!tpu.dma_semaphore, #tpu.memory_space<semaphore_mem>>) {add = true}
          %add3A_375 = arith.constant 6 : i32
          %add3A_376 = arith.addi %add3A_352, %add3A_375 : i32
          %lt3A_377 = arith.constant 56 : i32
          %lt3A_378 = arith.cmpi slt, %add3A_376, %lt3A_377 : i32
          %convert_element_type3A_379 = arith.extui %lt3A_378 : i1 to i32
          %cond3A_380 = arith.constant 0 : i32
          %cond3A_381 = arith.cmpi ne, %convert_element_type3A_379, %cond3A_380 : i32
          scf.if %cond3A_381 {
            %add3A_413 = arith.constant 6 : i32
            %add3A_414 = arith.addi %add3A_352, %add3A_413 : i32
            %ge3A = arith.constant 7 : i32
            %ge3A_415 = arith.cmpi sge, %add3A_414, %ge3A : i32
            %convert_element_type3A_416 = arith.extui %ge3A_415 : i1 to i32
            %cond3A_417 = arith.constant 0 : i32
            %cond3A_418 = arith.cmpi ne, %convert_element_type3A_416, %cond3A_417 : i32
            scf.if %cond3A_418 {
              %dma_wait3A_432 = arith.constant 4 : i32
              %dma_wait3A_433 = arith.constant 0 : i32
              %dma_wait3A_434 = arith.constant 0 : i32
              %dma_wait3A_435 = tpu.memref_slice %arg10[%dma_wait3A_432, %dma_wait3A_433, %dma_wait3A_434] : memref<7x128x16xf32, #tpu.memory_space<vmem>> -> memref<1x128x16xf32, #tpu.memory_space<vmem>>
              %dma_wait3A_436 = tpu.memref_squeeze %dma_wait3A_435 : memref<1x128x16xf32, #tpu.memory_space<vmem>> -> memref<128x16xf32, #tpu.memory_space<vmem>>
              %dma_wait3A_437 = arith.constant 0 : i32
              %dma_wait3A_438 = tpu.memref_slice %arg9[%add3A_352, %dma_wait3A_437] : memref<56x128xi32, #tpu.memory_space<vmem>> -> memref<1x128xi32, #tpu.memory_space<vmem>>
              %dma_wait3A_439 = tpu.memref_squeeze %dma_wait3A_438 : memref<1x128xi32, #tpu.memory_space<vmem>> -> memref<128xi32, #tpu.memory_space<vmem>>
              %dma_wait3A_440 = arith.constant 0 : i32
              %dma_wait3A_441 = arith.constant 0 : i32
              %dma_wait3A_442 = tpu.memref_slice %arg25[%dma_wait3A_440, %dma_wait3A_441] : memref<100352x16xf32, #tpu.memory_space<vmem_shared>> -> memref<100352x16xf32, #tpu.memory_space<vmem_shared>>
              tpu.wait_indirect_dma semaphore(%arg22 : memref<!tpu.dma_semaphore, #tpu.memory_space<semaphore_mem>>) src(%dma_wait3A_436 : memref<128x16xf32, #tpu.memory_space<vmem>>) dst(%dma_wait3A_442 : memref<100352x16xf32, #tpu.memory_space<vmem_shared>>)
            } else {
            }
            %add3A_419 = arith.constant 6 : i32
            %add3A_420 = arith.addi %add3A_352, %add3A_419 : i32
            %dma_start3A_421 = arith.constant 4 : i32
            %dma_start3A_422 = arith.constant 0 : i32
            %dma_start3A_423 = arith.constant 0 : i32
            %dma_start3A_424 = tpu.memref_slice %arg10[%dma_start3A_421, %dma_start3A_422, %dma_start3A_423] : memref<7x128x16xf32, #tpu.memory_space<vmem>> -> memref<1x128x16xf32, #tpu.memory_space<vmem>>
            %dma_start3A_425 = tpu.memref_squeeze %dma_start3A_424 : memref<1x128x16xf32, #tpu.memory_space<vmem>> -> memref<128x16xf32, #tpu.memory_space<vmem>>
            %dma_start3A_426 = arith.constant 0 : i32
            %dma_start3A_427 = tpu.memref_slice %arg8[%add3A_420, %dma_start3A_426] : memref<56x128xi32, #tpu.memory_space<vmem>> -> memref<1x128xi32, #tpu.memory_space<vmem>>
            %dma_start3A_428 = tpu.memref_squeeze %dma_start3A_427 : memref<1x128xi32, #tpu.memory_space<vmem>> -> memref<128xi32, #tpu.memory_space<vmem>>
            %dma_start3A_429 = arith.constant 0 : i32
            %dma_start3A_430 = arith.constant 0 : i32
            %dma_start3A_431 = tpu.memref_slice %arg5[%dma_start3A_429, %dma_start3A_430] : memref<100352x16xf32, #tpu.memory_space<hbm>> -> memref<100352x16xf32, #tpu.memory_space<hbm>>
            tpu.enqueue_indirect_dma source(%dma_start3A_431 : memref<100352x16xf32, #tpu.memory_space<hbm>>) target(%dma_start3A_425 : memref<128x16xf32, #tpu.memory_space<vmem>>) offsets(%dma_start3A_428 : memref<128xi32, #tpu.memory_space<vmem>>) semaphore(%arg15 : memref<!tpu.dma_semaphore, #tpu.memory_space<semaphore_mem>>)
          } else {
          }
          %add3A_382 = arith.constant 6 : i32
          %add3A_383 = arith.addi %mul3A_196, %add3A_382 : i32
          %dma_wait3A_384 = arith.constant 6 : i32
          %dma_wait3A_385 = arith.constant 0 : i32
          %dma_wait3A_386 = arith.constant 0 : i32
          %dma_wait3A_387 = tpu.memref_slice %arg10[%dma_wait3A_384, %dma_wait3A_385, %dma_wait3A_386] : memref<7x128x16xf32, #tpu.memory_space<vmem>> -> memref<1x128x16xf32, #tpu.memory_space<vmem>>
          %dma_wait3A_388 = tpu.memref_squeeze %dma_wait3A_387 : memref<1x128x16xf32, #tpu.memory_space<vmem>> -> memref<128x16xf32, #tpu.memory_space<vmem>>
          %dma_wait3A_389 = arith.constant 0 : i32
          %dma_wait3A_390 = tpu.memref_slice %arg8[%add3A_383, %dma_wait3A_389] : memref<56x128xi32, #tpu.memory_space<vmem>> -> memref<1x128xi32, #tpu.memory_space<vmem>>
          %dma_wait3A_391 = tpu.memref_squeeze %dma_wait3A_390 : memref<1x128xi32, #tpu.memory_space<vmem>> -> memref<128xi32, #tpu.memory_space<vmem>>
          %dma_wait3A_392 = arith.constant 0 : i32
          %dma_wait3A_393 = arith.constant 0 : i32
          %dma_wait3A_394 = tpu.memref_slice %arg5[%dma_wait3A_392, %dma_wait3A_393] : memref<100352x16xf32, #tpu.memory_space<hbm>> -> memref<100352x16xf32, #tpu.memory_space<hbm>>
          tpu.wait_indirect_dma semaphore(%arg17 : memref<!tpu.dma_semaphore, #tpu.memory_space<semaphore_mem>>) src(%dma_wait3A_394 : memref<100352x16xf32, #tpu.memory_space<hbm>>) dst(%dma_wait3A_388 : memref<128x16xf32, #tpu.memory_space<vmem>>)
          %dma_start3A_395 = arith.constant 6 : i32
          %dma_start3A_396 = arith.constant 0 : i32
          %dma_start3A_397 = arith.constant 0 : i32
          %dma_start3A_398 = tpu.memref_slice %arg10[%dma_start3A_395, %dma_start3A_396, %dma_start3A_397] : memref<7x128x16xf32, #tpu.memory_space<vmem>> -> memref<1x128x16xf32, #tpu.memory_space<vmem>>
          %dma_start3A_399 = tpu.memref_squeeze %dma_start3A_398 : memref<1x128x16xf32, #tpu.memory_space<vmem>> -> memref<128x16xf32, #tpu.memory_space<vmem>>
          %dma_start3A_400 = arith.constant 0 : i32
          %dma_start3A_401 = tpu.memref_slice %arg9[%add3A_383, %dma_start3A_400] : memref<56x128xi32, #tpu.memory_space<vmem>> -> memref<1x128xi32, #tpu.memory_space<vmem>>
          %dma_start3A_402 = tpu.memref_squeeze %dma_start3A_401 : memref<1x128xi32, #tpu.memory_space<vmem>> -> memref<128xi32, #tpu.memory_space<vmem>>
          %dma_start3A_403 = arith.constant 0 : i32
          %dma_start3A_404 = arith.constant 0 : i32
          %dma_start3A_405 = tpu.memref_slice %arg25[%dma_start3A_403, %dma_start3A_404] : memref<100352x16xf32, #tpu.memory_space<vmem_shared>> -> memref<100352x16xf32, #tpu.memory_space<vmem_shared>>
          tpu.enqueue_indirect_dma source(%dma_start3A_399 : memref<128x16xf32, #tpu.memory_space<vmem>>) target(%dma_start3A_405 : memref<100352x16xf32, #tpu.memory_space<vmem_shared>>) offsets(%dma_start3A_402 : memref<128xi32, #tpu.memory_space<vmem>>) semaphore(%arg24 : memref<!tpu.dma_semaphore, #tpu.memory_space<semaphore_mem>>) {add = true}
          %add3A_406 = arith.constant 6 : i32
          %add3A_407 = arith.addi %add3A_383, %add3A_406 : i32
          %lt3A_408 = arith.constant 56 : i32
          %lt3A_409 = arith.cmpi slt, %add3A_407, %lt3A_408 : i32
          %convert_element_type3A_410 = arith.extui %lt3A_409 : i1 to i32
          %cond3A_411 = arith.constant 0 : i32
          %cond3A_412 = arith.cmpi ne, %convert_element_type3A_410, %cond3A_411 : i32
          scf.if %cond3A_412 {
            %add3A_413 = arith.constant 6 : i32
            %add3A_414 = arith.addi %add3A_383, %add3A_413 : i32
            %ge3A = arith.constant 7 : i32
            %ge3A_415 = arith.cmpi sge, %add3A_414, %ge3A : i32
            %convert_element_type3A_416 = arith.extui %ge3A_415 : i1 to i32
            %cond3A_417 = arith.constant 0 : i32
            %cond3A_418 = arith.cmpi ne, %convert_element_type3A_416, %cond3A_417 : i32
            scf.if %cond3A_418 {
              %dma_wait3A_432 = arith.constant 5 : i32
              %dma_wait3A_433 = arith.constant 0 : i32
              %dma_wait3A_434 = arith.constant 0 : i32
              %dma_wait3A_435 = tpu.memref_slice %arg10[%dma_wait3A_432, %dma_wait3A_433, %dma_wait3A_434] : memref<7x128x16xf32, #tpu.memory_space<vmem>> -> memref<1x128x16xf32, #tpu.memory_space<vmem>>
              %dma_wait3A_436 = tpu.memref_squeeze %dma_wait3A_435 : memref<1x128x16xf32, #tpu.memory_space<vmem>> -> memref<128x16xf32, #tpu.memory_space<vmem>>
              %dma_wait3A_437 = arith.constant 0 : i32
              %dma_wait3A_438 = tpu.memref_slice %arg9[%add3A_383, %dma_wait3A_437] : memref<56x128xi32, #tpu.memory_space<vmem>> -> memref<1x128xi32, #tpu.memory_space<vmem>>
              %dma_wait3A_439 = tpu.memref_squeeze %dma_wait3A_438 : memref<1x128xi32, #tpu.memory_space<vmem>> -> memref<128xi32, #tpu.memory_space<vmem>>
              %dma_wait3A_440 = arith.constant 0 : i32
              %dma_wait3A_441 = arith.constant 0 : i32
              %dma_wait3A_442 = tpu.memref_slice %arg25[%dma_wait3A_440, %dma_wait3A_441] : memref<100352x16xf32, #tpu.memory_space<vmem_shared>> -> memref<100352x16xf32, #tpu.memory_space<vmem_shared>>
              tpu.wait_indirect_dma semaphore(%arg23 : memref<!tpu.dma_semaphore, #tpu.memory_space<semaphore_mem>>) src(%dma_wait3A_436 : memref<128x16xf32, #tpu.memory_space<vmem>>) dst(%dma_wait3A_442 : memref<100352x16xf32, #tpu.memory_space<vmem_shared>>)
            } else {
            }
            %add3A_419 = arith.constant 6 : i32
            %add3A_420 = arith.addi %add3A_383, %add3A_419 : i32
            %dma_start3A_421 = arith.constant 5 : i32
            %dma_start3A_422 = arith.constant 0 : i32
            %dma_start3A_423 = arith.constant 0 : i32
            %dma_start3A_424 = tpu.memref_slice %arg10[%dma_start3A_421, %dma_start3A_422, %dma_start3A_423] : memref<7x128x16xf32, #tpu.memory_space<vmem>> -> memref<1x128x16xf32, #tpu.memory_space<vmem>>
            %dma_start3A_425 = tpu.memref_squeeze %dma_start3A_424 : memref<1x128x16xf32, #tpu.memory_space<vmem>> -> memref<128x16xf32, #tpu.memory_space<vmem>>
            %dma_start3A_426 = arith.constant 0 : i32
            %dma_start3A_427 = tpu.memref_slice %arg8[%add3A_420, %dma_start3A_426] : memref<56x128xi32, #tpu.memory_space<vmem>> -> memref<1x128xi32, #tpu.memory_space<vmem>>
            %dma_start3A_428 = tpu.memref_squeeze %dma_start3A_427 : memref<1x128xi32, #tpu.memory_space<vmem>> -> memref<128xi32, #tpu.memory_space<vmem>>
            %dma_start3A_429 = arith.constant 0 : i32
            %dma_start3A_430 = arith.constant 0 : i32
            %dma_start3A_431 = tpu.memref_slice %arg5[%dma_start3A_429, %dma_start3A_430] : memref<100352x16xf32, #tpu.memory_space<hbm>> -> memref<100352x16xf32, #tpu.memory_space<hbm>>
            tpu.enqueue_indirect_dma source(%dma_start3A_431 : memref<100352x16xf32, #tpu.memory_space<hbm>>) target(%dma_start3A_425 : memref<128x16xf32, #tpu.memory_space<vmem>>) offsets(%dma_start3A_428 : memref<128xi32, #tpu.memory_space<vmem>>) semaphore(%arg16 : memref<!tpu.dma_semaphore, #tpu.memory_space<semaphore_mem>>)
          } else {
          }
        }
        %scan3A_106 = arith.constant 8 : i32
        %dma_wait3A = arith.constant 0 : i32
        %dma_wait3A_107 = arith.constant 0 : i32
        %dma_wait3A_108 = arith.constant 0 : i32
        %dma_wait3A_109 = arith.constant 0 : i32
        %dma_wait3A_110 = tpu.memref_slice %arg10[%dma_wait3A, %dma_wait3A_108, %dma_wait3A_109] : memref<7x128x16xf32, #tpu.memory_space<vmem>> -> memref<1x128x16xf32, #tpu.memory_space<vmem>>
        %dma_wait3A_111 = tpu.memref_squeeze %dma_wait3A_110 : memref<1x128x16xf32, #tpu.memory_space<vmem>> -> memref<128x16xf32, #tpu.memory_space<vmem>>
        %dma_wait3A_112 = arith.constant 0 : i32
        %dma_wait3A_113 = tpu.memref_slice %arg9[%dma_wait3A_107, %dma_wait3A_112] : memref<56x128xi32, #tpu.memory_space<vmem>> -> memref<1x128xi32, #tpu.memory_space<vmem>>
        %dma_wait3A_114 = tpu.memref_squeeze %dma_wait3A_113 : memref<1x128xi32, #tpu.memory_space<vmem>> -> memref<128xi32, #tpu.memory_space<vmem>>
        %dma_wait3A_115 = arith.constant 0 : i32
        %dma_wait3A_116 = arith.constant 0 : i32
        %dma_wait3A_117 = tpu.memref_slice %arg25[%dma_wait3A_115, %dma_wait3A_116] : memref<100352x16xf32, #tpu.memory_space<vmem_shared>> -> memref<100352x16xf32, #tpu.memory_space<vmem_shared>>
        tpu.wait_indirect_dma semaphore(%arg18 : memref<!tpu.dma_semaphore, #tpu.memory_space<semaphore_mem>>) src(%dma_wait3A_111 : memref<128x16xf32, #tpu.memory_space<vmem>>) dst(%dma_wait3A_117 : memref<100352x16xf32, #tpu.memory_space<vmem_shared>>)
        %dma_wait3A_118 = arith.constant 1 : i32
        %dma_wait3A_119 = arith.constant 0 : i32
        %dma_wait3A_120 = arith.constant 0 : i32
        %dma_wait3A_121 = arith.constant 0 : i32
        %dma_wait3A_122 = tpu.memref_slice %arg10[%dma_wait3A_118, %dma_wait3A_120, %dma_wait3A_121] : memref<7x128x16xf32, #tpu.memory_space<vmem>> -> memref<1x128x16xf32, #tpu.memory_space<vmem>>
        %dma_wait3A_123 = tpu.memref_squeeze %dma_wait3A_122 : memref<1x128x16xf32, #tpu.memory_space<vmem>> -> memref<128x16xf32, #tpu.memory_space<vmem>>
        %dma_wait3A_124 = arith.constant 0 : i32
        %dma_wait3A_125 = tpu.memref_slice %arg9[%dma_wait3A_119, %dma_wait3A_124] : memref<56x128xi32, #tpu.memory_space<vmem>> -> memref<1x128xi32, #tpu.memory_space<vmem>>
        %dma_wait3A_126 = tpu.memref_squeeze %dma_wait3A_125 : memref<1x128xi32, #tpu.memory_space<vmem>> -> memref<128xi32, #tpu.memory_space<vmem>>
        %dma_wait3A_127 = arith.constant 0 : i32
        %dma_wait3A_128 = arith.constant 0 : i32
        %dma_wait3A_129 = tpu.memref_slice %arg25[%dma_wait3A_127, %dma_wait3A_128] : memref<100352x16xf32, #tpu.memory_space<vmem_shared>> -> memref<100352x16xf32, #tpu.memory_space<vmem_shared>>
        tpu.wait_indirect_dma semaphore(%arg19 : memref<!tpu.dma_semaphore, #tpu.memory_space<semaphore_mem>>) src(%dma_wait3A_123 : memref<128x16xf32, #tpu.memory_space<vmem>>) dst(%dma_wait3A_129 : memref<100352x16xf32, #tpu.memory_space<vmem_shared>>)
        %dma_wait3A_130 = arith.constant 2 : i32
        %dma_wait3A_131 = arith.constant 0 : i32
        %dma_wait3A_132 = arith.constant 0 : i32
        %dma_wait3A_133 = arith.constant 0 : i32
        %dma_wait3A_134 = tpu.memref_slice %arg10[%dma_wait3A_130, %dma_wait3A_132, %dma_wait3A_133] : memref<7x128x16xf32, #tpu.memory_space<vmem>> -> memref<1x128x16xf32, #tpu.memory_space<vmem>>
        %dma_wait3A_135 = tpu.memref_squeeze %dma_wait3A_134 : memref<1x128x16xf32, #tpu.memory_space<vmem>> -> memref<128x16xf32, #tpu.memory_space<vmem>>
        %dma_wait3A_136 = arith.constant 0 : i32
        %dma_wait3A_137 = tpu.memref_slice %arg9[%dma_wait3A_131, %dma_wait3A_136] : memref<56x128xi32, #tpu.memory_space<vmem>> -> memref<1x128xi32, #tpu.memory_space<vmem>>
        %dma_wait3A_138 = tpu.memref_squeeze %dma_wait3A_137 : memref<1x128xi32, #tpu.memory_space<vmem>> -> memref<128xi32, #tpu.memory_space<vmem>>
        %dma_wait3A_139 = arith.constant 0 : i32
        %dma_wait3A_140 = arith.constant 0 : i32
        %dma_wait3A_141 = tpu.memref_slice %arg25[%dma_wait3A_139, %dma_wait3A_140] : memref<100352x16xf32, #tpu.memory_space<vmem_shared>> -> memref<100352x16xf32, #tpu.memory_space<vmem_shared>>
        tpu.wait_indirect_dma semaphore(%arg20 : memref<!tpu.dma_semaphore, #tpu.memory_space<semaphore_mem>>) src(%dma_wait3A_135 : memref<128x16xf32, #tpu.memory_space<vmem>>) dst(%dma_wait3A_141 : memref<100352x16xf32, #tpu.memory_space<vmem_shared>>)
        %dma_wait3A_142 = arith.constant 3 : i32
        %dma_wait3A_143 = arith.constant 0 : i32
        %dma_wait3A_144 = arith.constant 0 : i32
        %dma_wait3A_145 = arith.constant 0 : i32
        %dma_wait3A_146 = tpu.memref_slice %arg10[%dma_wait3A_142, %dma_wait3A_144, %dma_wait3A_145] : memref<7x128x16xf32, #tpu.memory_space<vmem>> -> memref<1x128x16xf32, #tpu.memory_space<vmem>>
        %dma_wait3A_147 = tpu.memref_squeeze %dma_wait3A_146 : memref<1x128x16xf32, #tpu.memory_space<vmem>> -> memref<128x16xf32, #tpu.memory_space<vmem>>
        %dma_wait3A_148 = arith.constant 0 : i32
        %dma_wait3A_149 = tpu.memref_slice %arg9[%dma_wait3A_143, %dma_wait3A_148] : memref<56x128xi32, #tpu.memory_space<vmem>> -> memref<1x128xi32, #tpu.memory_space<vmem>>
        %dma_wait3A_150 = tpu.memref_squeeze %dma_wait3A_149 : memref<1x128xi32, #tpu.memory_space<vmem>> -> memref<128xi32, #tpu.memory_space<vmem>>
        %dma_wait3A_151 = arith.constant 0 : i32
        %dma_wait3A_152 = arith.constant 0 : i32
        %dma_wait3A_153 = tpu.memref_slice %arg25[%dma_wait3A_151, %dma_wait3A_152] : memref<100352x16xf32, #tpu.memory_space<vmem_shared>> -> memref<100352x16xf32, #tpu.memory_space<vmem_shared>>
        tpu.wait_indirect_dma semaphore(%arg21 : memref<!tpu.dma_semaphore, #tpu.memory_space<semaphore_mem>>) src(%dma_wait3A_147 : memref<128x16xf32, #tpu.memory_space<vmem>>) dst(%dma_wait3A_153 : memref<100352x16xf32, #tpu.memory_space<vmem_shared>>)
        %dma_wait3A_154 = arith.constant 4 : i32
        %dma_wait3A_155 = arith.constant 0 : i32
        %dma_wait3A_156 = arith.constant 0 : i32
        %dma_wait3A_157 = arith.constant 0 : i32
        %dma_wait3A_158 = tpu.memref_slice %arg10[%dma_wait3A_154, %dma_wait3A_156, %dma_wait3A_157] : memref<7x128x16xf32, #tpu.memory_space<vmem>> -> memref<1x128x16xf32, #tpu.memory_space<vmem>>
        %dma_wait3A_159 = tpu.memref_squeeze %dma_wait3A_158 : memref<1x128x16xf32, #tpu.memory_space<vmem>> -> memref<128x16xf32, #tpu.memory_space<vmem>>
        %dma_wait3A_160 = arith.constant 0 : i32
        %dma_wait3A_161 = tpu.memref_slice %arg9[%dma_wait3A_155, %dma_wait3A_160] : memref<56x128xi32, #tpu.memory_space<vmem>> -> memref<1x128xi32, #tpu.memory_space<vmem>>
        %dma_wait3A_162 = tpu.memref_squeeze %dma_wait3A_161 : memref<1x128xi32, #tpu.memory_space<vmem>> -> memref<128xi32, #tpu.memory_space<vmem>>
        %dma_wait3A_163 = arith.constant 0 : i32
        %dma_wait3A_164 = arith.constant 0 : i32
        %dma_wait3A_165 = tpu.memref_slice %arg25[%dma_wait3A_163, %dma_wait3A_164] : memref<100352x16xf32, #tpu.memory_space<vmem_shared>> -> memref<100352x16xf32, #tpu.memory_space<vmem_shared>>
        tpu.wait_indirect_dma semaphore(%arg22 : memref<!tpu.dma_semaphore, #tpu.memory_space<semaphore_mem>>) src(%dma_wait3A_159 : memref<128x16xf32, #tpu.memory_space<vmem>>) dst(%dma_wait3A_165 : memref<100352x16xf32, #tpu.memory_space<vmem_shared>>)
        %dma_wait3A_166 = arith.constant 5 : i32
        %dma_wait3A_167 = arith.constant 0 : i32
        %dma_wait3A_168 = arith.constant 0 : i32
        %dma_wait3A_169 = arith.constant 0 : i32
        %dma_wait3A_170 = tpu.memref_slice %arg10[%dma_wait3A_166, %dma_wait3A_168, %dma_wait3A_169] : memref<7x128x16xf32, #tpu.memory_space<vmem>> -> memref<1x128x16xf32, #tpu.memory_space<vmem>>
        %dma_wait3A_171 = tpu.memref_squeeze %dma_wait3A_170 : memref<1x128x16xf32, #tpu.memory_space<vmem>> -> memref<128x16xf32, #tpu.memory_space<vmem>>
        %dma_wait3A_172 = arith.constant 0 : i32
        %dma_wait3A_173 = tpu.memref_slice %arg9[%dma_wait3A_167, %dma_wait3A_172] : memref<56x128xi32, #tpu.memory_space<vmem>> -> memref<1x128xi32, #tpu.memory_space<vmem>>
        %dma_wait3A_174 = tpu.memref_squeeze %dma_wait3A_173 : memref<1x128xi32, #tpu.memory_space<vmem>> -> memref<128xi32, #tpu.memory_space<vmem>>
        %dma_wait3A_175 = arith.constant 0 : i32
        %dma_wait3A_176 = arith.constant 0 : i32
        %dma_wait3A_177 = tpu.memref_slice %arg25[%dma_wait3A_175, %dma_wait3A_176] : memref<100352x16xf32, #tpu.memory_space<vmem_shared>> -> memref<100352x16xf32, #tpu.memory_space<vmem_shared>>
        tpu.wait_indirect_dma semaphore(%arg23 : memref<!tpu.dma_semaphore, #tpu.memory_space<semaphore_mem>>) src(%dma_wait3A_171 : memref<128x16xf32, #tpu.memory_space<vmem>>) dst(%dma_wait3A_177 : memref<100352x16xf32, #tpu.memory_space<vmem_shared>>)
        %dma_wait3A_178 = arith.constant 6 : i32
        %dma_wait3A_179 = arith.constant 0 : i32
        %dma_wait3A_180 = arith.constant 0 : i32
        %dma_wait3A_181 = arith.constant 0 : i32
        %dma_wait3A_182 = tpu.memref_slice %arg10[%dma_wait3A_178, %dma_wait3A_180, %dma_wait3A_181] : memref<7x128x16xf32, #tpu.memory_space<vmem>> -> memref<1x128x16xf32, #tpu.memory_space<vmem>>
        %dma_wait3A_183 = tpu.memref_squeeze %dma_wait3A_182 : memref<1x128x16xf32, #tpu.memory_space<vmem>> -> memref<128x16xf32, #tpu.memory_space<vmem>>
        %dma_wait3A_184 = arith.constant 0 : i32
        %dma_wait3A_185 = tpu.memref_slice %arg9[%dma_wait3A_179, %dma_wait3A_184] : memref<56x128xi32, #tpu.memory_space<vmem>> -> memref<1x128xi32, #tpu.memory_space<vmem>>
        %dma_wait3A_186 = tpu.memref_squeeze %dma_wait3A_185 : memref<1x128xi32, #tpu.memory_space<vmem>> -> memref<128xi32, #tpu.memory_space<vmem>>
        %dma_wait3A_187 = arith.constant 0 : i32
        %dma_wait3A_188 = arith.constant 0 : i32
        %dma_wait3A_189 = tpu.memref_slice %arg25[%dma_wait3A_187, %dma_wait3A_188] : memref<100352x16xf32, #tpu.memory_space<vmem_shared>> -> memref<100352x16xf32, #tpu.memory_space<vmem_shared>>
        tpu.wait_indirect_dma semaphore(%arg24 : memref<!tpu.dma_semaphore, #tpu.memory_space<semaphore_mem>>) src(%dma_wait3A_183 : memref<128x16xf32, #tpu.memory_space<vmem>>) dst(%dma_wait3A_189 : memref<100352x16xf32, #tpu.memory_space<vmem_shared>>)
      }
      %scan3A_22 = arith.constant 28 : i32
    } else {
    }
    %barrier3A_12 = arith.constant 0 : index
    tpu.barrier barrier_id(%barrier3A_12)
    %mul3A_13 = arith.constant 6272 : i32
    %mul3A_14 = arith.muli %arg1, %mul3A_13 : i32
    %mul3A_15 = arith.constant 100352 : i32
    %mul3A_16 = arith.muli %arg0, %mul3A_15 : i32
    %mul3A_17 = arith.constant 6272 : i32
    %mul3A_18 = arith.muli %arg1, %mul3A_17 : i32
    %add3A = arith.addi %mul3A_16, %mul3A_18 : i32
    "tpu.region"() ({
      %run_scoped3A = tpu.sem_alloc : memref<!tpu.dma_semaphore, #tpu.memory_space<semaphore_mem>>
      %dma_start3A = arith.constant 0 : i32
      %dma_start3A_19 = tpu.memref_slice %arg7[%add3A, %dma_start3A] : memref<200704x16xf32, #tpu.memory_space<hbm>> -> memref<6272x16xf32, #tpu.memory_space<hbm>>
      %dma_start3A_20 = arith.constant 0 : i32
      %dma_start3A_21 = tpu.memref_slice %arg25[%mul3A_14, %dma_start3A_20] : memref<100352x16xf32, #tpu.memory_space<vmem_shared>> -> memref<6272x16xf32, #tpu.memory_space<vmem_shared>>
      tpu.enqueue_dma source(%dma_start3A_21 : memref<6272x16xf32, #tpu.memory_space<vmem_shared>>) target(%dma_start3A_19 : memref<6272x16xf32, #tpu.memory_space<hbm>>) target_semaphore(%run_scoped3A : memref<!tpu.dma_semaphore, #tpu.memory_space<semaphore_mem>>)
      %dma_wait3A = arith.constant 0 : i32
      %dma_wait3A_22 = tpu.memref_slice %arg7[%add3A, %dma_wait3A] : memref<200704x16xf32, #tpu.memory_space<hbm>> -> memref<6272x16xf32, #tpu.memory_space<hbm>>
      %dma_wait3A_23 = arith.constant 0 : i32
      %dma_wait3A_24 = tpu.memref_slice %arg25[%mul3A_14, %dma_wait3A_23] : memref<100352x16xf32, #tpu.memory_space<vmem_shared>> -> memref<6272x16xf32, #tpu.memory_space<vmem_shared>>
      tpu.wait_dma2 semaphore(%run_scoped3A : memref<!tpu.dma_semaphore, #tpu.memory_space<semaphore_mem>>) src(%dma_wait3A_24 : memref<6272x16xf32, #tpu.memory_space<vmem_shared>>) dst(%dma_wait3A_22 : memref<6272x16xf32, #tpu.memory_space<hbm>>)
      tpu.yield
    }) : () -> ()
    return
  }
}

module attributes {stable_mosaic.version = 14 : i64} {
  func.func @_mm_body(%arg0: i32, %arg1: memref<1568x128xf32, #tpu.memory_space<vmem>>, %arg2: memref<128x128xf32, #tpu.memory_space<vmem>>, %arg3: memref<128x128xf32, #tpu.memory_space<vmem>>, %arg4: memref<1568x128xf32, #tpu.memory_space<vmem>>, %arg5: memref<1568x128xf32, #tpu.memory_space<vmem>>) attributes {dimension_semantics = [#tpu.dimension_semantics<arbitrary>], iteration_bounds = array<i64: 8>, scalar_prefetch = 0 : i64, scratch_operands = 0 : i64, tpu.core_type = #tpu.core_type<tc>, window_params = [{transform_indices = @transform_0, window_bounds = array<i64: 1568, 128>}, {pipeline_mode = #tpu.pipeline_mode<synchronous>, transform_indices = @transform_1, window_bounds = array<i64: 128, 128>}, {pipeline_mode = #tpu.pipeline_mode<synchronous>, transform_indices = @transform_2, window_bounds = array<i64: 128, 128>}, {transform_indices = @transform_3, window_bounds = array<i64: 1568, 128>}, {transform_indices = @transform_4, window_bounds = array<i64: 1568, 128>}]} {
    %get3A = arith.constant 0 : index
    %get3A_0 = arith.constant 0 : index
    %get3A_1 = vector.load %arg1[%get3A, %get3A_0] : memref<1568x128xf32, #tpu.memory_space<vmem>>, vector<1568x128xf32>
    %get3A_2 = arith.constant 0 : index
    %get3A_3 = arith.constant 0 : index
    %get3A_4 = vector.load %arg2[%get3A_2, %get3A_3] : memref<128x128xf32, #tpu.memory_space<vmem>>, vector<128x128xf32>
    %dot_general3A = arith.constant dense<0.000000e+00> : vector<1568x128xf32>
    %dot_general3A_5 = tpu.matmul %get3A_1, %get3A_4, %dot_general3A {dimension_numbers = #tpu.dot_dimension_numbers<[1], [0], [0], [1], [0, 0, 1, 1], [], []>, transpose_lhs_hint = false} : vector<1568x128xf32>, vector<128x128xf32>, vector<1568x128xf32> -> vector<1568x128xf32>
    %swap3A = arith.constant 0 : index
    %swap3A_6 = arith.constant 0 : index
    %swap3A_7 = vector.load %arg4[%swap3A, %swap3A_6] : memref<1568x128xf32, #tpu.memory_space<vmem>>, vector<1568x128xf32>
    tpu.vector_store %arg4[%swap3A, %swap3A_6], %dot_general3A_5 {strides = array<i32>} : memref<1568x128xf32, #tpu.memory_space<vmem>>, vector<1568x128xf32>,
    %get3A_8 = arith.constant 0 : index
    %get3A_9 = arith.constant 0 : index
    %get3A_10 = vector.load %arg3[%get3A_8, %get3A_9] : memref<128x128xf32, #tpu.memory_space<vmem>>, vector<128x128xf32>
    %dot_general3A_11 = arith.constant dense<0.000000e+00> : vector<1568x128xf32>
    %dot_general3A_12 = tpu.matmul %get3A_1, %get3A_10, %dot_general3A_11 {dimension_numbers = #tpu.dot_dimension_numbers<[1], [0], [0], [1], [0, 0, 1, 1], [], []>, transpose_lhs_hint = false} : vector<1568x128xf32>, vector<128x128xf32>, vector<1568x128xf32> -> vector<1568x128xf32>
    %swap3A_13 = arith.constant 0 : index
    %swap3A_14 = arith.constant 0 : index
    %swap3A_15 = vector.load %arg5[%swap3A_13, %swap3A_14] : memref<1568x128xf32, #tpu.memory_space<vmem>>, vector<1568x128xf32>
    tpu.vector_store %arg5[%swap3A_13, %swap3A_14], %dot_general3A_12 {strides = array<i32>} : memref<1568x128xf32, #tpu.memory_space<vmem>>, vector<1568x128xf32>,
    return
  }
  func.func @transform_0(%arg0: i32) -> (i32, i32) {
    %c0_i32 = arith.constant 0 : i32
    %c0_i32_0 = arith.constant 0 : i32
    return %arg0, %c0_i32 : i32, i32
  }
  func.func @transform_1(%arg0: i32) -> (i32, i32) {
    %c0_i32 = arith.constant 0 : i32
    %c0_i32_0 = arith.constant 0 : i32
    %c0_i32_1 = arith.constant 0 : i32
    return %c0_i32, %c0_i32_0 : i32, i32
  }
  func.func @transform_2(%arg0: i32) -> (i32, i32) {
    %c0_i32 = arith.constant 0 : i32
    %c0_i32_0 = arith.constant 0 : i32
    %c0_i32_1 = arith.constant 0 : i32
    return %c0_i32, %c0_i32_0 : i32, i32
  }
  func.func @transform_3(%arg0: i32) -> (i32, i32) {
    %c0_i32 = arith.constant 0 : i32
    %c0_i32_0 = arith.constant 0 : i32
    return %arg0, %c0_i32 : i32, i32
  }
  func.func @transform_4(%arg0: i32) -> (i32, i32) {
    %c0_i32 = arith.constant 0 : i32
    %c0_i32_0 = arith.constant 0 : i32
    return %arg0, %c0_i32 : i32, i32
  }
}

module attributes {stable_mosaic.version = 14 : i64} {
  func.func @_s_body(%arg0: i32, %arg1: memref<2x784x128xf32, #tpu.memory_space<vmem>>, %arg2: memref<784x128xf32, #tpu.memory_space<vmem>>) attributes {dimension_semantics = [#tpu.dimension_semantics<arbitrary>], iteration_bounds = array<i64: 1>, scalar_prefetch = 0 : i64, scratch_operands = 0 : i64, tpu.core_type = #tpu.core_type<tc>, window_params = [{pipeline_mode = #tpu.pipeline_mode<synchronous>, transform_indices = @transform_0, window_bounds = array<i64: 2, 784, 128>}, {pipeline_mode = #tpu.pipeline_mode<synchronous>, transform_indices = @transform_1, window_bounds = array<i64: 784, 128>}]} {
    %get3A = arith.constant 0 : index
    %get3A_0 = arith.constant 0 : index
    %get3A_1 = arith.constant 0 : index
    %get3A_2 = vector.load %arg1[%get3A, %get3A_0, %get3A_1] : memref<2x784x128xf32, #tpu.memory_space<vmem>>, vector<1x784x128xf32>
    %get3A_3 = vector.shape_cast %get3A_2 : vector<1x784x128xf32> to vector<784x128xf32>
    %get3A_4 = arith.constant 1 : index
    %get3A_5 = arith.constant 0 : index
    %get3A_6 = arith.constant 0 : index
    %get3A_7 = vector.load %arg1[%get3A_4, %get3A_5, %get3A_6] : memref<2x784x128xf32, #tpu.memory_space<vmem>>, vector<1x784x128xf32>
    %get3A_8 = vector.shape_cast %get3A_7 : vector<1x784x128xf32> to vector<784x128xf32>
    %add3A = arith.addf %get3A_3, %get3A_8 : vector<784x128xf32>
    %add3A_9 = arith.constant 1.000000e+00 : f32
    %add3A_10 = vector.broadcast %add3A_9 : f32 to vector<784x128xf32>
    %add3A_11 = arith.addf %add3A, %add3A_10 : vector<784x128xf32>
    %rsqrt3A = math.rsqrt %add3A_11 : vector<784x128xf32>
    %swap3A = arith.constant 0 : index
    %swap3A_12 = arith.constant 0 : index
    %swap3A_13 = vector.load %arg2[%swap3A, %swap3A_12] : memref<784x128xf32, #tpu.memory_space<vmem>>, vector<784x128xf32>
    tpu.vector_store %arg2[%swap3A, %swap3A_12], %rsqrt3A {strides = array<i32>} : memref<784x128xf32, #tpu.memory_space<vmem>>, vector<784x128xf32>,
    return
  }
  func.func @transform_0(%arg0: i32) -> (i32, i32, i32) {
    %c0_i32 = arith.constant 0 : i32
    %c0_i32_0 = arith.constant 0 : i32
    %c0_i32_1 = arith.constant 0 : i32
    %c0_i32_2 = arith.constant 0 : i32
    return %c0_i32, %c0_i32_0, %c0_i32_1 : i32, i32, i32
  }
  func.func @transform_1(%arg0: i32) -> (i32, i32) {
    %c0_i32 = arith.constant 0 : i32
    %c0_i32_0 = arith.constant 0 : i32
    %c0_i32_1 = arith.constant 0 : i32
    return %c0_i32, %c0_i32_0 : i32, i32
  }
}

module attributes {stable_mosaic.version = 14 : i64} {
  func.func @_zscale_body(%arg0: i32, %arg1: memref<1568x128xf32, #tpu.memory_space<vmem>>, %arg2: memref<1568x128xf32, #tpu.memory_space<vmem>>, %arg3: memref<1568x128xf32, #tpu.memory_space<vmem>>, %arg4: memref<1568x128xf32, #tpu.memory_space<vmem>>, %arg5: memref<1568x128xf32, #tpu.memory_space<vmem>>) attributes {dimension_semantics = [#tpu.dimension_semantics<arbitrary>], iteration_bounds = array<i64: 8>, scalar_prefetch = 0 : i64, scratch_operands = 0 : i64, tpu.core_type = #tpu.core_type<tc>, window_params = [{transform_indices = @transform_0, window_bounds = array<i64: 1568, 128>}, {transform_indices = @transform_1, window_bounds = array<i64: 1568, 128>}, {transform_indices = @transform_2, window_bounds = array<i64: 1568, 128>}, {transform_indices = @transform_3, window_bounds = array<i64: 1568, 128>}, {transform_indices = @transform_4, window_bounds = array<i64: 1568, 128>}]} {
    %get3A = arith.constant 0 : index
    %get3A_0 = arith.constant 0 : index
    %get3A_1 = vector.load %arg3[%get3A, %get3A_0] : memref<1568x128xf32, #tpu.memory_space<vmem>>, vector<1568x128xf32>
    %get3A_2 = arith.constant 0 : index
    %get3A_3 = arith.constant 0 : index
    %get3A_4 = vector.load %arg1[%get3A_2, %get3A_3] : memref<1568x128xf32, #tpu.memory_space<vmem>>, vector<1568x128xf32>
    %mul3A = arith.mulf %get3A_4, %get3A_1 : vector<1568x128xf32>
    %swap3A = arith.constant 0 : index
    %swap3A_5 = arith.constant 0 : index
    %swap3A_6 = vector.load %arg4[%swap3A, %swap3A_5] : memref<1568x128xf32, #tpu.memory_space<vmem>>, vector<1568x128xf32>
    tpu.vector_store %arg4[%swap3A, %swap3A_5], %mul3A {strides = array<i32>} : memref<1568x128xf32, #tpu.memory_space<vmem>>, vector<1568x128xf32>,
    %get3A_7 = arith.constant 0 : index
    %get3A_8 = arith.constant 0 : index
    %get3A_9 = vector.load %arg2[%get3A_7, %get3A_8] : memref<1568x128xf32, #tpu.memory_space<vmem>>, vector<1568x128xf32>
    %mul3A_10 = arith.mulf %get3A_9, %get3A_1 : vector<1568x128xf32>
    %swap3A_11 = arith.constant 0 : index
    %swap3A_12 = arith.constant 0 : index
    %swap3A_13 = vector.load %arg5[%swap3A_11, %swap3A_12] : memref<1568x128xf32, #tpu.memory_space<vmem>>, vector<1568x128xf32>
    tpu.vector_store %arg5[%swap3A_11, %swap3A_12], %mul3A_10 {strides = array<i32>} : memref<1568x128xf32, #tpu.memory_space<vmem>>, vector<1568x128xf32>,
    return
  }
  func.func @transform_0(%arg0: i32) -> (i32, i32) {
    %c0_i32 = arith.constant 0 : i32
    %c0_i32_0 = arith.constant 0 : i32
    return %arg0, %c0_i32 : i32, i32
  }
  func.func @transform_1(%arg0: i32) -> (i32, i32) {
    %c0_i32 = arith.constant 0 : i32
    %c0_i32_0 = arith.constant 0 : i32
    return %arg0, %c0_i32 : i32, i32
  }
  func.func @transform_2(%arg0: i32) -> (i32, i32) {
    %c0_i32 = arith.constant 0 : i32
    %c0_i32_0 = arith.constant 0 : i32
    return %arg0, %c0_i32 : i32, i32
  }
  func.func @transform_3(%arg0: i32) -> (i32, i32) {
    %c0_i32 = arith.constant 0 : i32
    %c0_i32_0 = arith.constant 0 : i32
    return %arg0, %c0_i32 : i32, i32
  }
  func.func @transform_4(%arg0: i32) -> (i32, i32) {
    %c0_i32 = arith.constant 0 : i32
    %c0_i32_0 = arith.constant 0 : i32
    return %arg0, %c0_i32 : i32, i32
  }
}

module attributes {stable_mosaic.version = 14 : i64} {
  func.func @_z2_body(%arg0: i32, %arg1: memref<1568x128xf32, #tpu.memory_space<vmem>>, %arg2: memref<1568x128xf32, #tpu.memory_space<vmem>>, %arg3: memref<1568x128xf32, #tpu.memory_space<vmem>>, %arg4: memref<1568x128xf32, #tpu.memory_space<vmem>>, %arg5: memref<1568x128xf32, #tpu.memory_space<vmem>>, %arg6: memref<1x128xf32, #tpu.memory_space<vmem>>, %arg7: memref<1x128xf32, #tpu.memory_space<vmem>>, %arg8: memref<128x128xf32, #tpu.memory_space<vmem>>, %arg9: memref<128x128xf32, #tpu.memory_space<vmem>>, %arg10: memref<1568x128xf32, #tpu.memory_space<vmem>>) attributes {dimension_semantics = [#tpu.dimension_semantics<arbitrary>], iteration_bounds = array<i64: 8>, scalar_prefetch = 0 : i64, scratch_operands = 0 : i64, tpu.core_type = #tpu.core_type<tc>, window_params = [{transform_indices = @transform_0, window_bounds = array<i64: 1568, 128>}, {transform_indices = @transform_1, window_bounds = array<i64: 1568, 128>}, {transform_indices = @transform_2, window_bounds = array<i64: 1568, 128>}, {transform_indices = @transform_3, window_bounds = array<i64: 1568, 128>}, {transform_indices = @transform_4, window_bounds = array<i64: 1568, 128>}, {pipeline_mode = #tpu.pipeline_mode<synchronous>, transform_indices = @transform_5, window_bounds = array<i64: 1, 128>}, {pipeline_mode = #tpu.pipeline_mode<synchronous>, transform_indices = @transform_6, window_bounds = array<i64: 1, 128>}, {pipeline_mode = #tpu.pipeline_mode<synchronous>, transform_indices = @transform_7, window_bounds = array<i64: 128, 128>}, {pipeline_mode = #tpu.pipeline_mode<synchronous>, transform_indices = @transform_8, window_bounds = array<i64: 128, 128>}, {transform_indices = @transform_9, window_bounds = array<i64: 1568, 128>}]} {
    %get3A = arith.constant 0 : index
    %get3A_0 = arith.constant 0 : index
    %get3A_1 = vector.load %arg5[%get3A, %get3A_0] : memref<1568x128xf32, #tpu.memory_space<vmem>>, vector<1568x128xf32>
    %get3A_2 = arith.constant 0 : index
    %get3A_3 = arith.constant 0 : index
    %get3A_4 = vector.load %arg1[%get3A_2, %get3A_3] : memref<1568x128xf32, #tpu.memory_space<vmem>>, vector<1568x128xf32>
    %get3A_5 = arith.constant 0 : index
    %get3A_6 = arith.constant 0 : index
    %get3A_7 = vector.load %arg3[%get3A_5, %get3A_6] : memref<1568x128xf32, #tpu.memory_space<vmem>>, vector<1568x128xf32>
    %add3A = arith.addf %get3A_4, %get3A_7 : vector<1568x128xf32>
    %mul3A = arith.mulf %get3A_1, %add3A : vector<1568x128xf32>
    %get3A_8 = arith.constant 0 : index
    %get3A_9 = arith.constant 0 : index
    %get3A_10 = vector.load %arg6[%get3A_8, %get3A_9] : memref<1x128xf32, #tpu.memory_space<vmem>>, vector<1x128xf32>
    %add3A_11 = vector.broadcast %get3A_10 : vector<1x128xf32> to vector<1568x128xf32>
    %add3A_12 = arith.addf %mul3A, %add3A_11 : vector<1568x128xf32>
    %max3A = arith.constant 0.000000e+00 : f32
    %max3A_13 = vector.broadcast %max3A : f32 to vector<1568x128xf32>
    %max3A_14 = arith.maximumf %add3A_12, %max3A_13 : vector<1568x128xf32>
    %get3A_15 = arith.constant 0 : index
    %get3A_16 = arith.constant 0 : index
    %get3A_17 = vector.load %arg2[%get3A_15, %get3A_16] : memref<1568x128xf32, #tpu.memory_space<vmem>>, vector<1568x128xf32>
    %get3A_18 = arith.constant 0 : index
    %get3A_19 = arith.constant 0 : index
    %get3A_20 = vector.load %arg4[%get3A_18, %get3A_19] : memref<1568x128xf32, #tpu.memory_space<vmem>>, vector<1568x128xf32>
    %add3A_21 = arith.addf %get3A_17, %get3A_20 : vector<1568x128xf32>
    %mul3A_22 = arith.mulf %get3A_1, %add3A_21 : vector<1568x128xf32>
    %get3A_23 = arith.constant 0 : index
    %get3A_24 = arith.constant 0 : index
    %get3A_25 = vector.load %arg7[%get3A_23, %get3A_24] : memref<1x128xf32, #tpu.memory_space<vmem>>, vector<1x128xf32>
    %add3A_26 = vector.broadcast %get3A_25 : vector<1x128xf32> to vector<1568x128xf32>
    %add3A_27 = arith.addf %mul3A_22, %add3A_26 : vector<1568x128xf32>
    %max3A_28 = arith.constant 0.000000e+00 : f32
    %max3A_29 = vector.broadcast %max3A_28 : f32 to vector<1568x128xf32>
    %max3A_30 = arith.maximumf %add3A_27, %max3A_29 : vector<1568x128xf32>
    %get3A_31 = arith.constant 0 : index
    %get3A_32 = arith.constant 0 : index
    %get3A_33 = vector.load %arg8[%get3A_31, %get3A_32] : memref<128x128xf32, #tpu.memory_space<vmem>>, vector<128x128xf32>
    %dot_general3A = arith.constant dense<0.000000e+00> : vector<1568x128xf32>
    %dot_general3A_34 = tpu.matmul %max3A_14, %get3A_33, %dot_general3A {dimension_numbers = #tpu.dot_dimension_numbers<[1], [0], [0], [1], [0, 0, 1, 1], [], []>, transpose_lhs_hint = false} : vector<1568x128xf32>, vector<128x128xf32>, vector<1568x128xf32> -> vector<1568x128xf32>
    %get3A_35 = arith.constant 0 : index
    %get3A_36 = arith.constant 0 : index
    %get3A_37 = vector.load %arg9[%get3A_35, %get3A_36] : memref<128x128xf32, #tpu.memory_space<vmem>>, vector<128x128xf32>
    %dot_general3A_38 = arith.constant dense<0.000000e+00> : vector<1568x128xf32>
    %dot_general3A_39 = tpu.matmul %max3A_30, %get3A_37, %dot_general3A_38 {dimension_numbers = #tpu.dot_dimension_numbers<[1], [0], [0], [1], [0, 0, 1, 1], [], []>, transpose_lhs_hint = false} : vector<1568x128xf32>, vector<128x128xf32>, vector<1568x128xf32> -> vector<1568x128xf32>
    %add3A_40 = arith.addf %dot_general3A_34, %dot_general3A_39 : vector<1568x128xf32>
    %mul3A_41 = arith.mulf %get3A_1, %add3A_40 : vector<1568x128xf32>
    %swap3A = arith.constant 0 : index
    %swap3A_42 = arith.constant 0 : index
    %swap3A_43 = vector.load %arg10[%swap3A, %swap3A_42] : memref<1568x128xf32, #tpu.memory_space<vmem>>, vector<1568x128xf32>
    tpu.vector_store %arg10[%swap3A, %swap3A_42], %mul3A_41 {strides = array<i32>} : memref<1568x128xf32, #tpu.memory_space<vmem>>, vector<1568x128xf32>,
    return
  }
  func.func @transform_0(%arg0: i32) -> (i32, i32) {
    %add3A = arith.constant 0 : i32
    %add3A_0 = arith.addi %add3A, %arg0 : i32
    %c0_i32 = arith.constant 0 : i32
    %c0_i32_1 = arith.constant 0 : i32
    return %add3A_0, %c0_i32 : i32, i32
  }
  func.func @transform_1(%arg0: i32) -> (i32, i32) {
    %add3A = arith.constant 8 : i32
    %add3A_0 = arith.addi %add3A, %arg0 : i32
    %c0_i32 = arith.constant 0 : i32
    %c0_i32_1 = arith.constant 0 : i32
    return %add3A_0, %c0_i32 : i32, i32
  }
  func.func @transform_2(%arg0: i32) -> (i32, i32) {
    %c0_i32 = arith.constant 0 : i32
    %c0_i32_0 = arith.constant 0 : i32
    return %arg0, %c0_i32 : i32, i32
  }
  func.func @transform_3(%arg0: i32) -> (i32, i32) {
    %c0_i32 = arith.constant 0 : i32
    %c0_i32_0 = arith.constant 0 : i32
    return %arg0, %c0_i32 : i32, i32
  }
  func.func @transform_4(%arg0: i32) -> (i32, i32) {
    %c0_i32 = arith.constant 0 : i32
    %c0_i32_0 = arith.constant 0 : i32
    return %arg0, %c0_i32 : i32, i32
  }
  func.func @transform_5(%arg0: i32) -> (i32, i32) {
    %c0_i32 = arith.constant 0 : i32
    %c0_i32_0 = arith.constant 0 : i32
    %c0_i32_1 = arith.constant 0 : i32
    return %c0_i32, %c0_i32_0 : i32, i32
  }
  func.func @transform_6(%arg0: i32) -> (i32, i32) {
    %c0_i32 = arith.constant 0 : i32
    %c0_i32_0 = arith.constant 0 : i32
    %c0_i32_1 = arith.constant 0 : i32
    return %c0_i32, %c0_i32_0 : i32, i32
  }
  func.func @transform_7(%arg0: i32) -> (i32, i32) {
    %c0_i32 = arith.constant 0 : i32
    %c0_i32_0 = arith.constant 0 : i32
    %c0_i32_1 = arith.constant 0 : i32
    return %c0_i32, %c0_i32_0 : i32, i32
  }
  func.func @transform_8(%arg0: i32) -> (i32, i32) {
    %c0_i32 = arith.constant 0 : i32
    %c0_i32_0 = arith.constant 0 : i32
    %c0_i32_1 = arith.constant 0 : i32
    return %c0_i32, %c0_i32_0 : i32, i32
  }
  func.func @transform_9(%arg0: i32) -> (i32, i32) {
    %c0_i32 = arith.constant 0 : i32
    %c0_i32_0 = arith.constant 0 : i32
    return %arg0, %c0_i32 : i32, i32
  }
}

module attributes {stable_mosaic.version = 14 : i64} {
  func.func @_out_body(%arg0: i32, %arg1: memref<1568x128xf32, #tpu.memory_space<vmem>>, %arg2: memref<1568x128xf32, #tpu.memory_space<vmem>>, %arg3: memref<1568x128xf32, #tpu.memory_space<vmem>>, %arg4: memref<1568x128xf32, #tpu.memory_space<vmem>>, %arg5: memref<1x128xf32, #tpu.memory_space<vmem>>, %arg6: memref<128x8xf32, #tpu.memory_space<vmem>>, %arg7: memref<1x1xf32, #tpu.memory_space<vmem>>, %arg8: memref<1568x8xf32, #tpu.memory_space<vmem>>) attributes {dimension_semantics = [#tpu.dimension_semantics<arbitrary>], iteration_bounds = array<i64: 8>, scalar_prefetch = 0 : i64, scratch_operands = 0 : i64, tpu.core_type = #tpu.core_type<tc>, window_params = [{transform_indices = @transform_0, window_bounds = array<i64: 1568, 128>}, {transform_indices = @transform_1, window_bounds = array<i64: 1568, 128>}, {transform_indices = @transform_2, window_bounds = array<i64: 1568, 128>}, {transform_indices = @transform_3, window_bounds = array<i64: 1568, 128>}, {pipeline_mode = #tpu.pipeline_mode<synchronous>, transform_indices = @transform_4, window_bounds = array<i64: 1, 128>}, {pipeline_mode = #tpu.pipeline_mode<synchronous>, transform_indices = @transform_5, window_bounds = array<i64: 128, 8>}, {pipeline_mode = #tpu.pipeline_mode<synchronous>, transform_indices = @transform_6, window_bounds = array<i64: 1, 1>}, {transform_indices = @transform_7, window_bounds = array<i64: 1568, 8>}]} {
    %get3A = arith.constant 0 : index
    %get3A_0 = arith.constant 0 : index
    %get3A_1 = vector.load %arg4[%get3A, %get3A_0] : memref<1568x128xf32, #tpu.memory_space<vmem>>, vector<1568x128xf32>
    %get3A_2 = arith.constant 0 : index
    %get3A_3 = arith.constant 0 : index
    %get3A_4 = vector.load %arg1[%get3A_2, %get3A_3] : memref<1568x128xf32, #tpu.memory_space<vmem>>, vector<1568x128xf32>
    %get3A_5 = arith.constant 0 : index
    %get3A_6 = arith.constant 0 : index
    %get3A_7 = vector.load %arg2[%get3A_5, %get3A_6] : memref<1568x128xf32, #tpu.memory_space<vmem>>, vector<1568x128xf32>
    %add3A = arith.addf %get3A_4, %get3A_7 : vector<1568x128xf32>
    %get3A_8 = arith.constant 0 : index
    %get3A_9 = arith.constant 0 : index
    %get3A_10 = vector.load %arg3[%get3A_8, %get3A_9] : memref<1568x128xf32, #tpu.memory_space<vmem>>, vector<1568x128xf32>
    %add3A_11 = arith.addf %add3A, %get3A_10 : vector<1568x128xf32>
    %mul3A = arith.mulf %get3A_1, %add3A_11 : vector<1568x128xf32>
    %get3A_12 = arith.constant 0 : index
    %get3A_13 = arith.constant 0 : index
    %get3A_14 = vector.load %arg5[%get3A_12, %get3A_13] : memref<1x128xf32, #tpu.memory_space<vmem>>, vector<1x128xf32>
    %add3A_15 = vector.broadcast %get3A_14 : vector<1x128xf32> to vector<1568x128xf32>
    %add3A_16 = arith.addf %mul3A, %add3A_15 : vector<1568x128xf32>
    %max3A = arith.constant 0.000000e+00 : f32
    %max3A_17 = vector.broadcast %max3A : f32 to vector<1568x128xf32>
    %max3A_18 = arith.maximumf %add3A_16, %max3A_17 : vector<1568x128xf32>
    %get3A_19 = arith.constant 0 : index
    %get3A_20 = arith.constant 0 : index
    %get3A_21 = vector.load %arg6[%get3A_19, %get3A_20] : memref<128x8xf32, #tpu.memory_space<vmem>>, vector<128x8xf32>
    %dot_general3A = arith.constant dense<0.000000e+00> : vector<1568x8xf32>
    %dot_general3A_22 = tpu.matmul %max3A_18, %get3A_21, %dot_general3A {dimension_numbers = #tpu.dot_dimension_numbers<[1], [0], [0], [1], [0, 0, 1, 1], [], []>, transpose_lhs_hint = false} : vector<1568x128xf32>, vector<128x8xf32>, vector<1568x8xf32> -> vector<1568x8xf32>
    %get3A_23 = arith.constant 0 : index
    %get3A_24 = arith.constant 0 : index
    %get3A_25 = vector.load %arg7[%get3A_23, %get3A_24] : memref<1x1xf32, #tpu.memory_space<vmem>>, vector<1x1xf32>
    %get3A_26 = vector.extract %get3A_25[0, 0] : f32 from vector<1x1xf32>
    %add3A_27 = vector.broadcast %get3A_26 : f32 to vector<1568x8xf32>
    %add3A_28 = arith.addf %dot_general3A_22, %add3A_27 : vector<1568x8xf32>
    %swap3A = arith.constant 0 : index
    %swap3A_29 = arith.constant 0 : index
    %swap3A_30 = vector.load %arg8[%swap3A, %swap3A_29] : memref<1568x8xf32, #tpu.memory_space<vmem>>, vector<1568x8xf32>
    tpu.vector_store %arg8[%swap3A, %swap3A_29], %add3A_28 {strides = array<i32>} : memref<1568x8xf32, #tpu.memory_space<vmem>>, vector<1568x8xf32>,
    return
  }
  func.func @transform_0(%arg0: i32) -> (i32, i32) {
    %add3A = arith.constant 0 : i32
    %add3A_0 = arith.addi %add3A, %arg0 : i32
    %c0_i32 = arith.constant 0 : i32
    %c0_i32_1 = arith.constant 0 : i32
    return %add3A_0, %c0_i32 : i32, i32
  }
  func.func @transform_1(%arg0: i32) -> (i32, i32) {
    %add3A = arith.constant 8 : i32
    %add3A_0 = arith.addi %add3A, %arg0 : i32
    %c0_i32 = arith.constant 0 : i32
    %c0_i32_1 = arith.constant 0 : i32
    return %add3A_0, %c0_i32 : i32, i32
  }
  func.func @transform_2(%arg0: i32) -> (i32, i32) {
    %c0_i32 = arith.constant 0 : i32
    %c0_i32_0 = arith.constant 0 : i32
    return %arg0, %c0_i32 : i32, i32
  }
  func.func @transform_3(%arg0: i32) -> (i32, i32) {
    %c0_i32 = arith.constant 0 : i32
    %c0_i32_0 = arith.constant 0 : i32
    return %arg0, %c0_i32 : i32, i32
  }
  func.func @transform_4(%arg0: i32) -> (i32, i32) {
    %c0_i32 = arith.constant 0 : i32
    %c0_i32_0 = arith.constant 0 : i32
    %c0_i32_1 = arith.constant 0 : i32
    return %c0_i32, %c0_i32_0 : i32, i32
  }
  func.func @transform_5(%arg0: i32) -> (i32, i32) {
    %c0_i32 = arith.constant 0 : i32
    %c0_i32_0 = arith.constant 0 : i32
    %c0_i32_1 = arith.constant 0 : i32
    return %c0_i32, %c0_i32_0 : i32, i32
  }
  func.func @transform_6(%arg0: i32) -> (i32, i32) {
    %c0_i32 = arith.constant 0 : i32
    %c0_i32_0 = arith.constant 0 : i32
    %c0_i32_1 = arith.constant 0 : i32
    return %c0_i32, %c0_i32_0 : i32, i32
  }
  func.func @transform_7(%arg0: i32) -> (i32, i32) {
    %c0_i32 = arith.constant 0 : i32
    %c0_i32_0 = arith.constant 0 : i32
    return %arg0, %c0_i32 : i32, i32
  }
}

</mosaic_0001>

<sc_bundles>
// kernel: kernel.10.cloned.1.call-start
scs
__scs_entry_jumppad:
0x0: {  	(pc) =	sbr.rel $0x88, $3  }
0x1: {  	(tag) =	ssettag $0x0;
	lr =	simm.s32 $0x1  }
0x2: {  	[smem:$0x3F99] =	sst lr;
	_ =	strace $0xD0000000  }
0x3: {  	_ = 	snop  }
0x4: {  	_ = 	snop  }
0x5: {  	_ = 	snop  }
0x6: {  	_ = 	snop  }
0x7: {  	_ = 	snop  }
__scs_overlays_trampoline_lowered:
0x8: {  	[smem:$0x3FA8] =	sst s0  }
0x9: {  	[smem:$0x3FA9] =	sst s1  }
0xa: {  	[smem:$0x3FAA] =	sst s2  }
0xb: {  	[smem:$0x3FAB] =	sst s3  }
0xc: {  	[smem:$0x3FAC] =	sst s4  }
0xd: {  	[smem:$0x3FAD] =	sst s5  }
0xe: {  	[smem:$0x3FAE] =	sst s6  }
0xf: {  	[smem:$0x3FAF] =	sst s7  }
0x10: {  	[smem:$0x3FB0] =	sst s8  }
0x11: {  	[smem:$0x3FB1] =	sst s9;
	s0 =	simm.s32 @!p0 $0x0  }
0x12: {  	s1 =	sld [smem:$0x3F97];
	s0 =	simm.s32 @p0 $0x1  }
0x13: {  	[smem:$0x3FB2] =	sst s0;
	s0 =	simm.s32 @!p1 $0x0  }
0x14: {  	s2 =	sld [smem:$0x3F96];
	s0 =	simm.s32 @p1 $0x1  }
0x15: {  	[smem:$0x3FB3] =	sst s0;
	s0 =	simm.s32 @!p2 $0x0  }
0x16: {  	s3 =	sld [smem:$0x3FDB];
	s0 =	simm.s32 @p2 $0x1  }
0x17: {  	s4 =	simm.s32 $0x1BF5;
	[smem:$0x3FB5] =	sst s0  }
0x18: {  	s0 =	sld [smem:$0x3F98];
	_ =	swait.ge [sflag:s4], $0x0  }
0x19: {  	s7 =	sld [smem:$0x3F99]  }
0x1a: {  	s8 =	sadd.s32 $0xFFFFE003, lr  }
0x1b: {  	s9 =	sadd.s32 $0xFFFFFEF7, lr;
	s5 =	simm.s32 $0xFFFFFFFF;
	p2 =	slt.u32 s8, $0xFFFFF086  }
0x1c: {  	p1 =	slt.u32 s9, $0xF7A;
	s5 =	simm.s32 @!p2 $0x0  }
0x1d: {  	s5 =	simm.s32 @p1 $0x1;
	p0 =	seq.s32 s7, s2  }
0x1e: {  	s7 =	smul.u32 @!p0 $0xF7A, s2;
	p2 =	seq.s32 @!p0 s5, $0x0  }
0x1f: {  	s9 =	smul.u32 $0xF7A, s1;
	s8 =	simm.s32 @!p0 $0x1BF5;
	p2 =	por !p2, p0  }
0x20: {  	[sflag:s8] =	ssyncset.s32 @!p0 $0xFFFFF086;
	s6 =	sadd.s32 @!p0 s3, s7;
	s7 =	simm.s32 @!p0 $0x108  }
0x21: {  	s3 =	sadd.s32 s3, s9;
	s6 =	sadd.s32 @!p0 $0x88, s6;
	s7 =	simm.s32 @p2 $0x1082  }
0x22: {  	[simem:s7], [sflag:s8] =	dma.local @!p0 [hbm:s6], $0xF7A  }
0x23: {  	s9 =	sor.u32 $0xD0000000, s2;
	s6 =	simm.s32 $0x108;
	_ =	swait.ge @!p0 [sflag:s8], $0x0  }
0x24: {  	s3 =	sadd.s32 $0x88, s3;
	s6 =	simm.s32 @!p1 $0x1082;
	[sflag:s4] =	ssyncset.s32 $0xFFFFF086  }
0x25: {  	[simem:s6], [sflag:s4] =	dma.local [hbm:s3], $0xF7A  }
0x26: {  	[smem:$0x3F99] =	sst s1;
	(tag) =	ssettag s2;
	_ =	strace s9  }
0x27: {  	s1 =	sld [smem:$0x3FA9]  }
0x28: {  	s2 =	sld [smem:$0x3FAA]  }
0x29: {  	s4 =	sld [smem:$0x3FAC]  }
0x2a: {  	p0 =	seq.s32 s5, $0x0;
	s5 =	sld [smem:$0x3FAD]  }
0x2b: {  	s6 =	sld [smem:$0x3FAE]  }
0x2c: {  	s7 =	sld [smem:$0x3FAF]  }
0x2d: {  	s3 =	simm.s32 $0x108;
	s8 =	sld [smem:$0x3FB0]  }
0x2e: {  	s3 =	simm.s32 @!p0 $0x1082;
	s9 =	sld [smem:$0x3FB1]  }
0x2f: {  	lr =	sadd.s32 s0, s3;
	s0 =	sld [smem:$0x3FA8]  }
0x30: {  	s3 =	sld [smem:$0x3FAB]  }
0x31: {  	[smem:$0x3FB4] =	sst s10  }
0x32: {  	s10 =	sld [smem:$0x3FB2];
	_ =	sdelay $0x3  }
0x33: {  	p0 =	seq.s32 s10, $0x1;
	s10 =	sld [smem:$0x3FB4];
	_ =	sdelay $0x3  }
0x34: {  	[smem:$0x3FB4] =	sst s10  }
0x35: {  	s10 =	sld [smem:$0x3FB3];
	_ =	sdelay $0x3  }
0x36: {  	p1 =	seq.s32 s10, $0x1;
	s10 =	sld [smem:$0x3FB4];
	_ =	sdelay $0x3  }
0x37: {  	[smem:$0x3FB4] =	sst s10  }
0x38: {  	s10 =	sld [smem:$0x3FB5]  }
0x39: {  	_ = 	snop;
	(pc) =	sbr.ind lr, $3  }
0x3a: {  	_ = 	snop  }
0x3b: {  	_ = 	snop  }
0x3c: {  	p2 =	seq.s32 s10, $0x1;
	s10 =	sld [smem:$0x3FB4]  }
0x3d: {  	_ =	shalt  }
0x3e: {  	_ =	shalt  }
0x3f: {  	_ =	shalt  }
0x40: {  	_ =	shalt  }
0x41: {  	_ =	shalt  }
0x42: {  	_ =	shalt  }
0x43: {  	_ =	shalt  }
0x44: {  	_ =	shalt  }
0x45: {  	_ =	shalt  }
0x46: {  	_ =	shalt  }
0x47: {  	_ =	shalt  }
0x48: {  	_ =	shalt  }
0x49: {  	_ =	shalt  }
0x4a: {  	_ =	shalt  }
0x4b: {  	_ =	shalt  }
0x4c: {  	_ =	shalt  }
0x4d: {  	_ =	shalt  }
0x4e: {  	_ =	shalt  }
0x4f: {  	_ =	shalt  }
0x50: {  	_ =	shalt  }
0x51: {  	_ =	shalt  }
0x52: {  	_ =	shalt  }
0x53: {  	_ =	shalt  }
0x54: {  	_ =	shalt  }
0x55: {  	_ =	shalt  }
0x56: {  	_ =	shalt  }
0x57: {  	_ =	shalt  }
0x58: {  	_ =	shalt  }
0x59: {  	_ =	shalt  }
0x5a: {  	_ =	shalt  }
0x5b: {  	_ =	shalt  }
0x5c: {  	_ =	shalt  }
0x5d: {  	_ =	shalt  }
0x5e: {  	_ =	shalt  }
0x5f: {  	_ =	shalt  }
0x60: {  	_ =	shalt  }
0x61: {  	_ =	shalt  }
0x62: {  	_ =	shalt  }
0x63: {  	_ =	shalt  }
0x64: {  	_ =	shalt  }
0x65: {  	_ =	shalt  }
0x66: {  	_ =	shalt  }
0x67: {  	_ =	shalt  }
0x68: {  	_ =	shalt  }
0x69: {  	_ =	shalt  }
0x6a: {  	_ =	shalt  }
0x6b: {  	_ =	shalt  }
0x6c: {  	_ =	shalt  }
0x6d: {  	_ =	shalt  }
0x6e: {  	_ =	shalt  }
0x6f: {  	_ =	shalt  }
0x70: {  	_ =	shalt  }
0x71: {  	_ =	shalt  }
0x72: {  	_ =	shalt  }
0x73: {  	_ =	shalt  }
0x74: {  	_ =	shalt  }
0x75: {  	_ =	shalt  }
0x76: {  	_ =	shalt  }
0x77: {  	_ =	shalt  }
0x78: {  	_ =	shalt  }
0x79: {  	_ =	shalt  }
0x7a: {  	_ =	shalt  }
0x7b: {  	_ =	shalt  }
0x7c: {  	_ =	shalt  }
0x7d: {  	_ =	shalt  }
0x7e: {  	_ =	shalt  }
0x7f: {  	_ =	shalt  }
0x80: {  	_ =	shalt  }
0x81: {  	_ =	shalt  }
0x82: {  	_ =	shalt  }
0x83: {  	_ =	shalt  }
0x84: {  	_ =	shalt  }
0x85: {  	_ =	shalt  }
0x86: {  	_ =	shalt  }
0x87: {  	_ =	shalt  }
.Lfunc_end0:
.L_simem_size_0:
called_computation_lowered:
.L_overlay_start_0:
0x88: {  	s2 =	sld [smem:$0x3FD9]  }
0x89: {  	s3 =	sld [smem:$0x3FFE];
	_ =	sdelay $0x1  }
0x8a: {  	s1 =	srdreg.scid  }
0x8b: {  	s0 =	sand.u32 $0x1, s1  }
0x8c: {  	s16 =	sshll.u32 s0, $0xA;
	s2 =	sadd.s32 s3, s2  }
0x8d: {  	s2 =	sadd.s32 s2, s16  }
0x8e: {  	[smem:$0x3FC0] =	sst s2  }
0x8f: {  	_ = 	snop  }
0x90: {  	(tm) =	ssettm $0x1  }
0x91: {  	s17 =	sld [smem:$0x3FFB];
	_ =	sdelay $0x3  }
0x92: {  	_ =	strace s17  }
0x93: {  	s2 =	sld [smem:$0x3FFC];
	_ =	sdelay $0x3  }
0x94: {  	_ =	strace s2  }
0x95: {  	s2 =	sld [smem:$0x3FFD];
	_ =	sdelay $0x3  }
0x96: {  	_ =	strace s2  }
0x97: {  	_ =	strace $0x8FFFFFFF  }
0x98: {  	s18 =	sld [smem:$0x3FDB];
	_ =	sdelay $0x1  }
0x99: {  	s19 =	simm.s32 $_scs_section_size  }
0x9a: {  	s4 =	simm.s32 $_size__tile_overlayer_lowered;
	s5 =	simm.s32 $_tile_overlayer_lowered  }
0x9b: {  	s22 =	simm.s32 $0x1BFF;
	s21 =	sshll.u32 s5, $0x1;
	s2 =	sadd.s32 s19, s18  }
0x9c: {  	s6 =	simm.s32 $0x0;
	s20 =	sshll.u32 s4, $0x1;
	s4 =	sadd.s32 s21, s2  }
0x9d: {  	[timem:s6], [sflag:s22] =	dma.local [hbm:s4], s20  }
0x9e: {  	_ =	swait.ge [sflag:s22], s20  }
0x9f: {  	s3 =	ssub.s32 $0x0, s20;
	[sflag:s22] =	ssyncset.done $0x0  }
0xa0: {  	[sflag:s22] =	ssyncadd.s32 s3;
	_ =	sdelay $0x1  }
0xa1: {  	s23 =	simm.s32 $0x1B8B  }
0xa2: {  	_ =	swait.ge [sflag:s23], $0x1  }
0xa3: {  	[sflag:s23] =	ssyncset.done $0x0  }
0xa4: {  	s25 =	simm.s32 $0x1B8E;
	s24 =	sld [smem:$0x3FFE];
	[sflag:s23] =	ssyncadd.s32 $0xFFFFFFFF  }
0xa5: {  	s26 =	simm.s32 $execute0_lowered;
	[smem:$0x3FD2] =	sst s25  }
0xa6: {  	s4 =	sshll.u32 s26, $0x1;
	_ =	strace $0x80000046;
	[dreg:$0x1] =	wrdreg $0xFFFFFFFF  }
0xa7: {  	s28 =	simm.s32 $_size_execute0_lowered;
	s2 =	sadd.s32 s2, s4;
	[dreg:$0x0] =	wrdreg $0x0  }
0xa8: {  	s4 =	sshll.u32 s28, $0x1;
	[dreg:$0x2] =	wrdreg s2  }
0xa9: {  	[dreg:$0x3] =	wrdreg s4  }
0xaa: {  	[dreg:$0x4] =	wrdreg $0xC0  }
0xab: {  	_ =	task [dreg:s6], $0x5FFFF  }
0xac: {  	[dreg:$0x1] =	wrdreg $0xFFFFFFFF  }
0xad: {  	[dreg:$0x0] =	wrdreg $0x60  }
0xae: {  	[dreg:$0x2] =	wrdreg s24  }
0xaf: {  	[dreg:$0x3] =	wrdreg $0x1C800  }
0xb0: {  	[dreg:$0x4] =	wrdreg $0x9  }
0xb1: {  	_ =	task.clear_ibuf [dreg:s6], $0x5FFFF;
	_ =	strace $0x90000046  }
0xb2: {  	s29 =	simm.s32 $0x9;
	_ =	strace $0x80000048  }
0xb3: {  	_ =	swait.ge [sflag:s29], $0x1  }
0xb4: {  	[sflag:s29] =	ssyncadd.s32 $0xFFFFFFFF  }
0xb5: {  	_ =	strace $0x90000048  }
0xb6: {  	_ =	sfence  }
0xb7: {  	s30 =	sld [smem:$0x0];
	_ =	sdelay $0x2  }
0xb8: {  	s31 =	sshll.u32 s1, $0xD;
	s1 =	sshrl.u32 s1, $0x2  }
0xb9: {  	s3 =	sand.u32 $0x4000, s31;
	s1 =	sadd.s32 s1, s30  }
0xba: {  	s0 =	sor.u32 s3, s0;
	s1 =	sshll.u32 s1, $0x11  }
0xbb: {  	s0 =	sor.u32 s1, s0  }
0xbc: {  	s0 =	sadd.s32 $0x8F2B, s0  }
0xbd: {  	[sflag:s0] =	ssyncadd.remote.s32 $0x1  }
0xbe: {  	_ =	sfence.sel $0xFFFF  }
0xbf: {  	[dreg:$0x0] =	wrdreg $0xFFFFFFFF;
	(pc) =	sbr.abs _section_cstart, $3  }
0xc0: {  	[dreg:$0x1] =	wrdreg $0xFFFFFFFF  }
0xc1: {  	_ =	task.clear_ibuf [dreg:s6], $0x2FFFF;
	_ =	strace $0x9FFFFFFF  }
0xc2: {  	(tm) =	ssettm $0x7FFFFFFF  }
0xc3: {  	_ =	shalt  }
tec
execute0_lowered:
.L_overlay_start_1:
0x0: {  	(tag) =	ssettag $0x1  }
0x1: {  	s1 =	rddreg [dreg:$0x0]  }
0x2: {  	s0 =	stileid.u32;
	s3 =	srdreg.scid  }
0x3: {  	s2 =	rddreg [dreg:$0x1];
	s11 =	simm.s32 $0x2;
	s12 =	simm.s32 $0x80  }
0x4: {  	s13 =	simm.s32 $0x1C00;
	s14 =	simm.s32 $0x100;
	s15 =	simm.s32 $0x180  }
0x5: {  	s16 =	simm.s32 $0x200;
	s17 =	simm.s32 $0x280;
	s18 =	simm.s32 $0x300  }
0x6: {  	s19 =	simm.s32 $0x380;
	s20 =	simm.s32 $0x400;
	s21 =	simm.s32 $0x480  }
0x7: {  	s22 =	simm.s32 $0x500;
	s23 =	simm.s32 $0x580;
	s24 =	simm.s32 $0x600  }
0x8: {  	s28 =	simm.s32 $0x780;
	s29 =	simm.s32 $0x1;
	s30 =	simm.s32 $0x0  }
0x9: {  	s5 =	smul.u32 $0x1880, s0;
	s6 =	sand.u32 $0x1, s3;
	s3 =	simm.s32 $0x0  }
0xa: {  	s4 =	sadd.s32 $0x5000, s1;
	s26 =	sshll.u32 s0, $0x6;
	s7 =	smul.u32 $0x18800, s6  }
0xb: {  	[smem:$0x7FF] =	sst s3;
	s9 =	ssub.s32 $0x2, s6;
	s6 =	sshll.u32 s6, $0x4  }
0xc: {  	_ =	strace $0x80000047;
	s8 =	sshrl.u32 s5, $0x3;
	s25 =	sshrl.u32 s9, $0x1  }
0xd: {  	s10 =	sadd.s32 s5, s2;
	s31 =	sor.u32 s0, s6;
	s6 =	sor.u32 $0x1C02, s26  }
0xe: {  	s26 =	simm.s32 $0x700;
	s7 =	sadd.s32 s5, s7;
	s8 =	sadd.s32 s8, s1  }
0xf: {  	s9 =	ssub.s32 s9, s25;
	s10 =	sshrl.u32 s10, $0x3;
	s7 =	sshrl.u32 s7, $0x3  }
0x10: {  	s25 =	simm.s32 $0x680;
	s5 =	sadd.s32 $0xC9000, s8;
	s1 =	sadd.s32 s7, s1  }
0x11: {  	v0 =	vimm.f32 $1.000000000e+00;
	s9 =	smax.u32 s9, $0x1;
	s7 =	smul.u32 $0x310, s31;
	s8 =	sadd.s32 $0xCC200, s1  }
.LBB2_1:
0x12: {  	[tilespmem:$0x1C00] =	vst v0  }
0x13: {  	[tilespmem:$0x1C10] =	vst v0  }
0x14: {  	[tilespmem:$0x1C20] =	vst v0  }
0x15: {  	[tilespmem:$0x1C30] =	vst v0  }
0x16: {  	[tilespmem:$0x1C40] =	vst v0  }
0x17: {  	[tilespmem:$0x1C50] =	vst v0  }
0x18: {  	[tilespmem:$0x1C60] =	vst v0  }
0x19: {  	[tilespmem:$0x1C70] =	vst v0  }
0x1a: {  	[spmem:s10], [sflag:s6] =	dma.local [hbm:s5], $0x310  }
0x1b: {  	_ =	swait.ge [sflag:s11], $0x310  }
0x1c: {  	[sflag:s11] =	ssyncset.done $0x0  }
0x1d: {  	[sflag:s11] =	ssyncadd.s32 $0xFFFFFCF0  }
0x1e: {  	s31 =	simm.s32 $0x0;
	[bflag:$0x0] =	sbarrier.arrive $0xFFFF  }
.LBB2_2:
0x1f: {  	s1 =	smul.u32 $0x38, s31;
	_ =	sdelay $0x1  }
0x20: {  	s1 =	sadd.s32 s7, s1  }
0x21: {  	s1 =	sshll.u32 s1, $0x4  }
0x22: {  	s1 =	sadd.s32 s4, s1  }
0x23: {  	[tilespmem:s3], [sflag:$0x2] =	stream.linear.gather [hbm4b:s1+s3], $0x1C00, $0x38;
	[tilespmem:$0x3500] =	vst v63  }
0x24: {  	_ =	swait.ge [sflag:s11], $0x1C00  }
0x25: {  	[sflag:s11] =	ssyncset.done $0x0  }
0x26: {  	[sflag:s11] =	ssyncadd.s32 $0xFFFFE400  }
0x27: {  	[spmem:s2] =	stream.indirect.scatter.add.f32 [tilespmem:s13], [sflag:$0x1], $0x1, s3, s12, $0xb8;
	[tilespmem:$0x3500] =	vst v63  }
0x28: {  	_ = 	snop  }
0x29: {  	[spmem:s2] =	stream.indirect.scatter.add.f32 [tilespmem:s13], [sflag:$0x1], $0x1, s12, s12, $0xb8;
	[tilespmem:$0x3500] =	vst v63  }
0x2a: {  	_ = 	snop  }
0x2b: {  	[spmem:s2] =	stream.indirect.scatter.add.f32 [tilespmem:s13], [sflag:$0x1], $0x1, s14, s12, $0xb8;
	[tilespmem:$0x3500] =	vst v63  }
0x2c: {  	_ = 	snop  }
0x2d: {  	[spmem:s2] =	stream.indirect.scatter.add.f32 [tilespmem:s13], [sflag:$0x1], $0x1, s15, s12, $0xb8;
	[tilespmem:$0x3500] =	vst v63  }
0x2e: {  	_ = 	snop  }
0x2f: {  	[spmem:s2] =	stream.indirect.scatter.add.f32 [tilespmem:s13], [sflag:$0x1], $0x1, s16, s12, $0xb8;
	[tilespmem:$0x3500] =	vst v63  }
0x30: {  	_ = 	snop  }
0x31: {  	[spmem:s2] =	stream.indirect.scatter.add.f32 [tilespmem:s13], [sflag:$0x1], $0x1, s17, s12, $0xb8;
	[tilespmem:$0x3500] =	vst v63  }
0x32: {  	_ = 	snop  }
0x33: {  	[spmem:s2] =	stream.indirect.scatter.add.f32 [tilespmem:s13], [sflag:$0x1], $0x1, s18, s12, $0xb8;
	[tilespmem:$0x3500] =	vst v63  }
0x34: {  	_ = 	snop  }
0x35: {  	[spmem:s2] =	stream.indirect.scatter.add.f32 [tilespmem:s13], [sflag:$0x1], $0x1, s19, s12, $0xb8;
	[tilespmem:$0x3500] =	vst v63  }
0x36: {  	_ = 	snop  }
0x37: {  	[spmem:s2] =	stream.indirect.scatter.add.f32 [tilespmem:s13], [sflag:$0x1], $0x1, s20, s12, $0xb8;
	[tilespmem:$0x3500] =	vst v63  }
0x38: {  	_ = 	snop  }
0x39: {  	[spmem:s2] =	stream.indirect.scatter.add.f32 [tilespmem:s13], [sflag:$0x1], $0x1, s21, s12, $0xb8;
	[tilespmem:$0x3500] =	vst v63  }
0x3a: {  	_ = 	snop  }
0x3b: {  	[spmem:s2] =	stream.indirect.scatter.add.f32 [tilespmem:s13], [sflag:$0x1], $0x1, s22, s12, $0xb8;
	[tilespmem:$0x3500] =	vst v63  }
0x3c: {  	_ = 	snop  }
0x3d: {  	[spmem:s2] =	stream.indirect.scatter.add.f32 [tilespmem:s13], [sflag:$0x1], $0x1, s23, s12, $0xb8;
	[tilespmem:$0x3500] =	vst v63  }
0x3e: {  	_ = 	snop  }
0x3f: {  	[spmem:s2] =	stream.indirect.scatter.add.f32 [tilespmem:s13], [sflag:$0x1], $0x1, s24, s12, $0xb8;
	[tilespmem:$0x3500] =	vst v63  }
0x40: {  	_ = 	snop  }
0x41: {  	[spmem:s2] =	stream.indirect.scatter.add.f32 [tilespmem:s13], [sflag:$0x1], $0x1, s25, s12, $0xb8;
	[tilespmem:$0x3500] =	vst v63  }
0x42: {  	_ = 	snop  }
0x43: {  	[spmem:s2] =	stream.indirect.scatter.add.f32 [tilespmem:s13], [sflag:$0x1], $0x1, s26, s12, $0xb8;
	[tilespmem:$0x3500] =	vst v63  }
0x44: {  	_ = 	snop  }
0x45: {  	[spmem:s2] =	stream.indirect.scatter.add.f32 [tilespmem:s13], [sflag:$0x1], $0x1, s28, s12, $0xb8;
	[tilespmem:$0x3500] =	vst v63  }
0x46: {  	s0 =	simm.s32 $0x800  }
0x47: {  	[spmem:s2] =	stream.indirect.scatter.add.f32 [tilespmem:s13], [sflag:$0x1], $0x1, s0, s12, $0xb8;
	[tilespmem:$0x3500] =	vst v63  }
0x48: {  	_ =	swait.ge [sflag:s29], $0x80  }
0x49: {  	s1 =	simm.s32 $0x2200;
	[sflag:s29] =	ssyncset.done $0x0  }
.LBB2_3:
0x4a: {  	s0 =	sshra.s32 s1, $0x2;
	[sflag:s29] =	ssyncadd.s32 $0xFFFFFF80;
	p0 =	sne.s32 s1, $0x6E00  }
0x4b: {  	[spmem:s2] =	stream.indirect.scatter.add.f32 [tilespmem:s13], [sflag:$0x1], $0x1, s0, s12, $0xb8;
	[tilespmem:$0x3500] =	vst v63  }
.Ltmp0:
0x4c: {  	_ = 	snop;
	(pc) =	sbr.rel @p0 .LBB2_3-.Ltmp0, $4  }
0x4d: {  	_ = 	snop  }
0x4e: {  	s1 =	sadd.s32 $0x200, s1  }
0x4f: {  	_ =	swait.ge [sflag:s29], $0x80  }
0x50: {  	[sflag:s29] =	ssyncset.done $0x0  }
0x51: {  	[sflag:s29] =	ssyncadd.s32 $0xFFFFFF80  }
0x52: {  	_ =	swait.ge [sflag:s29], $0x80  }
0x53: {  	[sflag:s29] =	ssyncset.done $0x0  }
0x54: {  	[sflag:s29] =	ssyncadd.s32 $0xFFFFFF80  }
0x55: {  	_ =	swait.ge [sflag:s29], $0x80  }
0x56: {  	[sflag:s29] =	ssyncset.done $0x0  }
0x57: {  	[sflag:s29] =	ssyncadd.s32 $0xFFFFFF80  }
0x58: {  	_ =	swait.ge [sflag:s29], $0x80  }
0x59: {  	[sflag:s29] =	ssyncset.done $0x0  }
0x5a: {  	[sflag:s29] =	ssyncadd.s32 $0xFFFFFF80  }
0x5b: {  	_ =	swait.ge [sflag:s29], $0x80  }
0x5c: {  	[sflag:s29] =	ssyncset.done $0x0  }
0x5d: {  	[sflag:s29] =	ssyncadd.s32 $0xFFFFFF80  }
0x5e: {  	_ =	swait.ge [sflag:s29], $0x80  }
0x5f: {  	[sflag:s29] =	ssyncset.done $0x0  }
0x60: {  	[sflag:s29] =	ssyncadd.s32 $0xFFFFFF80  }
0x61: {  	_ =	swait.ge [sflag:s29], $0x80  }
0x62: {  	[sflag:s29] =	ssyncset.done $0x0  }
0x63: {  	[sflag:s29] =	ssyncadd.s32 $0xFFFFFF80  }
0x64: {  	_ =	swait.ge [sflag:s29], $0x80  }
0x65: {  	[sflag:s29] =	ssyncset.done $0x0  }
0x66: {  	[sflag:s29] =	ssyncadd.s32 $0xFFFFFF80  }
0x67: {  	_ =	swait.ge [sflag:s29], $0x80  }
0x68: {  	[sflag:s29] =	ssyncset.done $0x0  }
0x69: {  	[sflag:s29] =	ssyncadd.s32 $0xFFFFFF80  }
0x6a: {  	_ =	swait.ge [sflag:s29], $0x80  }
0x6b: {  	[sflag:s29] =	ssyncset.done $0x0  }
0x6c: {  	[sflag:s29] =	ssyncadd.s32 $0xFFFFFF80  }
0x6d: {  	_ =	swait.ge [sflag:s29], $0x80  }
0x6e: {  	[sflag:s29] =	ssyncset.done $0x0  }
0x6f: {  	[sflag:s29] =	ssyncadd.s32 $0xFFFFFF80  }
0x70: {  	_ =	swait.ge [sflag:s29], $0x80  }
0x71: {  	[sflag:s29] =	ssyncset.done $0x0  }
0x72: {  	[sflag:s29] =	ssyncadd.s32 $0xFFFFFF80  }
0x73: {  	_ =	swait.ge [sflag:s29], $0x80  }
0x74: {  	[sflag:s29] =	ssyncset.done $0x0  }
0x75: {  	[sflag:s29] =	ssyncadd.s32 $0xFFFFFF80  }
0x76: {  	_ =	swait.ge [sflag:s29], $0x80  }
0x77: {  	[sflag:s29] =	ssyncset.done $0x0  }
0x78: {  	[sflag:s29] =	ssyncadd.s32 $0xFFFFFF80  }
0x79: {  	_ =	swait.ge [sflag:s29], $0x80  }
0x7a: {  	[sflag:s29] =	ssyncset.done $0x0  }
0x7b: {  	s31 =	sadd.s32 $0x1, s31;
	[sflag:s29] =	ssyncadd.s32 $0xFFFFFF80  }
0x7c: {  	p0 =	sne.s32 s31, $0xE;
	_ =	swait.ge [sflag:s29], $0x80  }
.Ltmp1:
0x7d: {  	[sflag:s29] =	ssyncset.done $0x0;
	(pc) =	sbr.rel @p0 .LBB2_2-.Ltmp1, $4  }
0x7e: {  	[sflag:s29] =	ssyncadd.s32 $0xFFFFFF80  }
0x7f: {  	_ =	swait.ge [sflag:s29], $0x80  }
0x80: {  	[sflag:s29] =	ssyncset.done $0x0  }
0x81: {  	[sflag:s29] =	ssyncadd.s32 $0xFFFFFF80  }
0x82: {  	s30 =	sadd.s32 $0x1, s30  }
0x83: {  	p0 =	sne.s32 s30, s9  }
.Ltmp2:
0x84: {  	[bflag:$0x0] =	sbarrier.arrive $0xFFFF;
	(pc) =	sbr.rel @p0 .LBB2_1-.Ltmp2, $4  }
0x85: {  	[hbm:s8], [sflag:s6] =	dma.local [spmem:s10], $0x310  }
0x86: {  	_ =	swait.ge [sflag:s11], $0x310  }
0x87: {  	[sflag:s11] =	ssyncset.done $0x0  }
0x88: {  	[sflag:s11] =	ssyncadd.s32 $0xFFFFFCF0  }
0x89: {  	_ =	sfence.sel $0x180000  }
0x8a: {  	[bflag:$0x0] =	sbarrier.arrive $0xFFFF  }
0x8b: {  	_ =	strace $0x90000047  }
0x8c: {  	s0 =	stileid.u32;
	[bflag:$0x2] =	sbarrier.arrive $0xFFFF  }
0x8d: {  	p0 =	sne.s32 s0, $0x0;
	s0 =	rddreg [dreg:$0x2]  }
0x8e: {  	s0 =	sadd.s32 @!p0 $0x100000, s0  }
0x8f: {  	[sflag:s0] =	ssyncadd.tile.s32 @!p0 $0x1;
	_ =	shalt  }
.Lfunc_end2:
_tile_overlayer_lowered:
.L_overlay_start_2:
0x90: {  	(tag) =	ssettag $0x2  }
0x91: {  	s0 =	rddreg [dreg:$0x0];
	s2 =	stileid.u32  }
0x92: {  	s1 =	rddreg [dreg:$0x1];
	p0 =	sne.s32 s2, $0x0  }
0x93: {  	s3 =	rddreg [dreg:$0x2];
	[bflag:$0x3] =	sbarrier.arrive $0xFFFF;
	s2 =	simm.s32 @!p0 $0x1C02  }
0x94: {  	[timem:s3], [sflag:s2] =	dma.local @!p0 [hbm:s0], s1  }
0x95: {  	s0 =	simm.s32 @!p0 $0x2  }
0x96: {  	_ =	swait.ge @!p0 [sflag:s0], s1  }
0x97: {  	s1 =	ssub.s32 @!p0 $0x0, s1;
	[sflag:s0] =	ssyncset.done @!p0 $0x0  }
0x98: {  	[sflag:s0] =	ssyncadd.s32 @!p0 s1  }
0x99: {  	[bflag:$0x3] =	sbarrier.arrive $0xFFFF  }
0x9a: {  	_ =	shalt  }

// kernel: kernel.13.cloned.1.call-start
scs
__scs_entry_jumppad:
0x0: {  	(pc) =	sbr.rel $0x88, $3  }
0x1: {  	(tag) =	ssettag $0x0;
	lr =	simm.s32 $0x1  }
0x2: {  	[smem:$0x3F99] =	sst lr;
	_ =	strace $0xD0000000  }
0x3: {  	_ = 	snop  }
0x4: {  	_ = 	snop  }
0x5: {  	_ = 	snop  }
0x6: {  	_ = 	snop  }
0x7: {  	_ = 	snop  }
__scs_overlays_trampoline_lowered:
0x8: {  	[smem:$0x3FA8] =	sst s0  }
0x9: {  	[smem:$0x3FA9] =	sst s1  }
0xa: {  	[smem:$0x3FAA] =	sst s2  }
0xb: {  	[smem:$0x3FAB] =	sst s3  }
0xc: {  	[smem:$0x3FAC] =	sst s4  }
0xd: {  	[smem:$0x3FAD] =	sst s5  }
0xe: {  	[smem:$0x3FAE] =	sst s6  }
0xf: {  	[smem:$0x3FAF] =	sst s7  }
0x10: {  	[smem:$0x3FB0] =	sst s8  }
0x11: {  	[smem:$0x3FB1] =	sst s9;
	s0 =	simm.s32 @!p0 $0x0  }
0x12: {  	s1 =	sld [smem:$0x3F97];
	s0 =	simm.s32 @p0 $0x1  }
0x13: {  	[smem:$0x3FB2] =	sst s0;
	s0 =	simm.s32 @!p1 $0x0  }
0x14: {  	s2 =	sld [smem:$0x3F96];
	s0 =	simm.s32 @p1 $0x1  }
0x15: {  	[smem:$0x3FB3] =	sst s0;
	s0 =	simm.s32 @!p2 $0x0  }
0x16: {  	s3 =	sld [smem:$0x3FDB];
	s0 =	simm.s32 @p2 $0x1  }
0x17: {  	s4 =	simm.s32 $0x1BF5;
	[smem:$0x3FB5] =	sst s0  }
0x18: {  	s0 =	sld [smem:$0x3F98];
	_ =	swait.ge [sflag:s4], $0x0  }
0x19: {  	s7 =	sld [smem:$0x3F99]  }
0x1a: {  	s8 =	sadd.s32 $0xFFFFE003, lr  }
0x1b: {  	s9 =	sadd.s32 $0xFFFFFEF7, lr;
	s5 =	simm.s32 $0xFFFFFFFF;
	p2 =	slt.u32 s8, $0xFFFFF086  }
0x1c: {  	p1 =	slt.u32 s9, $0xF7A;
	s5 =	simm.s32 @!p2 $0x0  }
0x1d: {  	s5 =	simm.s32 @p1 $0x1;
	p0 =	seq.s32 s7, s2  }
0x1e: {  	s7 =	smul.u32 @!p0 $0xF7A, s2;
	p2 =	seq.s32 @!p0 s5, $0x0  }
0x1f: {  	s9 =	smul.u32 $0xF7A, s1;
	s8 =	simm.s32 @!p0 $0x1BF5;
	p2 =	por !p2, p0  }
0x20: {  	[sflag:s8] =	ssyncset.s32 @!p0 $0xFFFFF086;
	s6 =	sadd.s32 @!p0 s3, s7;
	s7 =	simm.s32 @!p0 $0x108  }
0x21: {  	s3 =	sadd.s32 s3, s9;
	s6 =	sadd.s32 @!p0 $0x88, s6;
	s7 =	simm.s32 @p2 $0x1082  }
0x22: {  	[simem:s7], [sflag:s8] =	dma.local @!p0 [hbm:s6], $0xF7A  }
0x23: {  	s9 =	sor.u32 $0xD0000000, s2;
	s6 =	simm.s32 $0x108;
	_ =	swait.ge @!p0 [sflag:s8], $0x0  }
0x24: {  	s3 =	sadd.s32 $0x88, s3;
	s6 =	simm.s32 @!p1 $0x1082;
	[sflag:s4] =	ssyncset.s32 $0xFFFFF086  }
0x25: {  	[simem:s6], [sflag:s4] =	dma.local [hbm:s3], $0xF7A  }
0x26: {  	[smem:$0x3F99] =	sst s1;
	(tag) =	ssettag s2;
	_ =	strace s9  }
0x27: {  	s1 =	sld [smem:$0x3FA9]  }
0x28: {  	s2 =	sld [smem:$0x3FAA]  }
0x29: {  	s4 =	sld [smem:$0x3FAC]  }
0x2a: {  	p0 =	seq.s32 s5, $0x0;
	s5 =	sld [smem:$0x3FAD]  }
0x2b: {  	s6 =	sld [smem:$0x3FAE]  }
0x2c: {  	s7 =	sld [smem:$0x3FAF]  }
0x2d: {  	s3 =	simm.s32 $0x108;
	s8 =	sld [smem:$0x3FB0]  }
0x2e: {  	s3 =	simm.s32 @!p0 $0x1082;
	s9 =	sld [smem:$0x3FB1]  }
0x2f: {  	lr =	sadd.s32 s0, s3;
	s0 =	sld [smem:$0x3FA8]  }
0x30: {  	s3 =	sld [smem:$0x3FAB]  }
0x31: {  	[smem:$0x3FB4] =	sst s10  }
0x32: {  	s10 =	sld [smem:$0x3FB2];
	_ =	sdelay $0x3  }
0x33: {  	p0 =	seq.s32 s10, $0x1;
	s10 =	sld [smem:$0x3FB4];
	_ =	sdelay $0x3  }
0x34: {  	[smem:$0x3FB4] =	sst s10  }
0x35: {  	s10 =	sld [smem:$0x3FB3];
	_ =	sdelay $0x3  }
0x36: {  	p1 =	seq.s32 s10, $0x1;
	s10 =	sld [smem:$0x3FB4];
	_ =	sdelay $0x3  }
0x37: {  	[smem:$0x3FB4] =	sst s10  }
0x38: {  	s10 =	sld [smem:$0x3FB5]  }
0x39: {  	_ = 	snop;
	(pc) =	sbr.ind lr, $3  }
0x3a: {  	_ = 	snop  }
0x3b: {  	_ = 	snop  }
0x3c: {  	p2 =	seq.s32 s10, $0x1;
	s10 =	sld [smem:$0x3FB4]  }
0x3d: {  	_ =	shalt  }
0x3e: {  	_ =	shalt  }
0x3f: {  	_ =	shalt  }
0x40: {  	_ =	shalt  }
0x41: {  	_ =	shalt  }
0x42: {  	_ =	shalt  }
0x43: {  	_ =	shalt  }
0x44: {  	_ =	shalt  }
0x45: {  	_ =	shalt  }
0x46: {  	_ =	shalt  }
0x47: {  	_ =	shalt  }
0x48: {  	_ =	shalt  }
0x49: {  	_ =	shalt  }
0x4a: {  	_ =	shalt  }
0x4b: {  	_ =	shalt  }
0x4c: {  	_ =	shalt  }
0x4d: {  	_ =	shalt  }
0x4e: {  	_ =	shalt  }
0x4f: {  	_ =	shalt  }
0x50: {  	_ =	shalt  }
0x51: {  	_ =	shalt  }
0x52: {  	_ =	shalt  }
0x53: {  	_ =	shalt  }
0x54: {  	_ =	shalt  }
0x55: {  	_ =	shalt  }
0x56: {  	_ =	shalt  }
0x57: {  	_ =	shalt  }
0x58: {  	_ =	shalt  }
0x59: {  	_ =	shalt  }
0x5a: {  	_ =	shalt  }
0x5b: {  	_ =	shalt  }
0x5c: {  	_ =	shalt  }
0x5d: {  	_ =	shalt  }
0x5e: {  	_ =	shalt  }
0x5f: {  	_ =	shalt  }
0x60: {  	_ =	shalt  }
0x61: {  	_ =	shalt  }
0x62: {  	_ =	shalt  }
0x63: {  	_ =	shalt  }
0x64: {  	_ =	shalt  }
0x65: {  	_ =	shalt  }
0x66: {  	_ =	shalt  }
0x67: {  	_ =	shalt  }
0x68: {  	_ =	shalt  }
0x69: {  	_ =	shalt  }
0x6a: {  	_ =	shalt  }
0x6b: {  	_ =	shalt  }
0x6c: {  	_ =	shalt  }
0x6d: {  	_ =	shalt  }
0x6e: {  	_ =	shalt  }
0x6f: {  	_ =	shalt  }
0x70: {  	_ =	shalt  }
0x71: {  	_ =	shalt  }
0x72: {  	_ =	shalt  }
0x73: {  	_ =	shalt  }
0x74: {  	_ =	shalt  }
0x75: {  	_ =	shalt  }
0x76: {  	_ =	shalt  }
0x77: {  	_ =	shalt  }
0x78: {  	_ =	shalt  }
0x79: {  	_ =	shalt  }
0x7a: {  	_ =	shalt  }
0x7b: {  	_ =	shalt  }
0x7c: {  	_ =	shalt  }
0x7d: {  	_ =	shalt  }
0x7e: {  	_ =	shalt  }
0x7f: {  	_ =	shalt  }
0x80: {  	_ =	shalt  }
0x81: {  	_ =	shalt  }
0x82: {  	_ =	shalt  }
0x83: {  	_ =	shalt  }
0x84: {  	_ =	shalt  }
0x85: {  	_ =	shalt  }
0x86: {  	_ =	shalt  }
0x87: {  	_ =	shalt  }
.Lfunc_end0:
.L_simem_size_0:
called_computation.1_lowered:
.L_overlay_start_0:
0x88: {  	s2 =	sld [smem:$0x3FD9]  }
0x89: {  	s3 =	sld [smem:$0x3FFE];
	_ =	sdelay $0x1  }
0x8a: {  	s1 =	srdreg.scid  }
0x8b: {  	s0 =	sand.u32 $0x1, s1  }
0x8c: {  	s16 =	sshll.u32 s0, $0xA;
	s2 =	sadd.s32 s3, s2  }
0x8d: {  	s2 =	sadd.s32 s2, s16  }
0x8e: {  	[smem:$0x3FC0] =	sst s2  }
0x8f: {  	_ = 	snop  }
0x90: {  	(tm) =	ssettm $0x1  }
0x91: {  	s17 =	sld [smem:$0x3FFB];
	_ =	sdelay $0x3  }
0x92: {  	_ =	strace s17  }
0x93: {  	s2 =	sld [smem:$0x3FFC];
	_ =	sdelay $0x3  }
0x94: {  	_ =	strace s2  }
0x95: {  	s2 =	sld [smem:$0x3FFD];
	_ =	sdelay $0x3  }
0x96: {  	_ =	strace s2  }
0x97: {  	_ =	strace $0x8FFFFFFF  }
0x98: {  	s18 =	sld [smem:$0x3FDB];
	_ =	sdelay $0x1  }
0x99: {  	s19 =	simm.s32 $_scs_section_size  }
0x9a: {  	s4 =	simm.s32 $_size__tile_overlayer_lowered;
	s5 =	simm.s32 $_tile_overlayer_lowered  }
0x9b: {  	s22 =	simm.s32 $0x1BFF;
	s21 =	sshll.u32 s5, $0x1;
	s2 =	sadd.s32 s19, s18  }
0x9c: {  	s6 =	simm.s32 $0x0;
	s20 =	sshll.u32 s4, $0x1;
	s4 =	sadd.s32 s21, s2  }
0x9d: {  	[timem:s6], [sflag:s22] =	dma.local [hbm:s4], s20  }
0x9e: {  	_ =	swait.ge [sflag:s22], s20  }
0x9f: {  	s3 =	ssub.s32 $0x0, s20;
	[sflag:s22] =	ssyncset.done $0x0  }
0xa0: {  	[sflag:s22] =	ssyncadd.s32 s3;
	_ =	sdelay $0x1  }
0xa1: {  	s23 =	simm.s32 $0x1B8B  }
0xa2: {  	_ =	swait.ge [sflag:s23], $0x1  }
0xa3: {  	[sflag:s23] =	ssyncset.done $0x0  }
0xa4: {  	s25 =	simm.s32 $0x1B8E;
	s24 =	sld [smem:$0x3FFE];
	[sflag:s23] =	ssyncadd.s32 $0xFFFFFFFF  }
0xa5: {  	s26 =	simm.s32 $execute0_lowered;
	[smem:$0x3FD2] =	sst s25  }
0xa6: {  	s4 =	sshll.u32 s26, $0x1;
	_ =	strace $0x80000049;
	[dreg:$0x1] =	wrdreg $0xFFFFFFFF  }
0xa7: {  	s28 =	simm.s32 $_size_execute0_lowered;
	s2 =	sadd.s32 s2, s4;
	[dreg:$0x0] =	wrdreg $0x0  }
0xa8: {  	s4 =	sshll.u32 s28, $0x1;
	[dreg:$0x2] =	wrdreg s2  }
0xa9: {  	[dreg:$0x3] =	wrdreg s4  }
0xaa: {  	[dreg:$0x4] =	wrdreg $0xC0  }
0xab: {  	_ =	task [dreg:s6], $0x5FFFF  }
0xac: {  	[dreg:$0x1] =	wrdreg $0xFFFFFFFF  }
0xad: {  	[dreg:$0x0] =	wrdreg $0x60  }
0xae: {  	[dreg:$0x2] =	wrdreg s24  }
0xaf: {  	[dreg:$0x3] =	wrdreg $0x70000  }
0xb0: {  	[dreg:$0x4] =	wrdreg $0x9  }
0xb1: {  	_ =	task.clear_ibuf [dreg:s6], $0x5FFFF;
	_ =	strace $0x90000049  }
0xb2: {  	s29 =	simm.s32 $0x9;
	_ =	strace $0x8000004B  }
0xb3: {  	_ =	swait.ge [sflag:s29], $0x1  }
0xb4: {  	[sflag:s29] =	ssyncadd.s32 $0xFFFFFFFF  }
0xb5: {  	_ =	strace $0x9000004B  }
0xb6: {  	_ =	sfence  }
0xb7: {  	s30 =	sld [smem:$0x0];
	_ =	sdelay $0x2  }
0xb8: {  	s31 =	sshll.u32 s1, $0xD;
	s1 =	sshrl.u32 s1, $0x2  }
0xb9: {  	s3 =	sand.u32 $0x4000, s31;
	s1 =	sadd.s32 s1, s30  }
0xba: {  	s0 =	sor.u32 s3, s0;
	s1 =	sshll.u32 s1, $0x11  }
0xbb: {  	s0 =	sor.u32 s1, s0  }
0xbc: {  	s0 =	sadd.s32 $0x8F2B, s0  }
0xbd: {  	[sflag:s0] =	ssyncadd.remote.s32 $0x1  }
0xbe: {  	_ =	sfence.sel $0xFFFF  }
0xbf: {  	[dreg:$0x0] =	wrdreg $0xFFFFFFFF;
	(pc) =	sbr.abs _section_cstart, $3  }
0xc0: {  	[dreg:$0x1] =	wrdreg $0xFFFFFFFF  }
0xc1: {  	_ =	task.clear_ibuf [dreg:s6], $0x2FFFF;
	_ =	strace $0x9FFFFFFF  }
0xc2: {  	(tm) =	ssettm $0x7FFFFFFF  }
0xc3: {  	_ =	shalt  }
tec
execute0_lowered:
.L_overlay_start_1:
0x0: {  	(tag) =	ssettag $0x1  }
0x1: {  	s0 =	rddreg [dreg:$0x0]  }
0x2: {  	s2 =	rddreg [dreg:$0x1];
	s4 =	stileid.u32;
	s5 =	simm.s32 $0x0  }
0x3: {  	s3 =	srdreg.scid;
	s14 =	simm.s32 $0xF;
	s16 =	simm.s32 $0x80  }
0x4: {  	s17 =	simm.s32 $0x3800;
	s18 =	simm.s32 $0x4000;
	s28 =	simm.s32 $0x1  }
0x5: {  	s29 =	simm.s32 $0x6800;
	s30 =	simm.s32 $0x2;
	s31 =	simm.s32 $0x4  }
0x6: {  	s12 =	simm.s32 $0xA;
	s13 =	simm.s32 $0xC;
	s15 =	simm.s32 $0xE  }
0x7: {  	s1 =	smul.u32 $0x18800, s4;
	[smem:$0x7FF] =	sst s5;
	s3 =	sand.u32 $0x1, s3  }
0x8: {  	s8 =	smul.u32 $0x3100, s4;
	s6 =	sadd.s32 $0x67000, s0;
	s22 =	sadd.s32 $0x5000, s0  }
0x9: {  	s7 =	sadd.s32 $0xC9000, s0;
	s25 =	sshll.u32 s4, $0x6;
	s4 =	smul.u32 $0x620, s4  }
0xa: {  	_ =	strace $0x8000004A;
	[dreg:$0x4] =	wrdreg s6;
	s9 =	smul.u32 $0x31000, s3  }
0xb: {  	[dreg:$0x5] =	wrdreg s22;
	s6 =	sadd.s32 $0x134400, s0;
	s23 =	ssub.s32 $0x2, s3  }
0xc: {  	p0 =	seq.s32 s3, $0x1;
	s22 =	simm.s32 $0x5000;
	s3 =	simm.s32 $0xD  }
0xd: {  	s10 =	sshrl.u32 s1, $0x3;
	s24 =	sshrl.u32 s23, $0x1;
	s1 =	sadd.s32 s1, s2  }
0xe: {  	[dreg:$0x8] =	wrdreg s4;
	s8 =	sadd.s32 s8, s9;
	s10 =	sadd.s32 s10, s0  }
0xf: {  	s0 =	sadd.s32 s8, s0;
	s8 =	ssub.s32 s23, s24;
	s10 =	sadd.s32 $0x165400, s10  }
.Ltmp0:
0x10: {  	[dreg:$0x6] =	wrdreg s10;
	s0 =	sadd.s32 $0x196400, s0;
	(pc) =	sbr.rel .LBB2_1-.Ltmp0, $4  }
0x11: {  	s9 =	simm.s32 $0xB;
	s26 =	smax.u32 s8, $0x1;
	[dreg:$0x9] =	wrdreg s0  }
0x12: {  	s24 =	simm.s32 $0x5800;
	s10 =	sor.u32 $0x1C0F, s25;
	[dreg:$0xa] =	wrdreg s26  }
0x13: {  	s8 =	sshrl.u32 s1, $0x3;
	s1 =	simm.s32 $0x7;
	[dreg:$0x7] =	wrdreg s10  }
0x14: {  	s26 =	simm.s32 $0x6000;
	s0 =	simm.s32 $0x6;
	[dreg:$0xb] =	wrdreg s8  }
.LBB2_10:
0x15: {  	[bflag:$0x0] =	sbarrier.arrive $0xFFFF  }
0x16: {  	s10 =	rddreg [dreg:$0x7]  }
0x17: {  	s4 =	rddreg [dreg:$0x9]  }
0x18: {  	s8 =	rddreg [dreg:$0xb]  }
0x19: {  	[hbm:s4], [sflag:s10] =	dma.local [spmem:s8], $0x3100  }
0x1a: {  	_ =	swait.ge [sflag:s14], $0x3100  }
0x1b: {  	s5 =	rddreg [dreg:$0x3]  }
0x1c: {  	s25 =	rddreg [dreg:$0xa];
	s5 =	sadd.s32 $0x1, s5  }
0x1d: {  	p1 =	sne.s32 s5, s25  }
.Ltmp1:
0x1e: {  	_ = 	snop;
	(pc) =	sbr.rel @!p1 .LBB2_11-.Ltmp1, $3  }
0x1f: {  	_ =	sdelay $0x1  }
0x20: {  	[sflag:s14] =	ssyncset.done $0x0  }
0x21: {  	[sflag:s14] =	ssyncadd.s32 $0xFFFFCF00  }
.LBB2_1:
0x22: {  	[dreg:$0x3] =	wrdreg s5  }
0x23: {  	s4 =	rddreg [dreg:$0x6]  }
0x24: {  	[spmem:s8], [sflag:s10] =	dma.local [hbm:s4], $0x3100  }
.Ltmp2:
0x25: {  	_ =	swait.ge [sflag:s14], $0x3100;
	(pc) =	sbr.rel @p0 .LBB2_6-.Ltmp2, $4  }
.Ltmp3:
0x26: {  	[sflag:s14] =	ssyncset.done $0x0;
	(pc) =	sbr.rel @!p0 .LBB2_2-.Ltmp3, $4  }
0x27: {  	[sflag:s14] =	ssyncadd.s32 $0xFFFFCF00  }
0x28: {  	[bflag:$0x0] =	sbarrier.arrive $0xFFFF  }
0x29: {  	s19 =	simm.s32 $0x0;
	s20 =	simm.s32 $0x0  }
0x2a: {  	_ = 	snop  }
.LBB2_9:
0x2b: {  	_ =	swait.ge [sflag:s1], $0x800  }
0x2c: {  	[sflag:s1] =	ssyncset.done $0x0  }
0x2d: {  	s4 =	simm.s32 $0x8;
	[sflag:s1] =	ssyncadd.s32 $0xFFFFF800  }
0x2e: {  	[spmem:s2] =	stream.indirect.scatter.add.f32 [tilespmem:s29], [sflag:$0xE], $0x10, s23, s16, $0xb8;
	[tilespmem:$0x1F800] =	vst v63  }
0x2f: {  	_ =	swait.ge [sflag:s4], $0x800  }
0x30: {  	[sflag:s4] =	ssyncset.done $0x0  }
0x31: {  	s25 =	simm.s32 $0x9;
	[sflag:s4] =	ssyncadd.s32 $0xFFFFF800  }
0x32: {  	_ =	swait.ge [sflag:s25], $0x800  }
0x33: {  	[sflag:s25] =	ssyncset.done $0x0  }
0x34: {  	[sflag:s25] =	ssyncadd.s32 $0xFFFFF800  }
0x35: {  	_ =	swait.ge [sflag:s12], $0x800  }
0x36: {  	[sflag:s12] =	ssyncset.done $0x0  }
0x37: {  	[sflag:s12] =	ssyncadd.s32 $0xFFFFF800  }
0x38: {  	_ =	swait.ge [sflag:s9], $0x800  }
0x39: {  	[sflag:s9] =	ssyncset.done $0x0  }
0x3a: {  	[sflag:s9] =	ssyncadd.s32 $0xFFFFF800  }
0x3b: {  	_ =	swait.ge [sflag:s13], $0x800  }
0x3c: {  	[sflag:s13] =	ssyncset.done $0x0  }
0x3d: {  	s20 =	sadd.s32 $0x1, s20;
	[sflag:s13] =	ssyncadd.s32 $0xFFFFF800  }
0x3e: {  	p1 =	sne.s32 s20, $0x1C;
	_ =	swait.ge [sflag:s3], $0x800  }
.Ltmp4:
0x3f: {  	[sflag:s3] =	ssyncset.done $0x0;
	(pc) =	sbr.rel @!p1 .LBB2_10-.Ltmp4, $4  }
0x40: {  	[sflag:s3] =	ssyncadd.s32 $0xFFFFF800  }
0x41: {  	_ =	swait.ge [sflag:s15], $0x800  }
0x42: {  	[sflag:s15] =	ssyncset.done $0x0  }
0x43: {  	[sflag:s15] =	ssyncadd.s32 $0xFFFFF800  }
.LBB2_6:
0x44: {  	s4 =	smul.u32 $0x38, s20  }
0x45: {  	s5 =	rddreg [dreg:$0x8]  }
0x46: {  	s4 =	sadd.s32 s5, s4  }
0x47: {  	s23 =	rddreg [dreg:$0x4];
	s4 =	sshll.u32 s4, $0x4  }
0x48: {  	s19 =	simm.s32 $0x0;
	s5 =	sadd.s32 s23, s4  }
0x49: {  	[tilespmem:s19], [sflag:$0xF] =	stream.linear.gather [hbm4b:s5+s19], $0x1C00, $0x38;
	[tilespmem:$0x1F800] =	vst v63  }
0x4a: {  	_ =	swait.ge [sflag:s14], $0x1C00  }
0x4b: {  	[sflag:s14] =	ssyncset.done $0x0;
	s25 =	rddreg [dreg:$0x5]  }
0x4c: {  	s8 =	simm.s32 $0x1C00;
	[sflag:s14] =	ssyncadd.s32 $0xFFFFE400;
	s4 =	sadd.s32 s25, s4  }
0x4d: {  	[tilespmem:s8], [sflag:$0xF] =	stream.linear.gather [hbm4b:s4+s19], $0x1C00, $0x38;
	[tilespmem:$0x1F800] =	vst v63  }
0x4e: {  	_ =	swait.ge [sflag:s14], $0x1C00  }
0x4f: {  	[sflag:s14] =	ssyncset.done $0x0  }
0x50: {  	[sflag:s14] =	ssyncadd.s32 $0xFFFFE400  }
0x51: {  	[tilespmem:s17], [sflag:$0x1] =	stream.indirect.gather [hbm4b:s7+s16], $0x10, s19, s16, $0xb8;
	[tilespmem:$0x1F800] =	vst v63  }
0x52: {  	_ = 	snop  }
0x53: {  	[tilespmem:s18], [sflag:$0x2] =	stream.indirect.gather [hbm4b:s7+s16], $0x10, s16, s16, $0xb8;
	[tilespmem:$0x1F800] =	vst v63  }
0x54: {  	s10 =	simm.s32 $0x100;
	s11 =	simm.s32 $0x4800  }
0x55: {  	[tilespmem:s11], [sflag:$0x3] =	stream.indirect.gather [hbm4b:s7+s16], $0x10, s10, s16, $0xb8;
	[tilespmem:$0x1F800] =	vst v63  }
0x56: {  	s21 =	simm.s32 $0x180  }
0x57: {  	[tilespmem:s22], [sflag:$0x4] =	stream.indirect.gather [hbm4b:s7+s16], $0x10, s21, s16, $0xb8;
	[tilespmem:$0x1F800] =	vst v63  }
0x58: {  	s23 =	simm.s32 $0x200  }
0x59: {  	[tilespmem:s24], [sflag:$0x5] =	stream.indirect.gather [hbm4b:s7+s16], $0x10, s23, s16, $0xb8;
	[tilespmem:$0x1F800] =	vst v63  }
0x5a: {  	s25 =	simm.s32 $0x280  }
0x5b: {  	[tilespmem:s26], [sflag:$0x6] =	stream.indirect.gather [hbm4b:s7+s16], $0x10, s25, s16, $0xb8;
	[tilespmem:$0x1F800] =	vst v63  }
.LBB2_7:
0x5c: {  	_ =	swait.ge [sflag:s28], $0x800  }
0x5d: {  	s21 =	sshra.s32 s19, $0x2;
	[sflag:s28] =	ssyncset.done $0x0  }
0x5e: {  	p1 =	seq.s32 s19, $0x0;
	s4 =	sadd.s32 $0x1C00, s21;
	[sflag:s28] =	ssyncadd.s32 $0xFFFFF800  }
0x5f: {  	[spmem:s2] =	stream.indirect.scatter.add.f32 [tilespmem:s17], [sflag:$0x8], $0x10, s4, s16, $0xb8;
	[tilespmem:$0x1F800] =	vst v63  }
0x60: {  	s4 =	simm.s32 @!p1 $0xE  }
0x61: {  	_ =	swait.ge @!p1 [sflag:s4], $0x800  }
0x62: {  	[sflag:s4] =	ssyncset.done @!p1 $0x0  }
0x63: {  	s11 =	sadd.s32 $0x300, s21;
	[sflag:s4] =	ssyncadd.s32 @!p1 $0xFFFFF800  }
0x64: {  	[tilespmem:s29], [sflag:$0x7] =	stream.indirect.gather [hbm4b:s7+s16], $0x10, s11, s16, $0xb8;
	[tilespmem:$0x1F800] =	vst v63  }
0x65: {  	_ =	swait.ge [sflag:s30], $0x800  }
0x66: {  	p1 =	seq.s32 s19, $0x6200;
	[sflag:s30] =	ssyncset.done $0x0  }
0x67: {  	s23 =	sadd.s32 $0x1C80, s21;
	s4 =	simm.s32 @p1 $0x3;
	[sflag:s30] =	ssyncadd.s32 $0xFFFFF800  }
0x68: {  	[spmem:s2] =	stream.indirect.scatter.add.f32 [tilespmem:s18], [sflag:$0x9], $0x10, s23, s16, $0xb8;
	[tilespmem:$0x1F800] =	vst v63  }
0x69: {  	_ =	swait.ge @p1 [sflag:s4], $0x800  }
0x6a: {  	[sflag:s4] =	ssyncset.done @p1 $0x0  }
0x6b: {  	[sflag:s4] =	ssyncadd.s32 @p1 $0xFFFFF800;
	s4 =	sshra.s32 @p1 s19, $0x2  }
0x6c: {  	s8 =	simm.s32 @p1 $0x80;
	s10 =	simm.s32 @p1 $0x4800;
	s5 =	sadd.s32 @p1 $0x1D00, s4  }
0x6d: {  	[spmem:s2] =	stream.indirect.scatter.add.f32 @p1 [tilespmem:s10], [sflag:$0xA], $0x10, s5, s8, $0xb8;
	[tilespmem:$0x1F800] =	vst v63  }
0x6e: {  	s5 =	simm.s32 @!p1 $0x8  }
0x6f: {  	_ =	swait.ge @!p1 [sflag:s5], $0x800  }
0x70: {  	[sflag:s5] =	ssyncset.done @!p1 $0x0  }
0x71: {  	[sflag:s5] =	ssyncadd.s32 @!p1 $0xFFFFF800;
	s5 =	sshra.s32 @!p1 s19, $0x2  }
0x72: {  	s11 =	simm.s32 @!p1 $0x80;
	s23 =	simm.s32 @!p1 $0x3800;
	s10 =	sadd.s32 @!p1 $0x380, s5  }
0x73: {  	[tilespmem:s23], [sflag:$0x1] =	stream.indirect.gather @!p1 [hbm4b:s7+s11], $0x10, s10, s11, $0xb8;
	[tilespmem:$0x1F800] =	vst v63  }
0x74: {  	s10 =	simm.s32 @!p1 $0x3  }
0x75: {  	_ =	swait.ge @!p1 [sflag:s10], $0x800  }
0x76: {  	[sflag:s10] =	ssyncset.done @!p1 $0x0  }
0x77: {  	s23 =	simm.s32 @!p1 $0x4800;
	[sflag:s10] =	ssyncadd.s32 @!p1 $0xFFFFF800;
	s10 =	sadd.s32 @!p1 $0x1D00, s5  }
0x78: {  	[spmem:s2] =	stream.indirect.scatter.add.f32 @!p1 [tilespmem:s23], [sflag:$0xA], $0x10, s10, s11, $0xb8;
	[tilespmem:$0x1F800] =	vst v63  }
0x79: {  	s10 =	simm.s32 @!p1 $0x9  }
0x7a: {  	_ =	swait.ge @!p1 [sflag:s10], $0x800  }
0x7b: {  	[sflag:s10] =	ssyncset.done @!p1 $0x0  }
0x7c: {  	s25 =	simm.s32 @!p1 $0x4000;
	[sflag:s10] =	ssyncadd.s32 @!p1 $0xFFFFF800;
	s10 =	sadd.s32 @!p1 $0x400, s5  }
0x7d: {  	[tilespmem:s25], [sflag:$0x2] =	stream.indirect.gather @!p1 [hbm4b:s7+s11], $0x10, s10, s11, $0xb8;
	[tilespmem:$0x1F800] =	vst v63  }
0x7e: {  	_ =	swait.ge [sflag:s31], $0x800  }
0x7f: {  	[sflag:s31] =	ssyncset.done $0x0  }
0x80: {  	s25 =	sadd.s32 $0x1D80, s21;
	s10 =	simm.s32 @p1 $0x5;
	[sflag:s31] =	ssyncadd.s32 $0xFFFFF800  }
0x81: {  	[spmem:s2] =	stream.indirect.scatter.add.f32 [tilespmem:s22], [sflag:$0xB], $0x10, s25, s16, $0xb8;
	[tilespmem:$0x1F800] =	vst v63  }
0x82: {  	_ =	swait.ge @p1 [sflag:s10], $0x800  }
0x83: {  	[sflag:s10] =	ssyncset.done @p1 $0x0  }
0x84: {  	s4 =	sadd.s32 @p1 $0x1E00, s4;
	[sflag:s10] =	ssyncadd.s32 @p1 $0xFFFFF800;
	s10 =	simm.s32 @p1 $0x5800  }
0x85: {  	[spmem:s2] =	stream.indirect.scatter.add.f32 @p1 [tilespmem:s10], [sflag:$0xC], $0x10, s4, s8, $0xb8;
	[tilespmem:$0x1F800] =	vst v63  }
0x86: {  	s4 =	simm.s32 @!p1 $0xA  }
0x87: {  	_ =	swait.ge @!p1 [sflag:s4], $0x800  }
0x88: {  	[sflag:s4] =	ssyncset.done @!p1 $0x0  }
0x89: {  	[sflag:s4] =	ssyncadd.s32 @!p1 $0xFFFFF800;
	s4 =	sadd.s32 @!p1 $0x480, s5  }
0x8a: {  	[tilespmem:s23], [sflag:$0x3] =	stream.indirect.gather @!p1 [hbm4b:s7+s11], $0x10, s4, s11, $0xb8;
	[tilespmem:$0x1F800] =	vst v63  }
0x8b: {  	s4 =	simm.s32 @!p1 $0x5  }
0x8c: {  	_ =	swait.ge @!p1 [sflag:s4], $0x800  }
0x8d: {  	[sflag:s4] =	ssyncset.done @!p1 $0x0  }
0x8e: {  	s8 =	simm.s32 @!p1 $0x5800;
	[sflag:s4] =	ssyncadd.s32 @!p1 $0xFFFFF800;
	s4 =	sadd.s32 @!p1 $0x1E00, s5  }
0x8f: {  	[spmem:s2] =	stream.indirect.scatter.add.f32 @!p1 [tilespmem:s8], [sflag:$0xC], $0x10, s4, s11, $0xb8;
	[tilespmem:$0x1F800] =	vst v63  }
0x90: {  	s4 =	simm.s32 @!p1 $0xB  }
0x91: {  	_ =	swait.ge @!p1 [sflag:s4], $0x800  }
0x92: {  	[sflag:s4] =	ssyncset.done @!p1 $0x0  }
0x93: {  	[sflag:s4] =	ssyncadd.s32 @!p1 $0xFFFFF800;
	s4 =	sadd.s32 @!p1 $0x500, s5;
	s5 =	simm.s32 @!p1 $0x5000  }
0x94: {  	[tilespmem:s5], [sflag:$0x4] =	stream.indirect.gather @!p1 [hbm4b:s7+s11], $0x10, s4, s11, $0xb8;
	[tilespmem:$0x1F800] =	vst v63  }
.Ltmp5:
0x95: {  	_ = 	snop;
	(pc) =	sbr.rel @p1 .LBB2_9-.Ltmp5, $4  }
0x96: {  	_ =	swait.ge [sflag:s0], $0x800  }
0x97: {  	[sflag:s0] =	ssyncset.done $0x0  }
0x98: {  	s25 =	sadd.s32 $0x1E80, s21;
	s23 =	sadd.s32 $0x1F00, s21;
	[sflag:s0] =	ssyncadd.s32 $0xFFFFF800  }
0x99: {  	[spmem:s2] =	stream.indirect.scatter.add.f32 [tilespmem:s26], [sflag:$0xD], $0x10, s25, s16, $0xb8;
	[tilespmem:$0x1F800] =	vst v63  }
0x9a: {  	_ =	swait.ge [sflag:s13], $0x800  }
0x9b: {  	[sflag:s13] =	ssyncset.done $0x0  }
0x9c: {  	s4 =	sadd.s32 $0x580, s21;
	[sflag:s13] =	ssyncadd.s32 $0xFFFFF800  }
0x9d: {  	[tilespmem:s24], [sflag:$0x5] =	stream.indirect.gather [hbm4b:s7+s16], $0x10, s4, s16, $0xb8;
	[tilespmem:$0x1F800] =	vst v63  }
0x9e: {  	_ =	swait.ge [sflag:s1], $0x800  }
0x9f: {  	[sflag:s1] =	ssyncset.done $0x0  }
0xa0: {  	[sflag:s1] =	ssyncadd.s32 $0xFFFFF800  }
0xa1: {  	[spmem:s2] =	stream.indirect.scatter.add.f32 [tilespmem:s29], [sflag:$0xE], $0x10, s23, s16, $0xb8;
	[tilespmem:$0x1F800] =	vst v63  }
.Ltmp6:
0xa2: {  	_ = 	snop;
	(pc) =	sbr.rel .LBB2_7-.Ltmp6, $4  }
0xa3: {  	_ =	swait.ge [sflag:s3], $0x800  }
0xa4: {  	[sflag:s3] =	ssyncset.done $0x0  }
0xa5: {  	s25 =	sadd.s32 $0x600, s21;
	s19 =	sadd.s32 $0xE00, s19;
	[sflag:s3] =	ssyncadd.s32 $0xFFFFF800  }
0xa6: {  	[tilespmem:s26], [sflag:$0x6] =	stream.indirect.gather [hbm4b:s7+s16], $0x10, s25, s16, $0xb8;
	[tilespmem:$0x1F800] =	vst v63  }
.LBB2_5:
0xa7: {  	_ =	swait.ge [sflag:s1], $0x800  }
0xa8: {  	[sflag:s1] =	ssyncset.done $0x0  }
0xa9: {  	s4 =	simm.s32 $0x8;
	[sflag:s1] =	ssyncadd.s32 $0xFFFFF800  }
0xaa: {  	[spmem:s2] =	stream.indirect.scatter.add.f32 [tilespmem:s29], [sflag:$0xE], $0x10, s23, s16, $0xb8;
	[tilespmem:$0x1F800] =	vst v63  }
0xab: {  	_ =	swait.ge [sflag:s4], $0x800  }
0xac: {  	[sflag:s4] =	ssyncset.done $0x0  }
0xad: {  	s25 =	simm.s32 $0x9;
	[sflag:s4] =	ssyncadd.s32 $0xFFFFF800  }
0xae: {  	_ =	swait.ge [sflag:s25], $0x800  }
0xaf: {  	[sflag:s25] =	ssyncset.done $0x0  }
0xb0: {  	[sflag:s25] =	ssyncadd.s32 $0xFFFFF800  }
0xb1: {  	_ =	swait.ge [sflag:s12], $0x800  }
0xb2: {  	[sflag:s12] =	ssyncset.done $0x0  }
0xb3: {  	[sflag:s12] =	ssyncadd.s32 $0xFFFFF800  }
0xb4: {  	_ =	swait.ge [sflag:s9], $0x800  }
0xb5: {  	[sflag:s9] =	ssyncset.done $0x0  }
0xb6: {  	[sflag:s9] =	ssyncadd.s32 $0xFFFFF800  }
0xb7: {  	_ =	swait.ge [sflag:s13], $0x800  }
0xb8: {  	[sflag:s13] =	ssyncset.done $0x0  }
0xb9: {  	s19 =	sadd.s32 $0x1, s19;
	[sflag:s13] =	ssyncadd.s32 $0xFFFFF800  }
0xba: {  	p1 =	seq.s32 s19, $0x1C;
	_ =	swait.ge [sflag:s3], $0x800  }
.Ltmp7:
0xbb: {  	[sflag:s3] =	ssyncset.done $0x0;
	(pc) =	sbr.rel @p1 .LBB2_10-.Ltmp7, $4  }
0xbc: {  	[sflag:s3] =	ssyncadd.s32 $0xFFFFF800  }
0xbd: {  	_ =	swait.ge [sflag:s15], $0x800  }
0xbe: {  	[sflag:s15] =	ssyncset.done $0x0  }
0xbf: {  	[sflag:s15] =	ssyncadd.s32 $0xFFFFF800  }
.LBB2_2:
0xc0: {  	s20 =	smul.u32 $0x38, s19  }
0xc1: {  	s4 =	rddreg [dreg:$0x8]  }
0xc2: {  	s20 =	sadd.s32 s4, s20  }
0xc3: {  	s5 =	rddreg [dreg:$0x4];
	s21 =	sshll.u32 s20, $0x4  }
0xc4: {  	s20 =	simm.s32 $0x0;
	s23 =	sadd.s32 s5, s21  }
0xc5: {  	[tilespmem:s20], [sflag:$0xF] =	stream.linear.gather [hbm4b:s23+s20], $0x1C00, $0x38;
	[tilespmem:$0x1F800] =	vst v63  }
0xc6: {  	_ =	swait.ge [sflag:s14], $0x1C00  }
0xc7: {  	[sflag:s14] =	ssyncset.done $0x0;
	s8 =	rddreg [dreg:$0x5]  }
0xc8: {  	s10 =	simm.s32 $0x1C00;
	[sflag:s14] =	ssyncadd.s32 $0xFFFFE400;
	s21 =	sadd.s32 s8, s21  }
0xc9: {  	[tilespmem:s10], [sflag:$0xF] =	stream.linear.gather [hbm4b:s21+s20], $0x1C00, $0x38;
	[tilespmem:$0x1F800] =	vst v63  }
0xca: {  	_ =	swait.ge [sflag:s14], $0x1C00  }
0xcb: {  	[sflag:s14] =	ssyncset.done $0x0  }
0xcc: {  	[sflag:s14] =	ssyncadd.s32 $0xFFFFE400  }
0xcd: {  	[tilespmem:s17], [sflag:$0x1] =	stream.indirect.gather [hbm4b:s6+s16], $0x10, s20, s16, $0xb8;
	[tilespmem:$0x1F800] =	vst v63  }
0xce: {  	_ = 	snop  }
0xcf: {  	[tilespmem:s18], [sflag:$0x2] =	stream.indirect.gather [hbm4b:s6+s16], $0x10, s16, s16, $0xb8;
	[tilespmem:$0x1F800] =	vst v63  }
0xd0: {  	s11 =	simm.s32 $0x100;
	s5 =	simm.s32 $0x4800  }
0xd1: {  	[tilespmem:s5], [sflag:$0x3] =	stream.indirect.gather [hbm4b:s6+s16], $0x10, s11, s16, $0xb8;
	[tilespmem:$0x1F800] =	vst v63  }
0xd2: {  	s21 =	simm.s32 $0x180  }
0xd3: {  	[tilespmem:s22], [sflag:$0x4] =	stream.indirect.gather [hbm4b:s6+s16], $0x10, s21, s16, $0xb8;
	[tilespmem:$0x1F800] =	vst v63  }
0xd4: {  	s23 =	simm.s32 $0x200  }
0xd5: {  	[tilespmem:s24], [sflag:$0x5] =	stream.indirect.gather [hbm4b:s6+s16], $0x10, s23, s16, $0xb8;
	[tilespmem:$0x1F800] =	vst v63  }
0xd6: {  	s25 =	simm.s32 $0x280  }
0xd7: {  	[tilespmem:s26], [sflag:$0x6] =	stream.indirect.gather [hbm4b:s6+s16], $0x10, s25, s16, $0xb8;
	[tilespmem:$0x1F800] =	vst v63  }
.LBB2_3:
0xd8: {  	_ =	swait.ge [sflag:s28], $0x800  }
0xd9: {  	s21 =	sshra.s32 s20, $0x2;
	[sflag:s28] =	ssyncset.done $0x0  }
0xda: {  	p1 =	seq.s32 s20, $0x0;
	s23 =	sadd.s32 $0x1C00, s21;
	[sflag:s28] =	ssyncadd.s32 $0xFFFFF800  }
0xdb: {  	[spmem:s2] =	stream.indirect.scatter.add.f32 [tilespmem:s17], [sflag:$0x8], $0x10, s23, s16, $0xb8;
	[tilespmem:$0x1F800] =	vst v63  }
0xdc: {  	s23 =	simm.s32 @!p1 $0xE  }
0xdd: {  	_ =	swait.ge @!p1 [sflag:s23], $0x800  }
0xde: {  	[sflag:s23] =	ssyncset.done @!p1 $0x0  }
0xdf: {  	s8 =	sadd.s32 $0x300, s21;
	[sflag:s23] =	ssyncadd.s32 @!p1 $0xFFFFF800  }
0xe0: {  	[tilespmem:s29], [sflag:$0x7] =	stream.indirect.gather [hbm4b:s6+s16], $0x10, s8, s16, $0xb8;
	[tilespmem:$0x1F800] =	vst v63  }
0xe1: {  	_ =	swait.ge [sflag:s30], $0x800  }
0xe2: {  	p1 =	seq.s32 s20, $0x6200;
	[sflag:s30] =	ssyncset.done $0x0  }
0xe3: {  	s10 =	sadd.s32 $0x1C80, s21;
	s23 =	simm.s32 @p1 $0x3;
	[sflag:s30] =	ssyncadd.s32 $0xFFFFF800  }
0xe4: {  	[spmem:s2] =	stream.indirect.scatter.add.f32 [tilespmem:s18], [sflag:$0x9], $0x10, s10, s16, $0xb8;
	[tilespmem:$0x1F800] =	vst v63  }
0xe5: {  	_ =	swait.ge @p1 [sflag:s23], $0x800  }
0xe6: {  	[sflag:s23] =	ssyncset.done @p1 $0x0  }
0xe7: {  	[sflag:s23] =	ssyncadd.s32 @p1 $0xFFFFF800;
	s23 =	sshra.s32 @p1 s20, $0x2  }
0xe8: {  	s4 =	simm.s32 @p1 $0x80;
	s5 =	simm.s32 @p1 $0x4800;
	s25 =	sadd.s32 @p1 $0x1D00, s23  }
0xe9: {  	[spmem:s2] =	stream.indirect.scatter.add.f32 @p1 [tilespmem:s5], [sflag:$0xA], $0x10, s25, s4, $0xb8;
	[tilespmem:$0x1F800] =	vst v63  }
0xea: {  	s5 =	simm.s32 @!p1 $0x8  }
0xeb: {  	_ =	swait.ge @!p1 [sflag:s5], $0x800  }
0xec: {  	[sflag:s5] =	ssyncset.done @!p1 $0x0  }
0xed: {  	[sflag:s5] =	ssyncadd.s32 @!p1 $0xFFFFF800;
	s5 =	sshra.s32 @!p1 s20, $0x2  }
0xee: {  	s8 =	simm.s32 @!p1 $0x3800;
	s10 =	simm.s32 @!p1 $0x80;
	s25 =	sadd.s32 @!p1 $0x380, s5  }
0xef: {  	[tilespmem:s8], [sflag:$0x1] =	stream.indirect.gather @!p1 [hbm4b:s6+s10], $0x10, s25, s10, $0xb8;
	[tilespmem:$0x1F800] =	vst v63  }
0xf0: {  	s8 =	simm.s32 @!p1 $0x3  }
0xf1: {  	_ =	swait.ge @!p1 [sflag:s8], $0x800  }
0xf2: {  	[sflag:s8] =	ssyncset.done @!p1 $0x0  }
0xf3: {  	s25 =	simm.s32 @!p1 $0x4800;
	[sflag:s8] =	ssyncadd.s32 @!p1 $0xFFFFF800;
	s8 =	sadd.s32 @!p1 $0x1D00, s5  }
0xf4: {  	[spmem:s2] =	stream.indirect.scatter.add.f32 @!p1 [tilespmem:s25], [sflag:$0xA], $0x10, s8, s10, $0xb8;
	[tilespmem:$0x1F800] =	vst v63  }
0xf5: {  	s8 =	simm.s32 @!p1 $0x9  }
0xf6: {  	_ =	swait.ge @!p1 [sflag:s8], $0x800  }
0xf7: {  	[sflag:s8] =	ssyncset.done @!p1 $0x0  }
0xf8: {  	s11 =	simm.s32 @!p1 $0x4000;
	[sflag:s8] =	ssyncadd.s32 @!p1 $0xFFFFF800;
	s8 =	sadd.s32 @!p1 $0x400, s5  }
0xf9: {  	[tilespmem:s11], [sflag:$0x2] =	stream.indirect.gather @!p1 [hbm4b:s6+s10], $0x10, s8, s10, $0xb8;
	[tilespmem:$0x1F800] =	vst v63  }
0xfa: {  	_ =	swait.ge [sflag:s31], $0x800  }
0xfb: {  	[sflag:s31] =	ssyncset.done $0x0  }
0xfc: {  	s11 =	sadd.s32 $0x1D80, s21;
	s8 =	simm.s32 @p1 $0x5;
	[sflag:s31] =	ssyncadd.s32 $0xFFFFF800  }
0xfd: {  	[spmem:s2] =	stream.indirect.scatter.add.f32 [tilespmem:s22], [sflag:$0xB], $0x10, s11, s16, $0xb8;
	[tilespmem:$0x1F800] =	vst v63  }
0xfe: {  	_ =	swait.ge @p1 [sflag:s8], $0x800  }
0xff: {  	[sflag:s8] =	ssyncset.done @p1 $0x0  }
0x100: {  	s11 =	simm.s32 @p1 $0x5800;
	[sflag:s8] =	ssyncadd.s32 @p1 $0xFFFFF800;
	s8 =	sadd.s32 @p1 $0x1E00, s23  }
0x101: {  	[spmem:s2] =	stream.indirect.scatter.add.f32 @p1 [tilespmem:s11], [sflag:$0xC], $0x10, s8, s4, $0xb8;
	[tilespmem:$0x1F800] =	vst v63  }
0x102: {  	s4 =	simm.s32 @!p1 $0xA  }
0x103: {  	_ =	swait.ge @!p1 [sflag:s4], $0x800  }
0x104: {  	[sflag:s4] =	ssyncset.done @!p1 $0x0  }
0x105: {  	[sflag:s4] =	ssyncadd.s32 @!p1 $0xFFFFF800;
	s4 =	sadd.s32 @!p1 $0x480, s5  }
0x106: {  	[tilespmem:s25], [sflag:$0x3] =	stream.indirect.gather @!p1 [hbm4b:s6+s10], $0x10, s4, s10, $0xb8;
	[tilespmem:$0x1F800] =	vst v63  }
0x107: {  	s4 =	simm.s32 @!p1 $0x5  }
0x108: {  	_ =	swait.ge @!p1 [sflag:s4], $0x800  }
0x109: {  	[sflag:s4] =	ssyncset.done @!p1 $0x0  }
0x10a: {  	s8 =	simm.s32 @!p1 $0x5800;
	[sflag:s4] =	ssyncadd.s32 @!p1 $0xFFFFF800;
	s4 =	sadd.s32 @!p1 $0x1E00, s5  }
0x10b: {  	[spmem:s2] =	stream.indirect.scatter.add.f32 @!p1 [tilespmem:s8], [sflag:$0xC], $0x10, s4, s10, $0xb8;
	[tilespmem:$0x1F800] =	vst v63  }
0x10c: {  	s4 =	simm.s32 @!p1 $0xB  }
0x10d: {  	_ =	swait.ge @!p1 [sflag:s4], $0x800  }
0x10e: {  	[sflag:s4] =	ssyncset.done @!p1 $0x0  }
0x10f: {  	[sflag:s4] =	ssyncadd.s32 @!p1 $0xFFFFF800;
	s4 =	sadd.s32 @!p1 $0x500, s5;
	s5 =	simm.s32 @!p1 $0x5000  }
0x110: {  	[tilespmem:s5], [sflag:$0x4] =	stream.indirect.gather @!p1 [hbm4b:s6+s10], $0x10, s4, s10, $0xb8;
	[tilespmem:$0x1F800] =	vst v63  }
.Ltmp8:
0x111: {  	_ = 	snop;
	(pc) =	sbr.rel @p1 .LBB2_5-.Ltmp8, $4  }
0x112: {  	_ =	swait.ge [sflag:s0], $0x800  }
0x113: {  	[sflag:s0] =	ssyncset.done $0x0  }
0x114: {  	s23 =	sadd.s32 $0x1F00, s21;
	s25 =	sadd.s32 $0x1E80, s21;
	[sflag:s0] =	ssyncadd.s32 $0xFFFFF800  }
0x115: {  	[spmem:s2] =	stream.indirect.scatter.add.f32 [tilespmem:s26], [sflag:$0xD], $0x10, s25, s16, $0xb8;
	[tilespmem:$0x1F800] =	vst v63  }
0x116: {  	_ =	swait.ge [sflag:s13], $0x800  }
0x117: {  	[sflag:s13] =	ssyncset.done $0x0  }
0x118: {  	s4 =	sadd.s32 $0x580, s21;
	[sflag:s13] =	ssyncadd.s32 $0xFFFFF800  }
0x119: {  	[tilespmem:s24], [sflag:$0x5] =	stream.indirect.gather [hbm4b:s6+s16], $0x10, s4, s16, $0xb8;
	[tilespmem:$0x1F800] =	vst v63  }
0x11a: {  	_ =	swait.ge [sflag:s1], $0x800  }
0x11b: {  	[sflag:s1] =	ssyncset.done $0x0  }
0x11c: {  	[sflag:s1] =	ssyncadd.s32 $0xFFFFF800  }
0x11d: {  	[spmem:s2] =	stream.indirect.scatter.add.f32 [tilespmem:s29], [sflag:$0xE], $0x10, s23, s16, $0xb8;
	[tilespmem:$0x1F800] =	vst v63  }
.Ltmp9:
0x11e: {  	_ = 	snop;
	(pc) =	sbr.rel .LBB2_3-.Ltmp9, $4  }
0x11f: {  	_ =	swait.ge [sflag:s3], $0x800  }
0x120: {  	[sflag:s3] =	ssyncset.done $0x0  }
0x121: {  	s25 =	sadd.s32 $0x600, s21;
	s20 =	sadd.s32 $0xE00, s20;
	[sflag:s3] =	ssyncadd.s32 $0xFFFFF800  }
0x122: {  	[tilespmem:s26], [sflag:$0x6] =	stream.indirect.gather [hbm4b:s6+s16], $0x10, s25, s16, $0xb8;
	[tilespmem:$0x1F800] =	vst v63  }
.LBB2_11:
0x123: {  	_ =	sfence.sel $0x180000  }
0x124: {  	[bflag:$0x0] =	sbarrier.arrive $0xFFFF  }
0x125: {  	_ =	strace $0x9000004A  }
0x126: {  	s0 =	stileid.u32;
	[bflag:$0x2] =	sbarrier.arrive $0xFFFF  }
0x127: {  	p0 =	sne.s32 s0, $0x0;
	s0 =	rddreg [dreg:$0x2]  }
0x128: {  	s0 =	sadd.s32 @!p0 $0x100000, s0  }
0x129: {  	[sflag:s0] =	ssyncadd.tile.s32 @!p0 $0x1;
	_ =	shalt  }
.Lfunc_end2:
_tile_overlayer_lowered:
.L_overlay_start_2:
0x12a: {  	(tag) =	ssettag $0x2  }
0x12b: {  	s0 =	rddreg [dreg:$0x0];
	s2 =	stileid.u32  }
0x12c: {  	s1 =	rddreg [dreg:$0x1];
	p0 =	sne.s32 s2, $0x0  }
0x12d: {  	s3 =	rddreg [dreg:$0x2];
	[bflag:$0x3] =	sbarrier.arrive $0xFFFF;
	s2 =	simm.s32 @!p0 $0x1C0F  }
0x12e: {  	[timem:s3], [sflag:s2] =	dma.local @!p0 [hbm:s0], s1  }
0x12f: {  	s0 =	simm.s32 @!p0 $0xF  }
0x130: {  	_ =	swait.ge @!p0 [sflag:s0], s1  }
0x131: {  	s1 =	ssub.s32 @!p0 $0x0, s1;
	[sflag:s0] =	ssyncset.done @!p0 $0x0  }
0x132: {  	[sflag:s0] =	ssyncadd.s32 @!p0 s1  }
0x133: {  	[bflag:$0x3] =	sbarrier.arrive $0xFFFF  }
0x134: {  	_ =	shalt  }

// kernel: kernel.16.cloned.1.call-start
scs
__scs_entry_jumppad:
0x0: {  	(pc) =	sbr.rel $0x88, $3  }
0x1: {  	(tag) =	ssettag $0x0;
	lr =	simm.s32 $0x1  }
0x2: {  	[smem:$0x3F99] =	sst lr;
	_ =	strace $0xD0000000  }
0x3: {  	_ = 	snop  }
0x4: {  	_ = 	snop  }
0x5: {  	_ = 	snop  }
0x6: {  	_ = 	snop  }
0x7: {  	_ = 	snop  }
__scs_overlays_trampoline_lowered:
0x8: {  	[smem:$0x3FA8] =	sst s0  }
0x9: {  	[smem:$0x3FA9] =	sst s1  }
0xa: {  	[smem:$0x3FAA] =	sst s2  }
0xb: {  	[smem:$0x3FAB] =	sst s3  }
0xc: {  	[smem:$0x3FAC] =	sst s4  }
0xd: {  	[smem:$0x3FAD] =	sst s5  }
0xe: {  	[smem:$0x3FAE] =	sst s6  }
0xf: {  	[smem:$0x3FAF] =	sst s7  }
0x10: {  	[smem:$0x3FB0] =	sst s8  }
0x11: {  	[smem:$0x3FB1] =	sst s9;
	s0 =	simm.s32 @!p0 $0x0  }
0x12: {  	s1 =	sld [smem:$0x3F97];
	s0 =	simm.s32 @p0 $0x1  }
0x13: {  	[smem:$0x3FB2] =	sst s0;
	s0 =	simm.s32 @!p1 $0x0  }
0x14: {  	s2 =	sld [smem:$0x3F96];
	s0 =	simm.s32 @p1 $0x1  }
0x15: {  	[smem:$0x3FB3] =	sst s0;
	s0 =	simm.s32 @!p2 $0x0  }
0x16: {  	s3 =	sld [smem:$0x3FDB];
	s0 =	simm.s32 @p2 $0x1  }
0x17: {  	s4 =	simm.s32 $0x1BF5;
	[smem:$0x3FB5] =	sst s0  }
0x18: {  	s0 =	sld [smem:$0x3F98];
	_ =	swait.ge [sflag:s4], $0x0  }
0x19: {  	s7 =	sld [smem:$0x3F99]  }
0x1a: {  	s8 =	sadd.s32 $0xFFFFE003, lr  }
0x1b: {  	s9 =	sadd.s32 $0xFFFFFEF7, lr;
	s5 =	simm.s32 $0xFFFFFFFF;
	p2 =	slt.u32 s8, $0xFFFFF086  }
0x1c: {  	p1 =	slt.u32 s9, $0xF7A;
	s5 =	simm.s32 @!p2 $0x0  }
0x1d: {  	s5 =	simm.s32 @p1 $0x1;
	p0 =	seq.s32 s7, s2  }
0x1e: {  	s7 =	smul.u32 @!p0 $0xF7A, s2;
	p2 =	seq.s32 @!p0 s5, $0x0  }
0x1f: {  	s9 =	smul.u32 $0xF7A, s1;
	s8 =	simm.s32 @!p0 $0x1BF5;
	p2 =	por !p2, p0  }
0x20: {  	[sflag:s8] =	ssyncset.s32 @!p0 $0xFFFFF086;
	s6 =	sadd.s32 @!p0 s3, s7;
	s7 =	simm.s32 @!p0 $0x108  }
0x21: {  	s3 =	sadd.s32 s3, s9;
	s6 =	sadd.s32 @!p0 $0x88, s6;
	s7 =	simm.s32 @p2 $0x1082  }
0x22: {  	[simem:s7], [sflag:s8] =	dma.local @!p0 [hbm:s6], $0xF7A  }
0x23: {  	s9 =	sor.u32 $0xD0000000, s2;
	s6 =	simm.s32 $0x108;
	_ =	swait.ge @!p0 [sflag:s8], $0x0  }
0x24: {  	s3 =	sadd.s32 $0x88, s3;
	s6 =	simm.s32 @!p1 $0x1082;
	[sflag:s4] =	ssyncset.s32 $0xFFFFF086  }
0x25: {  	[simem:s6], [sflag:s4] =	dma.local [hbm:s3], $0xF7A  }
0x26: {  	[smem:$0x3F99] =	sst s1;
	(tag) =	ssettag s2;
	_ =	strace s9  }
0x27: {  	s1 =	sld [smem:$0x3FA9]  }
0x28: {  	s2 =	sld [smem:$0x3FAA]  }
0x29: {  	s4 =	sld [smem:$0x3FAC]  }
0x2a: {  	p0 =	seq.s32 s5, $0x0;
	s5 =	sld [smem:$0x3FAD]  }
0x2b: {  	s6 =	sld [smem:$0x3FAE]  }
0x2c: {  	s7 =	sld [smem:$0x3FAF]  }
0x2d: {  	s3 =	simm.s32 $0x108;
	s8 =	sld [smem:$0x3FB0]  }
0x2e: {  	s3 =	simm.s32 @!p0 $0x1082;
	s9 =	sld [smem:$0x3FB1]  }
0x2f: {  	lr =	sadd.s32 s0, s3;
	s0 =	sld [smem:$0x3FA8]  }
0x30: {  	s3 =	sld [smem:$0x3FAB]  }
0x31: {  	[smem:$0x3FB4] =	sst s10  }
0x32: {  	s10 =	sld [smem:$0x3FB2];
	_ =	sdelay $0x3  }
0x33: {  	p0 =	seq.s32 s10, $0x1;
	s10 =	sld [smem:$0x3FB4];
	_ =	sdelay $0x3  }
0x34: {  	[smem:$0x3FB4] =	sst s10  }
0x35: {  	s10 =	sld [smem:$0x3FB3];
	_ =	sdelay $0x3  }
0x36: {  	p1 =	seq.s32 s10, $0x1;
	s10 =	sld [smem:$0x3FB4];
	_ =	sdelay $0x3  }
0x37: {  	[smem:$0x3FB4] =	sst s10  }
0x38: {  	s10 =	sld [smem:$0x3FB5]  }
0x39: {  	_ = 	snop;
	(pc) =	sbr.ind lr, $3  }
0x3a: {  	_ = 	snop  }
0x3b: {  	_ = 	snop  }
0x3c: {  	p2 =	seq.s32 s10, $0x1;
	s10 =	sld [smem:$0x3FB4]  }
0x3d: {  	_ =	shalt  }
0x3e: {  	_ =	shalt  }
0x3f: {  	_ =	shalt  }
0x40: {  	_ =	shalt  }
0x41: {  	_ =	shalt  }
0x42: {  	_ =	shalt  }
0x43: {  	_ =	shalt  }
0x44: {  	_ =	shalt  }
0x45: {  	_ =	shalt  }
0x46: {  	_ =	shalt  }
0x47: {  	_ =	shalt  }
0x48: {  	_ =	shalt  }
0x49: {  	_ =	shalt  }
0x4a: {  	_ =	shalt  }
0x4b: {  	_ =	shalt  }
0x4c: {  	_ =	shalt  }
0x4d: {  	_ =	shalt  }
0x4e: {  	_ =	shalt  }
0x4f: {  	_ =	shalt  }
0x50: {  	_ =	shalt  }
0x51: {  	_ =	shalt  }
0x52: {  	_ =	shalt  }
0x53: {  	_ =	shalt  }
0x54: {  	_ =	shalt  }
0x55: {  	_ =	shalt  }
0x56: {  	_ =	shalt  }
0x57: {  	_ =	shalt  }
0x58: {  	_ =	shalt  }
0x59: {  	_ =	shalt  }
0x5a: {  	_ =	shalt  }
0x5b: {  	_ =	shalt  }
0x5c: {  	_ =	shalt  }
0x5d: {  	_ =	shalt  }
0x5e: {  	_ =	shalt  }
0x5f: {  	_ =	shalt  }
0x60: {  	_ =	shalt  }
0x61: {  	_ =	shalt  }
0x62: {  	_ =	shalt  }
0x63: {  	_ =	shalt  }
0x64: {  	_ =	shalt  }
0x65: {  	_ =	shalt  }
0x66: {  	_ =	shalt  }
0x67: {  	_ =	shalt  }
0x68: {  	_ =	shalt  }
0x69: {  	_ =	shalt  }
0x6a: {  	_ =	shalt  }
0x6b: {  	_ =	shalt  }
0x6c: {  	_ =	shalt  }
0x6d: {  	_ =	shalt  }
0x6e: {  	_ =	shalt  }
0x6f: {  	_ =	shalt  }
0x70: {  	_ =	shalt  }
0x71: {  	_ =	shalt  }
0x72: {  	_ =	shalt  }
0x73: {  	_ =	shalt  }
0x74: {  	_ =	shalt  }
0x75: {  	_ =	shalt  }
0x76: {  	_ =	shalt  }
0x77: {  	_ =	shalt  }
0x78: {  	_ =	shalt  }
0x79: {  	_ =	shalt  }
0x7a: {  	_ =	shalt  }
0x7b: {  	_ =	shalt  }
0x7c: {  	_ =	shalt  }
0x7d: {  	_ =	shalt  }
0x7e: {  	_ =	shalt  }
0x7f: {  	_ =	shalt  }
0x80: {  	_ =	shalt  }
0x81: {  	_ =	shalt  }
0x82: {  	_ =	shalt  }
0x83: {  	_ =	shalt  }
0x84: {  	_ =	shalt  }
0x85: {  	_ =	shalt  }
0x86: {  	_ =	shalt  }
0x87: {  	_ =	shalt  }
.Lfunc_end0:
.L_simem_size_0:
called_computation.2_lowered:
.L_overlay_start_0:
0x88: {  	s2 =	sld [smem:$0x3FD9]  }
0x89: {  	s3 =	sld [smem:$0x3FFE];
	_ =	sdelay $0x1  }
0x8a: {  	s1 =	srdreg.scid  }
0x8b: {  	s0 =	sand.u32 $0x1, s1  }
0x8c: {  	s16 =	sshll.u32 s0, $0xA;
	s2 =	sadd.s32 s3, s2  }
0x8d: {  	s2 =	sadd.s32 s2, s16  }
0x8e: {  	[smem:$0x3FC0] =	sst s2  }
0x8f: {  	_ = 	snop  }
0x90: {  	(tm) =	ssettm $0x1  }
0x91: {  	s17 =	sld [smem:$0x3FFB];
	_ =	sdelay $0x3  }
0x92: {  	_ =	strace s17  }
0x93: {  	s2 =	sld [smem:$0x3FFC];
	_ =	sdelay $0x3  }
0x94: {  	_ =	strace s2  }
0x95: {  	s2 =	sld [smem:$0x3FFD];
	_ =	sdelay $0x3  }
0x96: {  	_ =	strace s2  }
0x97: {  	_ =	strace $0x8FFFFFFF  }
0x98: {  	s18 =	sld [smem:$0x3FDB];
	_ =	sdelay $0x1  }
0x99: {  	s19 =	simm.s32 $_scs_section_size  }
0x9a: {  	s4 =	simm.s32 $_size__tile_overlayer_lowered;
	s5 =	simm.s32 $_tile_overlayer_lowered  }
0x9b: {  	s22 =	simm.s32 $0x1BFF;
	s21 =	sshll.u32 s5, $0x1;
	s2 =	sadd.s32 s19, s18  }
0x9c: {  	s6 =	simm.s32 $0x0;
	s20 =	sshll.u32 s4, $0x1;
	s4 =	sadd.s32 s21, s2  }
0x9d: {  	[timem:s6], [sflag:s22] =	dma.local [hbm:s4], s20  }
0x9e: {  	_ =	swait.ge [sflag:s22], s20  }
0x9f: {  	s3 =	ssub.s32 $0x0, s20;
	[sflag:s22] =	ssyncset.done $0x0  }
0xa0: {  	[sflag:s22] =	ssyncadd.s32 s3;
	_ =	sdelay $0x1  }
0xa1: {  	s23 =	simm.s32 $0x1B8B  }
0xa2: {  	_ =	swait.ge [sflag:s23], $0x1  }
0xa3: {  	[sflag:s23] =	ssyncset.done $0x0  }
0xa4: {  	s25 =	simm.s32 $0x1B8E;
	s24 =	sld [smem:$0x3FFE];
	[sflag:s23] =	ssyncadd.s32 $0xFFFFFFFF  }
0xa5: {  	s26 =	simm.s32 $execute0_lowered;
	[smem:$0x3FD2] =	sst s25  }
0xa6: {  	s4 =	sshll.u32 s26, $0x1;
	_ =	strace $0x8000004C;
	[dreg:$0x1] =	wrdreg $0xFFFFFFFF  }
0xa7: {  	s28 =	simm.s32 $_size_execute0_lowered;
	s2 =	sadd.s32 s2, s4;
	[dreg:$0x0] =	wrdreg $0x0  }
0xa8: {  	s4 =	sshll.u32 s28, $0x1;
	[dreg:$0x2] =	wrdreg s2  }
0xa9: {  	[dreg:$0x3] =	wrdreg s4  }
0xaa: {  	[dreg:$0x4] =	wrdreg $0xC0  }
0xab: {  	_ =	task [dreg:s6], $0x5FFFF  }
0xac: {  	[dreg:$0x1] =	wrdreg $0xFFFFFFFF  }
0xad: {  	[dreg:$0x0] =	wrdreg $0x60  }
0xae: {  	[dreg:$0x2] =	wrdreg s24  }
0xaf: {  	[dreg:$0x3] =	wrdreg $0x70000  }
0xb0: {  	[dreg:$0x4] =	wrdreg $0x9  }
0xb1: {  	_ =	task.clear_ibuf [dreg:s6], $0x5FFFF;
	_ =	strace $0x9000004C  }
0xb2: {  	s29 =	simm.s32 $0x9;
	_ =	strace $0x8000004E  }
0xb3: {  	_ =	swait.ge [sflag:s29], $0x1  }
0xb4: {  	[sflag:s29] =	ssyncadd.s32 $0xFFFFFFFF  }
0xb5: {  	_ =	strace $0x9000004E  }
0xb6: {  	_ =	sfence  }
0xb7: {  	s30 =	sld [smem:$0x0];
	_ =	sdelay $0x2  }
0xb8: {  	s31 =	sshll.u32 s1, $0xD;
	s1 =	sshrl.u32 s1, $0x2  }
0xb9: {  	s3 =	sand.u32 $0x4000, s31;
	s1 =	sadd.s32 s1, s30  }
0xba: {  	s0 =	sor.u32 s3, s0;
	s1 =	sshll.u32 s1, $0x11  }
0xbb: {  	s0 =	sor.u32 s1, s0  }
0xbc: {  	s0 =	sadd.s32 $0x8F2B, s0  }
0xbd: {  	[sflag:s0] =	ssyncadd.remote.s32 $0x1  }
0xbe: {  	_ =	sfence.sel $0xFFFF  }
0xbf: {  	[dreg:$0x0] =	wrdreg $0xFFFFFFFF;
	(pc) =	sbr.abs _section_cstart, $3  }
0xc0: {  	[dreg:$0x1] =	wrdreg $0xFFFFFFFF  }
0xc1: {  	_ =	task.clear_ibuf [dreg:s6], $0x2FFFF;
	_ =	strace $0x9FFFFFFF  }
0xc2: {  	(tm) =	ssettm $0x7FFFFFFF  }
0xc3: {  	_ =	shalt  }
tec
execute0_lowered:
.L_overlay_start_1:
0x0: {  	(tag) =	ssettag $0x1  }
0x1: {  	s0 =	rddreg [dreg:$0x0]  }
0x2: {  	s2 =	rddreg [dreg:$0x1]  }
0x3: {  	s4 =	stileid.u32;
	s5 =	simm.s32 $0x0;
	s3 =	srdreg.scid  }
0x4: {  	s13 =	simm.s32 $0xF;
	s15 =	simm.s32 $0x80;
	s16 =	simm.s32 $0x3800  }
0x5: {  	s17 =	simm.s32 $0x4000;
	s28 =	simm.s32 $0x6800;
	s29 =	simm.s32 $0x2  }
0x6: {  	s30 =	simm.s32 $0x4;
	s31 =	simm.s32 $0x6;
	s11 =	simm.s32 $0xB  }
0x7: {  	s12 =	simm.s32 $0xD;
	s1 =	smul.u32 $0x18800, s4;
	[smem:$0x7FF] =	sst s5  }
0x8: {  	s3 =	sand.u32 $0x1, s3;
	s7 =	smul.u32 $0x3100, s4;
	s6 =	sadd.s32 $0x67000, s0  }
0x9: {  	s21 =	sadd.s32 $0x5000, s0;
	_ =	strace $0x8000004D;
	[dreg:$0x4] =	wrdreg s6  }
0xa: {  	s24 =	sshll.u32 s4, $0x6;
	s8 =	smul.u32 $0x31000, s3;
	[dreg:$0x5] =	wrdreg s21  }
0xb: {  	s6 =	sadd.s32 $0x134400, s0;
	s9 =	ssub.s32 $0x2, s3;
	s3 =	sshll.u32 s3, $0x4  }
0xc: {  	s21 =	simm.s32 $0x5000;
	s10 =	sshrl.u32 s1, $0x3;
	s22 =	sshrl.u32 s9, $0x1  }
0xd: {  	s1 =	sadd.s32 s1, s2;
	s3 =	sor.u32 s4, s3;
	s7 =	sadd.s32 s7, s8  }
0xe: {  	s10 =	sadd.s32 s10, s0;
	s23 =	ssub.s32 s9, s22;
	s9 =	sor.u32 $0x1C0F, s24  }
0xf: {  	s3 =	smul.u32 $0x310, s3;
	s4 =	sshrl.u32 s1, $0x3;
	s8 =	simm.s32 $0xC  }
0x10: {  	s0 =	sadd.s32 s7, s0;
	s25 =	sadd.s32 $0x165400, s10;
	[dreg:$0x7] =	wrdreg s9  }
.Ltmp0:
0x11: {  	s26 =	smax.u32 s23, $0x1;
	[dreg:$0xb] =	wrdreg s4;
	(pc) =	sbr.rel .LBB2_1-.Ltmp0, $4  }
0x12: {  	s23 =	simm.s32 $0x5800;
	s7 =	simm.s32 $0x9;
	[dreg:$0x6] =	wrdreg s25  }
0x13: {  	s10 =	simm.s32 $0xA;
	[dreg:$0x8] =	wrdreg s3;
	s0 =	sadd.s32 $0x196400, s0  }
0x14: {  	[dreg:$0xa] =	wrdreg s26;
	s25 =	simm.s32 $0x6000;
	s26 =	simm.s32 $0x1  }
0x15: {  	s3 =	simm.s32 $0xE;
	[dreg:$0x9] =	wrdreg s0;
	s0 =	simm.s32 $0x7  }
.LBB2_6:
0x16: {  	[bflag:$0x0] =	sbarrier.arrive $0xFFFF  }
0x17: {  	s9 =	rddreg [dreg:$0x7]  }
0x18: {  	s1 =	rddreg [dreg:$0x9]  }
0x19: {  	s4 =	rddreg [dreg:$0xb]  }
0x1a: {  	[hbm:s1], [sflag:s9] =	dma.local [spmem:s4], $0x3100  }
0x1b: {  	_ =	swait.ge [sflag:s13], $0x3100  }
0x1c: {  	s5 =	rddreg [dreg:$0x3]  }
0x1d: {  	s24 =	rddreg [dreg:$0xa];
	s5 =	sadd.s32 $0x1, s5  }
0x1e: {  	p0 =	sne.s32 s5, s24  }
.Ltmp1:
0x1f: {  	_ = 	snop;
	(pc) =	sbr.rel @!p0 .LBB2_7-.Ltmp1, $3  }
0x20: {  	_ =	sdelay $0x1  }
0x21: {  	[sflag:s13] =	ssyncset.done $0x0  }
0x22: {  	[sflag:s13] =	ssyncadd.s32 $0xFFFFCF00  }
.LBB2_1:
0x23: {  	[dreg:$0x3] =	wrdreg s5  }
0x24: {  	s1 =	rddreg [dreg:$0x6]  }
0x25: {  	[spmem:s4], [sflag:s9] =	dma.local [hbm:s1], $0x3100  }
.Ltmp2:
0x26: {  	_ =	swait.ge [sflag:s13], $0x3100;
	(pc) =	sbr.rel .LBB2_2-.Ltmp2, $4  }
0x27: {  	[sflag:s13] =	ssyncset.done $0x0  }
0x28: {  	[sflag:s13] =	ssyncadd.s32 $0xFFFFCF00  }
0x29: {  	[bflag:$0x0] =	sbarrier.arrive $0xFFFF  }
0x2a: {  	s14 =	simm.s32 $0x0  }
.LBB2_5:
0x2b: {  	_ =	swait.ge [sflag:s0], $0x800  }
0x2c: {  	[sflag:s0] =	ssyncset.done $0x0  }
0x2d: {  	s1 =	simm.s32 $0x8;
	[sflag:s0] =	ssyncadd.s32 $0xFFFFF800  }
0x2e: {  	[spmem:s2] =	stream.indirect.scatter.add.f32 [tilespmem:s28], [sflag:$0xE], $0x10, s20, s15, $0xb8;
	[tilespmem:$0x1F800] =	vst v63  }
0x2f: {  	_ =	swait.ge [sflag:s1], $0x800  }
0x30: {  	[sflag:s1] =	ssyncset.done $0x0  }
0x31: {  	[sflag:s1] =	ssyncadd.s32 $0xFFFFF800  }
0x32: {  	_ =	swait.ge [sflag:s7], $0x800  }
0x33: {  	[sflag:s7] =	ssyncset.done $0x0  }
0x34: {  	[sflag:s7] =	ssyncadd.s32 $0xFFFFF800  }
0x35: {  	_ =	swait.ge [sflag:s10], $0x800  }
0x36: {  	[sflag:s10] =	ssyncset.done $0x0  }
0x37: {  	[sflag:s10] =	ssyncadd.s32 $0xFFFFF800  }
0x38: {  	_ =	swait.ge [sflag:s11], $0x800  }
0x39: {  	[sflag:s11] =	ssyncset.done $0x0  }
0x3a: {  	[sflag:s11] =	ssyncadd.s32 $0xFFFFF800  }
0x3b: {  	_ =	swait.ge [sflag:s8], $0x800  }
0x3c: {  	[sflag:s8] =	ssyncset.done $0x0  }
0x3d: {  	s14 =	sadd.s32 $0x1, s14;
	[sflag:s8] =	ssyncadd.s32 $0xFFFFF800  }
0x3e: {  	p0 =	sne.s32 s14, $0xE;
	_ =	swait.ge [sflag:s12], $0x800  }
.Ltmp3:
0x3f: {  	[sflag:s12] =	ssyncset.done $0x0;
	(pc) =	sbr.rel @!p0 .LBB2_6-.Ltmp3, $4  }
0x40: {  	[sflag:s12] =	ssyncadd.s32 $0xFFFFF800  }
0x41: {  	_ =	swait.ge [sflag:s3], $0x800  }
0x42: {  	[sflag:s3] =	ssyncset.done $0x0  }
0x43: {  	[sflag:s3] =	ssyncadd.s32 $0xFFFFF800  }
.LBB2_2:
0x44: {  	s18 =	smul.u32 $0x38, s14  }
0x45: {  	s1 =	rddreg [dreg:$0x8]  }
0x46: {  	s18 =	sadd.s32 s1, s18  }
0x47: {  	s4 =	rddreg [dreg:$0x4];
	s19 =	sshll.u32 s18, $0x4  }
0x48: {  	s18 =	simm.s32 $0x0;
	s20 =	sadd.s32 s4, s19  }
0x49: {  	[tilespmem:s18], [sflag:$0xF] =	stream.linear.gather [hbm4b:s20+s18], $0x1C00, $0x38;
	[tilespmem:$0x1F800] =	vst v63  }
0x4a: {  	_ =	swait.ge [sflag:s13], $0x1C00  }
0x4b: {  	[sflag:s13] =	ssyncset.done $0x0;
	s5 =	rddreg [dreg:$0x5]  }
0x4c: {  	s9 =	simm.s32 $0x1C00;
	[sflag:s13] =	ssyncadd.s32 $0xFFFFE400;
	s19 =	sadd.s32 s5, s19  }
0x4d: {  	[tilespmem:s9], [sflag:$0xF] =	stream.linear.gather [hbm4b:s19+s18], $0x1C00, $0x38;
	[tilespmem:$0x1F800] =	vst v63  }
0x4e: {  	_ =	swait.ge [sflag:s13], $0x1C00  }
0x4f: {  	[sflag:s13] =	ssyncset.done $0x0  }
0x50: {  	[sflag:s13] =	ssyncadd.s32 $0xFFFFE400  }
0x51: {  	[tilespmem:s16], [sflag:$0x1] =	stream.indirect.gather [hbm4b:s6+s15], $0x10, s18, s15, $0xb8;
	[tilespmem:$0x1F800] =	vst v63  }
0x52: {  	_ = 	snop  }
0x53: {  	[tilespmem:s17], [sflag:$0x2] =	stream.indirect.gather [hbm4b:s6+s15], $0x10, s15, s15, $0xb8;
	[tilespmem:$0x1F800] =	vst v63  }
0x54: {  	s4 =	simm.s32 $0x4800;
	s19 =	simm.s32 $0x100  }
0x55: {  	[tilespmem:s4], [sflag:$0x3] =	stream.indirect.gather [hbm4b:s6+s15], $0x10, s19, s15, $0xb8;
	[tilespmem:$0x1F800] =	vst v63  }
0x56: {  	s20 =	simm.s32 $0x180  }
0x57: {  	[tilespmem:s21], [sflag:$0x4] =	stream.indirect.gather [hbm4b:s6+s15], $0x10, s20, s15, $0xb8;
	[tilespmem:$0x1F800] =	vst v63  }
0x58: {  	s22 =	simm.s32 $0x200  }
0x59: {  	[tilespmem:s23], [sflag:$0x5] =	stream.indirect.gather [hbm4b:s6+s15], $0x10, s22, s15, $0xb8;
	[tilespmem:$0x1F800] =	vst v63  }
0x5a: {  	s24 =	simm.s32 $0x280  }
0x5b: {  	[tilespmem:s25], [sflag:$0x6] =	stream.indirect.gather [hbm4b:s6+s15], $0x10, s24, s15, $0xb8;
	[tilespmem:$0x1F800] =	vst v63  }
.LBB2_3:
0x5c: {  	_ =	swait.ge [sflag:s26], $0x800  }
0x5d: {  	s19 =	sshra.s32 s18, $0x2;
	[sflag:s26] =	ssyncset.done $0x0  }
0x5e: {  	p0 =	seq.s32 s18, $0x0;
	s20 =	sadd.s32 $0x1C00, s19;
	[sflag:s26] =	ssyncadd.s32 $0xFFFFF800  }
0x5f: {  	[spmem:s2] =	stream.indirect.scatter.add.f32 [tilespmem:s16], [sflag:$0x8], $0x10, s20, s15, $0xb8;
	[tilespmem:$0x1F800] =	vst v63  }
0x60: {  	s20 =	simm.s32 @!p0 $0xE  }
0x61: {  	_ =	swait.ge @!p0 [sflag:s20], $0x800  }
0x62: {  	[sflag:s20] =	ssyncset.done @!p0 $0x0  }
0x63: {  	s4 =	sadd.s32 $0x300, s19;
	[sflag:s20] =	ssyncadd.s32 @!p0 $0xFFFFF800  }
0x64: {  	[tilespmem:s28], [sflag:$0x7] =	stream.indirect.gather [hbm4b:s6+s15], $0x10, s4, s15, $0xb8;
	[tilespmem:$0x1F800] =	vst v63  }
0x65: {  	_ =	swait.ge [sflag:s29], $0x800  }
0x66: {  	p0 =	seq.s32 s18, $0x6200;
	[sflag:s29] =	ssyncset.done $0x0  }
0x67: {  	s5 =	sadd.s32 $0x1C80, s19;
	s20 =	simm.s32 @p0 $0x3;
	[sflag:s29] =	ssyncadd.s32 $0xFFFFF800  }
0x68: {  	[spmem:s2] =	stream.indirect.scatter.add.f32 [tilespmem:s17], [sflag:$0x9], $0x10, s5, s15, $0xb8;
	[tilespmem:$0x1F800] =	vst v63  }
0x69: {  	_ =	swait.ge @p0 [sflag:s20], $0x800  }
0x6a: {  	[sflag:s20] =	ssyncset.done @p0 $0x0  }
0x6b: {  	[sflag:s20] =	ssyncadd.s32 @p0 $0xFFFFF800;
	s20 =	sshra.s32 @p0 s18, $0x2  }
0x6c: {  	s24 =	simm.s32 @p0 $0x80;
	s4 =	simm.s32 @p0 $0x4800;
	s22 =	sadd.s32 @p0 $0x1D00, s20  }
0x6d: {  	[spmem:s2] =	stream.indirect.scatter.add.f32 @p0 [tilespmem:s4], [sflag:$0xA], $0x10, s22, s24, $0xb8;
	[tilespmem:$0x1F800] =	vst v63  }
0x6e: {  	s4 =	simm.s32 @!p0 $0x8  }
0x6f: {  	_ =	swait.ge @!p0 [sflag:s4], $0x800  }
0x70: {  	[sflag:s4] =	ssyncset.done @!p0 $0x0  }
0x71: {  	[sflag:s4] =	ssyncadd.s32 @!p0 $0xFFFFF800;
	s4 =	sshra.s32 @!p0 s18, $0x2  }
0x72: {  	s9 =	simm.s32 @!p0 $0x3800;
	s5 =	simm.s32 @!p0 $0x80;
	s22 =	sadd.s32 @!p0 $0x380, s4  }
0x73: {  	[tilespmem:s9], [sflag:$0x1] =	stream.indirect.gather @!p0 [hbm4b:s6+s5], $0x10, s22, s5, $0xb8;
	[tilespmem:$0x1F800] =	vst v63  }
0x74: {  	s9 =	simm.s32 @!p0 $0x3  }
0x75: {  	_ =	swait.ge @!p0 [sflag:s9], $0x800  }
0x76: {  	[sflag:s9] =	ssyncset.done @!p0 $0x0  }
0x77: {  	s22 =	simm.s32 @!p0 $0x4800;
	[sflag:s9] =	ssyncadd.s32 @!p0 $0xFFFFF800;
	s9 =	sadd.s32 @!p0 $0x1D00, s4  }
0x78: {  	[spmem:s2] =	stream.indirect.scatter.add.f32 @!p0 [tilespmem:s22], [sflag:$0xA], $0x10, s9, s5, $0xb8;
	[tilespmem:$0x1F800] =	vst v63  }
0x79: {  	s9 =	simm.s32 @!p0 $0x9  }
0x7a: {  	_ =	swait.ge @!p0 [sflag:s9], $0x800  }
0x7b: {  	[sflag:s9] =	ssyncset.done @!p0 $0x0  }
0x7c: {  	s1 =	simm.s32 @!p0 $0x4000;
	[sflag:s9] =	ssyncadd.s32 @!p0 $0xFFFFF800;
	s9 =	sadd.s32 @!p0 $0x400, s4  }
0x7d: {  	[tilespmem:s1], [sflag:$0x2] =	stream.indirect.gather @!p0 [hbm4b:s6+s5], $0x10, s9, s5, $0xb8;
	[tilespmem:$0x1F800] =	vst v63  }
0x7e: {  	_ =	swait.ge [sflag:s30], $0x800  }
0x7f: {  	[sflag:s30] =	ssyncset.done $0x0  }
0x80: {  	s9 =	sadd.s32 $0x1D80, s19;
	s1 =	simm.s32 @p0 $0x5;
	[sflag:s30] =	ssyncadd.s32 $0xFFFFF800  }
0x81: {  	[spmem:s2] =	stream.indirect.scatter.add.f32 [tilespmem:s21], [sflag:$0xB], $0x10, s9, s15, $0xb8;
	[tilespmem:$0x1F800] =	vst v63  }
0x82: {  	_ =	swait.ge @p0 [sflag:s1], $0x800  }
0x83: {  	[sflag:s1] =	ssyncset.done @p0 $0x0  }
0x84: {  	s9 =	simm.s32 @p0 $0x5800;
	[sflag:s1] =	ssyncadd.s32 @p0 $0xFFFFF800;
	s1 =	sadd.s32 @p0 $0x1E00, s20  }
0x85: {  	[spmem:s2] =	stream.indirect.scatter.add.f32 @p0 [tilespmem:s9], [sflag:$0xC], $0x10, s1, s24, $0xb8;
	[tilespmem:$0x1F800] =	vst v63  }
0x86: {  	s1 =	simm.s32 @!p0 $0xA  }
0x87: {  	_ =	swait.ge @!p0 [sflag:s1], $0x800  }
0x88: {  	[sflag:s1] =	ssyncset.done @!p0 $0x0  }
0x89: {  	[sflag:s1] =	ssyncadd.s32 @!p0 $0xFFFFF800;
	s1 =	sadd.s32 @!p0 $0x480, s4  }
0x8a: {  	[tilespmem:s22], [sflag:$0x3] =	stream.indirect.gather @!p0 [hbm4b:s6+s5], $0x10, s1, s5, $0xb8;
	[tilespmem:$0x1F800] =	vst v63  }
0x8b: {  	s1 =	simm.s32 @!p0 $0x5  }
0x8c: {  	_ =	swait.ge @!p0 [sflag:s1], $0x800  }
0x8d: {  	[sflag:s1] =	ssyncset.done @!p0 $0x0  }
0x8e: {  	s9 =	simm.s32 @!p0 $0x5800;
	[sflag:s1] =	ssyncadd.s32 @!p0 $0xFFFFF800;
	s1 =	sadd.s32 @!p0 $0x1E00, s4  }
0x8f: {  	[spmem:s2] =	stream.indirect.scatter.add.f32 @!p0 [tilespmem:s9], [sflag:$0xC], $0x10, s1, s5, $0xb8;
	[tilespmem:$0x1F800] =	vst v63  }
0x90: {  	s1 =	simm.s32 @!p0 $0xB  }
0x91: {  	_ =	swait.ge @!p0 [sflag:s1], $0x800  }
0x92: {  	[sflag:s1] =	ssyncset.done @!p0 $0x0  }
0x93: {  	[sflag:s1] =	ssyncadd.s32 @!p0 $0xFFFFF800;
	s1 =	sadd.s32 @!p0 $0x500, s4;
	s4 =	simm.s32 @!p0 $0x5000  }
0x94: {  	[tilespmem:s4], [sflag:$0x4] =	stream.indirect.gather @!p0 [hbm4b:s6+s5], $0x10, s1, s5, $0xb8;
	[tilespmem:$0x1F800] =	vst v63  }
.Ltmp4:
0x95: {  	_ = 	snop;
	(pc) =	sbr.rel @p0 .LBB2_5-.Ltmp4, $4  }
0x96: {  	_ =	swait.ge [sflag:s31], $0x800  }
0x97: {  	[sflag:s31] =	ssyncset.done $0x0  }
0x98: {  	s20 =	sadd.s32 $0x1F00, s19;
	s24 =	sadd.s32 $0x1E80, s19;
	[sflag:s31] =	ssyncadd.s32 $0xFFFFF800  }
0x99: {  	[spmem:s2] =	stream.indirect.scatter.add.f32 [tilespmem:s25], [sflag:$0xD], $0x10, s24, s15, $0xb8;
	[tilespmem:$0x1F800] =	vst v63  }
0x9a: {  	_ =	swait.ge [sflag:s8], $0x800  }
0x9b: {  	[sflag:s8] =	ssyncset.done $0x0  }
0x9c: {  	s1 =	sadd.s32 $0x580, s19;
	[sflag:s8] =	ssyncadd.s32 $0xFFFFF800  }
0x9d: {  	[tilespmem:s23], [sflag:$0x5] =	stream.indirect.gather [hbm4b:s6+s15], $0x10, s1, s15, $0xb8;
	[tilespmem:$0x1F800] =	vst v63  }
0x9e: {  	_ =	swait.ge [sflag:s0], $0x800  }
0x9f: {  	[sflag:s0] =	ssyncset.done $0x0  }
0xa0: {  	[sflag:s0] =	ssyncadd.s32 $0xFFFFF800  }
0xa1: {  	[spmem:s2] =	stream.indirect.scatter.add.f32 [tilespmem:s28], [sflag:$0xE], $0x10, s20, s15, $0xb8;
	[tilespmem:$0x1F800] =	vst v63  }
.Ltmp5:
0xa2: {  	_ = 	snop;
	(pc) =	sbr.rel .LBB2_3-.Ltmp5, $4  }
0xa3: {  	_ =	swait.ge [sflag:s12], $0x800  }
0xa4: {  	[sflag:s12] =	ssyncset.done $0x0  }
0xa5: {  	s24 =	sadd.s32 $0x600, s19;
	s18 =	sadd.s32 $0xE00, s18;
	[sflag:s12] =	ssyncadd.s32 $0xFFFFF800  }
0xa6: {  	[tilespmem:s25], [sflag:$0x6] =	stream.indirect.gather [hbm4b:s6+s15], $0x10, s24, s15, $0xb8;
	[tilespmem:$0x1F800] =	vst v63  }
.LBB2_7:
0xa7: {  	_ =	sfence.sel $0x180000  }
0xa8: {  	[bflag:$0x0] =	sbarrier.arrive $0xFFFF  }
0xa9: {  	_ =	strace $0x9000004D  }
0xaa: {  	s0 =	stileid.u32;
	[bflag:$0x2] =	sbarrier.arrive $0xFFFF  }
0xab: {  	p0 =	sne.s32 s0, $0x0;
	s0 =	rddreg [dreg:$0x2]  }
0xac: {  	s0 =	sadd.s32 @!p0 $0x100000, s0  }
0xad: {  	[sflag:s0] =	ssyncadd.tile.s32 @!p0 $0x1;
	_ =	shalt  }
.Lfunc_end2:
_tile_overlayer_lowered:
.L_overlay_start_2:
0xae: {  	(tag) =	ssettag $0x2  }
0xaf: {  	s0 =	rddreg [dreg:$0x0];
	s2 =	stileid.u32  }
0xb0: {  	s1 =	rddreg [dreg:$0x1];
	p0 =	sne.s32 s2, $0x0  }
0xb1: {  	s3 =	rddreg [dreg:$0x2];
	[bflag:$0x3] =	sbarrier.arrive $0xFFFF;
	s2 =	simm.s32 @!p0 $0x1C0F  }
0xb2: {  	[timem:s3], [sflag:s2] =	dma.local @!p0 [hbm:s0], s1  }
0xb3: {  	s0 =	simm.s32 @!p0 $0xF  }
0xb4: {  	_ =	swait.ge @!p0 [sflag:s0], s1  }
0xb5: {  	s1 =	ssub.s32 @!p0 $0x0, s1;
	[sflag:s0] =	ssyncset.done @!p0 $0x0  }
0xb6: {  	[sflag:s0] =	ssyncadd.s32 @!p0 s1  }
0xb7: {  	[bflag:$0x3] =	sbarrier.arrive $0xFFFF  }
0xb8: {  	_ =	shalt  }

</sc_bundles>
